<compile_context>
chip_gen: v7x
topology: tpu7x:2x2x1
jax: 0.10.2.dev20260603
libtpu: 0.0.44.dev20260713+nightly
codegen_flags: <defaults>
</compile_context>

<pallas_src>
import functools

import jax
import jax.numpy as jnp
from jax import lax
from jax.experimental import pallas as pl
from jax.experimental.pallas import tpu as pltpu
from jax.experimental.pallas import tpu_sc as plsc

_N = 10000
_E = 320000
_D = 128
_G = 64
_C = 40

_K = 128
_NCHUNK = _E // _K
_BLK = 8
_NBLK = (_NCHUNK + _BLK - 1) // _BLK
_BITERS = (_NBLK + 31) // 32
_WCH = 80
_NWCH = _N // _WCH
_WITERS = (_NWCH + 15) // 16



@functools.cache
def _sc_kernels():
  mesh = plsc.VectorSubcoreMesh(core_axis_name="c", subcore_axis_name="s")

  @functools.partial(
      pl.kernel,
      out_type=jax.ShapeDtypeStruct((2, _N, 16), jnp.float32),
      mesh=mesh,
      scratch_types=[
          pltpu.VMEM((_WCH, 16), jnp.float32),
          pltpu.VMEM((_K, 16), jnp.float32),
          pltpu.VMEM((_BLK, _K), jnp.int32),
          pltpu.VMEM_SHARED((_N, 16), jnp.float32),
          pltpu.SemaphoreType.DMA,
      ],
  )
  def sc_count(ei_hbm, out_hbm, zb, ones_v, dblk, cnt_sh, sem):
    c = lax.axis_index("c")
    s = lax.axis_index("s")
    w = c * 16 + s

    @pl.loop(0, _WCH)
    def _(r):
      zb[r, :] = jnp.zeros((16,), jnp.float32)

    @pl.loop(0, _K)
    def _(r):
      ones_v[r, :] = jnp.ones((16,), jnp.float32)

    @pl.loop(0, _WITERS)
    def _(j):
      jj = s + 16 * j

      @pl.when(jj < _NWCH)
      def _():
        pltpu.sync_copy(zb, cnt_sh.at[pl.ds(jj * _WCH, _WCH)])

    plsc.subcore_barrier()

    @pl.loop(0, _BITERS)
    def _(i):
      b = w + 32 * i

      @pl.when(b < _NBLK)
      def _():
        for j in range(_BLK):
          @pl.when(b * _BLK + j < _NCHUNK)
          def _():
            pltpu.async_copy(ei_hbm.at[1, pl.ds((b * _BLK + j) * _K, _K)],
                             dblk.at[j], sem)
        for j in range(_BLK):
          @pl.when(b * _BLK + j < _NCHUNK)
          def _():
            pltpu.make_async_copy(
                ei_hbm.at[1, pl.ds((b * _BLK + j) * _K, _K)],
                dblk.at[j], sem).wait()
        for j in range(_BLK):
          @pl.when(b * _BLK + j < _NCHUNK)
          def _():
            pltpu.async_copy(ones_v, cnt_sh.at[dblk.at[j]], sem, add=True)
        for j in range(_BLK):
          @pl.when(b * _BLK + j < _NCHUNK)
          def _():
            pltpu.make_async_copy(ones_v, cnt_sh.at[dblk.at[j]], sem).wait()

    plsc.subcore_barrier()

    @pl.loop(0, _WITERS)
    def _(j):
      jj = s + 16 * j

      @pl.when(jj < _NWCH)
      def _():
        off = jj * _WCH
        pltpu.sync_copy(cnt_sh.at[pl.ds(off, _WCH)],
                        out_hbm.at[c].at[pl.ds(off, _WCH)])

  @functools.partial(
      pl.kernel,
      out_type=jax.ShapeDtypeStruct((2, _N, _D), jnp.float32),
      mesh=mesh,
      scratch_types=[
          pltpu.VMEM((_K, _D), jnp.float32),
          pltpu.VMEM((_K, _D), jnp.float32),
          pltpu.VMEM((_BLK, _K), jnp.int32),
          pltpu.VMEM((_BLK, _K), jnp.int32),
          pltpu.VMEM((_BLK, _K), jnp.int32),
          pltpu.VMEM((_BLK, _K), jnp.int32),
          pltpu.VMEM_SHARED((_N, _D), jnp.float32),
          pltpu.SemaphoreType.DMA,
          pltpu.SemaphoreType.DMA,
          pltpu.SemaphoreType.DMA,
          pltpu.SemaphoreType.DMA,
      ],
  )
  def sc_agg(h_hbm, src_hbm, dst_hbm, out_hbm,
             rows0, rows1, sblkA, sblkB, dblkA, dblkB,
             acc_sh, sem0, sem1, semIA, semIB):
    c = lax.axis_index("c")
    s = lax.axis_index("s")

    @pl.loop(0, _K)
    def _(r):
      @pl.loop(0, _D, step=16)
      def _(cc):
        rows0[r, pl.ds(cc, 16)] = jnp.zeros((16,), jnp.float32)

    @pl.loop(0, _WITERS)
    def _(j):
      jj = s + 16 * j

      @pl.when(jj < _NWCH)
      def _():
        pltpu.sync_copy(rows0.at[pl.ds(0, _WCH)],
                        acc_sh.at[pl.ds(jj * _WCH, _WCH)])

    plsc.subcore_barrier()

    w = c * 16 + s
    rbufs = (rows0, rows1)
    rsems = (sem0, sem1)

    def load_idx(b, sblk_b, dblk_b, sem_b):
      @pl.when(b < _NBLK)
      def _():
        pltpu.async_copy(src_hbm.at[pl.ds(b * _BLK, _BLK)], sblk_b, sem_b)
        pltpu.async_copy(dst_hbm.at[pl.ds(b * _BLK, _BLK)], dblk_b, sem_b)

    def wait_idx(b, sblk_b, dblk_b, sem_b):
      @pl.when(b < _NBLK)
      def _():
        pltpu.make_async_copy(
            src_hbm.at[pl.ds(b * _BLK, _BLK)], sblk_b, sem_b).wait()
        pltpu.make_async_copy(
            dst_hbm.at[pl.ds(b * _BLK, _BLK)], dblk_b, sem_b).wait()

    def fire(b, sblk_b, j, rows_b, sem_b):
      @pl.when(b * _BLK + j < _NCHUNK)
      def _():
        pltpu.async_copy(h_hbm.at[sblk_b.at[j]], rows_b, sem_b)

    def drain(b, sblk_b, dblk_b, j, rows_b, sem_b):
      @pl.when(b * _BLK + j < _NCHUNK)
      def _():
        pltpu.make_async_copy(h_hbm.at[sblk_b.at[j]], rows_b, sem_b).wait()
        pltpu.sync_copy(rows_b, acc_sh.at[dblk_b.at[j]], add=True)

    def run_block(b, sblk_b, dblk_b, bn, sblk_n, dblk_n, sem_n):
      @pl.when(b < _NBLK)
      def _():
        for j in range(_BLK):
          if j + 1 < _BLK:
            fire(b, sblk_b, j + 1, rbufs[(j + 1) % 2], rsems[(j + 1) % 2])
          else:
            wait_idx(bn, sblk_n, dblk_n, sem_n)
            fire(bn, sblk_n, 0, rbufs[0], rsems[0])
          drain(b, sblk_b, dblk_b, j, rbufs[j % 2], rsems[j % 2])

    load_idx(w, sblkA, dblkA, semIA)
    wait_idx(w, sblkA, dblkA, semIA)
    fire(w, sblkA, 0, rbufs[0], rsems[0])

    @pl.loop(0, _BITERS, step=2)
    def _(i):
      b = w + 32 * i
      bn = w + 32 * (i + 1)
      bnn = w + 32 * (i + 2)
      load_idx(bn, sblkB, dblkB, semIB)
      run_block(b, sblkA, dblkA, bn, sblkB, dblkB, semIB)
      load_idx(bnn, sblkA, dblkA, semIA)
      run_block(bn, sblkB, dblkB, bnn, sblkA, dblkA, semIA)

    plsc.subcore_barrier()

    @pl.loop(0, _WITERS)
    def _(j):
      jj = s + 16 * j

      @pl.when(jj < _NWCH)
      def _():
        off = jj * _WCH
        pltpu.sync_copy(acc_sh.at[pl.ds(off, _WCH)],
                        out_hbm.at[c].at[pl.ds(off, _WCH)])

  return sc_count, sc_agg



_R = 1000
_NB = _N // _R


def _tc1a_body(x_ref, w1_ref, h1_ref):
  h1_ref[...] = jnp.dot(x_ref[...], w1_ref[...],
                        preferred_element_type=jnp.float32)


def _tc1a(x, w1):
  return pl.pallas_call(
      _tc1a_body,
      grid=(_NB,),
      in_specs=[
          pl.BlockSpec((_R, _D), lambda i: (i, 0)),
          pl.BlockSpec((_D, _D), lambda i: (0, 0)),
      ],
      out_specs=pl.BlockSpec((_R, _D), lambda i: (i, 0)),
      out_shape=jax.ShapeDtypeStruct((_N, _D), jnp.float32),
  )(x, w1)


def _tc1b_body(cnt_ref, h1_ref, h1p_ref, dinv_ref):
  cnt = cnt_ref[0, :, 0:1] + cnt_ref[1, :, 0:1]
  dinv = lax.rsqrt(cnt + 1.0)
  h1p_ref[...] = h1_ref[...] * dinv
  dinv_ref[...] = dinv


def _tc1b(cnt, h1):
  return pl.pallas_call(
      _tc1b_body,
      grid=(_NB,),
      in_specs=[
          pl.BlockSpec((2, _R, 16), lambda i: (0, i, 0)),
          pl.BlockSpec((_R, _D), lambda i: (i, 0)),
      ],
      out_specs=[
          pl.BlockSpec((_R, _D), lambda i: (i, 0)),
          pl.BlockSpec((_R, 1), lambda i: (i, 0)),
      ],
      out_shape=[
          jax.ShapeDtypeStruct((_N, _D), jnp.float32),
          jax.ShapeDtypeStruct((_N, 1), jnp.float32),
      ],
  )(cnt, h1)


def _tc2_body(a_ref, h1p_ref, dinv_ref, b1_ref, w2_ref, h2p_ref):
  dinv = dinv_ref[...]
  z = dinv * (a_ref[0] + a_ref[1] + h1p_ref[...]) + b1_ref[...]
  sz = z * jax.nn.sigmoid(z)
  h2p_ref[...] = jnp.dot(sz, w2_ref[...],
                         preferred_element_type=jnp.float32) * dinv


def _tc2(acc, h1p, dinv, b1, w2):
  return pl.pallas_call(
      _tc2_body,
      grid=(_NB,),
      in_specs=[
          pl.BlockSpec((2, _R, _D), lambda i: (0, i, 0)),
          pl.BlockSpec((_R, _D), lambda i: (i, 0)),
          pl.BlockSpec((_R, 1), lambda i: (i, 0)),
          pl.BlockSpec((1, _D), lambda i: (0, 0)),
          pl.BlockSpec((_D, _D), lambda i: (0, 0)),
      ],
      out_specs=pl.BlockSpec((_R, _D), lambda i: (i, 0)),
      out_shape=jax.ShapeDtypeStruct((_N, _D), jnp.float32),
  )(acc, h1p, dinv, b1, w2)


def _tc3_body(a_ref, h2p_ref, dinv_ref, b2_ref, batch_ref, wr_ref, br_ref,
              out_ref, sums, counts):
  i = pl.program_id(0)

  @pl.when(i == 0)
  def _():
    sums[...] = jnp.zeros_like(sums)
    counts[...] = jnp.zeros_like(counts)

  dinv = dinv_ref[...]
  z = dinv * (a_ref[0] + a_ref[1] + h2p_ref[...]) + b2_ref[...]
  sz = z * jax.nn.sigmoid(z)
  b = batch_ref[0]
  g = lax.broadcasted_iota(jnp.int32, (_G, _R), 0)
  onehot = (g == b).astype(jnp.float32)
  sums[...] += jnp.dot(onehot, sz, preferred_element_type=jnp.float32)
  counts[...] += jnp.sum(onehot, axis=1, keepdims=True)

  @pl.when(i == _NB - 1)
  def _():
    pooled = sums[...] / jnp.maximum(counts[...], 1.0)
    logits = jnp.maximum(
        jnp.dot(pooled, wr_ref[...], preferred_element_type=jnp.float32)
        + br_ref[...], 0.0)
    m = jnp.max(logits, axis=1, keepdims=True)
    lse = m + jnp.log(jnp.sum(jnp.exp(logits - m), axis=1, keepdims=True))
    out_ref[...] = logits - lse


def _tc3(acc, h2p, dinv, b2, batch3, wr, br):
  return pl.pallas_call(
      _tc3_body,
      grid=(_NB,),
      in_specs=[
          pl.BlockSpec((2, _R, _D), lambda i: (0, i, 0)),
          pl.BlockSpec((_R, _D), lambda i: (i, 0)),
          pl.BlockSpec((_R, 1), lambda i: (i, 0)),
          pl.BlockSpec((1, _D), lambda i: (0, 0)),
          pl.BlockSpec((1, 1, _R), lambda i: (i, 0, 0)),
          pl.BlockSpec((_D, _C), lambda i: (0, 0)),
          pl.BlockSpec((1, _C), lambda i: (0, 0)),
      ],
      out_specs=pl.BlockSpec((_G, _C), lambda i: (0, 0)),
      out_shape=jax.ShapeDtypeStruct((_G, _C), jnp.float32),
      scratch_shapes=[
          pltpu.VMEM((_G, _D), jnp.float32),
          pltpu.VMEM((_G, 1), jnp.float32),
      ],
  )(acc, h2p, dinv, b2, batch3, wr, br)



def kernel(x, edge_index, batch, W1, b1, W2, b2, Wr, br):
  sc_count, sc_agg = _sc_kernels()
  cnt = sc_count(edge_index)
  src = edge_index[0].reshape(_NCHUNK, _K)
  dst = edge_index[1].reshape(_NCHUNK, _K)
  h1 = _tc1a(x, W1)
  h1p, dinv = _tc1b(cnt, h1)
  acc1 = sc_agg(h1p, src, dst)
  h2p = _tc2(acc1, h1p, dinv, b1.reshape(1, _D), W2)
  acc2 = sc_agg(h2p, src, dst)
  return _tc3(acc2, h2p, dinv, b2.reshape(1, _D),
              batch.reshape(_NB, 1, _R), Wr, br.reshape(1, _C))

# --- scband reference (transcript-rebuilt; emitter-appended) ---
"""Pipeline reference for scband-gcn-6640019439792 (READ-ONLY COPY).

The authoritative reference and input builder live on the scoring server;
editing this copy changes nothing except your own understanding.
"""

import jax, jax.numpy as jnp
import numpy as np

N = 10000
E = 320000
D = 128
H = 128
C = 40
G = 64


def _gcn_conv(x, edge_index, W, b, num_nodes):
    # PyG-style GCNConv: add self-loops, symmetric normalization, linear, scatter-add
    src = edge_index[0]
    dst = edge_index[1]
    loop = jnp.arange(num_nodes, dtype=src.dtype)
    src = jnp.concatenate([src, loop])
    dst = jnp.concatenate([dst, loop])
    deg = jnp.zeros((num_nodes,), dtype=x.dtype).at[dst].add(1.0)
    dinv = jnp.where(deg > 0, jax.lax.rsqrt(jnp.maximum(deg, 1e-12)), 0.0)
    norm = dinv[src] * dinv[dst]
    h = x @ W
    msg = h[src] * norm[:, None]
    out = jnp.zeros((num_nodes, W.shape[1]), dtype=x.dtype).at[dst].add(msg)
    return out + b


def setup_inputs(seed: int = 0) -> dict:
    key = jax.random.key(seed)
    ks = jax.random.split(key, 10)
    x = jax.random.normal(ks[0], (N, D), dtype=jnp.float32)
    edge_index = jax.random.randint(ks[1], (2, E), 0, N, dtype=jnp.int32)
    batch = jnp.sort(jax.random.randint(ks[2], (N,), 0, G, dtype=jnp.int32))
    W1 = jax.random.normal(ks[3], (D, H), dtype=jnp.float32) * 0.05
    b1 = jnp.zeros((H,), dtype=jnp.float32)
    W2 = jax.random.normal(ks[4], (H, H), dtype=jnp.float32) * 0.05
    b2 = jnp.zeros((H,), dtype=jnp.float32)
    Wr = jax.random.normal(ks[5], (H, C), dtype=jnp.float32) * 0.05
    br = jnp.zeros((C,), dtype=jnp.float32)
    return {"x": x, "edge_index": edge_index, "batch": batch,
            "W1": W1, "b1": b1, "W2": W2, "b2": b2, "Wr": Wr, "br": br}


def reference(x, edge_index, batch, W1, b1, W2, b2, Wr, br):
    num_nodes = x.shape[0]
    # layer 1 (dropout is identity in eval mode)
    h = _gcn_conv(x, edge_index, W1, b1, num_nodes)
    h = jax.nn.silu(h)
    # layer 2
    h = _gcn_conv(h, edge_index, W2, b2, num_nodes)
    h = jax.nn.silu(h)
    # global mean pool over graph ids
    sums = jax.ops.segment_sum(h, batch, num_segments=G)
    counts = jax.ops.segment_sum(jnp.ones((num_nodes,), dtype=h.dtype), batch, num_segments=G)
    pooled = sums / jnp.maximum(counts, 1.0)[:, None]
    # readout: Linear + ReLU (make_mlp with hidden_layers=1)
    logits = jnp.maximum(pooled @ Wr + br, 0.0)
    return jax.nn.log_softmax(logits, axis=1)

if __name__ == "__main__":
    import jax
    _d = setup_inputs()
    print(jax.jit(kernel)(*tuple(_d.values())))

</pallas_src>

<mosaic_0001>
#map = affine_map<(d0, d1) -> (0, 0)>
#map1 = affine_map<(d0, d1) -> (0, 0, 0)>
module attributes {stable_mosaic.version = 14 : i64} {
  func.func @sc_count(%arg0: i32, %arg1: i32, %arg2: memref<2x320000xi32, #tpu.memory_space<hbm>>, %arg3: memref<2x10000x16xf32, #tpu.memory_space<hbm>>, %arg4: memref<80x16xf32, #tpu.memory_space<vmem>>, %arg5: memref<128x16xf32, #tpu.memory_space<vmem>>, %arg6: memref<8x128xi32, #tpu.memory_space<vmem>>, %arg7: memref<10000x16xf32, #tpu.memory_space<vmem_shared>>, %arg8: memref<!tpu.dma_semaphore, #tpu.memory_space<semaphore_mem>>) attributes {dimension_semantics = [#tpu.dimension_semantics<core_parallel>, #tpu.dimension_semantics<subcore_parallel>], iteration_bounds = array<i64: 2, 16>, scalar_prefetch = 0 : i64, scratch_operands = 5 : i64, tpu.core_type = #tpu.core_type<sc_vector_subcore>, window_params = [{transform_indices = #map}, {transform_indices = #map1}]} {
    %mul3A = arith.constant 16 : i32
    %mul3A_0 = arith.muli %arg0, %mul3A : i32
    %add3A = arith.addi %mul3A_0, %arg1 : i32
    %scan3A = arith.constant 0 : i32
    %scan3A_1 = arith.constant 80 : i32
    %scan3A_2 = arith.addi %scan3A, %scan3A_1 : i32
    %scan3A_3 = arith.constant 1 : i32
    scf.for %scan3A_26 = %scan3A to %scan3A_2 step %scan3A_3  : i32 {
      %mul3A_27 = arith.constant 1 : i32
      %mul3A_28 = arith.muli %scan3A_26, %mul3A_27 : i32
      %add3A_29 = arith.constant 0 : i32
      %add3A_30 = arith.addi %add3A_29, %mul3A_28 : i32
      %broadcast_in_dim3A = arith.constant 0.000000e+00 : f32
      %broadcast_in_dim3A_31 = vector.broadcast %broadcast_in_dim3A : f32 to vector<16xf32>
      %swap3A = arith.index_cast %add3A_30 : i32 to index
      %swap3A_32 = arith.constant 0 : index
      %swap3A_33 = tpu.vector_load %arg4[%swap3A, %swap3A_32] {strides = array<i32>} : memref<80x16xf32, #tpu.memory_space<vmem>>, vector<1x16xf32>,
      %swap3A_34 = vector.shape_cast %swap3A_33 : vector<1x16xf32> to vector<16xf32>
      %swap3A_35 = vector.shape_cast %broadcast_in_dim3A_31 : vector<16xf32> to vector<1x16xf32>
      tpu.vector_store %arg4[%swap3A, %swap3A_32], %swap3A_35 {strides = array<i32>} : memref<80x16xf32, #tpu.memory_space<vmem>>, vector<1x16xf32>,
    }
    %scan3A_4 = arith.constant 80 : i32
    %scan3A_5 = arith.constant 0 : i32
    %scan3A_6 = arith.constant 128 : i32
    %scan3A_7 = arith.addi %scan3A_5, %scan3A_6 : i32
    %scan3A_8 = arith.constant 1 : i32
    scf.for %scan3A_26 = %scan3A_5 to %scan3A_7 step %scan3A_8  : i32 {
      %mul3A_27 = arith.constant 1 : i32
      %mul3A_28 = arith.muli %scan3A_26, %mul3A_27 : i32
      %add3A_29 = arith.constant 0 : i32
      %add3A_30 = arith.addi %add3A_29, %mul3A_28 : i32
      %broadcast_in_dim3A = arith.constant 1.000000e+00 : f32
      %broadcast_in_dim3A_31 = vector.broadcast %broadcast_in_dim3A : f32 to vector<16xf32>
      %swap3A = arith.index_cast %add3A_30 : i32 to index
      %swap3A_32 = arith.constant 0 : index
      %swap3A_33 = tpu.vector_load %arg5[%swap3A, %swap3A_32] {strides = array<i32>} : memref<128x16xf32, #tpu.memory_space<vmem>>, vector<1x16xf32>,
      %swap3A_34 = vector.shape_cast %swap3A_33 : vector<1x16xf32> to vector<16xf32>
      %swap3A_35 = vector.shape_cast %broadcast_in_dim3A_31 : vector<16xf32> to vector<1x16xf32>
      tpu.vector_store %arg5[%swap3A, %swap3A_32], %swap3A_35 {strides = array<i32>} : memref<128x16xf32, #tpu.memory_space<vmem>>, vector<1x16xf32>,
    }
    %scan3A_9 = arith.constant 128 : i32
    %scan3A_10 = arith.constant 0 : i32
    %scan3A_11 = arith.constant 8 : i32
    %scan3A_12 = arith.addi %scan3A_10, %scan3A_11 : i32
    %scan3A_13 = arith.constant 1 : i32
    scf.for %scan3A_26 = %scan3A_10 to %scan3A_12 step %scan3A_13  : i32 {
      %mul3A_27 = arith.constant 1 : i32
      %mul3A_28 = arith.muli %scan3A_26, %mul3A_27 : i32
      %add3A_29 = arith.constant 0 : i32
      %add3A_30 = arith.addi %add3A_29, %mul3A_28 : i32
      %mul3A_31 = arith.constant 16 : i32
      %mul3A_32 = arith.muli %mul3A_31, %add3A_30 : i32
      %add3A_33 = arith.addi %arg1, %mul3A_32 : i32
      %lt3A = arith.constant 125 : i32
      %lt3A_34 = arith.cmpi slt, %add3A_33, %lt3A : i32
      %convert_element_type3A = arith.extui %lt3A_34 : i1 to i32
      %cond3A = arith.constant 0 : i32
      %cond3A_35 = arith.cmpi ne, %convert_element_type3A, %cond3A : i32
      scf.if %cond3A_35 {
        %mul3A_36 = arith.constant 80 : i32
        %mul3A_37 = arith.muli %add3A_33, %mul3A_36 : i32
        "tpu.region"() ({
          %run_scoped3A = tpu.sem_alloc : memref<!tpu.dma_semaphore, #tpu.memory_space<semaphore_mem>>
          %dma_start3A = arith.constant 0 : i32
          %dma_start3A_38 = tpu.memref_slice %arg7[%mul3A_37, %dma_start3A] : memref<10000x16xf32, #tpu.memory_space<vmem_shared>> -> memref<80x16xf32, #tpu.memory_space<vmem_shared>>
          %dma_start3A_39 = arith.constant 0 : i32
          %dma_start3A_40 = tpu.memref_slice %arg7[%mul3A_37, %dma_start3A_39] : memref<10000x16xf32, #tpu.memory_space<vmem_shared>> -> memref<80x16xf32, #tpu.memory_space<vmem_shared>>
          tpu.enqueue_dma source(%arg4 : memref<80x16xf32, #tpu.memory_space<vmem>>) target(%dma_start3A_40 : memref<80x16xf32, #tpu.memory_space<vmem_shared>>) target_semaphore(%run_scoped3A : memref<!tpu.dma_semaphore, #tpu.memory_space<semaphore_mem>>)
          %dma_wait3A = arith.constant 0 : i32
          %dma_wait3A_41 = tpu.memref_slice %arg7[%mul3A_37, %dma_wait3A] : memref<10000x16xf32, #tpu.memory_space<vmem_shared>> -> memref<80x16xf32, #tpu.memory_space<vmem_shared>>
          %dma_wait3A_42 = arith.constant 0 : i32
          %dma_wait3A_43 = tpu.memref_slice %arg7[%mul3A_37, %dma_wait3A_42] : memref<10000x16xf32, #tpu.memory_space<vmem_shared>> -> memref<80x16xf32, #tpu.memory_space<vmem_shared>>
          tpu.wait_dma2 semaphore(%run_scoped3A : memref<!tpu.dma_semaphore, #tpu.memory_space<semaphore_mem>>) src(%arg4 : memref<80x16xf32, #tpu.memory_space<vmem>>) dst(%dma_wait3A_43 : memref<80x16xf32, #tpu.memory_space<vmem_shared>>)
          tpu.yield
        }) : () -> ()
      } else {
      }
    }
    %scan3A_14 = arith.constant 8 : i32
    %barrier3A = arith.constant 0 : index
    tpu.barrier barrier_id(%barrier3A)
    %scan3A_15 = arith.constant 0 : i32
    %scan3A_16 = arith.constant 10 : i32
    %scan3A_17 = arith.addi %scan3A_15, %scan3A_16 : i32
    %scan3A_18 = arith.constant 1 : i32
    scf.for %scan3A_26 = %scan3A_15 to %scan3A_17 step %scan3A_18  : i32 {
      %mul3A_27 = arith.constant 1 : i32
      %mul3A_28 = arith.muli %scan3A_26, %mul3A_27 : i32
      %add3A_29 = arith.constant 0 : i32
      %add3A_30 = arith.addi %add3A_29, %mul3A_28 : i32
      %mul3A_31 = arith.constant 32 : i32
      %mul3A_32 = arith.muli %mul3A_31, %add3A_30 : i32
      %add3A_33 = arith.addi %add3A, %mul3A_32 : i32
      %lt3A = arith.constant 313 : i32
      %lt3A_34 = arith.cmpi slt, %add3A_33, %lt3A : i32
      %convert_element_type3A = arith.extui %lt3A_34 : i1 to i32
      %cond3A = arith.constant 0 : i32
      %cond3A_35 = arith.cmpi ne, %convert_element_type3A, %cond3A : i32
      scf.if %cond3A_35 {
        %mul3A_36 = arith.constant 8 : i32
        %mul3A_37 = arith.muli %add3A_33, %mul3A_36 : i32
        %add3A_38 = arith.constant 0 : i32
        %add3A_39 = arith.addi %mul3A_37, %add3A_38 : i32
        %lt3A_40 = arith.constant 2500 : i32
        %lt3A_41 = arith.cmpi slt, %add3A_39, %lt3A_40 : i32
        %convert_element_type3A_42 = arith.extui %lt3A_41 : i1 to i32
        %cond3A_43 = arith.constant 0 : i32
        %cond3A_44 = arith.cmpi ne, %convert_element_type3A_42, %cond3A_43 : i32
        scf.if %cond3A_44 {
          %mul3A_324 = arith.constant 8 : i32
          %mul3A_325 = arith.muli %add3A_33, %mul3A_324 : i32
          %add3A_326 = arith.constant 0 : i32
          %add3A_327 = arith.addi %mul3A_325, %add3A_326 : i32
          %mul3A_328 = arith.constant 128 : i32
          %mul3A_329 = arith.muli %add3A_327, %mul3A_328 : i32
          %dma_start3A = arith.constant 1 : i32
          %dma_start3A_330 = arith.constant 0 : i32
          %dma_start3A_331 = arith.constant 0 : i32
          %dma_start3A_332 = tpu.memref_slice %arg6[%dma_start3A_330, %dma_start3A_331] : memref<8x128xi32, #tpu.memory_space<vmem>> -> memref<1x128xi32, #tpu.memory_space<vmem>>
          %dma_start3A_333 = tpu.memref_squeeze %dma_start3A_332 : memref<1x128xi32, #tpu.memory_space<vmem>> -> memref<128xi32, #tpu.memory_space<vmem>>
          %dma_start3A_334 = tpu.memref_slice %arg2[%dma_start3A, %mul3A_329] : memref<2x320000xi32, #tpu.memory_space<hbm>> -> memref<1x128xi32, #tpu.memory_space<hbm>>
          %dma_start3A_335 = tpu.memref_squeeze %dma_start3A_334 : memref<1x128xi32, #tpu.memory_space<hbm>> -> memref<128xi32, #tpu.memory_space<hbm>>
          %dma_start3A_336 = arith.constant 0 : i32
          %dma_start3A_337 = tpu.memref_slice %arg6[%dma_start3A_330, %dma_start3A_336] : memref<8x128xi32, #tpu.memory_space<vmem>> -> memref<1x128xi32, #tpu.memory_space<vmem>>
          %dma_start3A_338 = tpu.memref_squeeze %dma_start3A_337 : memref<1x128xi32, #tpu.memory_space<vmem>> -> memref<128xi32, #tpu.memory_space<vmem>>
          %dma_start3A_339 = tpu.memref_slice %arg2[%dma_start3A, %mul3A_329] : memref<2x320000xi32, #tpu.memory_space<hbm>> -> memref<1x128xi32, #tpu.memory_space<hbm>>
          %dma_start3A_340 = tpu.memref_squeeze %dma_start3A_339 : memref<1x128xi32, #tpu.memory_space<hbm>> -> memref<128xi32, #tpu.memory_space<hbm>>
          tpu.enqueue_dma source(%dma_start3A_340 : memref<128xi32, #tpu.memory_space<hbm>>) target(%dma_start3A_338 : memref<128xi32, #tpu.memory_space<vmem>>) target_semaphore(%arg8 : memref<!tpu.dma_semaphore, #tpu.memory_space<semaphore_mem>>)
        } else {
        }
        %mul3A_45 = arith.constant 8 : i32
        %mul3A_46 = arith.muli %add3A_33, %mul3A_45 : i32
        %add3A_47 = arith.constant 1 : i32
        %add3A_48 = arith.addi %mul3A_46, %add3A_47 : i32
        %lt3A_49 = arith.constant 2500 : i32
        %lt3A_50 = arith.cmpi slt, %add3A_48, %lt3A_49 : i32
        %convert_element_type3A_51 = arith.extui %lt3A_50 : i1 to i32
        %cond3A_52 = arith.constant 0 : i32
        %cond3A_53 = arith.cmpi ne, %convert_element_type3A_51, %cond3A_52 : i32
        scf.if %cond3A_53 {
          %mul3A_324 = arith.constant 8 : i32
          %mul3A_325 = arith.muli %add3A_33, %mul3A_324 : i32
          %add3A_326 = arith.constant 1 : i32
          %add3A_327 = arith.addi %mul3A_325, %add3A_326 : i32
          %mul3A_328 = arith.constant 128 : i32
          %mul3A_329 = arith.muli %add3A_327, %mul3A_328 : i32
          %dma_start3A = arith.constant 1 : i32
          %dma_start3A_330 = arith.constant 1 : i32
          %dma_start3A_331 = arith.constant 0 : i32
          %dma_start3A_332 = tpu.memref_slice %arg6[%dma_start3A_330, %dma_start3A_331] : memref<8x128xi32, #tpu.memory_space<vmem>> -> memref<1x128xi32, #tpu.memory_space<vmem>>
          %dma_start3A_333 = tpu.memref_squeeze %dma_start3A_332 : memref<1x128xi32, #tpu.memory_space<vmem>> -> memref<128xi32, #tpu.memory_space<vmem>>
          %dma_start3A_334 = tpu.memref_slice %arg2[%dma_start3A, %mul3A_329] : memref<2x320000xi32, #tpu.memory_space<hbm>> -> memref<1x128xi32, #tpu.memory_space<hbm>>
          %dma_start3A_335 = tpu.memref_squeeze %dma_start3A_334 : memref<1x128xi32, #tpu.memory_space<hbm>> -> memref<128xi32, #tpu.memory_space<hbm>>
          %dma_start3A_336 = arith.constant 0 : i32
          %dma_start3A_337 = tpu.memref_slice %arg6[%dma_start3A_330, %dma_start3A_336] : memref<8x128xi32, #tpu.memory_space<vmem>> -> memref<1x128xi32, #tpu.memory_space<vmem>>
          %dma_start3A_338 = tpu.memref_squeeze %dma_start3A_337 : memref<1x128xi32, #tpu.memory_space<vmem>> -> memref<128xi32, #tpu.memory_space<vmem>>
          %dma_start3A_339 = tpu.memref_slice %arg2[%dma_start3A, %mul3A_329] : memref<2x320000xi32, #tpu.memory_space<hbm>> -> memref<1x128xi32, #tpu.memory_space<hbm>>
          %dma_start3A_340 = tpu.memref_squeeze %dma_start3A_339 : memref<1x128xi32, #tpu.memory_space<hbm>> -> memref<128xi32, #tpu.memory_space<hbm>>
          tpu.enqueue_dma source(%dma_start3A_340 : memref<128xi32, #tpu.memory_space<hbm>>) target(%dma_start3A_338 : memref<128xi32, #tpu.memory_space<vmem>>) target_semaphore(%arg8 : memref<!tpu.dma_semaphore, #tpu.memory_space<semaphore_mem>>)
        } else {
        }
        %mul3A_54 = arith.constant 8 : i32
        %mul3A_55 = arith.muli %add3A_33, %mul3A_54 : i32
        %add3A_56 = arith.constant 2 : i32
        %add3A_57 = arith.addi %mul3A_55, %add3A_56 : i32
        %lt3A_58 = arith.constant 2500 : i32
        %lt3A_59 = arith.cmpi slt, %add3A_57, %lt3A_58 : i32
        %convert_element_type3A_60 = arith.extui %lt3A_59 : i1 to i32
        %cond3A_61 = arith.constant 0 : i32
        %cond3A_62 = arith.cmpi ne, %convert_element_type3A_60, %cond3A_61 : i32
        scf.if %cond3A_62 {
          %mul3A_324 = arith.constant 8 : i32
          %mul3A_325 = arith.muli %add3A_33, %mul3A_324 : i32
          %add3A_326 = arith.constant 2 : i32
          %add3A_327 = arith.addi %mul3A_325, %add3A_326 : i32
          %mul3A_328 = arith.constant 128 : i32
          %mul3A_329 = arith.muli %add3A_327, %mul3A_328 : i32
          %dma_start3A = arith.constant 1 : i32
          %dma_start3A_330 = arith.constant 2 : i32
          %dma_start3A_331 = arith.constant 0 : i32
          %dma_start3A_332 = tpu.memref_slice %arg6[%dma_start3A_330, %dma_start3A_331] : memref<8x128xi32, #tpu.memory_space<vmem>> -> memref<1x128xi32, #tpu.memory_space<vmem>>
          %dma_start3A_333 = tpu.memref_squeeze %dma_start3A_332 : memref<1x128xi32, #tpu.memory_space<vmem>> -> memref<128xi32, #tpu.memory_space<vmem>>
          %dma_start3A_334 = tpu.memref_slice %arg2[%dma_start3A, %mul3A_329] : memref<2x320000xi32, #tpu.memory_space<hbm>> -> memref<1x128xi32, #tpu.memory_space<hbm>>
          %dma_start3A_335 = tpu.memref_squeeze %dma_start3A_334 : memref<1x128xi32, #tpu.memory_space<hbm>> -> memref<128xi32, #tpu.memory_space<hbm>>
          %dma_start3A_336 = arith.constant 0 : i32
          %dma_start3A_337 = tpu.memref_slice %arg6[%dma_start3A_330, %dma_start3A_336] : memref<8x128xi32, #tpu.memory_space<vmem>> -> memref<1x128xi32, #tpu.memory_space<vmem>>
          %dma_start3A_338 = tpu.memref_squeeze %dma_start3A_337 : memref<1x128xi32, #tpu.memory_space<vmem>> -> memref<128xi32, #tpu.memory_space<vmem>>
          %dma_start3A_339 = tpu.memref_slice %arg2[%dma_start3A, %mul3A_329] : memref<2x320000xi32, #tpu.memory_space<hbm>> -> memref<1x128xi32, #tpu.memory_space<hbm>>
          %dma_start3A_340 = tpu.memref_squeeze %dma_start3A_339 : memref<1x128xi32, #tpu.memory_space<hbm>> -> memref<128xi32, #tpu.memory_space<hbm>>
          tpu.enqueue_dma source(%dma_start3A_340 : memref<128xi32, #tpu.memory_space<hbm>>) target(%dma_start3A_338 : memref<128xi32, #tpu.memory_space<vmem>>) target_semaphore(%arg8 : memref<!tpu.dma_semaphore, #tpu.memory_space<semaphore_mem>>)
        } else {
        }
        %mul3A_63 = arith.constant 8 : i32
        %mul3A_64 = arith.muli %add3A_33, %mul3A_63 : i32
        %add3A_65 = arith.constant 3 : i32
        %add3A_66 = arith.addi %mul3A_64, %add3A_65 : i32
        %lt3A_67 = arith.constant 2500 : i32
        %lt3A_68 = arith.cmpi slt, %add3A_66, %lt3A_67 : i32
        %convert_element_type3A_69 = arith.extui %lt3A_68 : i1 to i32
        %cond3A_70 = arith.constant 0 : i32
        %cond3A_71 = arith.cmpi ne, %convert_element_type3A_69, %cond3A_70 : i32
        scf.if %cond3A_71 {
          %mul3A_324 = arith.constant 8 : i32
          %mul3A_325 = arith.muli %add3A_33, %mul3A_324 : i32
          %add3A_326 = arith.constant 3 : i32
          %add3A_327 = arith.addi %mul3A_325, %add3A_326 : i32
          %mul3A_328 = arith.constant 128 : i32
          %mul3A_329 = arith.muli %add3A_327, %mul3A_328 : i32
          %dma_start3A = arith.constant 1 : i32
          %dma_start3A_330 = arith.constant 3 : i32
          %dma_start3A_331 = arith.constant 0 : i32
          %dma_start3A_332 = tpu.memref_slice %arg6[%dma_start3A_330, %dma_start3A_331] : memref<8x128xi32, #tpu.memory_space<vmem>> -> memref<1x128xi32, #tpu.memory_space<vmem>>
          %dma_start3A_333 = tpu.memref_squeeze %dma_start3A_332 : memref<1x128xi32, #tpu.memory_space<vmem>> -> memref<128xi32, #tpu.memory_space<vmem>>
          %dma_start3A_334 = tpu.memref_slice %arg2[%dma_start3A, %mul3A_329] : memref<2x320000xi32, #tpu.memory_space<hbm>> -> memref<1x128xi32, #tpu.memory_space<hbm>>
          %dma_start3A_335 = tpu.memref_squeeze %dma_start3A_334 : memref<1x128xi32, #tpu.memory_space<hbm>> -> memref<128xi32, #tpu.memory_space<hbm>>
          %dma_start3A_336 = arith.constant 0 : i32
          %dma_start3A_337 = tpu.memref_slice %arg6[%dma_start3A_330, %dma_start3A_336] : memref<8x128xi32, #tpu.memory_space<vmem>> -> memref<1x128xi32, #tpu.memory_space<vmem>>
          %dma_start3A_338 = tpu.memref_squeeze %dma_start3A_337 : memref<1x128xi32, #tpu.memory_space<vmem>> -> memref<128xi32, #tpu.memory_space<vmem>>
          %dma_start3A_339 = tpu.memref_slice %arg2[%dma_start3A, %mul3A_329] : memref<2x320000xi32, #tpu.memory_space<hbm>> -> memref<1x128xi32, #tpu.memory_space<hbm>>
          %dma_start3A_340 = tpu.memref_squeeze %dma_start3A_339 : memref<1x128xi32, #tpu.memory_space<hbm>> -> memref<128xi32, #tpu.memory_space<hbm>>
          tpu.enqueue_dma source(%dma_start3A_340 : memref<128xi32, #tpu.memory_space<hbm>>) target(%dma_start3A_338 : memref<128xi32, #tpu.memory_space<vmem>>) target_semaphore(%arg8 : memref<!tpu.dma_semaphore, #tpu.memory_space<semaphore_mem>>)
        } else {
        }
        %mul3A_72 = arith.constant 8 : i32
        %mul3A_73 = arith.muli %add3A_33, %mul3A_72 : i32
        %add3A_74 = arith.constant 4 : i32
        %add3A_75 = arith.addi %mul3A_73, %add3A_74 : i32
        %lt3A_76 = arith.constant 2500 : i32
        %lt3A_77 = arith.cmpi slt, %add3A_75, %lt3A_76 : i32
        %convert_element_type3A_78 = arith.extui %lt3A_77 : i1 to i32
        %cond3A_79 = arith.constant 0 : i32
        %cond3A_80 = arith.cmpi ne, %convert_element_type3A_78, %cond3A_79 : i32
        scf.if %cond3A_80 {
          %mul3A_324 = arith.constant 8 : i32
          %mul3A_325 = arith.muli %add3A_33, %mul3A_324 : i32
          %add3A_326 = arith.constant 4 : i32
          %add3A_327 = arith.addi %mul3A_325, %add3A_326 : i32
          %mul3A_328 = arith.constant 128 : i32
          %mul3A_329 = arith.muli %add3A_327, %mul3A_328 : i32
          %dma_start3A = arith.constant 1 : i32
          %dma_start3A_330 = arith.constant 4 : i32
          %dma_start3A_331 = arith.constant 0 : i32
          %dma_start3A_332 = tpu.memref_slice %arg6[%dma_start3A_330, %dma_start3A_331] : memref<8x128xi32, #tpu.memory_space<vmem>> -> memref<1x128xi32, #tpu.memory_space<vmem>>
          %dma_start3A_333 = tpu.memref_squeeze %dma_start3A_332 : memref<1x128xi32, #tpu.memory_space<vmem>> -> memref<128xi32, #tpu.memory_space<vmem>>
          %dma_start3A_334 = tpu.memref_slice %arg2[%dma_start3A, %mul3A_329] : memref<2x320000xi32, #tpu.memory_space<hbm>> -> memref<1x128xi32, #tpu.memory_space<hbm>>
          %dma_start3A_335 = tpu.memref_squeeze %dma_start3A_334 : memref<1x128xi32, #tpu.memory_space<hbm>> -> memref<128xi32, #tpu.memory_space<hbm>>
          %dma_start3A_336 = arith.constant 0 : i32
          %dma_start3A_337 = tpu.memref_slice %arg6[%dma_start3A_330, %dma_start3A_336] : memref<8x128xi32, #tpu.memory_space<vmem>> -> memref<1x128xi32, #tpu.memory_space<vmem>>
          %dma_start3A_338 = tpu.memref_squeeze %dma_start3A_337 : memref<1x128xi32, #tpu.memory_space<vmem>> -> memref<128xi32, #tpu.memory_space<vmem>>
          %dma_start3A_339 = tpu.memref_slice %arg2[%dma_start3A, %mul3A_329] : memref<2x320000xi32, #tpu.memory_space<hbm>> -> memref<1x128xi32, #tpu.memory_space<hbm>>
          %dma_start3A_340 = tpu.memref_squeeze %dma_start3A_339 : memref<1x128xi32, #tpu.memory_space<hbm>> -> memref<128xi32, #tpu.memory_space<hbm>>
          tpu.enqueue_dma source(%dma_start3A_340 : memref<128xi32, #tpu.memory_space<hbm>>) target(%dma_start3A_338 : memref<128xi32, #tpu.memory_space<vmem>>) target_semaphore(%arg8 : memref<!tpu.dma_semaphore, #tpu.memory_space<semaphore_mem>>)
        } else {
        }
        %mul3A_81 = arith.constant 8 : i32
        %mul3A_82 = arith.muli %add3A_33, %mul3A_81 : i32
        %add3A_83 = arith.constant 5 : i32
        %add3A_84 = arith.addi %mul3A_82, %add3A_83 : i32
        %lt3A_85 = arith.constant 2500 : i32
        %lt3A_86 = arith.cmpi slt, %add3A_84, %lt3A_85 : i32
        %convert_element_type3A_87 = arith.extui %lt3A_86 : i1 to i32
        %cond3A_88 = arith.constant 0 : i32
        %cond3A_89 = arith.cmpi ne, %convert_element_type3A_87, %cond3A_88 : i32
        scf.if %cond3A_89 {
          %mul3A_324 = arith.constant 8 : i32
          %mul3A_325 = arith.muli %add3A_33, %mul3A_324 : i32
          %add3A_326 = arith.constant 5 : i32
          %add3A_327 = arith.addi %mul3A_325, %add3A_326 : i32
          %mul3A_328 = arith.constant 128 : i32
          %mul3A_329 = arith.muli %add3A_327, %mul3A_328 : i32
          %dma_start3A = arith.constant 1 : i32
          %dma_start3A_330 = arith.constant 5 : i32
          %dma_start3A_331 = arith.constant 0 : i32
          %dma_start3A_332 = tpu.memref_slice %arg6[%dma_start3A_330, %dma_start3A_331] : memref<8x128xi32, #tpu.memory_space<vmem>> -> memref<1x128xi32, #tpu.memory_space<vmem>>
          %dma_start3A_333 = tpu.memref_squeeze %dma_start3A_332 : memref<1x128xi32, #tpu.memory_space<vmem>> -> memref<128xi32, #tpu.memory_space<vmem>>
          %dma_start3A_334 = tpu.memref_slice %arg2[%dma_start3A, %mul3A_329] : memref<2x320000xi32, #tpu.memory_space<hbm>> -> memref<1x128xi32, #tpu.memory_space<hbm>>
          %dma_start3A_335 = tpu.memref_squeeze %dma_start3A_334 : memref<1x128xi32, #tpu.memory_space<hbm>> -> memref<128xi32, #tpu.memory_space<hbm>>
          %dma_start3A_336 = arith.constant 0 : i32
          %dma_start3A_337 = tpu.memref_slice %arg6[%dma_start3A_330, %dma_start3A_336] : memref<8x128xi32, #tpu.memory_space<vmem>> -> memref<1x128xi32, #tpu.memory_space<vmem>>
          %dma_start3A_338 = tpu.memref_squeeze %dma_start3A_337 : memref<1x128xi32, #tpu.memory_space<vmem>> -> memref<128xi32, #tpu.memory_space<vmem>>
          %dma_start3A_339 = tpu.memref_slice %arg2[%dma_start3A, %mul3A_329] : memref<2x320000xi32, #tpu.memory_space<hbm>> -> memref<1x128xi32, #tpu.memory_space<hbm>>
          %dma_start3A_340 = tpu.memref_squeeze %dma_start3A_339 : memref<1x128xi32, #tpu.memory_space<hbm>> -> memref<128xi32, #tpu.memory_space<hbm>>
          tpu.enqueue_dma source(%dma_start3A_340 : memref<128xi32, #tpu.memory_space<hbm>>) target(%dma_start3A_338 : memref<128xi32, #tpu.memory_space<vmem>>) target_semaphore(%arg8 : memref<!tpu.dma_semaphore, #tpu.memory_space<semaphore_mem>>)
        } else {
        }
        %mul3A_90 = arith.constant 8 : i32
        %mul3A_91 = arith.muli %add3A_33, %mul3A_90 : i32
        %add3A_92 = arith.constant 6 : i32
        %add3A_93 = arith.addi %mul3A_91, %add3A_92 : i32
        %lt3A_94 = arith.constant 2500 : i32
        %lt3A_95 = arith.cmpi slt, %add3A_93, %lt3A_94 : i32
        %convert_element_type3A_96 = arith.extui %lt3A_95 : i1 to i32
        %cond3A_97 = arith.constant 0 : i32
        %cond3A_98 = arith.cmpi ne, %convert_element_type3A_96, %cond3A_97 : i32
        scf.if %cond3A_98 {
          %mul3A_324 = arith.constant 8 : i32
          %mul3A_325 = arith.muli %add3A_33, %mul3A_324 : i32
          %add3A_326 = arith.constant 6 : i32
          %add3A_327 = arith.addi %mul3A_325, %add3A_326 : i32
          %mul3A_328 = arith.constant 128 : i32
          %mul3A_329 = arith.muli %add3A_327, %mul3A_328 : i32
          %dma_start3A = arith.constant 1 : i32
          %dma_start3A_330 = arith.constant 6 : i32
          %dma_start3A_331 = arith.constant 0 : i32
          %dma_start3A_332 = tpu.memref_slice %arg6[%dma_start3A_330, %dma_start3A_331] : memref<8x128xi32, #tpu.memory_space<vmem>> -> memref<1x128xi32, #tpu.memory_space<vmem>>
          %dma_start3A_333 = tpu.memref_squeeze %dma_start3A_332 : memref<1x128xi32, #tpu.memory_space<vmem>> -> memref<128xi32, #tpu.memory_space<vmem>>
          %dma_start3A_334 = tpu.memref_slice %arg2[%dma_start3A, %mul3A_329] : memref<2x320000xi32, #tpu.memory_space<hbm>> -> memref<1x128xi32, #tpu.memory_space<hbm>>
          %dma_start3A_335 = tpu.memref_squeeze %dma_start3A_334 : memref<1x128xi32, #tpu.memory_space<hbm>> -> memref<128xi32, #tpu.memory_space<hbm>>
          %dma_start3A_336 = arith.constant 0 : i32
          %dma_start3A_337 = tpu.memref_slice %arg6[%dma_start3A_330, %dma_start3A_336] : memref<8x128xi32, #tpu.memory_space<vmem>> -> memref<1x128xi32, #tpu.memory_space<vmem>>
          %dma_start3A_338 = tpu.memref_squeeze %dma_start3A_337 : memref<1x128xi32, #tpu.memory_space<vmem>> -> memref<128xi32, #tpu.memory_space<vmem>>
          %dma_start3A_339 = tpu.memref_slice %arg2[%dma_start3A, %mul3A_329] : memref<2x320000xi32, #tpu.memory_space<hbm>> -> memref<1x128xi32, #tpu.memory_space<hbm>>
          %dma_start3A_340 = tpu.memref_squeeze %dma_start3A_339 : memref<1x128xi32, #tpu.memory_space<hbm>> -> memref<128xi32, #tpu.memory_space<hbm>>
          tpu.enqueue_dma source(%dma_start3A_340 : memref<128xi32, #tpu.memory_space<hbm>>) target(%dma_start3A_338 : memref<128xi32, #tpu.memory_space<vmem>>) target_semaphore(%arg8 : memref<!tpu.dma_semaphore, #tpu.memory_space<semaphore_mem>>)
        } else {
        }
        %mul3A_99 = arith.constant 8 : i32
        %mul3A_100 = arith.muli %add3A_33, %mul3A_99 : i32
        %add3A_101 = arith.constant 7 : i32
        %add3A_102 = arith.addi %mul3A_100, %add3A_101 : i32
        %lt3A_103 = arith.constant 2500 : i32
        %lt3A_104 = arith.cmpi slt, %add3A_102, %lt3A_103 : i32
        %convert_element_type3A_105 = arith.extui %lt3A_104 : i1 to i32
        %cond3A_106 = arith.constant 0 : i32
        %cond3A_107 = arith.cmpi ne, %convert_element_type3A_105, %cond3A_106 : i32
        scf.if %cond3A_107 {
          %mul3A_324 = arith.constant 8 : i32
          %mul3A_325 = arith.muli %add3A_33, %mul3A_324 : i32
          %add3A_326 = arith.constant 7 : i32
          %add3A_327 = arith.addi %mul3A_325, %add3A_326 : i32
          %mul3A_328 = arith.constant 128 : i32
          %mul3A_329 = arith.muli %add3A_327, %mul3A_328 : i32
          %dma_start3A = arith.constant 1 : i32
          %dma_start3A_330 = arith.constant 7 : i32
          %dma_start3A_331 = arith.constant 0 : i32
          %dma_start3A_332 = tpu.memref_slice %arg6[%dma_start3A_330, %dma_start3A_331] : memref<8x128xi32, #tpu.memory_space<vmem>> -> memref<1x128xi32, #tpu.memory_space<vmem>>
          %dma_start3A_333 = tpu.memref_squeeze %dma_start3A_332 : memref<1x128xi32, #tpu.memory_space<vmem>> -> memref<128xi32, #tpu.memory_space<vmem>>
          %dma_start3A_334 = tpu.memref_slice %arg2[%dma_start3A, %mul3A_329] : memref<2x320000xi32, #tpu.memory_space<hbm>> -> memref<1x128xi32, #tpu.memory_space<hbm>>
          %dma_start3A_335 = tpu.memref_squeeze %dma_start3A_334 : memref<1x128xi32, #tpu.memory_space<hbm>> -> memref<128xi32, #tpu.memory_space<hbm>>
          %dma_start3A_336 = arith.constant 0 : i32
          %dma_start3A_337 = tpu.memref_slice %arg6[%dma_start3A_330, %dma_start3A_336] : memref<8x128xi32, #tpu.memory_space<vmem>> -> memref<1x128xi32, #tpu.memory_space<vmem>>
          %dma_start3A_338 = tpu.memref_squeeze %dma_start3A_337 : memref<1x128xi32, #tpu.memory_space<vmem>> -> memref<128xi32, #tpu.memory_space<vmem>>
          %dma_start3A_339 = tpu.memref_slice %arg2[%dma_start3A, %mul3A_329] : memref<2x320000xi32, #tpu.memory_space<hbm>> -> memref<1x128xi32, #tpu.memory_space<hbm>>
          %dma_start3A_340 = tpu.memref_squeeze %dma_start3A_339 : memref<1x128xi32, #tpu.memory_space<hbm>> -> memref<128xi32, #tpu.memory_space<hbm>>
          tpu.enqueue_dma source(%dma_start3A_340 : memref<128xi32, #tpu.memory_space<hbm>>) target(%dma_start3A_338 : memref<128xi32, #tpu.memory_space<vmem>>) target_semaphore(%arg8 : memref<!tpu.dma_semaphore, #tpu.memory_space<semaphore_mem>>)
        } else {
        }
        %mul3A_108 = arith.constant 8 : i32
        %mul3A_109 = arith.muli %add3A_33, %mul3A_108 : i32
        %add3A_110 = arith.constant 0 : i32
        %add3A_111 = arith.addi %mul3A_109, %add3A_110 : i32
        %lt3A_112 = arith.constant 2500 : i32
        %lt3A_113 = arith.cmpi slt, %add3A_111, %lt3A_112 : i32
        %convert_element_type3A_114 = arith.extui %lt3A_113 : i1 to i32
        %cond3A_115 = arith.constant 0 : i32
        %cond3A_116 = arith.cmpi ne, %convert_element_type3A_114, %cond3A_115 : i32
        scf.if %cond3A_116 {
          %mul3A_324 = arith.constant 8 : i32
          %mul3A_325 = arith.muli %add3A_33, %mul3A_324 : i32
          %add3A_326 = arith.constant 0 : i32
          %add3A_327 = arith.addi %mul3A_325, %add3A_326 : i32
          %mul3A_328 = arith.constant 128 : i32
          %mul3A_329 = arith.muli %add3A_327, %mul3A_328 : i32
          %dma_wait3A = arith.constant 1 : i32
          %dma_wait3A_330 = arith.constant 0 : i32
          %dma_wait3A_331 = arith.constant 0 : i32
          %dma_wait3A_332 = tpu.memref_slice %arg6[%dma_wait3A_330, %dma_wait3A_331] : memref<8x128xi32, #tpu.memory_space<vmem>> -> memref<1x128xi32, #tpu.memory_space<vmem>>
          %dma_wait3A_333 = tpu.memref_squeeze %dma_wait3A_332 : memref<1x128xi32, #tpu.memory_space<vmem>> -> memref<128xi32, #tpu.memory_space<vmem>>
          %dma_wait3A_334 = tpu.memref_slice %arg2[%dma_wait3A, %mul3A_329] : memref<2x320000xi32, #tpu.memory_space<hbm>> -> memref<1x128xi32, #tpu.memory_space<hbm>>
          %dma_wait3A_335 = tpu.memref_squeeze %dma_wait3A_334 : memref<1x128xi32, #tpu.memory_space<hbm>> -> memref<128xi32, #tpu.memory_space<hbm>>
          %dma_wait3A_336 = arith.constant 0 : i32
          %dma_wait3A_337 = tpu.memref_slice %arg6[%dma_wait3A_330, %dma_wait3A_336] : memref<8x128xi32, #tpu.memory_space<vmem>> -> memref<1x128xi32, #tpu.memory_space<vmem>>
          %dma_wait3A_338 = tpu.memref_squeeze %dma_wait3A_337 : memref<1x128xi32, #tpu.memory_space<vmem>> -> memref<128xi32, #tpu.memory_space<vmem>>
          %dma_wait3A_339 = tpu.memref_slice %arg2[%dma_wait3A, %mul3A_329] : memref<2x320000xi32, #tpu.memory_space<hbm>> -> memref<1x128xi32, #tpu.memory_space<hbm>>
          %dma_wait3A_340 = tpu.memref_squeeze %dma_wait3A_339 : memref<1x128xi32, #tpu.memory_space<hbm>> -> memref<128xi32, #tpu.memory_space<hbm>>
          tpu.wait_dma2 semaphore(%arg8 : memref<!tpu.dma_semaphore, #tpu.memory_space<semaphore_mem>>) src(%dma_wait3A_340 : memref<128xi32, #tpu.memory_space<hbm>>) dst(%dma_wait3A_338 : memref<128xi32, #tpu.memory_space<vmem>>)
        } else {
        }
        %mul3A_117 = arith.constant 8 : i32
        %mul3A_118 = arith.muli %add3A_33, %mul3A_117 : i32
        %add3A_119 = arith.constant 1 : i32
        %add3A_120 = arith.addi %mul3A_118, %add3A_119 : i32
        %lt3A_121 = arith.constant 2500 : i32
        %lt3A_122 = arith.cmpi slt, %add3A_120, %lt3A_121 : i32
        %convert_element_type3A_123 = arith.extui %lt3A_122 : i1 to i32
        %cond3A_124 = arith.constant 0 : i32
        %cond3A_125 = arith.cmpi ne, %convert_element_type3A_123, %cond3A_124 : i32
        scf.if %cond3A_125 {
          %mul3A_324 = arith.constant 8 : i32
          %mul3A_325 = arith.muli %add3A_33, %mul3A_324 : i32
          %add3A_326 = arith.constant 1 : i32
          %add3A_327 = arith.addi %mul3A_325, %add3A_326 : i32
          %mul3A_328 = arith.constant 128 : i32
          %mul3A_329 = arith.muli %add3A_327, %mul3A_328 : i32
          %dma_wait3A = arith.constant 1 : i32
          %dma_wait3A_330 = arith.constant 1 : i32
          %dma_wait3A_331 = arith.constant 0 : i32
          %dma_wait3A_332 = tpu.memref_slice %arg6[%dma_wait3A_330, %dma_wait3A_331] : memref<8x128xi32, #tpu.memory_space<vmem>> -> memref<1x128xi32, #tpu.memory_space<vmem>>
          %dma_wait3A_333 = tpu.memref_squeeze %dma_wait3A_332 : memref<1x128xi32, #tpu.memory_space<vmem>> -> memref<128xi32, #tpu.memory_space<vmem>>
          %dma_wait3A_334 = tpu.memref_slice %arg2[%dma_wait3A, %mul3A_329] : memref<2x320000xi32, #tpu.memory_space<hbm>> -> memref<1x128xi32, #tpu.memory_space<hbm>>
          %dma_wait3A_335 = tpu.memref_squeeze %dma_wait3A_334 : memref<1x128xi32, #tpu.memory_space<hbm>> -> memref<128xi32, #tpu.memory_space<hbm>>
          %dma_wait3A_336 = arith.constant 0 : i32
          %dma_wait3A_337 = tpu.memref_slice %arg6[%dma_wait3A_330, %dma_wait3A_336] : memref<8x128xi32, #tpu.memory_space<vmem>> -> memref<1x128xi32, #tpu.memory_space<vmem>>
          %dma_wait3A_338 = tpu.memref_squeeze %dma_wait3A_337 : memref<1x128xi32, #tpu.memory_space<vmem>> -> memref<128xi32, #tpu.memory_space<vmem>>
          %dma_wait3A_339 = tpu.memref_slice %arg2[%dma_wait3A, %mul3A_329] : memref<2x320000xi32, #tpu.memory_space<hbm>> -> memref<1x128xi32, #tpu.memory_space<hbm>>
          %dma_wait3A_340 = tpu.memref_squeeze %dma_wait3A_339 : memref<1x128xi32, #tpu.memory_space<hbm>> -> memref<128xi32, #tpu.memory_space<hbm>>
          tpu.wait_dma2 semaphore(%arg8 : memref<!tpu.dma_semaphore, #tpu.memory_space<semaphore_mem>>) src(%dma_wait3A_340 : memref<128xi32, #tpu.memory_space<hbm>>) dst(%dma_wait3A_338 : memref<128xi32, #tpu.memory_space<vmem>>)
        } else {
        }
        %mul3A_126 = arith.constant 8 : i32
        %mul3A_127 = arith.muli %add3A_33, %mul3A_126 : i32
        %add3A_128 = arith.constant 2 : i32
        %add3A_129 = arith.addi %mul3A_127, %add3A_128 : i32
        %lt3A_130 = arith.constant 2500 : i32
        %lt3A_131 = arith.cmpi slt, %add3A_129, %lt3A_130 : i32
        %convert_element_type3A_132 = arith.extui %lt3A_131 : i1 to i32
        %cond3A_133 = arith.constant 0 : i32
        %cond3A_134 = arith.cmpi ne, %convert_element_type3A_132, %cond3A_133 : i32
        scf.if %cond3A_134 {
          %mul3A_324 = arith.constant 8 : i32
          %mul3A_325 = arith.muli %add3A_33, %mul3A_324 : i32
          %add3A_326 = arith.constant 2 : i32
          %add3A_327 = arith.addi %mul3A_325, %add3A_326 : i32
          %mul3A_328 = arith.constant 128 : i32
          %mul3A_329 = arith.muli %add3A_327, %mul3A_328 : i32
          %dma_wait3A = arith.constant 1 : i32
          %dma_wait3A_330 = arith.constant 2 : i32
          %dma_wait3A_331 = arith.constant 0 : i32
          %dma_wait3A_332 = tpu.memref_slice %arg6[%dma_wait3A_330, %dma_wait3A_331] : memref<8x128xi32, #tpu.memory_space<vmem>> -> memref<1x128xi32, #tpu.memory_space<vmem>>
          %dma_wait3A_333 = tpu.memref_squeeze %dma_wait3A_332 : memref<1x128xi32, #tpu.memory_space<vmem>> -> memref<128xi32, #tpu.memory_space<vmem>>
          %dma_wait3A_334 = tpu.memref_slice %arg2[%dma_wait3A, %mul3A_329] : memref<2x320000xi32, #tpu.memory_space<hbm>> -> memref<1x128xi32, #tpu.memory_space<hbm>>
          %dma_wait3A_335 = tpu.memref_squeeze %dma_wait3A_334 : memref<1x128xi32, #tpu.memory_space<hbm>> -> memref<128xi32, #tpu.memory_space<hbm>>
          %dma_wait3A_336 = arith.constant 0 : i32
          %dma_wait3A_337 = tpu.memref_slice %arg6[%dma_wait3A_330, %dma_wait3A_336] : memref<8x128xi32, #tpu.memory_space<vmem>> -> memref<1x128xi32, #tpu.memory_space<vmem>>
          %dma_wait3A_338 = tpu.memref_squeeze %dma_wait3A_337 : memref<1x128xi32, #tpu.memory_space<vmem>> -> memref<128xi32, #tpu.memory_space<vmem>>
          %dma_wait3A_339 = tpu.memref_slice %arg2[%dma_wait3A, %mul3A_329] : memref<2x320000xi32, #tpu.memory_space<hbm>> -> memref<1x128xi32, #tpu.memory_space<hbm>>
          %dma_wait3A_340 = tpu.memref_squeeze %dma_wait3A_339 : memref<1x128xi32, #tpu.memory_space<hbm>> -> memref<128xi32, #tpu.memory_space<hbm>>
          tpu.wait_dma2 semaphore(%arg8 : memref<!tpu.dma_semaphore, #tpu.memory_space<semaphore_mem>>) src(%dma_wait3A_340 : memref<128xi32, #tpu.memory_space<hbm>>) dst(%dma_wait3A_338 : memref<128xi32, #tpu.memory_space<vmem>>)
        } else {
        }
        %mul3A_135 = arith.constant 8 : i32
        %mul3A_136 = arith.muli %add3A_33, %mul3A_135 : i32
        %add3A_137 = arith.constant 3 : i32
        %add3A_138 = arith.addi %mul3A_136, %add3A_137 : i32
        %lt3A_139 = arith.constant 2500 : i32
        %lt3A_140 = arith.cmpi slt, %add3A_138, %lt3A_139 : i32
        %convert_element_type3A_141 = arith.extui %lt3A_140 : i1 to i32
        %cond3A_142 = arith.constant 0 : i32
        %cond3A_143 = arith.cmpi ne, %convert_element_type3A_141, %cond3A_142 : i32
        scf.if %cond3A_143 {
          %mul3A_324 = arith.constant 8 : i32
          %mul3A_325 = arith.muli %add3A_33, %mul3A_324 : i32
          %add3A_326 = arith.constant 3 : i32
          %add3A_327 = arith.addi %mul3A_325, %add3A_326 : i32
          %mul3A_328 = arith.constant 128 : i32
          %mul3A_329 = arith.muli %add3A_327, %mul3A_328 : i32
          %dma_wait3A = arith.constant 1 : i32
          %dma_wait3A_330 = arith.constant 3 : i32
          %dma_wait3A_331 = arith.constant 0 : i32
          %dma_wait3A_332 = tpu.memref_slice %arg6[%dma_wait3A_330, %dma_wait3A_331] : memref<8x128xi32, #tpu.memory_space<vmem>> -> memref<1x128xi32, #tpu.memory_space<vmem>>
          %dma_wait3A_333 = tpu.memref_squeeze %dma_wait3A_332 : memref<1x128xi32, #tpu.memory_space<vmem>> -> memref<128xi32, #tpu.memory_space<vmem>>
          %dma_wait3A_334 = tpu.memref_slice %arg2[%dma_wait3A, %mul3A_329] : memref<2x320000xi32, #tpu.memory_space<hbm>> -> memref<1x128xi32, #tpu.memory_space<hbm>>
          %dma_wait3A_335 = tpu.memref_squeeze %dma_wait3A_334 : memref<1x128xi32, #tpu.memory_space<hbm>> -> memref<128xi32, #tpu.memory_space<hbm>>
          %dma_wait3A_336 = arith.constant 0 : i32
          %dma_wait3A_337 = tpu.memref_slice %arg6[%dma_wait3A_330, %dma_wait3A_336] : memref<8x128xi32, #tpu.memory_space<vmem>> -> memref<1x128xi32, #tpu.memory_space<vmem>>
          %dma_wait3A_338 = tpu.memref_squeeze %dma_wait3A_337 : memref<1x128xi32, #tpu.memory_space<vmem>> -> memref<128xi32, #tpu.memory_space<vmem>>
          %dma_wait3A_339 = tpu.memref_slice %arg2[%dma_wait3A, %mul3A_329] : memref<2x320000xi32, #tpu.memory_space<hbm>> -> memref<1x128xi32, #tpu.memory_space<hbm>>
          %dma_wait3A_340 = tpu.memref_squeeze %dma_wait3A_339 : memref<1x128xi32, #tpu.memory_space<hbm>> -> memref<128xi32, #tpu.memory_space<hbm>>
          tpu.wait_dma2 semaphore(%arg8 : memref<!tpu.dma_semaphore, #tpu.memory_space<semaphore_mem>>) src(%dma_wait3A_340 : memref<128xi32, #tpu.memory_space<hbm>>) dst(%dma_wait3A_338 : memref<128xi32, #tpu.memory_space<vmem>>)
        } else {
        }
        %mul3A_144 = arith.constant 8 : i32
        %mul3A_145 = arith.muli %add3A_33, %mul3A_144 : i32
        %add3A_146 = arith.constant 4 : i32
        %add3A_147 = arith.addi %mul3A_145, %add3A_146 : i32
        %lt3A_148 = arith.constant 2500 : i32
        %lt3A_149 = arith.cmpi slt, %add3A_147, %lt3A_148 : i32
        %convert_element_type3A_150 = arith.extui %lt3A_149 : i1 to i32
        %cond3A_151 = arith.constant 0 : i32
        %cond3A_152 = arith.cmpi ne, %convert_element_type3A_150, %cond3A_151 : i32
        scf.if %cond3A_152 {
          %mul3A_324 = arith.constant 8 : i32
          %mul3A_325 = arith.muli %add3A_33, %mul3A_324 : i32
          %add3A_326 = arith.constant 4 : i32
          %add3A_327 = arith.addi %mul3A_325, %add3A_326 : i32
          %mul3A_328 = arith.constant 128 : i32
          %mul3A_329 = arith.muli %add3A_327, %mul3A_328 : i32
          %dma_wait3A = arith.constant 1 : i32
          %dma_wait3A_330 = arith.constant 4 : i32
          %dma_wait3A_331 = arith.constant 0 : i32
          %dma_wait3A_332 = tpu.memref_slice %arg6[%dma_wait3A_330, %dma_wait3A_331] : memref<8x128xi32, #tpu.memory_space<vmem>> -> memref<1x128xi32, #tpu.memory_space<vmem>>
          %dma_wait3A_333 = tpu.memref_squeeze %dma_wait3A_332 : memref<1x128xi32, #tpu.memory_space<vmem>> -> memref<128xi32, #tpu.memory_space<vmem>>
          %dma_wait3A_334 = tpu.memref_slice %arg2[%dma_wait3A, %mul3A_329] : memref<2x320000xi32, #tpu.memory_space<hbm>> -> memref<1x128xi32, #tpu.memory_space<hbm>>
          %dma_wait3A_335 = tpu.memref_squeeze %dma_wait3A_334 : memref<1x128xi32, #tpu.memory_space<hbm>> -> memref<128xi32, #tpu.memory_space<hbm>>
          %dma_wait3A_336 = arith.constant 0 : i32
          %dma_wait3A_337 = tpu.memref_slice %arg6[%dma_wait3A_330, %dma_wait3A_336] : memref<8x128xi32, #tpu.memory_space<vmem>> -> memref<1x128xi32, #tpu.memory_space<vmem>>
          %dma_wait3A_338 = tpu.memref_squeeze %dma_wait3A_337 : memref<1x128xi32, #tpu.memory_space<vmem>> -> memref<128xi32, #tpu.memory_space<vmem>>
          %dma_wait3A_339 = tpu.memref_slice %arg2[%dma_wait3A, %mul3A_329] : memref<2x320000xi32, #tpu.memory_space<hbm>> -> memref<1x128xi32, #tpu.memory_space<hbm>>
          %dma_wait3A_340 = tpu.memref_squeeze %dma_wait3A_339 : memref<1x128xi32, #tpu.memory_space<hbm>> -> memref<128xi32, #tpu.memory_space<hbm>>
          tpu.wait_dma2 semaphore(%arg8 : memref<!tpu.dma_semaphore, #tpu.memory_space<semaphore_mem>>) src(%dma_wait3A_340 : memref<128xi32, #tpu.memory_space<hbm>>) dst(%dma_wait3A_338 : memref<128xi32, #tpu.memory_space<vmem>>)
        } else {
        }
        %mul3A_153 = arith.constant 8 : i32
        %mul3A_154 = arith.muli %add3A_33, %mul3A_153 : i32
        %add3A_155 = arith.constant 5 : i32
        %add3A_156 = arith.addi %mul3A_154, %add3A_155 : i32
        %lt3A_157 = arith.constant 2500 : i32
        %lt3A_158 = arith.cmpi slt, %add3A_156, %lt3A_157 : i32
        %convert_element_type3A_159 = arith.extui %lt3A_158 : i1 to i32
        %cond3A_160 = arith.constant 0 : i32
        %cond3A_161 = arith.cmpi ne, %convert_element_type3A_159, %cond3A_160 : i32
        scf.if %cond3A_161 {
          %mul3A_324 = arith.constant 8 : i32
          %mul3A_325 = arith.muli %add3A_33, %mul3A_324 : i32
          %add3A_326 = arith.constant 5 : i32
          %add3A_327 = arith.addi %mul3A_325, %add3A_326 : i32
          %mul3A_328 = arith.constant 128 : i32
          %mul3A_329 = arith.muli %add3A_327, %mul3A_328 : i32
          %dma_wait3A = arith.constant 1 : i32
          %dma_wait3A_330 = arith.constant 5 : i32
          %dma_wait3A_331 = arith.constant 0 : i32
          %dma_wait3A_332 = tpu.memref_slice %arg6[%dma_wait3A_330, %dma_wait3A_331] : memref<8x128xi32, #tpu.memory_space<vmem>> -> memref<1x128xi32, #tpu.memory_space<vmem>>
          %dma_wait3A_333 = tpu.memref_squeeze %dma_wait3A_332 : memref<1x128xi32, #tpu.memory_space<vmem>> -> memref<128xi32, #tpu.memory_space<vmem>>
          %dma_wait3A_334 = tpu.memref_slice %arg2[%dma_wait3A, %mul3A_329] : memref<2x320000xi32, #tpu.memory_space<hbm>> -> memref<1x128xi32, #tpu.memory_space<hbm>>
          %dma_wait3A_335 = tpu.memref_squeeze %dma_wait3A_334 : memref<1x128xi32, #tpu.memory_space<hbm>> -> memref<128xi32, #tpu.memory_space<hbm>>
          %dma_wait3A_336 = arith.constant 0 : i32
          %dma_wait3A_337 = tpu.memref_slice %arg6[%dma_wait3A_330, %dma_wait3A_336] : memref<8x128xi32, #tpu.memory_space<vmem>> -> memref<1x128xi32, #tpu.memory_space<vmem>>
          %dma_wait3A_338 = tpu.memref_squeeze %dma_wait3A_337 : memref<1x128xi32, #tpu.memory_space<vmem>> -> memref<128xi32, #tpu.memory_space<vmem>>
          %dma_wait3A_339 = tpu.memref_slice %arg2[%dma_wait3A, %mul3A_329] : memref<2x320000xi32, #tpu.memory_space<hbm>> -> memref<1x128xi32, #tpu.memory_space<hbm>>
          %dma_wait3A_340 = tpu.memref_squeeze %dma_wait3A_339 : memref<1x128xi32, #tpu.memory_space<hbm>> -> memref<128xi32, #tpu.memory_space<hbm>>
          tpu.wait_dma2 semaphore(%arg8 : memref<!tpu.dma_semaphore, #tpu.memory_space<semaphore_mem>>) src(%dma_wait3A_340 : memref<128xi32, #tpu.memory_space<hbm>>) dst(%dma_wait3A_338 : memref<128xi32, #tpu.memory_space<vmem>>)
        } else {
        }
        %mul3A_162 = arith.constant 8 : i32
        %mul3A_163 = arith.muli %add3A_33, %mul3A_162 : i32
        %add3A_164 = arith.constant 6 : i32
        %add3A_165 = arith.addi %mul3A_163, %add3A_164 : i32
        %lt3A_166 = arith.constant 2500 : i32
        %lt3A_167 = arith.cmpi slt, %add3A_165, %lt3A_166 : i32
        %convert_element_type3A_168 = arith.extui %lt3A_167 : i1 to i32
        %cond3A_169 = arith.constant 0 : i32
        %cond3A_170 = arith.cmpi ne, %convert_element_type3A_168, %cond3A_169 : i32
        scf.if %cond3A_170 {
          %mul3A_324 = arith.constant 8 : i32
          %mul3A_325 = arith.muli %add3A_33, %mul3A_324 : i32
          %add3A_326 = arith.constant 6 : i32
          %add3A_327 = arith.addi %mul3A_325, %add3A_326 : i32
          %mul3A_328 = arith.constant 128 : i32
          %mul3A_329 = arith.muli %add3A_327, %mul3A_328 : i32
          %dma_wait3A = arith.constant 1 : i32
          %dma_wait3A_330 = arith.constant 6 : i32
          %dma_wait3A_331 = arith.constant 0 : i32
          %dma_wait3A_332 = tpu.memref_slice %arg6[%dma_wait3A_330, %dma_wait3A_331] : memref<8x128xi32, #tpu.memory_space<vmem>> -> memref<1x128xi32, #tpu.memory_space<vmem>>
          %dma_wait3A_333 = tpu.memref_squeeze %dma_wait3A_332 : memref<1x128xi32, #tpu.memory_space<vmem>> -> memref<128xi32, #tpu.memory_space<vmem>>
          %dma_wait3A_334 = tpu.memref_slice %arg2[%dma_wait3A, %mul3A_329] : memref<2x320000xi32, #tpu.memory_space<hbm>> -> memref<1x128xi32, #tpu.memory_space<hbm>>
          %dma_wait3A_335 = tpu.memref_squeeze %dma_wait3A_334 : memref<1x128xi32, #tpu.memory_space<hbm>> -> memref<128xi32, #tpu.memory_space<hbm>>
          %dma_wait3A_336 = arith.constant 0 : i32
          %dma_wait3A_337 = tpu.memref_slice %arg6[%dma_wait3A_330, %dma_wait3A_336] : memref<8x128xi32, #tpu.memory_space<vmem>> -> memref<1x128xi32, #tpu.memory_space<vmem>>
          %dma_wait3A_338 = tpu.memref_squeeze %dma_wait3A_337 : memref<1x128xi32, #tpu.memory_space<vmem>> -> memref<128xi32, #tpu.memory_space<vmem>>
          %dma_wait3A_339 = tpu.memref_slice %arg2[%dma_wait3A, %mul3A_329] : memref<2x320000xi32, #tpu.memory_space<hbm>> -> memref<1x128xi32, #tpu.memory_space<hbm>>
          %dma_wait3A_340 = tpu.memref_squeeze %dma_wait3A_339 : memref<1x128xi32, #tpu.memory_space<hbm>> -> memref<128xi32, #tpu.memory_space<hbm>>
          tpu.wait_dma2 semaphore(%arg8 : memref<!tpu.dma_semaphore, #tpu.memory_space<semaphore_mem>>) src(%dma_wait3A_340 : memref<128xi32, #tpu.memory_space<hbm>>) dst(%dma_wait3A_338 : memref<128xi32, #tpu.memory_space<vmem>>)
        } else {
        }
        %mul3A_171 = arith.constant 8 : i32
        %mul3A_172 = arith.muli %add3A_33, %mul3A_171 : i32
        %add3A_173 = arith.constant 7 : i32
        %add3A_174 = arith.addi %mul3A_172, %add3A_173 : i32
        %lt3A_175 = arith.constant 2500 : i32
        %lt3A_176 = arith.cmpi slt, %add3A_174, %lt3A_175 : i32
        %convert_element_type3A_177 = arith.extui %lt3A_176 : i1 to i32
        %cond3A_178 = arith.constant 0 : i32
        %cond3A_179 = arith.cmpi ne, %convert_element_type3A_177, %cond3A_178 : i32
        scf.if %cond3A_179 {
          %mul3A_324 = arith.constant 8 : i32
          %mul3A_325 = arith.muli %add3A_33, %mul3A_324 : i32
          %add3A_326 = arith.constant 7 : i32
          %add3A_327 = arith.addi %mul3A_325, %add3A_326 : i32
          %mul3A_328 = arith.constant 128 : i32
          %mul3A_329 = arith.muli %add3A_327, %mul3A_328 : i32
          %dma_wait3A = arith.constant 1 : i32
          %dma_wait3A_330 = arith.constant 7 : i32
          %dma_wait3A_331 = arith.constant 0 : i32
          %dma_wait3A_332 = tpu.memref_slice %arg6[%dma_wait3A_330, %dma_wait3A_331] : memref<8x128xi32, #tpu.memory_space<vmem>> -> memref<1x128xi32, #tpu.memory_space<vmem>>
          %dma_wait3A_333 = tpu.memref_squeeze %dma_wait3A_332 : memref<1x128xi32, #tpu.memory_space<vmem>> -> memref<128xi32, #tpu.memory_space<vmem>>
          %dma_wait3A_334 = tpu.memref_slice %arg2[%dma_wait3A, %mul3A_329] : memref<2x320000xi32, #tpu.memory_space<hbm>> -> memref<1x128xi32, #tpu.memory_space<hbm>>
          %dma_wait3A_335 = tpu.memref_squeeze %dma_wait3A_334 : memref<1x128xi32, #tpu.memory_space<hbm>> -> memref<128xi32, #tpu.memory_space<hbm>>
          %dma_wait3A_336 = arith.constant 0 : i32
          %dma_wait3A_337 = tpu.memref_slice %arg6[%dma_wait3A_330, %dma_wait3A_336] : memref<8x128xi32, #tpu.memory_space<vmem>> -> memref<1x128xi32, #tpu.memory_space<vmem>>
          %dma_wait3A_338 = tpu.memref_squeeze %dma_wait3A_337 : memref<1x128xi32, #tpu.memory_space<vmem>> -> memref<128xi32, #tpu.memory_space<vmem>>
          %dma_wait3A_339 = tpu.memref_slice %arg2[%dma_wait3A, %mul3A_329] : memref<2x320000xi32, #tpu.memory_space<hbm>> -> memref<1x128xi32, #tpu.memory_space<hbm>>
          %dma_wait3A_340 = tpu.memref_squeeze %dma_wait3A_339 : memref<1x128xi32, #tpu.memory_space<hbm>> -> memref<128xi32, #tpu.memory_space<hbm>>
          tpu.wait_dma2 semaphore(%arg8 : memref<!tpu.dma_semaphore, #tpu.memory_space<semaphore_mem>>) src(%dma_wait3A_340 : memref<128xi32, #tpu.memory_space<hbm>>) dst(%dma_wait3A_338 : memref<128xi32, #tpu.memory_space<vmem>>)
        } else {
        }
        %mul3A_180 = arith.constant 8 : i32
        %mul3A_181 = arith.muli %add3A_33, %mul3A_180 : i32
        %add3A_182 = arith.constant 0 : i32
        %add3A_183 = arith.addi %mul3A_181, %add3A_182 : i32
        %lt3A_184 = arith.constant 2500 : i32
        %lt3A_185 = arith.cmpi slt, %add3A_183, %lt3A_184 : i32
        %convert_element_type3A_186 = arith.extui %lt3A_185 : i1 to i32
        %cond3A_187 = arith.constant 0 : i32
        %cond3A_188 = arith.cmpi ne, %convert_element_type3A_186, %cond3A_187 : i32
        scf.if %cond3A_188 {
          %dma_start3A = arith.constant 0 : i32
          %dma_start3A_324 = arith.constant 0 : i32
          %dma_start3A_325 = tpu.memref_slice %arg6[%dma_start3A, %dma_start3A_324] : memref<8x128xi32, #tpu.memory_space<vmem>> -> memref<1x128xi32, #tpu.memory_space<vmem>>
          %dma_start3A_326 = tpu.memref_squeeze %dma_start3A_325 : memref<1x128xi32, #tpu.memory_space<vmem>> -> memref<128xi32, #tpu.memory_space<vmem>>
          %dma_start3A_327 = arith.constant 0 : i32
          %dma_start3A_328 = arith.constant 0 : i32
          %dma_start3A_329 = tpu.memref_slice %arg7[%dma_start3A_327, %dma_start3A_328] : memref<10000x16xf32, #tpu.memory_space<vmem_shared>> -> memref<10000x16xf32, #tpu.memory_space<vmem_shared>>
          tpu.enqueue_indirect_dma source(%arg5 : memref<128x16xf32, #tpu.memory_space<vmem>>) target(%dma_start3A_329 : memref<10000x16xf32, #tpu.memory_space<vmem_shared>>) offsets(%dma_start3A_326 : memref<128xi32, #tpu.memory_space<vmem>>) semaphore(%arg8 : memref<!tpu.dma_semaphore, #tpu.memory_space<semaphore_mem>>) {add = true}
        } else {
        }
        %mul3A_189 = arith.constant 8 : i32
        %mul3A_190 = arith.muli %add3A_33, %mul3A_189 : i32
        %add3A_191 = arith.constant 1 : i32
        %add3A_192 = arith.addi %mul3A_190, %add3A_191 : i32
        %lt3A_193 = arith.constant 2500 : i32
        %lt3A_194 = arith.cmpi slt, %add3A_192, %lt3A_193 : i32
        %convert_element_type3A_195 = arith.extui %lt3A_194 : i1 to i32
        %cond3A_196 = arith.constant 0 : i32
        %cond3A_197 = arith.cmpi ne, %convert_element_type3A_195, %cond3A_196 : i32
        scf.if %cond3A_197 {
          %dma_start3A = arith.constant 1 : i32
          %dma_start3A_324 = arith.constant 0 : i32
          %dma_start3A_325 = tpu.memref_slice %arg6[%dma_start3A, %dma_start3A_324] : memref<8x128xi32, #tpu.memory_space<vmem>> -> memref<1x128xi32, #tpu.memory_space<vmem>>
          %dma_start3A_326 = tpu.memref_squeeze %dma_start3A_325 : memref<1x128xi32, #tpu.memory_space<vmem>> -> memref<128xi32, #tpu.memory_space<vmem>>
          %dma_start3A_327 = arith.constant 0 : i32
          %dma_start3A_328 = arith.constant 0 : i32
          %dma_start3A_329 = tpu.memref_slice %arg7[%dma_start3A_327, %dma_start3A_328] : memref<10000x16xf32, #tpu.memory_space<vmem_shared>> -> memref<10000x16xf32, #tpu.memory_space<vmem_shared>>
          tpu.enqueue_indirect_dma source(%arg5 : memref<128x16xf32, #tpu.memory_space<vmem>>) target(%dma_start3A_329 : memref<10000x16xf32, #tpu.memory_space<vmem_shared>>) offsets(%dma_start3A_326 : memref<128xi32, #tpu.memory_space<vmem>>) semaphore(%arg8 : memref<!tpu.dma_semaphore, #tpu.memory_space<semaphore_mem>>) {add = true}
        } else {
        }
        %mul3A_198 = arith.constant 8 : i32
        %mul3A_199 = arith.muli %add3A_33, %mul3A_198 : i32
        %add3A_200 = arith.constant 2 : i32
        %add3A_201 = arith.addi %mul3A_199, %add3A_200 : i32
        %lt3A_202 = arith.constant 2500 : i32
        %lt3A_203 = arith.cmpi slt, %add3A_201, %lt3A_202 : i32
        %convert_element_type3A_204 = arith.extui %lt3A_203 : i1 to i32
        %cond3A_205 = arith.constant 0 : i32
        %cond3A_206 = arith.cmpi ne, %convert_element_type3A_204, %cond3A_205 : i32
        scf.if %cond3A_206 {
          %dma_start3A = arith.constant 2 : i32
          %dma_start3A_324 = arith.constant 0 : i32
          %dma_start3A_325 = tpu.memref_slice %arg6[%dma_start3A, %dma_start3A_324] : memref<8x128xi32, #tpu.memory_space<vmem>> -> memref<1x128xi32, #tpu.memory_space<vmem>>
          %dma_start3A_326 = tpu.memref_squeeze %dma_start3A_325 : memref<1x128xi32, #tpu.memory_space<vmem>> -> memref<128xi32, #tpu.memory_space<vmem>>
          %dma_start3A_327 = arith.constant 0 : i32
          %dma_start3A_328 = arith.constant 0 : i32
          %dma_start3A_329 = tpu.memref_slice %arg7[%dma_start3A_327, %dma_start3A_328] : memref<10000x16xf32, #tpu.memory_space<vmem_shared>> -> memref<10000x16xf32, #tpu.memory_space<vmem_shared>>
          tpu.enqueue_indirect_dma source(%arg5 : memref<128x16xf32, #tpu.memory_space<vmem>>) target(%dma_start3A_329 : memref<10000x16xf32, #tpu.memory_space<vmem_shared>>) offsets(%dma_start3A_326 : memref<128xi32, #tpu.memory_space<vmem>>) semaphore(%arg8 : memref<!tpu.dma_semaphore, #tpu.memory_space<semaphore_mem>>) {add = true}
        } else {
        }
        %mul3A_207 = arith.constant 8 : i32
        %mul3A_208 = arith.muli %add3A_33, %mul3A_207 : i32
        %add3A_209 = arith.constant 3 : i32
        %add3A_210 = arith.addi %mul3A_208, %add3A_209 : i32
        %lt3A_211 = arith.constant 2500 : i32
        %lt3A_212 = arith.cmpi slt, %add3A_210, %lt3A_211 : i32
        %convert_element_type3A_213 = arith.extui %lt3A_212 : i1 to i32
        %cond3A_214 = arith.constant 0 : i32
        %cond3A_215 = arith.cmpi ne, %convert_element_type3A_213, %cond3A_214 : i32
        scf.if %cond3A_215 {
          %dma_start3A = arith.constant 3 : i32
          %dma_start3A_324 = arith.constant 0 : i32
          %dma_start3A_325 = tpu.memref_slice %arg6[%dma_start3A, %dma_start3A_324] : memref<8x128xi32, #tpu.memory_space<vmem>> -> memref<1x128xi32, #tpu.memory_space<vmem>>
          %dma_start3A_326 = tpu.memref_squeeze %dma_start3A_325 : memref<1x128xi32, #tpu.memory_space<vmem>> -> memref<128xi32, #tpu.memory_space<vmem>>
          %dma_start3A_327 = arith.constant 0 : i32
          %dma_start3A_328 = arith.constant 0 : i32
          %dma_start3A_329 = tpu.memref_slice %arg7[%dma_start3A_327, %dma_start3A_328] : memref<10000x16xf32, #tpu.memory_space<vmem_shared>> -> memref<10000x16xf32, #tpu.memory_space<vmem_shared>>
          tpu.enqueue_indirect_dma source(%arg5 : memref<128x16xf32, #tpu.memory_space<vmem>>) target(%dma_start3A_329 : memref<10000x16xf32, #tpu.memory_space<vmem_shared>>) offsets(%dma_start3A_326 : memref<128xi32, #tpu.memory_space<vmem>>) semaphore(%arg8 : memref<!tpu.dma_semaphore, #tpu.memory_space<semaphore_mem>>) {add = true}
        } else {
        }
        %mul3A_216 = arith.constant 8 : i32
        %mul3A_217 = arith.muli %add3A_33, %mul3A_216 : i32
        %add3A_218 = arith.constant 4 : i32
        %add3A_219 = arith.addi %mul3A_217, %add3A_218 : i32
        %lt3A_220 = arith.constant 2500 : i32
        %lt3A_221 = arith.cmpi slt, %add3A_219, %lt3A_220 : i32
        %convert_element_type3A_222 = arith.extui %lt3A_221 : i1 to i32
        %cond3A_223 = arith.constant 0 : i32
        %cond3A_224 = arith.cmpi ne, %convert_element_type3A_222, %cond3A_223 : i32
        scf.if %cond3A_224 {
          %dma_start3A = arith.constant 4 : i32
          %dma_start3A_324 = arith.constant 0 : i32
          %dma_start3A_325 = tpu.memref_slice %arg6[%dma_start3A, %dma_start3A_324] : memref<8x128xi32, #tpu.memory_space<vmem>> -> memref<1x128xi32, #tpu.memory_space<vmem>>
          %dma_start3A_326 = tpu.memref_squeeze %dma_start3A_325 : memref<1x128xi32, #tpu.memory_space<vmem>> -> memref<128xi32, #tpu.memory_space<vmem>>
          %dma_start3A_327 = arith.constant 0 : i32
          %dma_start3A_328 = arith.constant 0 : i32
          %dma_start3A_329 = tpu.memref_slice %arg7[%dma_start3A_327, %dma_start3A_328] : memref<10000x16xf32, #tpu.memory_space<vmem_shared>> -> memref<10000x16xf32, #tpu.memory_space<vmem_shared>>
          tpu.enqueue_indirect_dma source(%arg5 : memref<128x16xf32, #tpu.memory_space<vmem>>) target(%dma_start3A_329 : memref<10000x16xf32, #tpu.memory_space<vmem_shared>>) offsets(%dma_start3A_326 : memref<128xi32, #tpu.memory_space<vmem>>) semaphore(%arg8 : memref<!tpu.dma_semaphore, #tpu.memory_space<semaphore_mem>>) {add = true}
        } else {
        }
        %mul3A_225 = arith.constant 8 : i32
        %mul3A_226 = arith.muli %add3A_33, %mul3A_225 : i32
        %add3A_227 = arith.constant 5 : i32
        %add3A_228 = arith.addi %mul3A_226, %add3A_227 : i32
        %lt3A_229 = arith.constant 2500 : i32
        %lt3A_230 = arith.cmpi slt, %add3A_228, %lt3A_229 : i32
        %convert_element_type3A_231 = arith.extui %lt3A_230 : i1 to i32
        %cond3A_232 = arith.constant 0 : i32
        %cond3A_233 = arith.cmpi ne, %convert_element_type3A_231, %cond3A_232 : i32
        scf.if %cond3A_233 {
          %dma_start3A = arith.constant 5 : i32
          %dma_start3A_324 = arith.constant 0 : i32
          %dma_start3A_325 = tpu.memref_slice %arg6[%dma_start3A, %dma_start3A_324] : memref<8x128xi32, #tpu.memory_space<vmem>> -> memref<1x128xi32, #tpu.memory_space<vmem>>
          %dma_start3A_326 = tpu.memref_squeeze %dma_start3A_325 : memref<1x128xi32, #tpu.memory_space<vmem>> -> memref<128xi32, #tpu.memory_space<vmem>>
          %dma_start3A_327 = arith.constant 0 : i32
          %dma_start3A_328 = arith.constant 0 : i32
          %dma_start3A_329 = tpu.memref_slice %arg7[%dma_start3A_327, %dma_start3A_328] : memref<10000x16xf32, #tpu.memory_space<vmem_shared>> -> memref<10000x16xf32, #tpu.memory_space<vmem_shared>>
          tpu.enqueue_indirect_dma source(%arg5 : memref<128x16xf32, #tpu.memory_space<vmem>>) target(%dma_start3A_329 : memref<10000x16xf32, #tpu.memory_space<vmem_shared>>) offsets(%dma_start3A_326 : memref<128xi32, #tpu.memory_space<vmem>>) semaphore(%arg8 : memref<!tpu.dma_semaphore, #tpu.memory_space<semaphore_mem>>) {add = true}
        } else {
        }
        %mul3A_234 = arith.constant 8 : i32
        %mul3A_235 = arith.muli %add3A_33, %mul3A_234 : i32
        %add3A_236 = arith.constant 6 : i32
        %add3A_237 = arith.addi %mul3A_235, %add3A_236 : i32
        %lt3A_238 = arith.constant 2500 : i32
        %lt3A_239 = arith.cmpi slt, %add3A_237, %lt3A_238 : i32
        %convert_element_type3A_240 = arith.extui %lt3A_239 : i1 to i32
        %cond3A_241 = arith.constant 0 : i32
        %cond3A_242 = arith.cmpi ne, %convert_element_type3A_240, %cond3A_241 : i32
        scf.if %cond3A_242 {
          %dma_start3A = arith.constant 6 : i32
          %dma_start3A_324 = arith.constant 0 : i32
          %dma_start3A_325 = tpu.memref_slice %arg6[%dma_start3A, %dma_start3A_324] : memref<8x128xi32, #tpu.memory_space<vmem>> -> memref<1x128xi32, #tpu.memory_space<vmem>>
          %dma_start3A_326 = tpu.memref_squeeze %dma_start3A_325 : memref<1x128xi32, #tpu.memory_space<vmem>> -> memref<128xi32, #tpu.memory_space<vmem>>
          %dma_start3A_327 = arith.constant 0 : i32
          %dma_start3A_328 = arith.constant 0 : i32
          %dma_start3A_329 = tpu.memref_slice %arg7[%dma_start3A_327, %dma_start3A_328] : memref<10000x16xf32, #tpu.memory_space<vmem_shared>> -> memref<10000x16xf32, #tpu.memory_space<vmem_shared>>
          tpu.enqueue_indirect_dma source(%arg5 : memref<128x16xf32, #tpu.memory_space<vmem>>) target(%dma_start3A_329 : memref<10000x16xf32, #tpu.memory_space<vmem_shared>>) offsets(%dma_start3A_326 : memref<128xi32, #tpu.memory_space<vmem>>) semaphore(%arg8 : memref<!tpu.dma_semaphore, #tpu.memory_space<semaphore_mem>>) {add = true}
        } else {
        }
        %mul3A_243 = arith.constant 8 : i32
        %mul3A_244 = arith.muli %add3A_33, %mul3A_243 : i32
        %add3A_245 = arith.constant 7 : i32
        %add3A_246 = arith.addi %mul3A_244, %add3A_245 : i32
        %lt3A_247 = arith.constant 2500 : i32
        %lt3A_248 = arith.cmpi slt, %add3A_246, %lt3A_247 : i32
        %convert_element_type3A_249 = arith.extui %lt3A_248 : i1 to i32
        %cond3A_250 = arith.constant 0 : i32
        %cond3A_251 = arith.cmpi ne, %convert_element_type3A_249, %cond3A_250 : i32
        scf.if %cond3A_251 {
          %dma_start3A = arith.constant 7 : i32
          %dma_start3A_324 = arith.constant 0 : i32
          %dma_start3A_325 = tpu.memref_slice %arg6[%dma_start3A, %dma_start3A_324] : memref<8x128xi32, #tpu.memory_space<vmem>> -> memref<1x128xi32, #tpu.memory_space<vmem>>
          %dma_start3A_326 = tpu.memref_squeeze %dma_start3A_325 : memref<1x128xi32, #tpu.memory_space<vmem>> -> memref<128xi32, #tpu.memory_space<vmem>>
          %dma_start3A_327 = arith.constant 0 : i32
          %dma_start3A_328 = arith.constant 0 : i32
          %dma_start3A_329 = tpu.memref_slice %arg7[%dma_start3A_327, %dma_start3A_328] : memref<10000x16xf32, #tpu.memory_space<vmem_shared>> -> memref<10000x16xf32, #tpu.memory_space<vmem_shared>>
          tpu.enqueue_indirect_dma source(%arg5 : memref<128x16xf32, #tpu.memory_space<vmem>>) target(%dma_start3A_329 : memref<10000x16xf32, #tpu.memory_space<vmem_shared>>) offsets(%dma_start3A_326 : memref<128xi32, #tpu.memory_space<vmem>>) semaphore(%arg8 : memref<!tpu.dma_semaphore, #tpu.memory_space<semaphore_mem>>) {add = true}
        } else {
        }
        %mul3A_252 = arith.constant 8 : i32
        %mul3A_253 = arith.muli %add3A_33, %mul3A_252 : i32
        %add3A_254 = arith.constant 0 : i32
        %add3A_255 = arith.addi %mul3A_253, %add3A_254 : i32
        %lt3A_256 = arith.constant 2500 : i32
        %lt3A_257 = arith.cmpi slt, %add3A_255, %lt3A_256 : i32
        %convert_element_type3A_258 = arith.extui %lt3A_257 : i1 to i32
        %cond3A_259 = arith.constant 0 : i32
        %cond3A_260 = arith.cmpi ne, %convert_element_type3A_258, %cond3A_259 : i32
        scf.if %cond3A_260 {
          %dma_wait3A = arith.constant 0 : i32
          %dma_wait3A_324 = arith.constant 0 : i32
          %dma_wait3A_325 = tpu.memref_slice %arg6[%dma_wait3A, %dma_wait3A_324] : memref<8x128xi32, #tpu.memory_space<vmem>> -> memref<1x128xi32, #tpu.memory_space<vmem>>
          %dma_wait3A_326 = tpu.memref_squeeze %dma_wait3A_325 : memref<1x128xi32, #tpu.memory_space<vmem>> -> memref<128xi32, #tpu.memory_space<vmem>>
          %dma_wait3A_327 = arith.constant 0 : i32
          %dma_wait3A_328 = arith.constant 0 : i32
          %dma_wait3A_329 = tpu.memref_slice %arg7[%dma_wait3A_327, %dma_wait3A_328] : memref<10000x16xf32, #tpu.memory_space<vmem_shared>> -> memref<10000x16xf32, #tpu.memory_space<vmem_shared>>
          tpu.wait_indirect_dma semaphore(%arg8 : memref<!tpu.dma_semaphore, #tpu.memory_space<semaphore_mem>>) src(%arg5 : memref<128x16xf32, #tpu.memory_space<vmem>>) dst(%dma_wait3A_329 : memref<10000x16xf32, #tpu.memory_space<vmem_shared>>)
        } else {
        }
        %mul3A_261 = arith.constant 8 : i32
        %mul3A_262 = arith.muli %add3A_33, %mul3A_261 : i32
        %add3A_263 = arith.constant 1 : i32
        %add3A_264 = arith.addi %mul3A_262, %add3A_263 : i32
        %lt3A_265 = arith.constant 2500 : i32
        %lt3A_266 = arith.cmpi slt, %add3A_264, %lt3A_265 : i32
        %convert_element_type3A_267 = arith.extui %lt3A_266 : i1 to i32
        %cond3A_268 = arith.constant 0 : i32
        %cond3A_269 = arith.cmpi ne, %convert_element_type3A_267, %cond3A_268 : i32
        scf.if %cond3A_269 {
          %dma_wait3A = arith.constant 1 : i32
          %dma_wait3A_324 = arith.constant 0 : i32
          %dma_wait3A_325 = tpu.memref_slice %arg6[%dma_wait3A, %dma_wait3A_324] : memref<8x128xi32, #tpu.memory_space<vmem>> -> memref<1x128xi32, #tpu.memory_space<vmem>>
          %dma_wait3A_326 = tpu.memref_squeeze %dma_wait3A_325 : memref<1x128xi32, #tpu.memory_space<vmem>> -> memref<128xi32, #tpu.memory_space<vmem>>
          %dma_wait3A_327 = arith.constant 0 : i32
          %dma_wait3A_328 = arith.constant 0 : i32
          %dma_wait3A_329 = tpu.memref_slice %arg7[%dma_wait3A_327, %dma_wait3A_328] : memref<10000x16xf32, #tpu.memory_space<vmem_shared>> -> memref<10000x16xf32, #tpu.memory_space<vmem_shared>>
          tpu.wait_indirect_dma semaphore(%arg8 : memref<!tpu.dma_semaphore, #tpu.memory_space<semaphore_mem>>) src(%arg5 : memref<128x16xf32, #tpu.memory_space<vmem>>) dst(%dma_wait3A_329 : memref<10000x16xf32, #tpu.memory_space<vmem_shared>>)
        } else {
        }
        %mul3A_270 = arith.constant 8 : i32
        %mul3A_271 = arith.muli %add3A_33, %mul3A_270 : i32
        %add3A_272 = arith.constant 2 : i32
        %add3A_273 = arith.addi %mul3A_271, %add3A_272 : i32
        %lt3A_274 = arith.constant 2500 : i32
        %lt3A_275 = arith.cmpi slt, %add3A_273, %lt3A_274 : i32
        %convert_element_type3A_276 = arith.extui %lt3A_275 : i1 to i32
        %cond3A_277 = arith.constant 0 : i32
        %cond3A_278 = arith.cmpi ne, %convert_element_type3A_276, %cond3A_277 : i32
        scf.if %cond3A_278 {
          %dma_wait3A = arith.constant 2 : i32
          %dma_wait3A_324 = arith.constant 0 : i32
          %dma_wait3A_325 = tpu.memref_slice %arg6[%dma_wait3A, %dma_wait3A_324] : memref<8x128xi32, #tpu.memory_space<vmem>> -> memref<1x128xi32, #tpu.memory_space<vmem>>
          %dma_wait3A_326 = tpu.memref_squeeze %dma_wait3A_325 : memref<1x128xi32, #tpu.memory_space<vmem>> -> memref<128xi32, #tpu.memory_space<vmem>>
          %dma_wait3A_327 = arith.constant 0 : i32
          %dma_wait3A_328 = arith.constant 0 : i32
          %dma_wait3A_329 = tpu.memref_slice %arg7[%dma_wait3A_327, %dma_wait3A_328] : memref<10000x16xf32, #tpu.memory_space<vmem_shared>> -> memref<10000x16xf32, #tpu.memory_space<vmem_shared>>
          tpu.wait_indirect_dma semaphore(%arg8 : memref<!tpu.dma_semaphore, #tpu.memory_space<semaphore_mem>>) src(%arg5 : memref<128x16xf32, #tpu.memory_space<vmem>>) dst(%dma_wait3A_329 : memref<10000x16xf32, #tpu.memory_space<vmem_shared>>)
        } else {
        }
        %mul3A_279 = arith.constant 8 : i32
        %mul3A_280 = arith.muli %add3A_33, %mul3A_279 : i32
        %add3A_281 = arith.constant 3 : i32
        %add3A_282 = arith.addi %mul3A_280, %add3A_281 : i32
        %lt3A_283 = arith.constant 2500 : i32
        %lt3A_284 = arith.cmpi slt, %add3A_282, %lt3A_283 : i32
        %convert_element_type3A_285 = arith.extui %lt3A_284 : i1 to i32
        %cond3A_286 = arith.constant 0 : i32
        %cond3A_287 = arith.cmpi ne, %convert_element_type3A_285, %cond3A_286 : i32
        scf.if %cond3A_287 {
          %dma_wait3A = arith.constant 3 : i32
          %dma_wait3A_324 = arith.constant 0 : i32
          %dma_wait3A_325 = tpu.memref_slice %arg6[%dma_wait3A, %dma_wait3A_324] : memref<8x128xi32, #tpu.memory_space<vmem>> -> memref<1x128xi32, #tpu.memory_space<vmem>>
          %dma_wait3A_326 = tpu.memref_squeeze %dma_wait3A_325 : memref<1x128xi32, #tpu.memory_space<vmem>> -> memref<128xi32, #tpu.memory_space<vmem>>
          %dma_wait3A_327 = arith.constant 0 : i32
          %dma_wait3A_328 = arith.constant 0 : i32
          %dma_wait3A_329 = tpu.memref_slice %arg7[%dma_wait3A_327, %dma_wait3A_328] : memref<10000x16xf32, #tpu.memory_space<vmem_shared>> -> memref<10000x16xf32, #tpu.memory_space<vmem_shared>>
          tpu.wait_indirect_dma semaphore(%arg8 : memref<!tpu.dma_semaphore, #tpu.memory_space<semaphore_mem>>) src(%arg5 : memref<128x16xf32, #tpu.memory_space<vmem>>) dst(%dma_wait3A_329 : memref<10000x16xf32, #tpu.memory_space<vmem_shared>>)
        } else {
        }
        %mul3A_288 = arith.constant 8 : i32
        %mul3A_289 = arith.muli %add3A_33, %mul3A_288 : i32
        %add3A_290 = arith.constant 4 : i32
        %add3A_291 = arith.addi %mul3A_289, %add3A_290 : i32
        %lt3A_292 = arith.constant 2500 : i32
        %lt3A_293 = arith.cmpi slt, %add3A_291, %lt3A_292 : i32
        %convert_element_type3A_294 = arith.extui %lt3A_293 : i1 to i32
        %cond3A_295 = arith.constant 0 : i32
        %cond3A_296 = arith.cmpi ne, %convert_element_type3A_294, %cond3A_295 : i32
        scf.if %cond3A_296 {
          %dma_wait3A = arith.constant 4 : i32
          %dma_wait3A_324 = arith.constant 0 : i32
          %dma_wait3A_325 = tpu.memref_slice %arg6[%dma_wait3A, %dma_wait3A_324] : memref<8x128xi32, #tpu.memory_space<vmem>> -> memref<1x128xi32, #tpu.memory_space<vmem>>
          %dma_wait3A_326 = tpu.memref_squeeze %dma_wait3A_325 : memref<1x128xi32, #tpu.memory_space<vmem>> -> memref<128xi32, #tpu.memory_space<vmem>>
          %dma_wait3A_327 = arith.constant 0 : i32
          %dma_wait3A_328 = arith.constant 0 : i32
          %dma_wait3A_329 = tpu.memref_slice %arg7[%dma_wait3A_327, %dma_wait3A_328] : memref<10000x16xf32, #tpu.memory_space<vmem_shared>> -> memref<10000x16xf32, #tpu.memory_space<vmem_shared>>
          tpu.wait_indirect_dma semaphore(%arg8 : memref<!tpu.dma_semaphore, #tpu.memory_space<semaphore_mem>>) src(%arg5 : memref<128x16xf32, #tpu.memory_space<vmem>>) dst(%dma_wait3A_329 : memref<10000x16xf32, #tpu.memory_space<vmem_shared>>)
        } else {
        }
        %mul3A_297 = arith.constant 8 : i32
        %mul3A_298 = arith.muli %add3A_33, %mul3A_297 : i32
        %add3A_299 = arith.constant 5 : i32
        %add3A_300 = arith.addi %mul3A_298, %add3A_299 : i32
        %lt3A_301 = arith.constant 2500 : i32
        %lt3A_302 = arith.cmpi slt, %add3A_300, %lt3A_301 : i32
        %convert_element_type3A_303 = arith.extui %lt3A_302 : i1 to i32
        %cond3A_304 = arith.constant 0 : i32
        %cond3A_305 = arith.cmpi ne, %convert_element_type3A_303, %cond3A_304 : i32
        scf.if %cond3A_305 {
          %dma_wait3A = arith.constant 5 : i32
          %dma_wait3A_324 = arith.constant 0 : i32
          %dma_wait3A_325 = tpu.memref_slice %arg6[%dma_wait3A, %dma_wait3A_324] : memref<8x128xi32, #tpu.memory_space<vmem>> -> memref<1x128xi32, #tpu.memory_space<vmem>>
          %dma_wait3A_326 = tpu.memref_squeeze %dma_wait3A_325 : memref<1x128xi32, #tpu.memory_space<vmem>> -> memref<128xi32, #tpu.memory_space<vmem>>
          %dma_wait3A_327 = arith.constant 0 : i32
          %dma_wait3A_328 = arith.constant 0 : i32
          %dma_wait3A_329 = tpu.memref_slice %arg7[%dma_wait3A_327, %dma_wait3A_328] : memref<10000x16xf32, #tpu.memory_space<vmem_shared>> -> memref<10000x16xf32, #tpu.memory_space<vmem_shared>>
          tpu.wait_indirect_dma semaphore(%arg8 : memref<!tpu.dma_semaphore, #tpu.memory_space<semaphore_mem>>) src(%arg5 : memref<128x16xf32, #tpu.memory_space<vmem>>) dst(%dma_wait3A_329 : memref<10000x16xf32, #tpu.memory_space<vmem_shared>>)
        } else {
        }
        %mul3A_306 = arith.constant 8 : i32
        %mul3A_307 = arith.muli %add3A_33, %mul3A_306 : i32
        %add3A_308 = arith.constant 6 : i32
        %add3A_309 = arith.addi %mul3A_307, %add3A_308 : i32
        %lt3A_310 = arith.constant 2500 : i32
        %lt3A_311 = arith.cmpi slt, %add3A_309, %lt3A_310 : i32
        %convert_element_type3A_312 = arith.extui %lt3A_311 : i1 to i32
        %cond3A_313 = arith.constant 0 : i32
        %cond3A_314 = arith.cmpi ne, %convert_element_type3A_312, %cond3A_313 : i32
        scf.if %cond3A_314 {
          %dma_wait3A = arith.constant 6 : i32
          %dma_wait3A_324 = arith.constant 0 : i32
          %dma_wait3A_325 = tpu.memref_slice %arg6[%dma_wait3A, %dma_wait3A_324] : memref<8x128xi32, #tpu.memory_space<vmem>> -> memref<1x128xi32, #tpu.memory_space<vmem>>
          %dma_wait3A_326 = tpu.memref_squeeze %dma_wait3A_325 : memref<1x128xi32, #tpu.memory_space<vmem>> -> memref<128xi32, #tpu.memory_space<vmem>>
          %dma_wait3A_327 = arith.constant 0 : i32
          %dma_wait3A_328 = arith.constant 0 : i32
          %dma_wait3A_329 = tpu.memref_slice %arg7[%dma_wait3A_327, %dma_wait3A_328] : memref<10000x16xf32, #tpu.memory_space<vmem_shared>> -> memref<10000x16xf32, #tpu.memory_space<vmem_shared>>
          tpu.wait_indirect_dma semaphore(%arg8 : memref<!tpu.dma_semaphore, #tpu.memory_space<semaphore_mem>>) src(%arg5 : memref<128x16xf32, #tpu.memory_space<vmem>>) dst(%dma_wait3A_329 : memref<10000x16xf32, #tpu.memory_space<vmem_shared>>)
        } else {
        }
        %mul3A_315 = arith.constant 8 : i32
        %mul3A_316 = arith.muli %add3A_33, %mul3A_315 : i32
        %add3A_317 = arith.constant 7 : i32
        %add3A_318 = arith.addi %mul3A_316, %add3A_317 : i32
        %lt3A_319 = arith.constant 2500 : i32
        %lt3A_320 = arith.cmpi slt, %add3A_318, %lt3A_319 : i32
        %convert_element_type3A_321 = arith.extui %lt3A_320 : i1 to i32
        %cond3A_322 = arith.constant 0 : i32
        %cond3A_323 = arith.cmpi ne, %convert_element_type3A_321, %cond3A_322 : i32
        scf.if %cond3A_323 {
          %dma_wait3A = arith.constant 7 : i32
          %dma_wait3A_324 = arith.constant 0 : i32
          %dma_wait3A_325 = tpu.memref_slice %arg6[%dma_wait3A, %dma_wait3A_324] : memref<8x128xi32, #tpu.memory_space<vmem>> -> memref<1x128xi32, #tpu.memory_space<vmem>>
          %dma_wait3A_326 = tpu.memref_squeeze %dma_wait3A_325 : memref<1x128xi32, #tpu.memory_space<vmem>> -> memref<128xi32, #tpu.memory_space<vmem>>
          %dma_wait3A_327 = arith.constant 0 : i32
          %dma_wait3A_328 = arith.constant 0 : i32
          %dma_wait3A_329 = tpu.memref_slice %arg7[%dma_wait3A_327, %dma_wait3A_328] : memref<10000x16xf32, #tpu.memory_space<vmem_shared>> -> memref<10000x16xf32, #tpu.memory_space<vmem_shared>>
          tpu.wait_indirect_dma semaphore(%arg8 : memref<!tpu.dma_semaphore, #tpu.memory_space<semaphore_mem>>) src(%arg5 : memref<128x16xf32, #tpu.memory_space<vmem>>) dst(%dma_wait3A_329 : memref<10000x16xf32, #tpu.memory_space<vmem_shared>>)
        } else {
        }
      } else {
      }
    }
    %scan3A_19 = arith.constant 10 : i32
    %barrier3A_20 = arith.constant 0 : index
    tpu.barrier barrier_id(%barrier3A_20)
    %scan3A_21 = arith.constant 0 : i32
    %scan3A_22 = arith.constant 8 : i32
    %scan3A_23 = arith.addi %scan3A_21, %scan3A_22 : i32
    %scan3A_24 = arith.constant 1 : i32
    scf.for %scan3A_26 = %scan3A_21 to %scan3A_23 step %scan3A_24  : i32 {
      %mul3A_27 = arith.constant 1 : i32
      %mul3A_28 = arith.muli %scan3A_26, %mul3A_27 : i32
      %add3A_29 = arith.constant 0 : i32
      %add3A_30 = arith.addi %add3A_29, %mul3A_28 : i32
      %mul3A_31 = arith.constant 16 : i32
      %mul3A_32 = arith.muli %mul3A_31, %add3A_30 : i32
      %add3A_33 = arith.addi %arg1, %mul3A_32 : i32
      %lt3A = arith.constant 125 : i32
      %lt3A_34 = arith.cmpi slt, %add3A_33, %lt3A : i32
      %convert_element_type3A = arith.extui %lt3A_34 : i1 to i32
      %cond3A = arith.constant 0 : i32
      %cond3A_35 = arith.cmpi ne, %convert_element_type3A, %cond3A : i32
      scf.if %cond3A_35 {
        %mul3A_36 = arith.constant 80 : i32
        %mul3A_37 = arith.muli %add3A_33, %mul3A_36 : i32
        "tpu.region"() ({
          %run_scoped3A = tpu.sem_alloc : memref<!tpu.dma_semaphore, #tpu.memory_space<semaphore_mem>>
          %dma_start3A = arith.constant 0 : i32
          %dma_start3A_38 = arith.constant 0 : i32
          %dma_start3A_39 = tpu.memref_slice %arg3[%arg0, %dma_start3A, %dma_start3A_38] : memref<2x10000x16xf32, #tpu.memory_space<hbm>> -> memref<1x10000x16xf32, #tpu.memory_space<hbm>>
          %dma_start3A_40 = tpu.memref_squeeze %dma_start3A_39 : memref<1x10000x16xf32, #tpu.memory_space<hbm>> -> memref<10000x16xf32, #tpu.memory_space<hbm>>
          %dma_start3A_41 = arith.constant 0 : i32
          %dma_start3A_42 = tpu.memref_slice %dma_start3A_40[%mul3A_37, %dma_start3A_41] : memref<10000x16xf32, #tpu.memory_space<hbm>> -> memref<80x16xf32, #tpu.memory_space<hbm>>
          %dma_start3A_43 = arith.constant 0 : i32
          %dma_start3A_44 = tpu.memref_slice %arg7[%mul3A_37, %dma_start3A_43] : memref<10000x16xf32, #tpu.memory_space<vmem_shared>> -> memref<80x16xf32, #tpu.memory_space<vmem_shared>>
          tpu.enqueue_dma source(%dma_start3A_44 : memref<80x16xf32, #tpu.memory_space<vmem_shared>>) target(%dma_start3A_42 : memref<80x16xf32, #tpu.memory_space<hbm>>) target_semaphore(%run_scoped3A : memref<!tpu.dma_semaphore, #tpu.memory_space<semaphore_mem>>)
          %dma_wait3A = arith.constant 0 : i32
          %dma_wait3A_45 = arith.constant 0 : i32
          %dma_wait3A_46 = tpu.memref_slice %arg3[%arg0, %dma_wait3A, %dma_wait3A_45] : memref<2x10000x16xf32, #tpu.memory_space<hbm>> -> memref<1x10000x16xf32, #tpu.memory_space<hbm>>
          %dma_wait3A_47 = tpu.memref_squeeze %dma_wait3A_46 : memref<1x10000x16xf32, #tpu.memory_space<hbm>> -> memref<10000x16xf32, #tpu.memory_space<hbm>>
          %dma_wait3A_48 = arith.constant 0 : i32
          %dma_wait3A_49 = tpu.memref_slice %dma_wait3A_47[%mul3A_37, %dma_wait3A_48] : memref<10000x16xf32, #tpu.memory_space<hbm>> -> memref<80x16xf32, #tpu.memory_space<hbm>>
          %dma_wait3A_50 = arith.constant 0 : i32
          %dma_wait3A_51 = tpu.memref_slice %arg7[%mul3A_37, %dma_wait3A_50] : memref<10000x16xf32, #tpu.memory_space<vmem_shared>> -> memref<80x16xf32, #tpu.memory_space<vmem_shared>>
          tpu.wait_dma2 semaphore(%run_scoped3A : memref<!tpu.dma_semaphore, #tpu.memory_space<semaphore_mem>>) src(%dma_wait3A_51 : memref<80x16xf32, #tpu.memory_space<vmem_shared>>) dst(%dma_wait3A_49 : memref<80x16xf32, #tpu.memory_space<hbm>>)
          tpu.yield
        }) : () -> ()
      } else {
      }
    }
    %scan3A_25 = arith.constant 8 : i32
    return
  }
}

#map = affine_map<(d0, d1) -> (0, 0)>
#map1 = affine_map<(d0, d1) -> (0, 0, 0)>
module attributes {stable_mosaic.version = 14 : i64} {
  func.func @sc_agg(%arg0: i32, %arg1: i32, %arg2: memref<10000x128xf32, #tpu.memory_space<hbm>>, %arg3: memref<2500x128xi32, #tpu.memory_space<hbm>>, %arg4: memref<2500x128xi32, #tpu.memory_space<hbm>>, %arg5: memref<2x10000x128xf32, #tpu.memory_space<hbm>>, %arg6: memref<128x128xf32, #tpu.memory_space<vmem>>, %arg7: memref<128x128xf32, #tpu.memory_space<vmem>>, %arg8: memref<8x128xi32, #tpu.memory_space<vmem>>, %arg9: memref<8x128xi32, #tpu.memory_space<vmem>>, %arg10: memref<8x128xi32, #tpu.memory_space<vmem>>, %arg11: memref<8x128xi32, #tpu.memory_space<vmem>>, %arg12: memref<10000x128xf32, #tpu.memory_space<vmem_shared>>, %arg13: memref<!tpu.dma_semaphore, #tpu.memory_space<semaphore_mem>>, %arg14: memref<!tpu.dma_semaphore, #tpu.memory_space<semaphore_mem>>, %arg15: memref<!tpu.dma_semaphore, #tpu.memory_space<semaphore_mem>>, %arg16: memref<!tpu.dma_semaphore, #tpu.memory_space<semaphore_mem>>) attributes {dimension_semantics = [#tpu.dimension_semantics<core_parallel>, #tpu.dimension_semantics<subcore_parallel>], iteration_bounds = array<i64: 2, 16>, scalar_prefetch = 0 : i64, scratch_operands = 11 : i64, tpu.core_type = #tpu.core_type<sc_vector_subcore>, window_params = [{transform_indices = #map}, {transform_indices = #map}, {transform_indices = #map}, {transform_indices = #map1}]} {
    %scan3A = arith.constant 0 : i32
    %scan3A_0 = arith.constant 128 : i32
    %scan3A_1 = arith.addi %scan3A, %scan3A_0 : i32
    %scan3A_2 = arith.constant 1 : i32
    scf.for %scan3A_37 = %scan3A to %scan3A_1 step %scan3A_2  : i32 {
      %mul3A_38 = arith.constant 1 : i32
      %mul3A_39 = arith.muli %scan3A_37, %mul3A_38 : i32
      %add3A_40 = arith.constant 0 : i32
      %add3A_41 = arith.addi %add3A_40, %mul3A_39 : i32
      %scan3A_42 = arith.constant 0 : i32
      %scan3A_43 = arith.constant 8 : i32
      %scan3A_44 = arith.addi %scan3A_42, %scan3A_43 : i32
      %scan3A_45 = arith.constant 1 : i32
      scf.for %scan3A_47 = %scan3A_42 to %scan3A_44 step %scan3A_45  : i32 {
        %mul3A_48 = arith.constant 16 : i32
        %mul3A_49 = arith.muli %scan3A_47, %mul3A_48 : i32
        %add3A_50 = arith.constant 0 : i32
        %add3A_51 = arith.addi %add3A_50, %mul3A_49 : i32
        %broadcast_in_dim3A = arith.constant 0.000000e+00 : f32
        %broadcast_in_dim3A_52 = vector.broadcast %broadcast_in_dim3A : f32 to vector<16xf32>
        %swap3A = arith.index_cast %add3A_41 : i32 to index
        %swap3A_53 = arith.index_cast %add3A_51 : i32 to index
        %swap3A_54 = tpu.vector_load %arg6[%swap3A, %swap3A_53] {strides = array<i32>} : memref<128x128xf32, #tpu.memory_space<vmem>>, vector<1x16xf32>,
        %swap3A_55 = vector.shape_cast %swap3A_54 : vector<1x16xf32> to vector<16xf32>
        %swap3A_56 = vector.shape_cast %broadcast_in_dim3A_52 : vector<16xf32> to vector<1x16xf32>
        tpu.vector_store %arg6[%swap3A, %swap3A_53], %swap3A_56 {strides = array<i32>} : memref<128x128xf32, #tpu.memory_space<vmem>>, vector<1x16xf32>,
      }
      %scan3A_46 = arith.constant 8 : i32
    }
    %scan3A_3 = arith.constant 128 : i32
    %scan3A_4 = arith.constant 0 : i32
    %scan3A_5 = arith.constant 8 : i32
    %scan3A_6 = arith.addi %scan3A_4, %scan3A_5 : i32
    %scan3A_7 = arith.constant 1 : i32
    scf.for %scan3A_37 = %scan3A_4 to %scan3A_6 step %scan3A_7  : i32 {
      %mul3A_38 = arith.constant 1 : i32
      %mul3A_39 = arith.muli %scan3A_37, %mul3A_38 : i32
      %add3A_40 = arith.constant 0 : i32
      %add3A_41 = arith.addi %add3A_40, %mul3A_39 : i32
      %mul3A_42 = arith.constant 16 : i32
      %mul3A_43 = arith.muli %mul3A_42, %add3A_41 : i32
      %add3A_44 = arith.addi %arg1, %mul3A_43 : i32
      %lt3A_45 = arith.constant 125 : i32
      %lt3A_46 = arith.cmpi slt, %add3A_44, %lt3A_45 : i32
      %convert_element_type3A_47 = arith.extui %lt3A_46 : i1 to i32
      %cond3A_48 = arith.constant 0 : i32
      %cond3A_49 = arith.cmpi ne, %convert_element_type3A_47, %cond3A_48 : i32
      scf.if %cond3A_49 {
        %mul3A_50 = arith.constant 80 : i32
        %mul3A_51 = arith.muli %add3A_44, %mul3A_50 : i32
        "tpu.region"() ({
          %run_scoped3A = tpu.sem_alloc : memref<!tpu.dma_semaphore, #tpu.memory_space<semaphore_mem>>
          %dma_start3A = arith.constant 0 : i32
          %dma_start3A_52 = arith.constant 0 : i32
          %dma_start3A_53 = tpu.memref_slice %arg6[%dma_start3A, %dma_start3A_52] : memref<128x128xf32, #tpu.memory_space<vmem>> -> memref<80x128xf32, #tpu.memory_space<vmem>>
          %dma_start3A_54 = arith.constant 0 : i32
          %dma_start3A_55 = tpu.memref_slice %arg12[%mul3A_51, %dma_start3A_54] : memref<10000x128xf32, #tpu.memory_space<vmem_shared>> -> memref<80x128xf32, #tpu.memory_space<vmem_shared>>
          %dma_start3A_56 = arith.constant 0 : i32
          %dma_start3A_57 = tpu.memref_slice %arg12[%mul3A_51, %dma_start3A_56] : memref<10000x128xf32, #tpu.memory_space<vmem_shared>> -> memref<80x128xf32, #tpu.memory_space<vmem_shared>>
          %dma_start3A_58 = arith.constant 0 : i32
          %dma_start3A_59 = arith.constant 0 : i32
          %dma_start3A_60 = tpu.memref_slice %arg6[%dma_start3A_58, %dma_start3A_59] : memref<128x128xf32, #tpu.memory_space<vmem>> -> memref<80x128xf32, #tpu.memory_space<vmem>>
          tpu.enqueue_dma source(%dma_start3A_60 : memref<80x128xf32, #tpu.memory_space<vmem>>) target(%dma_start3A_57 : memref<80x128xf32, #tpu.memory_space<vmem_shared>>) target_semaphore(%run_scoped3A : memref<!tpu.dma_semaphore, #tpu.memory_space<semaphore_mem>>)
          %dma_wait3A = arith.constant 0 : i32
          %dma_wait3A_61 = arith.constant 0 : i32
          %dma_wait3A_62 = tpu.memref_slice %arg6[%dma_wait3A, %dma_wait3A_61] : memref<128x128xf32, #tpu.memory_space<vmem>> -> memref<80x128xf32, #tpu.memory_space<vmem>>
          %dma_wait3A_63 = arith.constant 0 : i32
          %dma_wait3A_64 = tpu.memref_slice %arg12[%mul3A_51, %dma_wait3A_63] : memref<10000x128xf32, #tpu.memory_space<vmem_shared>> -> memref<80x128xf32, #tpu.memory_space<vmem_shared>>
          %dma_wait3A_65 = arith.constant 0 : i32
          %dma_wait3A_66 = tpu.memref_slice %arg12[%mul3A_51, %dma_wait3A_65] : memref<10000x128xf32, #tpu.memory_space<vmem_shared>> -> memref<80x128xf32, #tpu.memory_space<vmem_shared>>
          %dma_wait3A_67 = arith.constant 0 : i32
          %dma_wait3A_68 = arith.constant 0 : i32
          %dma_wait3A_69 = tpu.memref_slice %arg6[%dma_wait3A_67, %dma_wait3A_68] : memref<128x128xf32, #tpu.memory_space<vmem>> -> memref<80x128xf32, #tpu.memory_space<vmem>>
          tpu.wait_dma2 semaphore(%run_scoped3A : memref<!tpu.dma_semaphore, #tpu.memory_space<semaphore_mem>>) src(%dma_wait3A_69 : memref<80x128xf32, #tpu.memory_space<vmem>>) dst(%dma_wait3A_66 : memref<80x128xf32, #tpu.memory_space<vmem_shared>>)
          tpu.yield
        }) : () -> ()
      } else {
      }
    }
    %scan3A_8 = arith.constant 8 : i32
    %barrier3A = arith.constant 0 : index
    tpu.barrier barrier_id(%barrier3A)
    %mul3A = arith.constant 16 : i32
    %mul3A_9 = arith.muli %arg0, %mul3A : i32
    %add3A = arith.addi %mul3A_9, %arg1 : i32
    %lt3A = arith.constant 313 : i32
    %lt3A_10 = arith.cmpi slt, %add3A, %lt3A : i32
    %convert_element_type3A = arith.extui %lt3A_10 : i1 to i32
    %cond3A = arith.constant 0 : i32
    %cond3A_11 = arith.cmpi ne, %convert_element_type3A, %cond3A : i32
    scf.if %cond3A_11 {
      %mul3A_37 = arith.constant 8 : i32
      %mul3A_38 = arith.muli %add3A, %mul3A_37 : i32
      %dma_start3A = arith.constant 0 : i32
      %dma_start3A_39 = tpu.memref_slice %arg3[%mul3A_38, %dma_start3A] : memref<2500x128xi32, #tpu.memory_space<hbm>> -> memref<8x128xi32, #tpu.memory_space<hbm>>
      %dma_start3A_40 = arith.constant 0 : i32
      %dma_start3A_41 = tpu.memref_slice %arg3[%mul3A_38, %dma_start3A_40] : memref<2500x128xi32, #tpu.memory_space<hbm>> -> memref<8x128xi32, #tpu.memory_space<hbm>>
      tpu.enqueue_dma source(%dma_start3A_41 : memref<8x128xi32, #tpu.memory_space<hbm>>) target(%arg8 : memref<8x128xi32, #tpu.memory_space<vmem>>) target_semaphore(%arg15 : memref<!tpu.dma_semaphore, #tpu.memory_space<semaphore_mem>>)
      %mul3A_42 = arith.constant 8 : i32
      %mul3A_43 = arith.muli %add3A, %mul3A_42 : i32
      %dma_start3A_44 = arith.constant 0 : i32
      %dma_start3A_45 = tpu.memref_slice %arg4[%mul3A_43, %dma_start3A_44] : memref<2500x128xi32, #tpu.memory_space<hbm>> -> memref<8x128xi32, #tpu.memory_space<hbm>>
      %dma_start3A_46 = arith.constant 0 : i32
      %dma_start3A_47 = tpu.memref_slice %arg4[%mul3A_43, %dma_start3A_46] : memref<2500x128xi32, #tpu.memory_space<hbm>> -> memref<8x128xi32, #tpu.memory_space<hbm>>
      tpu.enqueue_dma source(%dma_start3A_47 : memref<8x128xi32, #tpu.memory_space<hbm>>) target(%arg10 : memref<8x128xi32, #tpu.memory_space<vmem>>) target_semaphore(%arg15 : memref<!tpu.dma_semaphore, #tpu.memory_space<semaphore_mem>>)
    } else {
    }
    %lt3A_12 = arith.constant 313 : i32
    %lt3A_13 = arith.cmpi slt, %add3A, %lt3A_12 : i32
    %convert_element_type3A_14 = arith.extui %lt3A_13 : i1 to i32
    %cond3A_15 = arith.constant 0 : i32
    %cond3A_16 = arith.cmpi ne, %convert_element_type3A_14, %cond3A_15 : i32
    scf.if %cond3A_16 {
      %mul3A_37 = arith.constant 8 : i32
      %mul3A_38 = arith.muli %add3A, %mul3A_37 : i32
      %dma_wait3A = arith.constant 0 : i32
      %dma_wait3A_39 = tpu.memref_slice %arg3[%mul3A_38, %dma_wait3A] : memref<2500x128xi32, #tpu.memory_space<hbm>> -> memref<8x128xi32, #tpu.memory_space<hbm>>
      %dma_wait3A_40 = arith.constant 0 : i32
      %dma_wait3A_41 = tpu.memref_slice %arg3[%mul3A_38, %dma_wait3A_40] : memref<2500x128xi32, #tpu.memory_space<hbm>> -> memref<8x128xi32, #tpu.memory_space<hbm>>
      tpu.wait_dma2 semaphore(%arg15 : memref<!tpu.dma_semaphore, #tpu.memory_space<semaphore_mem>>) src(%dma_wait3A_41 : memref<8x128xi32, #tpu.memory_space<hbm>>) dst(%arg8 : memref<8x128xi32, #tpu.memory_space<vmem>>)
      %mul3A_42 = arith.constant 8 : i32
      %mul3A_43 = arith.muli %add3A, %mul3A_42 : i32
      %dma_wait3A_44 = arith.constant 0 : i32
      %dma_wait3A_45 = tpu.memref_slice %arg4[%mul3A_43, %dma_wait3A_44] : memref<2500x128xi32, #tpu.memory_space<hbm>> -> memref<8x128xi32, #tpu.memory_space<hbm>>
      %dma_wait3A_46 = arith.constant 0 : i32
      %dma_wait3A_47 = tpu.memref_slice %arg4[%mul3A_43, %dma_wait3A_46] : memref<2500x128xi32, #tpu.memory_space<hbm>> -> memref<8x128xi32, #tpu.memory_space<hbm>>
      tpu.wait_dma2 semaphore(%arg15 : memref<!tpu.dma_semaphore, #tpu.memory_space<semaphore_mem>>) src(%dma_wait3A_47 : memref<8x128xi32, #tpu.memory_space<hbm>>) dst(%arg10 : memref<8x128xi32, #tpu.memory_space<vmem>>)
    } else {
    }
    %mul3A_17 = arith.constant 8 : i32
    %mul3A_18 = arith.muli %add3A, %mul3A_17 : i32
    %add3A_19 = arith.constant 0 : i32
    %add3A_20 = arith.addi %mul3A_18, %add3A_19 : i32
    %lt3A_21 = arith.constant 2500 : i32
    %lt3A_22 = arith.cmpi slt, %add3A_20, %lt3A_21 : i32
    %convert_element_type3A_23 = arith.extui %lt3A_22 : i1 to i32
    %cond3A_24 = arith.constant 0 : i32
    %cond3A_25 = arith.cmpi ne, %convert_element_type3A_23, %cond3A_24 : i32
    scf.if %cond3A_25 {
      %dma_start3A = arith.constant 0 : i32
      %dma_start3A_37 = arith.constant 0 : i32
      %dma_start3A_38 = tpu.memref_slice %arg8[%dma_start3A, %dma_start3A_37] : memref<8x128xi32, #tpu.memory_space<vmem>> -> memref<1x128xi32, #tpu.memory_space<vmem>>
      %dma_start3A_39 = tpu.memref_squeeze %dma_start3A_38 : memref<1x128xi32, #tpu.memory_space<vmem>> -> memref<128xi32, #tpu.memory_space<vmem>>
      %dma_start3A_40 = arith.constant 0 : i32
      %dma_start3A_41 = arith.constant 0 : i32
      %dma_start3A_42 = tpu.memref_slice %arg2[%dma_start3A_40, %dma_start3A_41] : memref<10000x128xf32, #tpu.memory_space<hbm>> -> memref<10000x128xf32, #tpu.memory_space<hbm>>
      tpu.enqueue_indirect_dma source(%dma_start3A_42 : memref<10000x128xf32, #tpu.memory_space<hbm>>) target(%arg6 : memref<128x128xf32, #tpu.memory_space<vmem>>) offsets(%dma_start3A_39 : memref<128xi32, #tpu.memory_space<vmem>>) semaphore(%arg13 : memref<!tpu.dma_semaphore, #tpu.memory_space<semaphore_mem>>)
    } else {
    }
    %scan3A_26 = arith.constant 0 : i32
    %scan3A_27 = arith.constant 5 : i32
    %scan3A_28 = arith.addi %scan3A_26, %scan3A_27 : i32
    %scan3A_29 = arith.constant 1 : i32
    scf.for %scan3A_37 = %scan3A_26 to %scan3A_28 step %scan3A_29  : i32 {
      %mul3A_38 = arith.constant 2 : i32
      %mul3A_39 = arith.muli %scan3A_37, %mul3A_38 : i32
      %add3A_40 = arith.constant 0 : i32
      %add3A_41 = arith.addi %add3A_40, %mul3A_39 : i32
      %mul3A_42 = arith.constant 32 : i32
      %mul3A_43 = arith.muli %mul3A_42, %add3A_41 : i32
      %add3A_44 = arith.addi %add3A, %mul3A_43 : i32
      %add3A_45 = arith.constant 1 : i32
      %add3A_46 = arith.addi %add3A_41, %add3A_45 : i32
      %mul3A_47 = arith.constant 32 : i32
      %mul3A_48 = arith.muli %mul3A_47, %add3A_46 : i32
      %add3A_49 = arith.addi %add3A, %mul3A_48 : i32
      %add3A_50 = arith.constant 2 : i32
      %add3A_51 = arith.addi %add3A_41, %add3A_50 : i32
      %mul3A_52 = arith.constant 32 : i32
      %mul3A_53 = arith.muli %mul3A_52, %add3A_51 : i32
      %add3A_54 = arith.addi %add3A, %mul3A_53 : i32
      %lt3A_55 = arith.constant 313 : i32
      %lt3A_56 = arith.cmpi slt, %add3A_49, %lt3A_55 : i32
      %convert_element_type3A_57 = arith.extui %lt3A_56 : i1 to i32
      %cond3A_58 = arith.constant 0 : i32
      %cond3A_59 = arith.cmpi ne, %convert_element_type3A_57, %cond3A_58 : i32
      scf.if %cond3A_59 {
        %mul3A_75 = arith.constant 8 : i32
        %mul3A_76 = arith.muli %add3A_49, %mul3A_75 : i32
        %dma_start3A = arith.constant 0 : i32
        %dma_start3A_77 = tpu.memref_slice %arg3[%mul3A_76, %dma_start3A] : memref<2500x128xi32, #tpu.memory_space<hbm>> -> memref<8x128xi32, #tpu.memory_space<hbm>>
        %dma_start3A_78 = arith.constant 0 : i32
        %dma_start3A_79 = tpu.memref_slice %arg3[%mul3A_76, %dma_start3A_78] : memref<2500x128xi32, #tpu.memory_space<hbm>> -> memref<8x128xi32, #tpu.memory_space<hbm>>
        tpu.enqueue_dma source(%dma_start3A_79 : memref<8x128xi32, #tpu.memory_space<hbm>>) target(%arg9 : memref<8x128xi32, #tpu.memory_space<vmem>>) target_semaphore(%arg16 : memref<!tpu.dma_semaphore, #tpu.memory_space<semaphore_mem>>)
        %mul3A_80 = arith.constant 8 : i32
        %mul3A_81 = arith.muli %add3A_49, %mul3A_80 : i32
        %dma_start3A_82 = arith.constant 0 : i32
        %dma_start3A_83 = tpu.memref_slice %arg4[%mul3A_81, %dma_start3A_82] : memref<2500x128xi32, #tpu.memory_space<hbm>> -> memref<8x128xi32, #tpu.memory_space<hbm>>
        %dma_start3A_84 = arith.constant 0 : i32
        %dma_start3A_85 = tpu.memref_slice %arg4[%mul3A_81, %dma_start3A_84] : memref<2500x128xi32, #tpu.memory_space<hbm>> -> memref<8x128xi32, #tpu.memory_space<hbm>>
        tpu.enqueue_dma source(%dma_start3A_85 : memref<8x128xi32, #tpu.memory_space<hbm>>) target(%arg11 : memref<8x128xi32, #tpu.memory_space<vmem>>) target_semaphore(%arg16 : memref<!tpu.dma_semaphore, #tpu.memory_space<semaphore_mem>>)
      } else {
      }
      %lt3A_60 = arith.constant 313 : i32
      %lt3A_61 = arith.cmpi slt, %add3A_44, %lt3A_60 : i32
      %convert_element_type3A_62 = arith.extui %lt3A_61 : i1 to i32
      %cond3A_63 = arith.constant 0 : i32
      %cond3A_64 = arith.cmpi ne, %convert_element_type3A_62, %cond3A_63 : i32
      scf.if %cond3A_64 {
        %mul3A_75 = arith.constant 8 : i32
        %mul3A_76 = arith.muli %add3A_44, %mul3A_75 : i32
        %add3A_77 = arith.constant 1 : i32
        %add3A_78 = arith.addi %mul3A_76, %add3A_77 : i32
        %lt3A_79 = arith.constant 2500 : i32
        %lt3A_80 = arith.cmpi slt, %add3A_78, %lt3A_79 : i32
        %convert_element_type3A_81 = arith.extui %lt3A_80 : i1 to i32
        %cond3A_82 = arith.constant 0 : i32
        %cond3A_83 = arith.cmpi ne, %convert_element_type3A_81, %cond3A_82 : i32
        scf.if %cond3A_83 {
          %dma_start3A = arith.constant 1 : i32
          %dma_start3A_224 = arith.constant 0 : i32
          %dma_start3A_225 = tpu.memref_slice %arg8[%dma_start3A, %dma_start3A_224] : memref<8x128xi32, #tpu.memory_space<vmem>> -> memref<1x128xi32, #tpu.memory_space<vmem>>
          %dma_start3A_226 = tpu.memref_squeeze %dma_start3A_225 : memref<1x128xi32, #tpu.memory_space<vmem>> -> memref<128xi32, #tpu.memory_space<vmem>>
          %dma_start3A_227 = arith.constant 0 : i32
          %dma_start3A_228 = arith.constant 0 : i32
          %dma_start3A_229 = tpu.memref_slice %arg2[%dma_start3A_227, %dma_start3A_228] : memref<10000x128xf32, #tpu.memory_space<hbm>> -> memref<10000x128xf32, #tpu.memory_space<hbm>>
          tpu.enqueue_indirect_dma source(%dma_start3A_229 : memref<10000x128xf32, #tpu.memory_space<hbm>>) target(%arg7 : memref<128x128xf32, #tpu.memory_space<vmem>>) offsets(%dma_start3A_226 : memref<128xi32, #tpu.memory_space<vmem>>) semaphore(%arg14 : memref<!tpu.dma_semaphore, #tpu.memory_space<semaphore_mem>>)
        } else {
        }
        %mul3A_84 = arith.constant 8 : i32
        %mul3A_85 = arith.muli %add3A_44, %mul3A_84 : i32
        %add3A_86 = arith.constant 0 : i32
        %add3A_87 = arith.addi %mul3A_85, %add3A_86 : i32
        %lt3A_88 = arith.constant 2500 : i32
        %lt3A_89 = arith.cmpi slt, %add3A_87, %lt3A_88 : i32
        %convert_element_type3A_90 = arith.extui %lt3A_89 : i1 to i32
        %cond3A_91 = arith.constant 0 : i32
        %cond3A_92 = arith.cmpi ne, %convert_element_type3A_90, %cond3A_91 : i32
        scf.if %cond3A_92 {
          %dma_wait3A = arith.constant 0 : i32
          %dma_wait3A_224 = arith.constant 0 : i32
          %dma_wait3A_225 = tpu.memref_slice %arg8[%dma_wait3A, %dma_wait3A_224] : memref<8x128xi32, #tpu.memory_space<vmem>> -> memref<1x128xi32, #tpu.memory_space<vmem>>
          %dma_wait3A_226 = tpu.memref_squeeze %dma_wait3A_225 : memref<1x128xi32, #tpu.memory_space<vmem>> -> memref<128xi32, #tpu.memory_space<vmem>>
          %dma_wait3A_227 = arith.constant 0 : i32
          %dma_wait3A_228 = arith.constant 0 : i32
          %dma_wait3A_229 = tpu.memref_slice %arg2[%dma_wait3A_227, %dma_wait3A_228] : memref<10000x128xf32, #tpu.memory_space<hbm>> -> memref<10000x128xf32, #tpu.memory_space<hbm>>
          tpu.wait_indirect_dma semaphore(%arg13 : memref<!tpu.dma_semaphore, #tpu.memory_space<semaphore_mem>>) src(%dma_wait3A_229 : memref<10000x128xf32, #tpu.memory_space<hbm>>) dst(%arg6 : memref<128x128xf32, #tpu.memory_space<vmem>>)
          %run_scoped3A = arith.constant 0 : i32
          "tpu.region"() ({
            %run_scoped3A_230 = tpu.sem_alloc : memref<!tpu.dma_semaphore, #tpu.memory_space<semaphore_mem>>
            %dma_start3A = arith.constant 0 : i32
            %dma_start3A_231 = tpu.memref_slice %arg10[%run_scoped3A, %dma_start3A] : memref<8x128xi32, #tpu.memory_space<vmem>> -> memref<1x128xi32, #tpu.memory_space<vmem>>
            %dma_start3A_232 = tpu.memref_squeeze %dma_start3A_231 : memref<1x128xi32, #tpu.memory_space<vmem>> -> memref<128xi32, #tpu.memory_space<vmem>>
            %dma_start3A_233 = arith.constant 0 : i32
            %dma_start3A_234 = arith.constant 0 : i32
            %dma_start3A_235 = tpu.memref_slice %arg12[%dma_start3A_233, %dma_start3A_234] : memref<10000x128xf32, #tpu.memory_space<vmem_shared>> -> memref<10000x128xf32, #tpu.memory_space<vmem_shared>>
            tpu.enqueue_indirect_dma source(%arg6 : memref<128x128xf32, #tpu.memory_space<vmem>>) target(%dma_start3A_235 : memref<10000x128xf32, #tpu.memory_space<vmem_shared>>) offsets(%dma_start3A_232 : memref<128xi32, #tpu.memory_space<vmem>>) semaphore(%run_scoped3A_230 : memref<!tpu.dma_semaphore, #tpu.memory_space<semaphore_mem>>) {add = true}
            %dma_wait3A_236 = arith.constant 0 : i32
            %dma_wait3A_237 = tpu.memref_slice %arg10[%run_scoped3A, %dma_wait3A_236] : memref<8x128xi32, #tpu.memory_space<vmem>> -> memref<1x128xi32, #tpu.memory_space<vmem>>
            %dma_wait3A_238 = tpu.memref_squeeze %dma_wait3A_237 : memref<1x128xi32, #tpu.memory_space<vmem>> -> memref<128xi32, #tpu.memory_space<vmem>>
            %dma_wait3A_239 = arith.constant 0 : i32
            %dma_wait3A_240 = arith.constant 0 : i32
            %dma_wait3A_241 = tpu.memref_slice %arg12[%dma_wait3A_239, %dma_wait3A_240] : memref<10000x128xf32, #tpu.memory_space<vmem_shared>> -> memref<10000x128xf32, #tpu.memory_space<vmem_shared>>
            tpu.wait_indirect_dma semaphore(%run_scoped3A_230 : memref<!tpu.dma_semaphore, #tpu.memory_space<semaphore_mem>>) src(%arg6 : memref<128x128xf32, #tpu.memory_space<vmem>>) dst(%dma_wait3A_241 : memref<10000x128xf32, #tpu.memory_space<vmem_shared>>)
            tpu.yield
          }) : () -> ()
        } else {
        }
        %mul3A_93 = arith.constant 8 : i32
        %mul3A_94 = arith.muli %add3A_44, %mul3A_93 : i32
        %add3A_95 = arith.constant 2 : i32
        %add3A_96 = arith.addi %mul3A_94, %add3A_95 : i32
        %lt3A_97 = arith.constant 2500 : i32
        %lt3A_98 = arith.cmpi slt, %add3A_96, %lt3A_97 : i32
        %convert_element_type3A_99 = arith.extui %lt3A_98 : i1 to i32
        %cond3A_100 = arith.constant 0 : i32
        %cond3A_101 = arith.cmpi ne, %convert_element_type3A_99, %cond3A_100 : i32
        scf.if %cond3A_101 {
          %dma_start3A = arith.constant 2 : i32
          %dma_start3A_224 = arith.constant 0 : i32
          %dma_start3A_225 = tpu.memref_slice %arg8[%dma_start3A, %dma_start3A_224] : memref<8x128xi32, #tpu.memory_space<vmem>> -> memref<1x128xi32, #tpu.memory_space<vmem>>
          %dma_start3A_226 = tpu.memref_squeeze %dma_start3A_225 : memref<1x128xi32, #tpu.memory_space<vmem>> -> memref<128xi32, #tpu.memory_space<vmem>>
          %dma_start3A_227 = arith.constant 0 : i32
          %dma_start3A_228 = arith.constant 0 : i32
          %dma_start3A_229 = tpu.memref_slice %arg2[%dma_start3A_227, %dma_start3A_228] : memref<10000x128xf32, #tpu.memory_space<hbm>> -> memref<10000x128xf32, #tpu.memory_space<hbm>>
          tpu.enqueue_indirect_dma source(%dma_start3A_229 : memref<10000x128xf32, #tpu.memory_space<hbm>>) target(%arg6 : memref<128x128xf32, #tpu.memory_space<vmem>>) offsets(%dma_start3A_226 : memref<128xi32, #tpu.memory_space<vmem>>) semaphore(%arg13 : memref<!tpu.dma_semaphore, #tpu.memory_space<semaphore_mem>>)
        } else {
        }
        %mul3A_102 = arith.constant 8 : i32
        %mul3A_103 = arith.muli %add3A_44, %mul3A_102 : i32
        %add3A_104 = arith.constant 1 : i32
        %add3A_105 = arith.addi %mul3A_103, %add3A_104 : i32
        %lt3A_106 = arith.constant 2500 : i32
        %lt3A_107 = arith.cmpi slt, %add3A_105, %lt3A_106 : i32
        %convert_element_type3A_108 = arith.extui %lt3A_107 : i1 to i32
        %cond3A_109 = arith.constant 0 : i32
        %cond3A_110 = arith.cmpi ne, %convert_element_type3A_108, %cond3A_109 : i32
        scf.if %cond3A_110 {
          %dma_wait3A = arith.constant 1 : i32
          %dma_wait3A_224 = arith.constant 0 : i32
          %dma_wait3A_225 = tpu.memref_slice %arg8[%dma_wait3A, %dma_wait3A_224] : memref<8x128xi32, #tpu.memory_space<vmem>> -> memref<1x128xi32, #tpu.memory_space<vmem>>
          %dma_wait3A_226 = tpu.memref_squeeze %dma_wait3A_225 : memref<1x128xi32, #tpu.memory_space<vmem>> -> memref<128xi32, #tpu.memory_space<vmem>>
          %dma_wait3A_227 = arith.constant 0 : i32
          %dma_wait3A_228 = arith.constant 0 : i32
          %dma_wait3A_229 = tpu.memref_slice %arg2[%dma_wait3A_227, %dma_wait3A_228] : memref<10000x128xf32, #tpu.memory_space<hbm>> -> memref<10000x128xf32, #tpu.memory_space<hbm>>
          tpu.wait_indirect_dma semaphore(%arg14 : memref<!tpu.dma_semaphore, #tpu.memory_space<semaphore_mem>>) src(%dma_wait3A_229 : memref<10000x128xf32, #tpu.memory_space<hbm>>) dst(%arg7 : memref<128x128xf32, #tpu.memory_space<vmem>>)
          %run_scoped3A = arith.constant 1 : i32
          "tpu.region"() ({
            %run_scoped3A_230 = tpu.sem_alloc : memref<!tpu.dma_semaphore, #tpu.memory_space<semaphore_mem>>
            %dma_start3A = arith.constant 0 : i32
            %dma_start3A_231 = tpu.memref_slice %arg10[%run_scoped3A, %dma_start3A] : memref<8x128xi32, #tpu.memory_space<vmem>> -> memref<1x128xi32, #tpu.memory_space<vmem>>
            %dma_start3A_232 = tpu.memref_squeeze %dma_start3A_231 : memref<1x128xi32, #tpu.memory_space<vmem>> -> memref<128xi32, #tpu.memory_space<vmem>>
            %dma_start3A_233 = arith.constant 0 : i32
            %dma_start3A_234 = arith.constant 0 : i32
            %dma_start3A_235 = tpu.memref_slice %arg12[%dma_start3A_233, %dma_start3A_234] : memref<10000x128xf32, #tpu.memory_space<vmem_shared>> -> memref<10000x128xf32, #tpu.memory_space<vmem_shared>>
            tpu.enqueue_indirect_dma source(%arg7 : memref<128x128xf32, #tpu.memory_space<vmem>>) target(%dma_start3A_235 : memref<10000x128xf32, #tpu.memory_space<vmem_shared>>) offsets(%dma_start3A_232 : memref<128xi32, #tpu.memory_space<vmem>>) semaphore(%run_scoped3A_230 : memref<!tpu.dma_semaphore, #tpu.memory_space<semaphore_mem>>) {add = true}
            %dma_wait3A_236 = arith.constant 0 : i32
            %dma_wait3A_237 = tpu.memref_slice %arg10[%run_scoped3A, %dma_wait3A_236] : memref<8x128xi32, #tpu.memory_space<vmem>> -> memref<1x128xi32, #tpu.memory_space<vmem>>
            %dma_wait3A_238 = tpu.memref_squeeze %dma_wait3A_237 : memref<1x128xi32, #tpu.memory_space<vmem>> -> memref<128xi32, #tpu.memory_space<vmem>>
            %dma_wait3A_239 = arith.constant 0 : i32
            %dma_wait3A_240 = arith.constant 0 : i32
            %dma_wait3A_241 = tpu.memref_slice %arg12[%dma_wait3A_239, %dma_wait3A_240] : memref<10000x128xf32, #tpu.memory_space<vmem_shared>> -> memref<10000x128xf32, #tpu.memory_space<vmem_shared>>
            tpu.wait_indirect_dma semaphore(%run_scoped3A_230 : memref<!tpu.dma_semaphore, #tpu.memory_space<semaphore_mem>>) src(%arg7 : memref<128x128xf32, #tpu.memory_space<vmem>>) dst(%dma_wait3A_241 : memref<10000x128xf32, #tpu.memory_space<vmem_shared>>)
            tpu.yield
          }) : () -> ()
        } else {
        }
        %mul3A_111 = arith.constant 8 : i32
        %mul3A_112 = arith.muli %add3A_44, %mul3A_111 : i32
        %add3A_113 = arith.constant 3 : i32
        %add3A_114 = arith.addi %mul3A_112, %add3A_113 : i32
        %lt3A_115 = arith.constant 2500 : i32
        %lt3A_116 = arith.cmpi slt, %add3A_114, %lt3A_115 : i32
        %convert_element_type3A_117 = arith.extui %lt3A_116 : i1 to i32
        %cond3A_118 = arith.constant 0 : i32
        %cond3A_119 = arith.cmpi ne, %convert_element_type3A_117, %cond3A_118 : i32
        scf.if %cond3A_119 {
          %dma_start3A = arith.constant 3 : i32
          %dma_start3A_224 = arith.constant 0 : i32
          %dma_start3A_225 = tpu.memref_slice %arg8[%dma_start3A, %dma_start3A_224] : memref<8x128xi32, #tpu.memory_space<vmem>> -> memref<1x128xi32, #tpu.memory_space<vmem>>
          %dma_start3A_226 = tpu.memref_squeeze %dma_start3A_225 : memref<1x128xi32, #tpu.memory_space<vmem>> -> memref<128xi32, #tpu.memory_space<vmem>>
          %dma_start3A_227 = arith.constant 0 : i32
          %dma_start3A_228 = arith.constant 0 : i32
          %dma_start3A_229 = tpu.memref_slice %arg2[%dma_start3A_227, %dma_start3A_228] : memref<10000x128xf32, #tpu.memory_space<hbm>> -> memref<10000x128xf32, #tpu.memory_space<hbm>>
          tpu.enqueue_indirect_dma source(%dma_start3A_229 : memref<10000x128xf32, #tpu.memory_space<hbm>>) target(%arg7 : memref<128x128xf32, #tpu.memory_space<vmem>>) offsets(%dma_start3A_226 : memref<128xi32, #tpu.memory_space<vmem>>) semaphore(%arg14 : memref<!tpu.dma_semaphore, #tpu.memory_space<semaphore_mem>>)
        } else {
        }
        %mul3A_120 = arith.constant 8 : i32
        %mul3A_121 = arith.muli %add3A_44, %mul3A_120 : i32
        %add3A_122 = arith.constant 2 : i32
        %add3A_123 = arith.addi %mul3A_121, %add3A_122 : i32
        %lt3A_124 = arith.constant 2500 : i32
        %lt3A_125 = arith.cmpi slt, %add3A_123, %lt3A_124 : i32
        %convert_element_type3A_126 = arith.extui %lt3A_125 : i1 to i32
        %cond3A_127 = arith.constant 0 : i32
        %cond3A_128 = arith.cmpi ne, %convert_element_type3A_126, %cond3A_127 : i32
        scf.if %cond3A_128 {
          %dma_wait3A = arith.constant 2 : i32
          %dma_wait3A_224 = arith.constant 0 : i32
          %dma_wait3A_225 = tpu.memref_slice %arg8[%dma_wait3A, %dma_wait3A_224] : memref<8x128xi32, #tpu.memory_space<vmem>> -> memref<1x128xi32, #tpu.memory_space<vmem>>
          %dma_wait3A_226 = tpu.memref_squeeze %dma_wait3A_225 : memref<1x128xi32, #tpu.memory_space<vmem>> -> memref<128xi32, #tpu.memory_space<vmem>>
          %dma_wait3A_227 = arith.constant 0 : i32
          %dma_wait3A_228 = arith.constant 0 : i32
          %dma_wait3A_229 = tpu.memref_slice %arg2[%dma_wait3A_227, %dma_wait3A_228] : memref<10000x128xf32, #tpu.memory_space<hbm>> -> memref<10000x128xf32, #tpu.memory_space<hbm>>
          tpu.wait_indirect_dma semaphore(%arg13 : memref<!tpu.dma_semaphore, #tpu.memory_space<semaphore_mem>>) src(%dma_wait3A_229 : memref<10000x128xf32, #tpu.memory_space<hbm>>) dst(%arg6 : memref<128x128xf32, #tpu.memory_space<vmem>>)
          %run_scoped3A = arith.constant 2 : i32
          "tpu.region"() ({
            %run_scoped3A_230 = tpu.sem_alloc : memref<!tpu.dma_semaphore, #tpu.memory_space<semaphore_mem>>
            %dma_start3A = arith.constant 0 : i32
            %dma_start3A_231 = tpu.memref_slice %arg10[%run_scoped3A, %dma_start3A] : memref<8x128xi32, #tpu.memory_space<vmem>> -> memref<1x128xi32, #tpu.memory_space<vmem>>
            %dma_start3A_232 = tpu.memref_squeeze %dma_start3A_231 : memref<1x128xi32, #tpu.memory_space<vmem>> -> memref<128xi32, #tpu.memory_space<vmem>>
            %dma_start3A_233 = arith.constant 0 : i32
            %dma_start3A_234 = arith.constant 0 : i32
            %dma_start3A_235 = tpu.memref_slice %arg12[%dma_start3A_233, %dma_start3A_234] : memref<10000x128xf32, #tpu.memory_space<vmem_shared>> -> memref<10000x128xf32, #tpu.memory_space<vmem_shared>>
            tpu.enqueue_indirect_dma source(%arg6 : memref<128x128xf32, #tpu.memory_space<vmem>>) target(%dma_start3A_235 : memref<10000x128xf32, #tpu.memory_space<vmem_shared>>) offsets(%dma_start3A_232 : memref<128xi32, #tpu.memory_space<vmem>>) semaphore(%run_scoped3A_230 : memref<!tpu.dma_semaphore, #tpu.memory_space<semaphore_mem>>) {add = true}
            %dma_wait3A_236 = arith.constant 0 : i32
            %dma_wait3A_237 = tpu.memref_slice %arg10[%run_scoped3A, %dma_wait3A_236] : memref<8x128xi32, #tpu.memory_space<vmem>> -> memref<1x128xi32, #tpu.memory_space<vmem>>
            %dma_wait3A_238 = tpu.memref_squeeze %dma_wait3A_237 : memref<1x128xi32, #tpu.memory_space<vmem>> -> memref<128xi32, #tpu.memory_space<vmem>>
            %dma_wait3A_239 = arith.constant 0 : i32
            %dma_wait3A_240 = arith.constant 0 : i32
            %dma_wait3A_241 = tpu.memref_slice %arg12[%dma_wait3A_239, %dma_wait3A_240] : memref<10000x128xf32, #tpu.memory_space<vmem_shared>> -> memref<10000x128xf32, #tpu.memory_space<vmem_shared>>
            tpu.wait_indirect_dma semaphore(%run_scoped3A_230 : memref<!tpu.dma_semaphore, #tpu.memory_space<semaphore_mem>>) src(%arg6 : memref<128x128xf32, #tpu.memory_space<vmem>>) dst(%dma_wait3A_241 : memref<10000x128xf32, #tpu.memory_space<vmem_shared>>)
            tpu.yield
          }) : () -> ()
        } else {
        }
        %mul3A_129 = arith.constant 8 : i32
        %mul3A_130 = arith.muli %add3A_44, %mul3A_129 : i32
        %add3A_131 = arith.constant 4 : i32
        %add3A_132 = arith.addi %mul3A_130, %add3A_131 : i32
        %lt3A_133 = arith.constant 2500 : i32
        %lt3A_134 = arith.cmpi slt, %add3A_132, %lt3A_133 : i32
        %convert_element_type3A_135 = arith.extui %lt3A_134 : i1 to i32
        %cond3A_136 = arith.constant 0 : i32
        %cond3A_137 = arith.cmpi ne, %convert_element_type3A_135, %cond3A_136 : i32
        scf.if %cond3A_137 {
          %dma_start3A = arith.constant 4 : i32
          %dma_start3A_224 = arith.constant 0 : i32
          %dma_start3A_225 = tpu.memref_slice %arg8[%dma_start3A, %dma_start3A_224] : memref<8x128xi32, #tpu.memory_space<vmem>> -> memref<1x128xi32, #tpu.memory_space<vmem>>
          %dma_start3A_226 = tpu.memref_squeeze %dma_start3A_225 : memref<1x128xi32, #tpu.memory_space<vmem>> -> memref<128xi32, #tpu.memory_space<vmem>>
          %dma_start3A_227 = arith.constant 0 : i32
          %dma_start3A_228 = arith.constant 0 : i32
          %dma_start3A_229 = tpu.memref_slice %arg2[%dma_start3A_227, %dma_start3A_228] : memref<10000x128xf32, #tpu.memory_space<hbm>> -> memref<10000x128xf32, #tpu.memory_space<hbm>>
          tpu.enqueue_indirect_dma source(%dma_start3A_229 : memref<10000x128xf32, #tpu.memory_space<hbm>>) target(%arg6 : memref<128x128xf32, #tpu.memory_space<vmem>>) offsets(%dma_start3A_226 : memref<128xi32, #tpu.memory_space<vmem>>) semaphore(%arg13 : memref<!tpu.dma_semaphore, #tpu.memory_space<semaphore_mem>>)
        } else {
        }
        %mul3A_138 = arith.constant 8 : i32
        %mul3A_139 = arith.muli %add3A_44, %mul3A_138 : i32
        %add3A_140 = arith.constant 3 : i32
        %add3A_141 = arith.addi %mul3A_139, %add3A_140 : i32
        %lt3A_142 = arith.constant 2500 : i32
        %lt3A_143 = arith.cmpi slt, %add3A_141, %lt3A_142 : i32
        %convert_element_type3A_144 = arith.extui %lt3A_143 : i1 to i32
        %cond3A_145 = arith.constant 0 : i32
        %cond3A_146 = arith.cmpi ne, %convert_element_type3A_144, %cond3A_145 : i32
        scf.if %cond3A_146 {
          %dma_wait3A = arith.constant 3 : i32
          %dma_wait3A_224 = arith.constant 0 : i32
          %dma_wait3A_225 = tpu.memref_slice %arg8[%dma_wait3A, %dma_wait3A_224] : memref<8x128xi32, #tpu.memory_space<vmem>> -> memref<1x128xi32, #tpu.memory_space<vmem>>
          %dma_wait3A_226 = tpu.memref_squeeze %dma_wait3A_225 : memref<1x128xi32, #tpu.memory_space<vmem>> -> memref<128xi32, #tpu.memory_space<vmem>>
          %dma_wait3A_227 = arith.constant 0 : i32
          %dma_wait3A_228 = arith.constant 0 : i32
          %dma_wait3A_229 = tpu.memref_slice %arg2[%dma_wait3A_227, %dma_wait3A_228] : memref<10000x128xf32, #tpu.memory_space<hbm>> -> memref<10000x128xf32, #tpu.memory_space<hbm>>
          tpu.wait_indirect_dma semaphore(%arg14 : memref<!tpu.dma_semaphore, #tpu.memory_space<semaphore_mem>>) src(%dma_wait3A_229 : memref<10000x128xf32, #tpu.memory_space<hbm>>) dst(%arg7 : memref<128x128xf32, #tpu.memory_space<vmem>>)
          %run_scoped3A = arith.constant 3 : i32
          "tpu.region"() ({
            %run_scoped3A_230 = tpu.sem_alloc : memref<!tpu.dma_semaphore, #tpu.memory_space<semaphore_mem>>
            %dma_start3A = arith.constant 0 : i32
            %dma_start3A_231 = tpu.memref_slice %arg10[%run_scoped3A, %dma_start3A] : memref<8x128xi32, #tpu.memory_space<vmem>> -> memref<1x128xi32, #tpu.memory_space<vmem>>
            %dma_start3A_232 = tpu.memref_squeeze %dma_start3A_231 : memref<1x128xi32, #tpu.memory_space<vmem>> -> memref<128xi32, #tpu.memory_space<vmem>>
            %dma_start3A_233 = arith.constant 0 : i32
            %dma_start3A_234 = arith.constant 0 : i32
            %dma_start3A_235 = tpu.memref_slice %arg12[%dma_start3A_233, %dma_start3A_234] : memref<10000x128xf32, #tpu.memory_space<vmem_shared>> -> memref<10000x128xf32, #tpu.memory_space<vmem_shared>>
            tpu.enqueue_indirect_dma source(%arg7 : memref<128x128xf32, #tpu.memory_space<vmem>>) target(%dma_start3A_235 : memref<10000x128xf32, #tpu.memory_space<vmem_shared>>) offsets(%dma_start3A_232 : memref<128xi32, #tpu.memory_space<vmem>>) semaphore(%run_scoped3A_230 : memref<!tpu.dma_semaphore, #tpu.memory_space<semaphore_mem>>) {add = true}
            %dma_wait3A_236 = arith.constant 0 : i32
            %dma_wait3A_237 = tpu.memref_slice %arg10[%run_scoped3A, %dma_wait3A_236] : memref<8x128xi32, #tpu.memory_space<vmem>> -> memref<1x128xi32, #tpu.memory_space<vmem>>
            %dma_wait3A_238 = tpu.memref_squeeze %dma_wait3A_237 : memref<1x128xi32, #tpu.memory_space<vmem>> -> memref<128xi32, #tpu.memory_space<vmem>>
            %dma_wait3A_239 = arith.constant 0 : i32
            %dma_wait3A_240 = arith.constant 0 : i32
            %dma_wait3A_241 = tpu.memref_slice %arg12[%dma_wait3A_239, %dma_wait3A_240] : memref<10000x128xf32, #tpu.memory_space<vmem_shared>> -> memref<10000x128xf32, #tpu.memory_space<vmem_shared>>
            tpu.wait_indirect_dma semaphore(%run_scoped3A_230 : memref<!tpu.dma_semaphore, #tpu.memory_space<semaphore_mem>>) src(%arg7 : memref<128x128xf32, #tpu.memory_space<vmem>>) dst(%dma_wait3A_241 : memref<10000x128xf32, #tpu.memory_space<vmem_shared>>)
            tpu.yield
          }) : () -> ()
        } else {
        }
        %mul3A_147 = arith.constant 8 : i32
        %mul3A_148 = arith.muli %add3A_44, %mul3A_147 : i32
        %add3A_149 = arith.constant 5 : i32
        %add3A_150 = arith.addi %mul3A_148, %add3A_149 : i32
        %lt3A_151 = arith.constant 2500 : i32
        %lt3A_152 = arith.cmpi slt, %add3A_150, %lt3A_151 : i32
        %convert_element_type3A_153 = arith.extui %lt3A_152 : i1 to i32
        %cond3A_154 = arith.constant 0 : i32
        %cond3A_155 = arith.cmpi ne, %convert_element_type3A_153, %cond3A_154 : i32
        scf.if %cond3A_155 {
          %dma_start3A = arith.constant 5 : i32
          %dma_start3A_224 = arith.constant 0 : i32
          %dma_start3A_225 = tpu.memref_slice %arg8[%dma_start3A, %dma_start3A_224] : memref<8x128xi32, #tpu.memory_space<vmem>> -> memref<1x128xi32, #tpu.memory_space<vmem>>
          %dma_start3A_226 = tpu.memref_squeeze %dma_start3A_225 : memref<1x128xi32, #tpu.memory_space<vmem>> -> memref<128xi32, #tpu.memory_space<vmem>>
          %dma_start3A_227 = arith.constant 0 : i32
          %dma_start3A_228 = arith.constant 0 : i32
          %dma_start3A_229 = tpu.memref_slice %arg2[%dma_start3A_227, %dma_start3A_228] : memref<10000x128xf32, #tpu.memory_space<hbm>> -> memref<10000x128xf32, #tpu.memory_space<hbm>>
          tpu.enqueue_indirect_dma source(%dma_start3A_229 : memref<10000x128xf32, #tpu.memory_space<hbm>>) target(%arg7 : memref<128x128xf32, #tpu.memory_space<vmem>>) offsets(%dma_start3A_226 : memref<128xi32, #tpu.memory_space<vmem>>) semaphore(%arg14 : memref<!tpu.dma_semaphore, #tpu.memory_space<semaphore_mem>>)
        } else {
        }
        %mul3A_156 = arith.constant 8 : i32
        %mul3A_157 = arith.muli %add3A_44, %mul3A_156 : i32
        %add3A_158 = arith.constant 4 : i32
        %add3A_159 = arith.addi %mul3A_157, %add3A_158 : i32
        %lt3A_160 = arith.constant 2500 : i32
        %lt3A_161 = arith.cmpi slt, %add3A_159, %lt3A_160 : i32
        %convert_element_type3A_162 = arith.extui %lt3A_161 : i1 to i32
        %cond3A_163 = arith.constant 0 : i32
        %cond3A_164 = arith.cmpi ne, %convert_element_type3A_162, %cond3A_163 : i32
        scf.if %cond3A_164 {
          %dma_wait3A = arith.constant 4 : i32
          %dma_wait3A_224 = arith.constant 0 : i32
          %dma_wait3A_225 = tpu.memref_slice %arg8[%dma_wait3A, %dma_wait3A_224] : memref<8x128xi32, #tpu.memory_space<vmem>> -> memref<1x128xi32, #tpu.memory_space<vmem>>
          %dma_wait3A_226 = tpu.memref_squeeze %dma_wait3A_225 : memref<1x128xi32, #tpu.memory_space<vmem>> -> memref<128xi32, #tpu.memory_space<vmem>>
          %dma_wait3A_227 = arith.constant 0 : i32
          %dma_wait3A_228 = arith.constant 0 : i32
          %dma_wait3A_229 = tpu.memref_slice %arg2[%dma_wait3A_227, %dma_wait3A_228] : memref<10000x128xf32, #tpu.memory_space<hbm>> -> memref<10000x128xf32, #tpu.memory_space<hbm>>
          tpu.wait_indirect_dma semaphore(%arg13 : memref<!tpu.dma_semaphore, #tpu.memory_space<semaphore_mem>>) src(%dma_wait3A_229 : memref<10000x128xf32, #tpu.memory_space<hbm>>) dst(%arg6 : memref<128x128xf32, #tpu.memory_space<vmem>>)
          %run_scoped3A = arith.constant 4 : i32
          "tpu.region"() ({
            %run_scoped3A_230 = tpu.sem_alloc : memref<!tpu.dma_semaphore, #tpu.memory_space<semaphore_mem>>
            %dma_start3A = arith.constant 0 : i32
            %dma_start3A_231 = tpu.memref_slice %arg10[%run_scoped3A, %dma_start3A] : memref<8x128xi32, #tpu.memory_space<vmem>> -> memref<1x128xi32, #tpu.memory_space<vmem>>
            %dma_start3A_232 = tpu.memref_squeeze %dma_start3A_231 : memref<1x128xi32, #tpu.memory_space<vmem>> -> memref<128xi32, #tpu.memory_space<vmem>>
            %dma_start3A_233 = arith.constant 0 : i32
            %dma_start3A_234 = arith.constant 0 : i32
            %dma_start3A_235 = tpu.memref_slice %arg12[%dma_start3A_233, %dma_start3A_234] : memref<10000x128xf32, #tpu.memory_space<vmem_shared>> -> memref<10000x128xf32, #tpu.memory_space<vmem_shared>>
            tpu.enqueue_indirect_dma source(%arg6 : memref<128x128xf32, #tpu.memory_space<vmem>>) target(%dma_start3A_235 : memref<10000x128xf32, #tpu.memory_space<vmem_shared>>) offsets(%dma_start3A_232 : memref<128xi32, #tpu.memory_space<vmem>>) semaphore(%run_scoped3A_230 : memref<!tpu.dma_semaphore, #tpu.memory_space<semaphore_mem>>) {add = true}
            %dma_wait3A_236 = arith.constant 0 : i32
            %dma_wait3A_237 = tpu.memref_slice %arg10[%run_scoped3A, %dma_wait3A_236] : memref<8x128xi32, #tpu.memory_space<vmem>> -> memref<1x128xi32, #tpu.memory_space<vmem>>
            %dma_wait3A_238 = tpu.memref_squeeze %dma_wait3A_237 : memref<1x128xi32, #tpu.memory_space<vmem>> -> memref<128xi32, #tpu.memory_space<vmem>>
            %dma_wait3A_239 = arith.constant 0 : i32
            %dma_wait3A_240 = arith.constant 0 : i32
            %dma_wait3A_241 = tpu.memref_slice %arg12[%dma_wait3A_239, %dma_wait3A_240] : memref<10000x128xf32, #tpu.memory_space<vmem_shared>> -> memref<10000x128xf32, #tpu.memory_space<vmem_shared>>
            tpu.wait_indirect_dma semaphore(%run_scoped3A_230 : memref<!tpu.dma_semaphore, #tpu.memory_space<semaphore_mem>>) src(%arg6 : memref<128x128xf32, #tpu.memory_space<vmem>>) dst(%dma_wait3A_241 : memref<10000x128xf32, #tpu.memory_space<vmem_shared>>)
            tpu.yield
          }) : () -> ()
        } else {
        }
        %mul3A_165 = arith.constant 8 : i32
        %mul3A_166 = arith.muli %add3A_44, %mul3A_165 : i32
        %add3A_167 = arith.constant 6 : i32
        %add3A_168 = arith.addi %mul3A_166, %add3A_167 : i32
        %lt3A_169 = arith.constant 2500 : i32
        %lt3A_170 = arith.cmpi slt, %add3A_168, %lt3A_169 : i32
        %convert_element_type3A_171 = arith.extui %lt3A_170 : i1 to i32
        %cond3A_172 = arith.constant 0 : i32
        %cond3A_173 = arith.cmpi ne, %convert_element_type3A_171, %cond3A_172 : i32
        scf.if %cond3A_173 {
          %dma_start3A = arith.constant 6 : i32
          %dma_start3A_224 = arith.constant 0 : i32
          %dma_start3A_225 = tpu.memref_slice %arg8[%dma_start3A, %dma_start3A_224] : memref<8x128xi32, #tpu.memory_space<vmem>> -> memref<1x128xi32, #tpu.memory_space<vmem>>
          %dma_start3A_226 = tpu.memref_squeeze %dma_start3A_225 : memref<1x128xi32, #tpu.memory_space<vmem>> -> memref<128xi32, #tpu.memory_space<vmem>>
          %dma_start3A_227 = arith.constant 0 : i32
          %dma_start3A_228 = arith.constant 0 : i32
          %dma_start3A_229 = tpu.memref_slice %arg2[%dma_start3A_227, %dma_start3A_228] : memref<10000x128xf32, #tpu.memory_space<hbm>> -> memref<10000x128xf32, #tpu.memory_space<hbm>>
          tpu.enqueue_indirect_dma source(%dma_start3A_229 : memref<10000x128xf32, #tpu.memory_space<hbm>>) target(%arg6 : memref<128x128xf32, #tpu.memory_space<vmem>>) offsets(%dma_start3A_226 : memref<128xi32, #tpu.memory_space<vmem>>) semaphore(%arg13 : memref<!tpu.dma_semaphore, #tpu.memory_space<semaphore_mem>>)
        } else {
        }
        %mul3A_174 = arith.constant 8 : i32
        %mul3A_175 = arith.muli %add3A_44, %mul3A_174 : i32
        %add3A_176 = arith.constant 5 : i32
        %add3A_177 = arith.addi %mul3A_175, %add3A_176 : i32
        %lt3A_178 = arith.constant 2500 : i32
        %lt3A_179 = arith.cmpi slt, %add3A_177, %lt3A_178 : i32
        %convert_element_type3A_180 = arith.extui %lt3A_179 : i1 to i32
        %cond3A_181 = arith.constant 0 : i32
        %cond3A_182 = arith.cmpi ne, %convert_element_type3A_180, %cond3A_181 : i32
        scf.if %cond3A_182 {
          %dma_wait3A = arith.constant 5 : i32
          %dma_wait3A_224 = arith.constant 0 : i32
          %dma_wait3A_225 = tpu.memref_slice %arg8[%dma_wait3A, %dma_wait3A_224] : memref<8x128xi32, #tpu.memory_space<vmem>> -> memref<1x128xi32, #tpu.memory_space<vmem>>
          %dma_wait3A_226 = tpu.memref_squeeze %dma_wait3A_225 : memref<1x128xi32, #tpu.memory_space<vmem>> -> memref<128xi32, #tpu.memory_space<vmem>>
          %dma_wait3A_227 = arith.constant 0 : i32
          %dma_wait3A_228 = arith.constant 0 : i32
          %dma_wait3A_229 = tpu.memref_slice %arg2[%dma_wait3A_227, %dma_wait3A_228] : memref<10000x128xf32, #tpu.memory_space<hbm>> -> memref<10000x128xf32, #tpu.memory_space<hbm>>
          tpu.wait_indirect_dma semaphore(%arg14 : memref<!tpu.dma_semaphore, #tpu.memory_space<semaphore_mem>>) src(%dma_wait3A_229 : memref<10000x128xf32, #tpu.memory_space<hbm>>) dst(%arg7 : memref<128x128xf32, #tpu.memory_space<vmem>>)
          %run_scoped3A = arith.constant 5 : i32
          "tpu.region"() ({
            %run_scoped3A_230 = tpu.sem_alloc : memref<!tpu.dma_semaphore, #tpu.memory_space<semaphore_mem>>
            %dma_start3A = arith.constant 0 : i32
            %dma_start3A_231 = tpu.memref_slice %arg10[%run_scoped3A, %dma_start3A] : memref<8x128xi32, #tpu.memory_space<vmem>> -> memref<1x128xi32, #tpu.memory_space<vmem>>
            %dma_start3A_232 = tpu.memref_squeeze %dma_start3A_231 : memref<1x128xi32, #tpu.memory_space<vmem>> -> memref<128xi32, #tpu.memory_space<vmem>>
            %dma_start3A_233 = arith.constant 0 : i32
            %dma_start3A_234 = arith.constant 0 : i32
            %dma_start3A_235 = tpu.memref_slice %arg12[%dma_start3A_233, %dma_start3A_234] : memref<10000x128xf32, #tpu.memory_space<vmem_shared>> -> memref<10000x128xf32, #tpu.memory_space<vmem_shared>>
            tpu.enqueue_indirect_dma source(%arg7 : memref<128x128xf32, #tpu.memory_space<vmem>>) target(%dma_start3A_235 : memref<10000x128xf32, #tpu.memory_space<vmem_shared>>) offsets(%dma_start3A_232 : memref<128xi32, #tpu.memory_space<vmem>>) semaphore(%run_scoped3A_230 : memref<!tpu.dma_semaphore, #tpu.memory_space<semaphore_mem>>) {add = true}
            %dma_wait3A_236 = arith.constant 0 : i32
            %dma_wait3A_237 = tpu.memref_slice %arg10[%run_scoped3A, %dma_wait3A_236] : memref<8x128xi32, #tpu.memory_space<vmem>> -> memref<1x128xi32, #tpu.memory_space<vmem>>
            %dma_wait3A_238 = tpu.memref_squeeze %dma_wait3A_237 : memref<1x128xi32, #tpu.memory_space<vmem>> -> memref<128xi32, #tpu.memory_space<vmem>>
            %dma_wait3A_239 = arith.constant 0 : i32
            %dma_wait3A_240 = arith.constant 0 : i32
            %dma_wait3A_241 = tpu.memref_slice %arg12[%dma_wait3A_239, %dma_wait3A_240] : memref<10000x128xf32, #tpu.memory_space<vmem_shared>> -> memref<10000x128xf32, #tpu.memory_space<vmem_shared>>
            tpu.wait_indirect_dma semaphore(%run_scoped3A_230 : memref<!tpu.dma_semaphore, #tpu.memory_space<semaphore_mem>>) src(%arg7 : memref<128x128xf32, #tpu.memory_space<vmem>>) dst(%dma_wait3A_241 : memref<10000x128xf32, #tpu.memory_space<vmem_shared>>)
            tpu.yield
          }) : () -> ()
        } else {
        }
        %mul3A_183 = arith.constant 8 : i32
        %mul3A_184 = arith.muli %add3A_44, %mul3A_183 : i32
        %add3A_185 = arith.constant 7 : i32
        %add3A_186 = arith.addi %mul3A_184, %add3A_185 : i32
        %lt3A_187 = arith.constant 2500 : i32
        %lt3A_188 = arith.cmpi slt, %add3A_186, %lt3A_187 : i32
        %convert_element_type3A_189 = arith.extui %lt3A_188 : i1 to i32
        %cond3A_190 = arith.constant 0 : i32
        %cond3A_191 = arith.cmpi ne, %convert_element_type3A_189, %cond3A_190 : i32
        scf.if %cond3A_191 {
          %dma_start3A = arith.constant 7 : i32
          %dma_start3A_224 = arith.constant 0 : i32
          %dma_start3A_225 = tpu.memref_slice %arg8[%dma_start3A, %dma_start3A_224] : memref<8x128xi32, #tpu.memory_space<vmem>> -> memref<1x128xi32, #tpu.memory_space<vmem>>
          %dma_start3A_226 = tpu.memref_squeeze %dma_start3A_225 : memref<1x128xi32, #tpu.memory_space<vmem>> -> memref<128xi32, #tpu.memory_space<vmem>>
          %dma_start3A_227 = arith.constant 0 : i32
          %dma_start3A_228 = arith.constant 0 : i32
          %dma_start3A_229 = tpu.memref_slice %arg2[%dma_start3A_227, %dma_start3A_228] : memref<10000x128xf32, #tpu.memory_space<hbm>> -> memref<10000x128xf32, #tpu.memory_space<hbm>>
          tpu.enqueue_indirect_dma source(%dma_start3A_229 : memref<10000x128xf32, #tpu.memory_space<hbm>>) target(%arg7 : memref<128x128xf32, #tpu.memory_space<vmem>>) offsets(%dma_start3A_226 : memref<128xi32, #tpu.memory_space<vmem>>) semaphore(%arg14 : memref<!tpu.dma_semaphore, #tpu.memory_space<semaphore_mem>>)
        } else {
        }
        %mul3A_192 = arith.constant 8 : i32
        %mul3A_193 = arith.muli %add3A_44, %mul3A_192 : i32
        %add3A_194 = arith.constant 6 : i32
        %add3A_195 = arith.addi %mul3A_193, %add3A_194 : i32
        %lt3A_196 = arith.constant 2500 : i32
        %lt3A_197 = arith.cmpi slt, %add3A_195, %lt3A_196 : i32
        %convert_element_type3A_198 = arith.extui %lt3A_197 : i1 to i32
        %cond3A_199 = arith.constant 0 : i32
        %cond3A_200 = arith.cmpi ne, %convert_element_type3A_198, %cond3A_199 : i32
        scf.if %cond3A_200 {
          %dma_wait3A = arith.constant 6 : i32
          %dma_wait3A_224 = arith.constant 0 : i32
          %dma_wait3A_225 = tpu.memref_slice %arg8[%dma_wait3A, %dma_wait3A_224] : memref<8x128xi32, #tpu.memory_space<vmem>> -> memref<1x128xi32, #tpu.memory_space<vmem>>
          %dma_wait3A_226 = tpu.memref_squeeze %dma_wait3A_225 : memref<1x128xi32, #tpu.memory_space<vmem>> -> memref<128xi32, #tpu.memory_space<vmem>>
          %dma_wait3A_227 = arith.constant 0 : i32
          %dma_wait3A_228 = arith.constant 0 : i32
          %dma_wait3A_229 = tpu.memref_slice %arg2[%dma_wait3A_227, %dma_wait3A_228] : memref<10000x128xf32, #tpu.memory_space<hbm>> -> memref<10000x128xf32, #tpu.memory_space<hbm>>
          tpu.wait_indirect_dma semaphore(%arg13 : memref<!tpu.dma_semaphore, #tpu.memory_space<semaphore_mem>>) src(%dma_wait3A_229 : memref<10000x128xf32, #tpu.memory_space<hbm>>) dst(%arg6 : memref<128x128xf32, #tpu.memory_space<vmem>>)
          %run_scoped3A = arith.constant 6 : i32
          "tpu.region"() ({
            %run_scoped3A_230 = tpu.sem_alloc : memref<!tpu.dma_semaphore, #tpu.memory_space<semaphore_mem>>
            %dma_start3A = arith.constant 0 : i32
            %dma_start3A_231 = tpu.memref_slice %arg10[%run_scoped3A, %dma_start3A] : memref<8x128xi32, #tpu.memory_space<vmem>> -> memref<1x128xi32, #tpu.memory_space<vmem>>
            %dma_start3A_232 = tpu.memref_squeeze %dma_start3A_231 : memref<1x128xi32, #tpu.memory_space<vmem>> -> memref<128xi32, #tpu.memory_space<vmem>>
            %dma_start3A_233 = arith.constant 0 : i32
            %dma_start3A_234 = arith.constant 0 : i32
            %dma_start3A_235 = tpu.memref_slice %arg12[%dma_start3A_233, %dma_start3A_234] : memref<10000x128xf32, #tpu.memory_space<vmem_shared>> -> memref<10000x128xf32, #tpu.memory_space<vmem_shared>>
            tpu.enqueue_indirect_dma source(%arg6 : memref<128x128xf32, #tpu.memory_space<vmem>>) target(%dma_start3A_235 : memref<10000x128xf32, #tpu.memory_space<vmem_shared>>) offsets(%dma_start3A_232 : memref<128xi32, #tpu.memory_space<vmem>>) semaphore(%run_scoped3A_230 : memref<!tpu.dma_semaphore, #tpu.memory_space<semaphore_mem>>) {add = true}
            %dma_wait3A_236 = arith.constant 0 : i32
            %dma_wait3A_237 = tpu.memref_slice %arg10[%run_scoped3A, %dma_wait3A_236] : memref<8x128xi32, #tpu.memory_space<vmem>> -> memref<1x128xi32, #tpu.memory_space<vmem>>
            %dma_wait3A_238 = tpu.memref_squeeze %dma_wait3A_237 : memref<1x128xi32, #tpu.memory_space<vmem>> -> memref<128xi32, #tpu.memory_space<vmem>>
            %dma_wait3A_239 = arith.constant 0 : i32
            %dma_wait3A_240 = arith.constant 0 : i32
            %dma_wait3A_241 = tpu.memref_slice %arg12[%dma_wait3A_239, %dma_wait3A_240] : memref<10000x128xf32, #tpu.memory_space<vmem_shared>> -> memref<10000x128xf32, #tpu.memory_space<vmem_shared>>
            tpu.wait_indirect_dma semaphore(%run_scoped3A_230 : memref<!tpu.dma_semaphore, #tpu.memory_space<semaphore_mem>>) src(%arg6 : memref<128x128xf32, #tpu.memory_space<vmem>>) dst(%dma_wait3A_241 : memref<10000x128xf32, #tpu.memory_space<vmem_shared>>)
            tpu.yield
          }) : () -> ()
        } else {
        }
        %lt3A_201 = arith.constant 313 : i32
        %lt3A_202 = arith.cmpi slt, %add3A_49, %lt3A_201 : i32
        %convert_element_type3A_203 = arith.extui %lt3A_202 : i1 to i32
        %cond3A_204 = arith.constant 0 : i32
        %cond3A_205 = arith.cmpi ne, %convert_element_type3A_203, %cond3A_204 : i32
        scf.if %cond3A_205 {
          %mul3A_224 = arith.constant 8 : i32
          %mul3A_225 = arith.muli %add3A_49, %mul3A_224 : i32
          %dma_wait3A = arith.constant 0 : i32
          %dma_wait3A_226 = tpu.memref_slice %arg3[%mul3A_225, %dma_wait3A] : memref<2500x128xi32, #tpu.memory_space<hbm>> -> memref<8x128xi32, #tpu.memory_space<hbm>>
          %dma_wait3A_227 = arith.constant 0 : i32
          %dma_wait3A_228 = tpu.memref_slice %arg3[%mul3A_225, %dma_wait3A_227] : memref<2500x128xi32, #tpu.memory_space<hbm>> -> memref<8x128xi32, #tpu.memory_space<hbm>>
          tpu.wait_dma2 semaphore(%arg16 : memref<!tpu.dma_semaphore, #tpu.memory_space<semaphore_mem>>) src(%dma_wait3A_228 : memref<8x128xi32, #tpu.memory_space<hbm>>) dst(%arg9 : memref<8x128xi32, #tpu.memory_space<vmem>>)
          %mul3A_229 = arith.constant 8 : i32
          %mul3A_230 = arith.muli %add3A_49, %mul3A_229 : i32
          %dma_wait3A_231 = arith.constant 0 : i32
          %dma_wait3A_232 = tpu.memref_slice %arg4[%mul3A_230, %dma_wait3A_231] : memref<2500x128xi32, #tpu.memory_space<hbm>> -> memref<8x128xi32, #tpu.memory_space<hbm>>
          %dma_wait3A_233 = arith.constant 0 : i32
          %dma_wait3A_234 = tpu.memref_slice %arg4[%mul3A_230, %dma_wait3A_233] : memref<2500x128xi32, #tpu.memory_space<hbm>> -> memref<8x128xi32, #tpu.memory_space<hbm>>
          tpu.wait_dma2 semaphore(%arg16 : memref<!tpu.dma_semaphore, #tpu.memory_space<semaphore_mem>>) src(%dma_wait3A_234 : memref<8x128xi32, #tpu.memory_space<hbm>>) dst(%arg11 : memref<8x128xi32, #tpu.memory_space<vmem>>)
        } else {
        }
        %mul3A_206 = arith.constant 8 : i32
        %mul3A_207 = arith.muli %add3A_49, %mul3A_206 : i32
        %add3A_208 = arith.constant 0 : i32
        %add3A_209 = arith.addi %mul3A_207, %add3A_208 : i32
        %lt3A_210 = arith.constant 2500 : i32
        %lt3A_211 = arith.cmpi slt, %add3A_209, %lt3A_210 : i32
        %convert_element_type3A_212 = arith.extui %lt3A_211 : i1 to i32
        %cond3A_213 = arith.constant 0 : i32
        %cond3A_214 = arith.cmpi ne, %convert_element_type3A_212, %cond3A_213 : i32
        scf.if %cond3A_214 {
          %dma_start3A = arith.constant 0 : i32
          %dma_start3A_224 = arith.constant 0 : i32
          %dma_start3A_225 = tpu.memref_slice %arg9[%dma_start3A, %dma_start3A_224] : memref<8x128xi32, #tpu.memory_space<vmem>> -> memref<1x128xi32, #tpu.memory_space<vmem>>
          %dma_start3A_226 = tpu.memref_squeeze %dma_start3A_225 : memref<1x128xi32, #tpu.memory_space<vmem>> -> memref<128xi32, #tpu.memory_space<vmem>>
          %dma_start3A_227 = arith.constant 0 : i32
          %dma_start3A_228 = arith.constant 0 : i32
          %dma_start3A_229 = tpu.memref_slice %arg2[%dma_start3A_227, %dma_start3A_228] : memref<10000x128xf32, #tpu.memory_space<hbm>> -> memref<10000x128xf32, #tpu.memory_space<hbm>>
          tpu.enqueue_indirect_dma source(%dma_start3A_229 : memref<10000x128xf32, #tpu.memory_space<hbm>>) target(%arg6 : memref<128x128xf32, #tpu.memory_space<vmem>>) offsets(%dma_start3A_226 : memref<128xi32, #tpu.memory_space<vmem>>) semaphore(%arg13 : memref<!tpu.dma_semaphore, #tpu.memory_space<semaphore_mem>>)
        } else {
        }
        %mul3A_215 = arith.constant 8 : i32
        %mul3A_216 = arith.muli %add3A_44, %mul3A_215 : i32
        %add3A_217 = arith.constant 7 : i32
        %add3A_218 = arith.addi %mul3A_216, %add3A_217 : i32
        %lt3A_219 = arith.constant 2500 : i32
        %lt3A_220 = arith.cmpi slt, %add3A_218, %lt3A_219 : i32
        %convert_element_type3A_221 = arith.extui %lt3A_220 : i1 to i32
        %cond3A_222 = arith.constant 0 : i32
        %cond3A_223 = arith.cmpi ne, %convert_element_type3A_221, %cond3A_222 : i32
        scf.if %cond3A_223 {
          %dma_wait3A = arith.constant 7 : i32
          %dma_wait3A_224 = arith.constant 0 : i32
          %dma_wait3A_225 = tpu.memref_slice %arg8[%dma_wait3A, %dma_wait3A_224] : memref<8x128xi32, #tpu.memory_space<vmem>> -> memref<1x128xi32, #tpu.memory_space<vmem>>
          %dma_wait3A_226 = tpu.memref_squeeze %dma_wait3A_225 : memref<1x128xi32, #tpu.memory_space<vmem>> -> memref<128xi32, #tpu.memory_space<vmem>>
          %dma_wait3A_227 = arith.constant 0 : i32
          %dma_wait3A_228 = arith.constant 0 : i32
          %dma_wait3A_229 = tpu.memref_slice %arg2[%dma_wait3A_227, %dma_wait3A_228] : memref<10000x128xf32, #tpu.memory_space<hbm>> -> memref<10000x128xf32, #tpu.memory_space<hbm>>
          tpu.wait_indirect_dma semaphore(%arg14 : memref<!tpu.dma_semaphore, #tpu.memory_space<semaphore_mem>>) src(%dma_wait3A_229 : memref<10000x128xf32, #tpu.memory_space<hbm>>) dst(%arg7 : memref<128x128xf32, #tpu.memory_space<vmem>>)
          %run_scoped3A = arith.constant 7 : i32
          "tpu.region"() ({
            %run_scoped3A_230 = tpu.sem_alloc : memref<!tpu.dma_semaphore, #tpu.memory_space<semaphore_mem>>
            %dma_start3A = arith.constant 0 : i32
            %dma_start3A_231 = tpu.memref_slice %arg10[%run_scoped3A, %dma_start3A] : memref<8x128xi32, #tpu.memory_space<vmem>> -> memref<1x128xi32, #tpu.memory_space<vmem>>
            %dma_start3A_232 = tpu.memref_squeeze %dma_start3A_231 : memref<1x128xi32, #tpu.memory_space<vmem>> -> memref<128xi32, #tpu.memory_space<vmem>>
            %dma_start3A_233 = arith.constant 0 : i32
            %dma_start3A_234 = arith.constant 0 : i32
            %dma_start3A_235 = tpu.memref_slice %arg12[%dma_start3A_233, %dma_start3A_234] : memref<10000x128xf32, #tpu.memory_space<vmem_shared>> -> memref<10000x128xf32, #tpu.memory_space<vmem_shared>>
            tpu.enqueue_indirect_dma source(%arg7 : memref<128x128xf32, #tpu.memory_space<vmem>>) target(%dma_start3A_235 : memref<10000x128xf32, #tpu.memory_space<vmem_shared>>) offsets(%dma_start3A_232 : memref<128xi32, #tpu.memory_space<vmem>>) semaphore(%run_scoped3A_230 : memref<!tpu.dma_semaphore, #tpu.memory_space<semaphore_mem>>) {add = true}
            %dma_wait3A_236 = arith.constant 0 : i32
            %dma_wait3A_237 = tpu.memref_slice %arg10[%run_scoped3A, %dma_wait3A_236] : memref<8x128xi32, #tpu.memory_space<vmem>> -> memref<1x128xi32, #tpu.memory_space<vmem>>
            %dma_wait3A_238 = tpu.memref_squeeze %dma_wait3A_237 : memref<1x128xi32, #tpu.memory_space<vmem>> -> memref<128xi32, #tpu.memory_space<vmem>>
            %dma_wait3A_239 = arith.constant 0 : i32
            %dma_wait3A_240 = arith.constant 0 : i32
            %dma_wait3A_241 = tpu.memref_slice %arg12[%dma_wait3A_239, %dma_wait3A_240] : memref<10000x128xf32, #tpu.memory_space<vmem_shared>> -> memref<10000x128xf32, #tpu.memory_space<vmem_shared>>
            tpu.wait_indirect_dma semaphore(%run_scoped3A_230 : memref<!tpu.dma_semaphore, #tpu.memory_space<semaphore_mem>>) src(%arg7 : memref<128x128xf32, #tpu.memory_space<vmem>>) dst(%dma_wait3A_241 : memref<10000x128xf32, #tpu.memory_space<vmem_shared>>)
            tpu.yield
          }) : () -> ()
        } else {
        }
      } else {
      }
      %lt3A_65 = arith.constant 313 : i32
      %lt3A_66 = arith.cmpi slt, %add3A_54, %lt3A_65 : i32
      %convert_element_type3A_67 = arith.extui %lt3A_66 : i1 to i32
      %cond3A_68 = arith.constant 0 : i32
      %cond3A_69 = arith.cmpi ne, %convert_element_type3A_67, %cond3A_68 : i32
      scf.if %cond3A_69 {
        %mul3A_75 = arith.constant 8 : i32
        %mul3A_76 = arith.muli %add3A_54, %mul3A_75 : i32
        %dma_start3A = arith.constant 0 : i32
        %dma_start3A_77 = tpu.memref_slice %arg3[%mul3A_76, %dma_start3A] : memref<2500x128xi32, #tpu.memory_space<hbm>> -> memref<8x128xi32, #tpu.memory_space<hbm>>
        %dma_start3A_78 = arith.constant 0 : i32
        %dma_start3A_79 = tpu.memref_slice %arg3[%mul3A_76, %dma_start3A_78] : memref<2500x128xi32, #tpu.memory_space<hbm>> -> memref<8x128xi32, #tpu.memory_space<hbm>>
        tpu.enqueue_dma source(%dma_start3A_79 : memref<8x128xi32, #tpu.memory_space<hbm>>) target(%arg8 : memref<8x128xi32, #tpu.memory_space<vmem>>) target_semaphore(%arg15 : memref<!tpu.dma_semaphore, #tpu.memory_space<semaphore_mem>>)
        %mul3A_80 = arith.constant 8 : i32
        %mul3A_81 = arith.muli %add3A_54, %mul3A_80 : i32
        %dma_start3A_82 = arith.constant 0 : i32
        %dma_start3A_83 = tpu.memref_slice %arg4[%mul3A_81, %dma_start3A_82] : memref<2500x128xi32, #tpu.memory_space<hbm>> -> memref<8x128xi32, #tpu.memory_space<hbm>>
        %dma_start3A_84 = arith.constant 0 : i32
        %dma_start3A_85 = tpu.memref_slice %arg4[%mul3A_81, %dma_start3A_84] : memref<2500x128xi32, #tpu.memory_space<hbm>> -> memref<8x128xi32, #tpu.memory_space<hbm>>
        tpu.enqueue_dma source(%dma_start3A_85 : memref<8x128xi32, #tpu.memory_space<hbm>>) target(%arg10 : memref<8x128xi32, #tpu.memory_space<vmem>>) target_semaphore(%arg15 : memref<!tpu.dma_semaphore, #tpu.memory_space<semaphore_mem>>)
      } else {
      }
      %lt3A_70 = arith.constant 313 : i32
      %lt3A_71 = arith.cmpi slt, %add3A_49, %lt3A_70 : i32
      %convert_element_type3A_72 = arith.extui %lt3A_71 : i1 to i32
      %cond3A_73 = arith.constant 0 : i32
      %cond3A_74 = arith.cmpi ne, %convert_element_type3A_72, %cond3A_73 : i32
      scf.if %cond3A_74 {
        %mul3A_75 = arith.constant 8 : i32
        %mul3A_76 = arith.muli %add3A_49, %mul3A_75 : i32
        %add3A_77 = arith.constant 1 : i32
        %add3A_78 = arith.addi %mul3A_76, %add3A_77 : i32
        %lt3A_79 = arith.constant 2500 : i32
        %lt3A_80 = arith.cmpi slt, %add3A_78, %lt3A_79 : i32
        %convert_element_type3A_81 = arith.extui %lt3A_80 : i1 to i32
        %cond3A_82 = arith.constant 0 : i32
        %cond3A_83 = arith.cmpi ne, %convert_element_type3A_81, %cond3A_82 : i32
        scf.if %cond3A_83 {
          %dma_start3A = arith.constant 1 : i32
          %dma_start3A_224 = arith.constant 0 : i32
          %dma_start3A_225 = tpu.memref_slice %arg9[%dma_start3A, %dma_start3A_224] : memref<8x128xi32, #tpu.memory_space<vmem>> -> memref<1x128xi32, #tpu.memory_space<vmem>>
          %dma_start3A_226 = tpu.memref_squeeze %dma_start3A_225 : memref<1x128xi32, #tpu.memory_space<vmem>> -> memref<128xi32, #tpu.memory_space<vmem>>
          %dma_start3A_227 = arith.constant 0 : i32
          %dma_start3A_228 = arith.constant 0 : i32
          %dma_start3A_229 = tpu.memref_slice %arg2[%dma_start3A_227, %dma_start3A_228] : memref<10000x128xf32, #tpu.memory_space<hbm>> -> memref<10000x128xf32, #tpu.memory_space<hbm>>
          tpu.enqueue_indirect_dma source(%dma_start3A_229 : memref<10000x128xf32, #tpu.memory_space<hbm>>) target(%arg7 : memref<128x128xf32, #tpu.memory_space<vmem>>) offsets(%dma_start3A_226 : memref<128xi32, #tpu.memory_space<vmem>>) semaphore(%arg14 : memref<!tpu.dma_semaphore, #tpu.memory_space<semaphore_mem>>)
        } else {
        }
        %mul3A_84 = arith.constant 8 : i32
        %mul3A_85 = arith.muli %add3A_49, %mul3A_84 : i32
        %add3A_86 = arith.constant 0 : i32
        %add3A_87 = arith.addi %mul3A_85, %add3A_86 : i32
        %lt3A_88 = arith.constant 2500 : i32
        %lt3A_89 = arith.cmpi slt, %add3A_87, %lt3A_88 : i32
        %convert_element_type3A_90 = arith.extui %lt3A_89 : i1 to i32
        %cond3A_91 = arith.constant 0 : i32
        %cond3A_92 = arith.cmpi ne, %convert_element_type3A_90, %cond3A_91 : i32
        scf.if %cond3A_92 {
          %dma_wait3A = arith.constant 0 : i32
          %dma_wait3A_224 = arith.constant 0 : i32
          %dma_wait3A_225 = tpu.memref_slice %arg9[%dma_wait3A, %dma_wait3A_224] : memref<8x128xi32, #tpu.memory_space<vmem>> -> memref<1x128xi32, #tpu.memory_space<vmem>>
          %dma_wait3A_226 = tpu.memref_squeeze %dma_wait3A_225 : memref<1x128xi32, #tpu.memory_space<vmem>> -> memref<128xi32, #tpu.memory_space<vmem>>
          %dma_wait3A_227 = arith.constant 0 : i32
          %dma_wait3A_228 = arith.constant 0 : i32
          %dma_wait3A_229 = tpu.memref_slice %arg2[%dma_wait3A_227, %dma_wait3A_228] : memref<10000x128xf32, #tpu.memory_space<hbm>> -> memref<10000x128xf32, #tpu.memory_space<hbm>>
          tpu.wait_indirect_dma semaphore(%arg13 : memref<!tpu.dma_semaphore, #tpu.memory_space<semaphore_mem>>) src(%dma_wait3A_229 : memref<10000x128xf32, #tpu.memory_space<hbm>>) dst(%arg6 : memref<128x128xf32, #tpu.memory_space<vmem>>)
          %run_scoped3A = arith.constant 0 : i32
          "tpu.region"() ({
            %run_scoped3A_230 = tpu.sem_alloc : memref<!tpu.dma_semaphore, #tpu.memory_space<semaphore_mem>>
            %dma_start3A = arith.constant 0 : i32
            %dma_start3A_231 = tpu.memref_slice %arg11[%run_scoped3A, %dma_start3A] : memref<8x128xi32, #tpu.memory_space<vmem>> -> memref<1x128xi32, #tpu.memory_space<vmem>>
            %dma_start3A_232 = tpu.memref_squeeze %dma_start3A_231 : memref<1x128xi32, #tpu.memory_space<vmem>> -> memref<128xi32, #tpu.memory_space<vmem>>
            %dma_start3A_233 = arith.constant 0 : i32
            %dma_start3A_234 = arith.constant 0 : i32
            %dma_start3A_235 = tpu.memref_slice %arg12[%dma_start3A_233, %dma_start3A_234] : memref<10000x128xf32, #tpu.memory_space<vmem_shared>> -> memref<10000x128xf32, #tpu.memory_space<vmem_shared>>
            tpu.enqueue_indirect_dma source(%arg6 : memref<128x128xf32, #tpu.memory_space<vmem>>) target(%dma_start3A_235 : memref<10000x128xf32, #tpu.memory_space<vmem_shared>>) offsets(%dma_start3A_232 : memref<128xi32, #tpu.memory_space<vmem>>) semaphore(%run_scoped3A_230 : memref<!tpu.dma_semaphore, #tpu.memory_space<semaphore_mem>>) {add = true}
            %dma_wait3A_236 = arith.constant 0 : i32
            %dma_wait3A_237 = tpu.memref_slice %arg11[%run_scoped3A, %dma_wait3A_236] : memref<8x128xi32, #tpu.memory_space<vmem>> -> memref<1x128xi32, #tpu.memory_space<vmem>>
            %dma_wait3A_238 = tpu.memref_squeeze %dma_wait3A_237 : memref<1x128xi32, #tpu.memory_space<vmem>> -> memref<128xi32, #tpu.memory_space<vmem>>
            %dma_wait3A_239 = arith.constant 0 : i32
            %dma_wait3A_240 = arith.constant 0 : i32
            %dma_wait3A_241 = tpu.memref_slice %arg12[%dma_wait3A_239, %dma_wait3A_240] : memref<10000x128xf32, #tpu.memory_space<vmem_shared>> -> memref<10000x128xf32, #tpu.memory_space<vmem_shared>>
            tpu.wait_indirect_dma semaphore(%run_scoped3A_230 : memref<!tpu.dma_semaphore, #tpu.memory_space<semaphore_mem>>) src(%arg6 : memref<128x128xf32, #tpu.memory_space<vmem>>) dst(%dma_wait3A_241 : memref<10000x128xf32, #tpu.memory_space<vmem_shared>>)
            tpu.yield
          }) : () -> ()
        } else {
        }
        %mul3A_93 = arith.constant 8 : i32
        %mul3A_94 = arith.muli %add3A_49, %mul3A_93 : i32
        %add3A_95 = arith.constant 2 : i32
        %add3A_96 = arith.addi %mul3A_94, %add3A_95 : i32
        %lt3A_97 = arith.constant 2500 : i32
        %lt3A_98 = arith.cmpi slt, %add3A_96, %lt3A_97 : i32
        %convert_element_type3A_99 = arith.extui %lt3A_98 : i1 to i32
        %cond3A_100 = arith.constant 0 : i32
        %cond3A_101 = arith.cmpi ne, %convert_element_type3A_99, %cond3A_100 : i32
        scf.if %cond3A_101 {
          %dma_start3A = arith.constant 2 : i32
          %dma_start3A_224 = arith.constant 0 : i32
          %dma_start3A_225 = tpu.memref_slice %arg9[%dma_start3A, %dma_start3A_224] : memref<8x128xi32, #tpu.memory_space<vmem>> -> memref<1x128xi32, #tpu.memory_space<vmem>>
          %dma_start3A_226 = tpu.memref_squeeze %dma_start3A_225 : memref<1x128xi32, #tpu.memory_space<vmem>> -> memref<128xi32, #tpu.memory_space<vmem>>
          %dma_start3A_227 = arith.constant 0 : i32
          %dma_start3A_228 = arith.constant 0 : i32
          %dma_start3A_229 = tpu.memref_slice %arg2[%dma_start3A_227, %dma_start3A_228] : memref<10000x128xf32, #tpu.memory_space<hbm>> -> memref<10000x128xf32, #tpu.memory_space<hbm>>
          tpu.enqueue_indirect_dma source(%dma_start3A_229 : memref<10000x128xf32, #tpu.memory_space<hbm>>) target(%arg6 : memref<128x128xf32, #tpu.memory_space<vmem>>) offsets(%dma_start3A_226 : memref<128xi32, #tpu.memory_space<vmem>>) semaphore(%arg13 : memref<!tpu.dma_semaphore, #tpu.memory_space<semaphore_mem>>)
        } else {
        }
        %mul3A_102 = arith.constant 8 : i32
        %mul3A_103 = arith.muli %add3A_49, %mul3A_102 : i32
        %add3A_104 = arith.constant 1 : i32
        %add3A_105 = arith.addi %mul3A_103, %add3A_104 : i32
        %lt3A_106 = arith.constant 2500 : i32
        %lt3A_107 = arith.cmpi slt, %add3A_105, %lt3A_106 : i32
        %convert_element_type3A_108 = arith.extui %lt3A_107 : i1 to i32
        %cond3A_109 = arith.constant 0 : i32
        %cond3A_110 = arith.cmpi ne, %convert_element_type3A_108, %cond3A_109 : i32
        scf.if %cond3A_110 {
          %dma_wait3A = arith.constant 1 : i32
          %dma_wait3A_224 = arith.constant 0 : i32
          %dma_wait3A_225 = tpu.memref_slice %arg9[%dma_wait3A, %dma_wait3A_224] : memref<8x128xi32, #tpu.memory_space<vmem>> -> memref<1x128xi32, #tpu.memory_space<vmem>>
          %dma_wait3A_226 = tpu.memref_squeeze %dma_wait3A_225 : memref<1x128xi32, #tpu.memory_space<vmem>> -> memref<128xi32, #tpu.memory_space<vmem>>
          %dma_wait3A_227 = arith.constant 0 : i32
          %dma_wait3A_228 = arith.constant 0 : i32
          %dma_wait3A_229 = tpu.memref_slice %arg2[%dma_wait3A_227, %dma_wait3A_228] : memref<10000x128xf32, #tpu.memory_space<hbm>> -> memref<10000x128xf32, #tpu.memory_space<hbm>>
          tpu.wait_indirect_dma semaphore(%arg14 : memref<!tpu.dma_semaphore, #tpu.memory_space<semaphore_mem>>) src(%dma_wait3A_229 : memref<10000x128xf32, #tpu.memory_space<hbm>>) dst(%arg7 : memref<128x128xf32, #tpu.memory_space<vmem>>)
          %run_scoped3A = arith.constant 1 : i32
          "tpu.region"() ({
            %run_scoped3A_230 = tpu.sem_alloc : memref<!tpu.dma_semaphore, #tpu.memory_space<semaphore_mem>>
            %dma_start3A = arith.constant 0 : i32
            %dma_start3A_231 = tpu.memref_slice %arg11[%run_scoped3A, %dma_start3A] : memref<8x128xi32, #tpu.memory_space<vmem>> -> memref<1x128xi32, #tpu.memory_space<vmem>>
            %dma_start3A_232 = tpu.memref_squeeze %dma_start3A_231 : memref<1x128xi32, #tpu.memory_space<vmem>> -> memref<128xi32, #tpu.memory_space<vmem>>
            %dma_start3A_233 = arith.constant 0 : i32
            %dma_start3A_234 = arith.constant 0 : i32
            %dma_start3A_235 = tpu.memref_slice %arg12[%dma_start3A_233, %dma_start3A_234] : memref<10000x128xf32, #tpu.memory_space<vmem_shared>> -> memref<10000x128xf32, #tpu.memory_space<vmem_shared>>
            tpu.enqueue_indirect_dma source(%arg7 : memref<128x128xf32, #tpu.memory_space<vmem>>) target(%dma_start3A_235 : memref<10000x128xf32, #tpu.memory_space<vmem_shared>>) offsets(%dma_start3A_232 : memref<128xi32, #tpu.memory_space<vmem>>) semaphore(%run_scoped3A_230 : memref<!tpu.dma_semaphore, #tpu.memory_space<semaphore_mem>>) {add = true}
            %dma_wait3A_236 = arith.constant 0 : i32
            %dma_wait3A_237 = tpu.memref_slice %arg11[%run_scoped3A, %dma_wait3A_236] : memref<8x128xi32, #tpu.memory_space<vmem>> -> memref<1x128xi32, #tpu.memory_space<vmem>>
            %dma_wait3A_238 = tpu.memref_squeeze %dma_wait3A_237 : memref<1x128xi32, #tpu.memory_space<vmem>> -> memref<128xi32, #tpu.memory_space<vmem>>
            %dma_wait3A_239 = arith.constant 0 : i32
            %dma_wait3A_240 = arith.constant 0 : i32
            %dma_wait3A_241 = tpu.memref_slice %arg12[%dma_wait3A_239, %dma_wait3A_240] : memref<10000x128xf32, #tpu.memory_space<vmem_shared>> -> memref<10000x128xf32, #tpu.memory_space<vmem_shared>>
            tpu.wait_indirect_dma semaphore(%run_scoped3A_230 : memref<!tpu.dma_semaphore, #tpu.memory_space<semaphore_mem>>) src(%arg7 : memref<128x128xf32, #tpu.memory_space<vmem>>) dst(%dma_wait3A_241 : memref<10000x128xf32, #tpu.memory_space<vmem_shared>>)
            tpu.yield
          }) : () -> ()
        } else {
        }
        %mul3A_111 = arith.constant 8 : i32
        %mul3A_112 = arith.muli %add3A_49, %mul3A_111 : i32
        %add3A_113 = arith.constant 3 : i32
        %add3A_114 = arith.addi %mul3A_112, %add3A_113 : i32
        %lt3A_115 = arith.constant 2500 : i32
        %lt3A_116 = arith.cmpi slt, %add3A_114, %lt3A_115 : i32
        %convert_element_type3A_117 = arith.extui %lt3A_116 : i1 to i32
        %cond3A_118 = arith.constant 0 : i32
        %cond3A_119 = arith.cmpi ne, %convert_element_type3A_117, %cond3A_118 : i32
        scf.if %cond3A_119 {
          %dma_start3A = arith.constant 3 : i32
          %dma_start3A_224 = arith.constant 0 : i32
          %dma_start3A_225 = tpu.memref_slice %arg9[%dma_start3A, %dma_start3A_224] : memref<8x128xi32, #tpu.memory_space<vmem>> -> memref<1x128xi32, #tpu.memory_space<vmem>>
          %dma_start3A_226 = tpu.memref_squeeze %dma_start3A_225 : memref<1x128xi32, #tpu.memory_space<vmem>> -> memref<128xi32, #tpu.memory_space<vmem>>
          %dma_start3A_227 = arith.constant 0 : i32
          %dma_start3A_228 = arith.constant 0 : i32
          %dma_start3A_229 = tpu.memref_slice %arg2[%dma_start3A_227, %dma_start3A_228] : memref<10000x128xf32, #tpu.memory_space<hbm>> -> memref<10000x128xf32, #tpu.memory_space<hbm>>
          tpu.enqueue_indirect_dma source(%dma_start3A_229 : memref<10000x128xf32, #tpu.memory_space<hbm>>) target(%arg7 : memref<128x128xf32, #tpu.memory_space<vmem>>) offsets(%dma_start3A_226 : memref<128xi32, #tpu.memory_space<vmem>>) semaphore(%arg14 : memref<!tpu.dma_semaphore, #tpu.memory_space<semaphore_mem>>)
        } else {
        }
        %mul3A_120 = arith.constant 8 : i32
        %mul3A_121 = arith.muli %add3A_49, %mul3A_120 : i32
        %add3A_122 = arith.constant 2 : i32
        %add3A_123 = arith.addi %mul3A_121, %add3A_122 : i32
        %lt3A_124 = arith.constant 2500 : i32
        %lt3A_125 = arith.cmpi slt, %add3A_123, %lt3A_124 : i32
        %convert_element_type3A_126 = arith.extui %lt3A_125 : i1 to i32
        %cond3A_127 = arith.constant 0 : i32
        %cond3A_128 = arith.cmpi ne, %convert_element_type3A_126, %cond3A_127 : i32
        scf.if %cond3A_128 {
          %dma_wait3A = arith.constant 2 : i32
          %dma_wait3A_224 = arith.constant 0 : i32
          %dma_wait3A_225 = tpu.memref_slice %arg9[%dma_wait3A, %dma_wait3A_224] : memref<8x128xi32, #tpu.memory_space<vmem>> -> memref<1x128xi32, #tpu.memory_space<vmem>>
          %dma_wait3A_226 = tpu.memref_squeeze %dma_wait3A_225 : memref<1x128xi32, #tpu.memory_space<vmem>> -> memref<128xi32, #tpu.memory_space<vmem>>
          %dma_wait3A_227 = arith.constant 0 : i32
          %dma_wait3A_228 = arith.constant 0 : i32
          %dma_wait3A_229 = tpu.memref_slice %arg2[%dma_wait3A_227, %dma_wait3A_228] : memref<10000x128xf32, #tpu.memory_space<hbm>> -> memref<10000x128xf32, #tpu.memory_space<hbm>>
          tpu.wait_indirect_dma semaphore(%arg13 : memref<!tpu.dma_semaphore, #tpu.memory_space<semaphore_mem>>) src(%dma_wait3A_229 : memref<10000x128xf32, #tpu.memory_space<hbm>>) dst(%arg6 : memref<128x128xf32, #tpu.memory_space<vmem>>)
          %run_scoped3A = arith.constant 2 : i32
          "tpu.region"() ({
            %run_scoped3A_230 = tpu.sem_alloc : memref<!tpu.dma_semaphore, #tpu.memory_space<semaphore_mem>>
            %dma_start3A = arith.constant 0 : i32
            %dma_start3A_231 = tpu.memref_slice %arg11[%run_scoped3A, %dma_start3A] : memref<8x128xi32, #tpu.memory_space<vmem>> -> memref<1x128xi32, #tpu.memory_space<vmem>>
            %dma_start3A_232 = tpu.memref_squeeze %dma_start3A_231 : memref<1x128xi32, #tpu.memory_space<vmem>> -> memref<128xi32, #tpu.memory_space<vmem>>
            %dma_start3A_233 = arith.constant 0 : i32
            %dma_start3A_234 = arith.constant 0 : i32
            %dma_start3A_235 = tpu.memref_slice %arg12[%dma_start3A_233, %dma_start3A_234] : memref<10000x128xf32, #tpu.memory_space<vmem_shared>> -> memref<10000x128xf32, #tpu.memory_space<vmem_shared>>
            tpu.enqueue_indirect_dma source(%arg6 : memref<128x128xf32, #tpu.memory_space<vmem>>) target(%dma_start3A_235 : memref<10000x128xf32, #tpu.memory_space<vmem_shared>>) offsets(%dma_start3A_232 : memref<128xi32, #tpu.memory_space<vmem>>) semaphore(%run_scoped3A_230 : memref<!tpu.dma_semaphore, #tpu.memory_space<semaphore_mem>>) {add = true}
            %dma_wait3A_236 = arith.constant 0 : i32
            %dma_wait3A_237 = tpu.memref_slice %arg11[%run_scoped3A, %dma_wait3A_236] : memref<8x128xi32, #tpu.memory_space<vmem>> -> memref<1x128xi32, #tpu.memory_space<vmem>>
            %dma_wait3A_238 = tpu.memref_squeeze %dma_wait3A_237 : memref<1x128xi32, #tpu.memory_space<vmem>> -> memref<128xi32, #tpu.memory_space<vmem>>
            %dma_wait3A_239 = arith.constant 0 : i32
            %dma_wait3A_240 = arith.constant 0 : i32
            %dma_wait3A_241 = tpu.memref_slice %arg12[%dma_wait3A_239, %dma_wait3A_240] : memref<10000x128xf32, #tpu.memory_space<vmem_shared>> -> memref<10000x128xf32, #tpu.memory_space<vmem_shared>>
            tpu.wait_indirect_dma semaphore(%run_scoped3A_230 : memref<!tpu.dma_semaphore, #tpu.memory_space<semaphore_mem>>) src(%arg6 : memref<128x128xf32, #tpu.memory_space<vmem>>) dst(%dma_wait3A_241 : memref<10000x128xf32, #tpu.memory_space<vmem_shared>>)
            tpu.yield
          }) : () -> ()
        } else {
        }
        %mul3A_129 = arith.constant 8 : i32
        %mul3A_130 = arith.muli %add3A_49, %mul3A_129 : i32
        %add3A_131 = arith.constant 4 : i32
        %add3A_132 = arith.addi %mul3A_130, %add3A_131 : i32
        %lt3A_133 = arith.constant 2500 : i32
        %lt3A_134 = arith.cmpi slt, %add3A_132, %lt3A_133 : i32
        %convert_element_type3A_135 = arith.extui %lt3A_134 : i1 to i32
        %cond3A_136 = arith.constant 0 : i32
        %cond3A_137 = arith.cmpi ne, %convert_element_type3A_135, %cond3A_136 : i32
        scf.if %cond3A_137 {
          %dma_start3A = arith.constant 4 : i32
          %dma_start3A_224 = arith.constant 0 : i32
          %dma_start3A_225 = tpu.memref_slice %arg9[%dma_start3A, %dma_start3A_224] : memref<8x128xi32, #tpu.memory_space<vmem>> -> memref<1x128xi32, #tpu.memory_space<vmem>>
          %dma_start3A_226 = tpu.memref_squeeze %dma_start3A_225 : memref<1x128xi32, #tpu.memory_space<vmem>> -> memref<128xi32, #tpu.memory_space<vmem>>
          %dma_start3A_227 = arith.constant 0 : i32
          %dma_start3A_228 = arith.constant 0 : i32
          %dma_start3A_229 = tpu.memref_slice %arg2[%dma_start3A_227, %dma_start3A_228] : memref<10000x128xf32, #tpu.memory_space<hbm>> -> memref<10000x128xf32, #tpu.memory_space<hbm>>
          tpu.enqueue_indirect_dma source(%dma_start3A_229 : memref<10000x128xf32, #tpu.memory_space<hbm>>) target(%arg6 : memref<128x128xf32, #tpu.memory_space<vmem>>) offsets(%dma_start3A_226 : memref<128xi32, #tpu.memory_space<vmem>>) semaphore(%arg13 : memref<!tpu.dma_semaphore, #tpu.memory_space<semaphore_mem>>)
        } else {
        }
        %mul3A_138 = arith.constant 8 : i32
        %mul3A_139 = arith.muli %add3A_49, %mul3A_138 : i32
        %add3A_140 = arith.constant 3 : i32
        %add3A_141 = arith.addi %mul3A_139, %add3A_140 : i32
        %lt3A_142 = arith.constant 2500 : i32
        %lt3A_143 = arith.cmpi slt, %add3A_141, %lt3A_142 : i32
        %convert_element_type3A_144 = arith.extui %lt3A_143 : i1 to i32
        %cond3A_145 = arith.constant 0 : i32
        %cond3A_146 = arith.cmpi ne, %convert_element_type3A_144, %cond3A_145 : i32
        scf.if %cond3A_146 {
          %dma_wait3A = arith.constant 3 : i32
          %dma_wait3A_224 = arith.constant 0 : i32
          %dma_wait3A_225 = tpu.memref_slice %arg9[%dma_wait3A, %dma_wait3A_224] : memref<8x128xi32, #tpu.memory_space<vmem>> -> memref<1x128xi32, #tpu.memory_space<vmem>>
          %dma_wait3A_226 = tpu.memref_squeeze %dma_wait3A_225 : memref<1x128xi32, #tpu.memory_space<vmem>> -> memref<128xi32, #tpu.memory_space<vmem>>
          %dma_wait3A_227 = arith.constant 0 : i32
          %dma_wait3A_228 = arith.constant 0 : i32
          %dma_wait3A_229 = tpu.memref_slice %arg2[%dma_wait3A_227, %dma_wait3A_228] : memref<10000x128xf32, #tpu.memory_space<hbm>> -> memref<10000x128xf32, #tpu.memory_space<hbm>>
          tpu.wait_indirect_dma semaphore(%arg14 : memref<!tpu.dma_semaphore, #tpu.memory_space<semaphore_mem>>) src(%dma_wait3A_229 : memref<10000x128xf32, #tpu.memory_space<hbm>>) dst(%arg7 : memref<128x128xf32, #tpu.memory_space<vmem>>)
          %run_scoped3A = arith.constant 3 : i32
          "tpu.region"() ({
            %run_scoped3A_230 = tpu.sem_alloc : memref<!tpu.dma_semaphore, #tpu.memory_space<semaphore_mem>>
            %dma_start3A = arith.constant 0 : i32
            %dma_start3A_231 = tpu.memref_slice %arg11[%run_scoped3A, %dma_start3A] : memref<8x128xi32, #tpu.memory_space<vmem>> -> memref<1x128xi32, #tpu.memory_space<vmem>>
            %dma_start3A_232 = tpu.memref_squeeze %dma_start3A_231 : memref<1x128xi32, #tpu.memory_space<vmem>> -> memref<128xi32, #tpu.memory_space<vmem>>
            %dma_start3A_233 = arith.constant 0 : i32
            %dma_start3A_234 = arith.constant 0 : i32
            %dma_start3A_235 = tpu.memref_slice %arg12[%dma_start3A_233, %dma_start3A_234] : memref<10000x128xf32, #tpu.memory_space<vmem_shared>> -> memref<10000x128xf32, #tpu.memory_space<vmem_shared>>
            tpu.enqueue_indirect_dma source(%arg7 : memref<128x128xf32, #tpu.memory_space<vmem>>) target(%dma_start3A_235 : memref<10000x128xf32, #tpu.memory_space<vmem_shared>>) offsets(%dma_start3A_232 : memref<128xi32, #tpu.memory_space<vmem>>) semaphore(%run_scoped3A_230 : memref<!tpu.dma_semaphore, #tpu.memory_space<semaphore_mem>>) {add = true}
            %dma_wait3A_236 = arith.constant 0 : i32
            %dma_wait3A_237 = tpu.memref_slice %arg11[%run_scoped3A, %dma_wait3A_236] : memref<8x128xi32, #tpu.memory_space<vmem>> -> memref<1x128xi32, #tpu.memory_space<vmem>>
            %dma_wait3A_238 = tpu.memref_squeeze %dma_wait3A_237 : memref<1x128xi32, #tpu.memory_space<vmem>> -> memref<128xi32, #tpu.memory_space<vmem>>
            %dma_wait3A_239 = arith.constant 0 : i32
            %dma_wait3A_240 = arith.constant 0 : i32
            %dma_wait3A_241 = tpu.memref_slice %arg12[%dma_wait3A_239, %dma_wait3A_240] : memref<10000x128xf32, #tpu.memory_space<vmem_shared>> -> memref<10000x128xf32, #tpu.memory_space<vmem_shared>>
            tpu.wait_indirect_dma semaphore(%run_scoped3A_230 : memref<!tpu.dma_semaphore, #tpu.memory_space<semaphore_mem>>) src(%arg7 : memref<128x128xf32, #tpu.memory_space<vmem>>) dst(%dma_wait3A_241 : memref<10000x128xf32, #tpu.memory_space<vmem_shared>>)
            tpu.yield
          }) : () -> ()
        } else {
        }
        %mul3A_147 = arith.constant 8 : i32
        %mul3A_148 = arith.muli %add3A_49, %mul3A_147 : i32
        %add3A_149 = arith.constant 5 : i32
        %add3A_150 = arith.addi %mul3A_148, %add3A_149 : i32
        %lt3A_151 = arith.constant 2500 : i32
        %lt3A_152 = arith.cmpi slt, %add3A_150, %lt3A_151 : i32
        %convert_element_type3A_153 = arith.extui %lt3A_152 : i1 to i32
        %cond3A_154 = arith.constant 0 : i32
        %cond3A_155 = arith.cmpi ne, %convert_element_type3A_153, %cond3A_154 : i32
        scf.if %cond3A_155 {
          %dma_start3A = arith.constant 5 : i32
          %dma_start3A_224 = arith.constant 0 : i32
          %dma_start3A_225 = tpu.memref_slice %arg9[%dma_start3A, %dma_start3A_224] : memref<8x128xi32, #tpu.memory_space<vmem>> -> memref<1x128xi32, #tpu.memory_space<vmem>>
          %dma_start3A_226 = tpu.memref_squeeze %dma_start3A_225 : memref<1x128xi32, #tpu.memory_space<vmem>> -> memref<128xi32, #tpu.memory_space<vmem>>
          %dma_start3A_227 = arith.constant 0 : i32
          %dma_start3A_228 = arith.constant 0 : i32
          %dma_start3A_229 = tpu.memref_slice %arg2[%dma_start3A_227, %dma_start3A_228] : memref<10000x128xf32, #tpu.memory_space<hbm>> -> memref<10000x128xf32, #tpu.memory_space<hbm>>
          tpu.enqueue_indirect_dma source(%dma_start3A_229 : memref<10000x128xf32, #tpu.memory_space<hbm>>) target(%arg7 : memref<128x128xf32, #tpu.memory_space<vmem>>) offsets(%dma_start3A_226 : memref<128xi32, #tpu.memory_space<vmem>>) semaphore(%arg14 : memref<!tpu.dma_semaphore, #tpu.memory_space<semaphore_mem>>)
        } else {
        }
        %mul3A_156 = arith.constant 8 : i32
        %mul3A_157 = arith.muli %add3A_49, %mul3A_156 : i32
        %add3A_158 = arith.constant 4 : i32
        %add3A_159 = arith.addi %mul3A_157, %add3A_158 : i32
        %lt3A_160 = arith.constant 2500 : i32
        %lt3A_161 = arith.cmpi slt, %add3A_159, %lt3A_160 : i32
        %convert_element_type3A_162 = arith.extui %lt3A_161 : i1 to i32
        %cond3A_163 = arith.constant 0 : i32
        %cond3A_164 = arith.cmpi ne, %convert_element_type3A_162, %cond3A_163 : i32
        scf.if %cond3A_164 {
          %dma_wait3A = arith.constant 4 : i32
          %dma_wait3A_224 = arith.constant 0 : i32
          %dma_wait3A_225 = tpu.memref_slice %arg9[%dma_wait3A, %dma_wait3A_224] : memref<8x128xi32, #tpu.memory_space<vmem>> -> memref<1x128xi32, #tpu.memory_space<vmem>>
          %dma_wait3A_226 = tpu.memref_squeeze %dma_wait3A_225 : memref<1x128xi32, #tpu.memory_space<vmem>> -> memref<128xi32, #tpu.memory_space<vmem>>
          %dma_wait3A_227 = arith.constant 0 : i32
          %dma_wait3A_228 = arith.constant 0 : i32
          %dma_wait3A_229 = tpu.memref_slice %arg2[%dma_wait3A_227, %dma_wait3A_228] : memref<10000x128xf32, #tpu.memory_space<hbm>> -> memref<10000x128xf32, #tpu.memory_space<hbm>>
          tpu.wait_indirect_dma semaphore(%arg13 : memref<!tpu.dma_semaphore, #tpu.memory_space<semaphore_mem>>) src(%dma_wait3A_229 : memref<10000x128xf32, #tpu.memory_space<hbm>>) dst(%arg6 : memref<128x128xf32, #tpu.memory_space<vmem>>)
          %run_scoped3A = arith.constant 4 : i32
          "tpu.region"() ({
            %run_scoped3A_230 = tpu.sem_alloc : memref<!tpu.dma_semaphore, #tpu.memory_space<semaphore_mem>>
            %dma_start3A = arith.constant 0 : i32
            %dma_start3A_231 = tpu.memref_slice %arg11[%run_scoped3A, %dma_start3A] : memref<8x128xi32, #tpu.memory_space<vmem>> -> memref<1x128xi32, #tpu.memory_space<vmem>>
            %dma_start3A_232 = tpu.memref_squeeze %dma_start3A_231 : memref<1x128xi32, #tpu.memory_space<vmem>> -> memref<128xi32, #tpu.memory_space<vmem>>
            %dma_start3A_233 = arith.constant 0 : i32
            %dma_start3A_234 = arith.constant 0 : i32
            %dma_start3A_235 = tpu.memref_slice %arg12[%dma_start3A_233, %dma_start3A_234] : memref<10000x128xf32, #tpu.memory_space<vmem_shared>> -> memref<10000x128xf32, #tpu.memory_space<vmem_shared>>
            tpu.enqueue_indirect_dma source(%arg6 : memref<128x128xf32, #tpu.memory_space<vmem>>) target(%dma_start3A_235 : memref<10000x128xf32, #tpu.memory_space<vmem_shared>>) offsets(%dma_start3A_232 : memref<128xi32, #tpu.memory_space<vmem>>) semaphore(%run_scoped3A_230 : memref<!tpu.dma_semaphore, #tpu.memory_space<semaphore_mem>>) {add = true}
            %dma_wait3A_236 = arith.constant 0 : i32
            %dma_wait3A_237 = tpu.memref_slice %arg11[%run_scoped3A, %dma_wait3A_236] : memref<8x128xi32, #tpu.memory_space<vmem>> -> memref<1x128xi32, #tpu.memory_space<vmem>>
            %dma_wait3A_238 = tpu.memref_squeeze %dma_wait3A_237 : memref<1x128xi32, #tpu.memory_space<vmem>> -> memref<128xi32, #tpu.memory_space<vmem>>
            %dma_wait3A_239 = arith.constant 0 : i32
            %dma_wait3A_240 = arith.constant 0 : i32
            %dma_wait3A_241 = tpu.memref_slice %arg12[%dma_wait3A_239, %dma_wait3A_240] : memref<10000x128xf32, #tpu.memory_space<vmem_shared>> -> memref<10000x128xf32, #tpu.memory_space<vmem_shared>>
            tpu.wait_indirect_dma semaphore(%run_scoped3A_230 : memref<!tpu.dma_semaphore, #tpu.memory_space<semaphore_mem>>) src(%arg6 : memref<128x128xf32, #tpu.memory_space<vmem>>) dst(%dma_wait3A_241 : memref<10000x128xf32, #tpu.memory_space<vmem_shared>>)
            tpu.yield
          }) : () -> ()
        } else {
        }
        %mul3A_165 = arith.constant 8 : i32
        %mul3A_166 = arith.muli %add3A_49, %mul3A_165 : i32
        %add3A_167 = arith.constant 6 : i32
        %add3A_168 = arith.addi %mul3A_166, %add3A_167 : i32
        %lt3A_169 = arith.constant 2500 : i32
        %lt3A_170 = arith.cmpi slt, %add3A_168, %lt3A_169 : i32
        %convert_element_type3A_171 = arith.extui %lt3A_170 : i1 to i32
        %cond3A_172 = arith.constant 0 : i32
        %cond3A_173 = arith.cmpi ne, %convert_element_type3A_171, %cond3A_172 : i32
        scf.if %cond3A_173 {
          %dma_start3A = arith.constant 6 : i32
          %dma_start3A_224 = arith.constant 0 : i32
          %dma_start3A_225 = tpu.memref_slice %arg9[%dma_start3A, %dma_start3A_224] : memref<8x128xi32, #tpu.memory_space<vmem>> -> memref<1x128xi32, #tpu.memory_space<vmem>>
          %dma_start3A_226 = tpu.memref_squeeze %dma_start3A_225 : memref<1x128xi32, #tpu.memory_space<vmem>> -> memref<128xi32, #tpu.memory_space<vmem>>
          %dma_start3A_227 = arith.constant 0 : i32
          %dma_start3A_228 = arith.constant 0 : i32
          %dma_start3A_229 = tpu.memref_slice %arg2[%dma_start3A_227, %dma_start3A_228] : memref<10000x128xf32, #tpu.memory_space<hbm>> -> memref<10000x128xf32, #tpu.memory_space<hbm>>
          tpu.enqueue_indirect_dma source(%dma_start3A_229 : memref<10000x128xf32, #tpu.memory_space<hbm>>) target(%arg6 : memref<128x128xf32, #tpu.memory_space<vmem>>) offsets(%dma_start3A_226 : memref<128xi32, #tpu.memory_space<vmem>>) semaphore(%arg13 : memref<!tpu.dma_semaphore, #tpu.memory_space<semaphore_mem>>)
        } else {
        }
        %mul3A_174 = arith.constant 8 : i32
        %mul3A_175 = arith.muli %add3A_49, %mul3A_174 : i32
        %add3A_176 = arith.constant 5 : i32
        %add3A_177 = arith.addi %mul3A_175, %add3A_176 : i32
        %lt3A_178 = arith.constant 2500 : i32
        %lt3A_179 = arith.cmpi slt, %add3A_177, %lt3A_178 : i32
        %convert_element_type3A_180 = arith.extui %lt3A_179 : i1 to i32
        %cond3A_181 = arith.constant 0 : i32
        %cond3A_182 = arith.cmpi ne, %convert_element_type3A_180, %cond3A_181 : i32
        scf.if %cond3A_182 {
          %dma_wait3A = arith.constant 5 : i32
          %dma_wait3A_224 = arith.constant 0 : i32
          %dma_wait3A_225 = tpu.memref_slice %arg9[%dma_wait3A, %dma_wait3A_224] : memref<8x128xi32, #tpu.memory_space<vmem>> -> memref<1x128xi32, #tpu.memory_space<vmem>>
          %dma_wait3A_226 = tpu.memref_squeeze %dma_wait3A_225 : memref<1x128xi32, #tpu.memory_space<vmem>> -> memref<128xi32, #tpu.memory_space<vmem>>
          %dma_wait3A_227 = arith.constant 0 : i32
          %dma_wait3A_228 = arith.constant 0 : i32
          %dma_wait3A_229 = tpu.memref_slice %arg2[%dma_wait3A_227, %dma_wait3A_228] : memref<10000x128xf32, #tpu.memory_space<hbm>> -> memref<10000x128xf32, #tpu.memory_space<hbm>>
          tpu.wait_indirect_dma semaphore(%arg14 : memref<!tpu.dma_semaphore, #tpu.memory_space<semaphore_mem>>) src(%dma_wait3A_229 : memref<10000x128xf32, #tpu.memory_space<hbm>>) dst(%arg7 : memref<128x128xf32, #tpu.memory_space<vmem>>)
          %run_scoped3A = arith.constant 5 : i32
          "tpu.region"() ({
            %run_scoped3A_230 = tpu.sem_alloc : memref<!tpu.dma_semaphore, #tpu.memory_space<semaphore_mem>>
            %dma_start3A = arith.constant 0 : i32
            %dma_start3A_231 = tpu.memref_slice %arg11[%run_scoped3A, %dma_start3A] : memref<8x128xi32, #tpu.memory_space<vmem>> -> memref<1x128xi32, #tpu.memory_space<vmem>>
            %dma_start3A_232 = tpu.memref_squeeze %dma_start3A_231 : memref<1x128xi32, #tpu.memory_space<vmem>> -> memref<128xi32, #tpu.memory_space<vmem>>
            %dma_start3A_233 = arith.constant 0 : i32
            %dma_start3A_234 = arith.constant 0 : i32
            %dma_start3A_235 = tpu.memref_slice %arg12[%dma_start3A_233, %dma_start3A_234] : memref<10000x128xf32, #tpu.memory_space<vmem_shared>> -> memref<10000x128xf32, #tpu.memory_space<vmem_shared>>
            tpu.enqueue_indirect_dma source(%arg7 : memref<128x128xf32, #tpu.memory_space<vmem>>) target(%dma_start3A_235 : memref<10000x128xf32, #tpu.memory_space<vmem_shared>>) offsets(%dma_start3A_232 : memref<128xi32, #tpu.memory_space<vmem>>) semaphore(%run_scoped3A_230 : memref<!tpu.dma_semaphore, #tpu.memory_space<semaphore_mem>>) {add = true}
            %dma_wait3A_236 = arith.constant 0 : i32
            %dma_wait3A_237 = tpu.memref_slice %arg11[%run_scoped3A, %dma_wait3A_236] : memref<8x128xi32, #tpu.memory_space<vmem>> -> memref<1x128xi32, #tpu.memory_space<vmem>>
            %dma_wait3A_238 = tpu.memref_squeeze %dma_wait3A_237 : memref<1x128xi32, #tpu.memory_space<vmem>> -> memref<128xi32, #tpu.memory_space<vmem>>
            %dma_wait3A_239 = arith.constant 0 : i32
            %dma_wait3A_240 = arith.constant 0 : i32
            %dma_wait3A_241 = tpu.memref_slice %arg12[%dma_wait3A_239, %dma_wait3A_240] : memref<10000x128xf32, #tpu.memory_space<vmem_shared>> -> memref<10000x128xf32, #tpu.memory_space<vmem_shared>>
            tpu.wait_indirect_dma semaphore(%run_scoped3A_230 : memref<!tpu.dma_semaphore, #tpu.memory_space<semaphore_mem>>) src(%arg7 : memref<128x128xf32, #tpu.memory_space<vmem>>) dst(%dma_wait3A_241 : memref<10000x128xf32, #tpu.memory_space<vmem_shared>>)
            tpu.yield
          }) : () -> ()
        } else {
        }
        %mul3A_183 = arith.constant 8 : i32
        %mul3A_184 = arith.muli %add3A_49, %mul3A_183 : i32
        %add3A_185 = arith.constant 7 : i32
        %add3A_186 = arith.addi %mul3A_184, %add3A_185 : i32
        %lt3A_187 = arith.constant 2500 : i32
        %lt3A_188 = arith.cmpi slt, %add3A_186, %lt3A_187 : i32
        %convert_element_type3A_189 = arith.extui %lt3A_188 : i1 to i32
        %cond3A_190 = arith.constant 0 : i32
        %cond3A_191 = arith.cmpi ne, %convert_element_type3A_189, %cond3A_190 : i32
        scf.if %cond3A_191 {
          %dma_start3A = arith.constant 7 : i32
          %dma_start3A_224 = arith.constant 0 : i32
          %dma_start3A_225 = tpu.memref_slice %arg9[%dma_start3A, %dma_start3A_224] : memref<8x128xi32, #tpu.memory_space<vmem>> -> memref<1x128xi32, #tpu.memory_space<vmem>>
          %dma_start3A_226 = tpu.memref_squeeze %dma_start3A_225 : memref<1x128xi32, #tpu.memory_space<vmem>> -> memref<128xi32, #tpu.memory_space<vmem>>
          %dma_start3A_227 = arith.constant 0 : i32
          %dma_start3A_228 = arith.constant 0 : i32
          %dma_start3A_229 = tpu.memref_slice %arg2[%dma_start3A_227, %dma_start3A_228] : memref<10000x128xf32, #tpu.memory_space<hbm>> -> memref<10000x128xf32, #tpu.memory_space<hbm>>
          tpu.enqueue_indirect_dma source(%dma_start3A_229 : memref<10000x128xf32, #tpu.memory_space<hbm>>) target(%arg7 : memref<128x128xf32, #tpu.memory_space<vmem>>) offsets(%dma_start3A_226 : memref<128xi32, #tpu.memory_space<vmem>>) semaphore(%arg14 : memref<!tpu.dma_semaphore, #tpu.memory_space<semaphore_mem>>)
        } else {
        }
        %mul3A_192 = arith.constant 8 : i32
        %mul3A_193 = arith.muli %add3A_49, %mul3A_192 : i32
        %add3A_194 = arith.constant 6 : i32
        %add3A_195 = arith.addi %mul3A_193, %add3A_194 : i32
        %lt3A_196 = arith.constant 2500 : i32
        %lt3A_197 = arith.cmpi slt, %add3A_195, %lt3A_196 : i32
        %convert_element_type3A_198 = arith.extui %lt3A_197 : i1 to i32
        %cond3A_199 = arith.constant 0 : i32
        %cond3A_200 = arith.cmpi ne, %convert_element_type3A_198, %cond3A_199 : i32
        scf.if %cond3A_200 {
          %dma_wait3A = arith.constant 6 : i32
          %dma_wait3A_224 = arith.constant 0 : i32
          %dma_wait3A_225 = tpu.memref_slice %arg9[%dma_wait3A, %dma_wait3A_224] : memref<8x128xi32, #tpu.memory_space<vmem>> -> memref<1x128xi32, #tpu.memory_space<vmem>>
          %dma_wait3A_226 = tpu.memref_squeeze %dma_wait3A_225 : memref<1x128xi32, #tpu.memory_space<vmem>> -> memref<128xi32, #tpu.memory_space<vmem>>
          %dma_wait3A_227 = arith.constant 0 : i32
          %dma_wait3A_228 = arith.constant 0 : i32
          %dma_wait3A_229 = tpu.memref_slice %arg2[%dma_wait3A_227, %dma_wait3A_228] : memref<10000x128xf32, #tpu.memory_space<hbm>> -> memref<10000x128xf32, #tpu.memory_space<hbm>>
          tpu.wait_indirect_dma semaphore(%arg13 : memref<!tpu.dma_semaphore, #tpu.memory_space<semaphore_mem>>) src(%dma_wait3A_229 : memref<10000x128xf32, #tpu.memory_space<hbm>>) dst(%arg6 : memref<128x128xf32, #tpu.memory_space<vmem>>)
          %run_scoped3A = arith.constant 6 : i32
          "tpu.region"() ({
            %run_scoped3A_230 = tpu.sem_alloc : memref<!tpu.dma_semaphore, #tpu.memory_space<semaphore_mem>>
            %dma_start3A = arith.constant 0 : i32
            %dma_start3A_231 = tpu.memref_slice %arg11[%run_scoped3A, %dma_start3A] : memref<8x128xi32, #tpu.memory_space<vmem>> -> memref<1x128xi32, #tpu.memory_space<vmem>>
            %dma_start3A_232 = tpu.memref_squeeze %dma_start3A_231 : memref<1x128xi32, #tpu.memory_space<vmem>> -> memref<128xi32, #tpu.memory_space<vmem>>
            %dma_start3A_233 = arith.constant 0 : i32
            %dma_start3A_234 = arith.constant 0 : i32
            %dma_start3A_235 = tpu.memref_slice %arg12[%dma_start3A_233, %dma_start3A_234] : memref<10000x128xf32, #tpu.memory_space<vmem_shared>> -> memref<10000x128xf32, #tpu.memory_space<vmem_shared>>
            tpu.enqueue_indirect_dma source(%arg6 : memref<128x128xf32, #tpu.memory_space<vmem>>) target(%dma_start3A_235 : memref<10000x128xf32, #tpu.memory_space<vmem_shared>>) offsets(%dma_start3A_232 : memref<128xi32, #tpu.memory_space<vmem>>) semaphore(%run_scoped3A_230 : memref<!tpu.dma_semaphore, #tpu.memory_space<semaphore_mem>>) {add = true}
            %dma_wait3A_236 = arith.constant 0 : i32
            %dma_wait3A_237 = tpu.memref_slice %arg11[%run_scoped3A, %dma_wait3A_236] : memref<8x128xi32, #tpu.memory_space<vmem>> -> memref<1x128xi32, #tpu.memory_space<vmem>>
            %dma_wait3A_238 = tpu.memref_squeeze %dma_wait3A_237 : memref<1x128xi32, #tpu.memory_space<vmem>> -> memref<128xi32, #tpu.memory_space<vmem>>
            %dma_wait3A_239 = arith.constant 0 : i32
            %dma_wait3A_240 = arith.constant 0 : i32
            %dma_wait3A_241 = tpu.memref_slice %arg12[%dma_wait3A_239, %dma_wait3A_240] : memref<10000x128xf32, #tpu.memory_space<vmem_shared>> -> memref<10000x128xf32, #tpu.memory_space<vmem_shared>>
            tpu.wait_indirect_dma semaphore(%run_scoped3A_230 : memref<!tpu.dma_semaphore, #tpu.memory_space<semaphore_mem>>) src(%arg6 : memref<128x128xf32, #tpu.memory_space<vmem>>) dst(%dma_wait3A_241 : memref<10000x128xf32, #tpu.memory_space<vmem_shared>>)
            tpu.yield
          }) : () -> ()
        } else {
        }
        %lt3A_201 = arith.constant 313 : i32
        %lt3A_202 = arith.cmpi slt, %add3A_54, %lt3A_201 : i32
        %convert_element_type3A_203 = arith.extui %lt3A_202 : i1 to i32
        %cond3A_204 = arith.constant 0 : i32
        %cond3A_205 = arith.cmpi ne, %convert_element_type3A_203, %cond3A_204 : i32
        scf.if %cond3A_205 {
          %mul3A_224 = arith.constant 8 : i32
          %mul3A_225 = arith.muli %add3A_54, %mul3A_224 : i32
          %dma_wait3A = arith.constant 0 : i32
          %dma_wait3A_226 = tpu.memref_slice %arg3[%mul3A_225, %dma_wait3A] : memref<2500x128xi32, #tpu.memory_space<hbm>> -> memref<8x128xi32, #tpu.memory_space<hbm>>
          %dma_wait3A_227 = arith.constant 0 : i32
          %dma_wait3A_228 = tpu.memref_slice %arg3[%mul3A_225, %dma_wait3A_227] : memref<2500x128xi32, #tpu.memory_space<hbm>> -> memref<8x128xi32, #tpu.memory_space<hbm>>
          tpu.wait_dma2 semaphore(%arg15 : memref<!tpu.dma_semaphore, #tpu.memory_space<semaphore_mem>>) src(%dma_wait3A_228 : memref<8x128xi32, #tpu.memory_space<hbm>>) dst(%arg8 : memref<8x128xi32, #tpu.memory_space<vmem>>)
          %mul3A_229 = arith.constant 8 : i32
          %mul3A_230 = arith.muli %add3A_54, %mul3A_229 : i32
          %dma_wait3A_231 = arith.constant 0 : i32
          %dma_wait3A_232 = tpu.memref_slice %arg4[%mul3A_230, %dma_wait3A_231] : memref<2500x128xi32, #tpu.memory_space<hbm>> -> memref<8x128xi32, #tpu.memory_space<hbm>>
          %dma_wait3A_233 = arith.constant 0 : i32
          %dma_wait3A_234 = tpu.memref_slice %arg4[%mul3A_230, %dma_wait3A_233] : memref<2500x128xi32, #tpu.memory_space<hbm>> -> memref<8x128xi32, #tpu.memory_space<hbm>>
          tpu.wait_dma2 semaphore(%arg15 : memref<!tpu.dma_semaphore, #tpu.memory_space<semaphore_mem>>) src(%dma_wait3A_234 : memref<8x128xi32, #tpu.memory_space<hbm>>) dst(%arg10 : memref<8x128xi32, #tpu.memory_space<vmem>>)
        } else {
        }
        %mul3A_206 = arith.constant 8 : i32
        %mul3A_207 = arith.muli %add3A_54, %mul3A_206 : i32
        %add3A_208 = arith.constant 0 : i32
        %add3A_209 = arith.addi %mul3A_207, %add3A_208 : i32
        %lt3A_210 = arith.constant 2500 : i32
        %lt3A_211 = arith.cmpi slt, %add3A_209, %lt3A_210 : i32
        %convert_element_type3A_212 = arith.extui %lt3A_211 : i1 to i32
        %cond3A_213 = arith.constant 0 : i32
        %cond3A_214 = arith.cmpi ne, %convert_element_type3A_212, %cond3A_213 : i32
        scf.if %cond3A_214 {
          %dma_start3A = arith.constant 0 : i32
          %dma_start3A_224 = arith.constant 0 : i32
          %dma_start3A_225 = tpu.memref_slice %arg8[%dma_start3A, %dma_start3A_224] : memref<8x128xi32, #tpu.memory_space<vmem>> -> memref<1x128xi32, #tpu.memory_space<vmem>>
          %dma_start3A_226 = tpu.memref_squeeze %dma_start3A_225 : memref<1x128xi32, #tpu.memory_space<vmem>> -> memref<128xi32, #tpu.memory_space<vmem>>
          %dma_start3A_227 = arith.constant 0 : i32
          %dma_start3A_228 = arith.constant 0 : i32
          %dma_start3A_229 = tpu.memref_slice %arg2[%dma_start3A_227, %dma_start3A_228] : memref<10000x128xf32, #tpu.memory_space<hbm>> -> memref<10000x128xf32, #tpu.memory_space<hbm>>
          tpu.enqueue_indirect_dma source(%dma_start3A_229 : memref<10000x128xf32, #tpu.memory_space<hbm>>) target(%arg6 : memref<128x128xf32, #tpu.memory_space<vmem>>) offsets(%dma_start3A_226 : memref<128xi32, #tpu.memory_space<vmem>>) semaphore(%arg13 : memref<!tpu.dma_semaphore, #tpu.memory_space<semaphore_mem>>)
        } else {
        }
        %mul3A_215 = arith.constant 8 : i32
        %mul3A_216 = arith.muli %add3A_49, %mul3A_215 : i32
        %add3A_217 = arith.constant 7 : i32
        %add3A_218 = arith.addi %mul3A_216, %add3A_217 : i32
        %lt3A_219 = arith.constant 2500 : i32
        %lt3A_220 = arith.cmpi slt, %add3A_218, %lt3A_219 : i32
        %convert_element_type3A_221 = arith.extui %lt3A_220 : i1 to i32
        %cond3A_222 = arith.constant 0 : i32
        %cond3A_223 = arith.cmpi ne, %convert_element_type3A_221, %cond3A_222 : i32
        scf.if %cond3A_223 {
          %dma_wait3A = arith.constant 7 : i32
          %dma_wait3A_224 = arith.constant 0 : i32
          %dma_wait3A_225 = tpu.memref_slice %arg9[%dma_wait3A, %dma_wait3A_224] : memref<8x128xi32, #tpu.memory_space<vmem>> -> memref<1x128xi32, #tpu.memory_space<vmem>>
          %dma_wait3A_226 = tpu.memref_squeeze %dma_wait3A_225 : memref<1x128xi32, #tpu.memory_space<vmem>> -> memref<128xi32, #tpu.memory_space<vmem>>
          %dma_wait3A_227 = arith.constant 0 : i32
          %dma_wait3A_228 = arith.constant 0 : i32
          %dma_wait3A_229 = tpu.memref_slice %arg2[%dma_wait3A_227, %dma_wait3A_228] : memref<10000x128xf32, #tpu.memory_space<hbm>> -> memref<10000x128xf32, #tpu.memory_space<hbm>>
          tpu.wait_indirect_dma semaphore(%arg14 : memref<!tpu.dma_semaphore, #tpu.memory_space<semaphore_mem>>) src(%dma_wait3A_229 : memref<10000x128xf32, #tpu.memory_space<hbm>>) dst(%arg7 : memref<128x128xf32, #tpu.memory_space<vmem>>)
          %run_scoped3A = arith.constant 7 : i32
          "tpu.region"() ({
            %run_scoped3A_230 = tpu.sem_alloc : memref<!tpu.dma_semaphore, #tpu.memory_space<semaphore_mem>>
            %dma_start3A = arith.constant 0 : i32
            %dma_start3A_231 = tpu.memref_slice %arg11[%run_scoped3A, %dma_start3A] : memref<8x128xi32, #tpu.memory_space<vmem>> -> memref<1x128xi32, #tpu.memory_space<vmem>>
            %dma_start3A_232 = tpu.memref_squeeze %dma_start3A_231 : memref<1x128xi32, #tpu.memory_space<vmem>> -> memref<128xi32, #tpu.memory_space<vmem>>
            %dma_start3A_233 = arith.constant 0 : i32
            %dma_start3A_234 = arith.constant 0 : i32
            %dma_start3A_235 = tpu.memref_slice %arg12[%dma_start3A_233, %dma_start3A_234] : memref<10000x128xf32, #tpu.memory_space<vmem_shared>> -> memref<10000x128xf32, #tpu.memory_space<vmem_shared>>
            tpu.enqueue_indirect_dma source(%arg7 : memref<128x128xf32, #tpu.memory_space<vmem>>) target(%dma_start3A_235 : memref<10000x128xf32, #tpu.memory_space<vmem_shared>>) offsets(%dma_start3A_232 : memref<128xi32, #tpu.memory_space<vmem>>) semaphore(%run_scoped3A_230 : memref<!tpu.dma_semaphore, #tpu.memory_space<semaphore_mem>>) {add = true}
            %dma_wait3A_236 = arith.constant 0 : i32
            %dma_wait3A_237 = tpu.memref_slice %arg11[%run_scoped3A, %dma_wait3A_236] : memref<8x128xi32, #tpu.memory_space<vmem>> -> memref<1x128xi32, #tpu.memory_space<vmem>>
            %dma_wait3A_238 = tpu.memref_squeeze %dma_wait3A_237 : memref<1x128xi32, #tpu.memory_space<vmem>> -> memref<128xi32, #tpu.memory_space<vmem>>
            %dma_wait3A_239 = arith.constant 0 : i32
            %dma_wait3A_240 = arith.constant 0 : i32
            %dma_wait3A_241 = tpu.memref_slice %arg12[%dma_wait3A_239, %dma_wait3A_240] : memref<10000x128xf32, #tpu.memory_space<vmem_shared>> -> memref<10000x128xf32, #tpu.memory_space<vmem_shared>>
            tpu.wait_indirect_dma semaphore(%run_scoped3A_230 : memref<!tpu.dma_semaphore, #tpu.memory_space<semaphore_mem>>) src(%arg7 : memref<128x128xf32, #tpu.memory_space<vmem>>) dst(%dma_wait3A_241 : memref<10000x128xf32, #tpu.memory_space<vmem_shared>>)
            tpu.yield
          }) : () -> ()
        } else {
        }
      } else {
      }
    }
    %scan3A_30 = arith.constant 5 : i32
    %barrier3A_31 = arith.constant 0 : index
    tpu.barrier barrier_id(%barrier3A_31)
    %scan3A_32 = arith.constant 0 : i32
    %scan3A_33 = arith.constant 8 : i32
    %scan3A_34 = arith.addi %scan3A_32, %scan3A_33 : i32
    %scan3A_35 = arith.constant 1 : i32
    scf.for %scan3A_37 = %scan3A_32 to %scan3A_34 step %scan3A_35  : i32 {
      %mul3A_38 = arith.constant 1 : i32
      %mul3A_39 = arith.muli %scan3A_37, %mul3A_38 : i32
      %add3A_40 = arith.constant 0 : i32
      %add3A_41 = arith.addi %add3A_40, %mul3A_39 : i32
      %mul3A_42 = arith.constant 16 : i32
      %mul3A_43 = arith.muli %mul3A_42, %add3A_41 : i32
      %add3A_44 = arith.addi %arg1, %mul3A_43 : i32
      %lt3A_45 = arith.constant 125 : i32
      %lt3A_46 = arith.cmpi slt, %add3A_44, %lt3A_45 : i32
      %convert_element_type3A_47 = arith.extui %lt3A_46 : i1 to i32
      %cond3A_48 = arith.constant 0 : i32
      %cond3A_49 = arith.cmpi ne, %convert_element_type3A_47, %cond3A_48 : i32
      scf.if %cond3A_49 {
        %mul3A_50 = arith.constant 80 : i32
        %mul3A_51 = arith.muli %add3A_44, %mul3A_50 : i32
        "tpu.region"() ({
          %run_scoped3A = tpu.sem_alloc : memref<!tpu.dma_semaphore, #tpu.memory_space<semaphore_mem>>
          %dma_start3A = arith.constant 0 : i32
          %dma_start3A_52 = arith.constant 0 : i32
          %dma_start3A_53 = tpu.memref_slice %arg5[%arg0, %dma_start3A, %dma_start3A_52] : memref<2x10000x128xf32, #tpu.memory_space<hbm>> -> memref<1x10000x128xf32, #tpu.memory_space<hbm>>
          %dma_start3A_54 = tpu.memref_squeeze %dma_start3A_53 : memref<1x10000x128xf32, #tpu.memory_space<hbm>> -> memref<10000x128xf32, #tpu.memory_space<hbm>>
          %dma_start3A_55 = arith.constant 0 : i32
          %dma_start3A_56 = tpu.memref_slice %dma_start3A_54[%mul3A_51, %dma_start3A_55] : memref<10000x128xf32, #tpu.memory_space<hbm>> -> memref<80x128xf32, #tpu.memory_space<hbm>>
          %dma_start3A_57 = arith.constant 0 : i32
          %dma_start3A_58 = tpu.memref_slice %arg12[%mul3A_51, %dma_start3A_57] : memref<10000x128xf32, #tpu.memory_space<vmem_shared>> -> memref<80x128xf32, #tpu.memory_space<vmem_shared>>
          tpu.enqueue_dma source(%dma_start3A_58 : memref<80x128xf32, #tpu.memory_space<vmem_shared>>) target(%dma_start3A_56 : memref<80x128xf32, #tpu.memory_space<hbm>>) target_semaphore(%run_scoped3A : memref<!tpu.dma_semaphore, #tpu.memory_space<semaphore_mem>>)
          %dma_wait3A = arith.constant 0 : i32
          %dma_wait3A_59 = arith.constant 0 : i32
          %dma_wait3A_60 = tpu.memref_slice %arg5[%arg0, %dma_wait3A, %dma_wait3A_59] : memref<2x10000x128xf32, #tpu.memory_space<hbm>> -> memref<1x10000x128xf32, #tpu.memory_space<hbm>>
          %dma_wait3A_61 = tpu.memref_squeeze %dma_wait3A_60 : memref<1x10000x128xf32, #tpu.memory_space<hbm>> -> memref<10000x128xf32, #tpu.memory_space<hbm>>
          %dma_wait3A_62 = arith.constant 0 : i32
          %dma_wait3A_63 = tpu.memref_slice %dma_wait3A_61[%mul3A_51, %dma_wait3A_62] : memref<10000x128xf32, #tpu.memory_space<hbm>> -> memref<80x128xf32, #tpu.memory_space<hbm>>
          %dma_wait3A_64 = arith.constant 0 : i32
          %dma_wait3A_65 = tpu.memref_slice %arg12[%mul3A_51, %dma_wait3A_64] : memref<10000x128xf32, #tpu.memory_space<vmem_shared>> -> memref<80x128xf32, #tpu.memory_space<vmem_shared>>
          tpu.wait_dma2 semaphore(%run_scoped3A : memref<!tpu.dma_semaphore, #tpu.memory_space<semaphore_mem>>) src(%dma_wait3A_65 : memref<80x128xf32, #tpu.memory_space<vmem_shared>>) dst(%dma_wait3A_63 : memref<80x128xf32, #tpu.memory_space<hbm>>)
          tpu.yield
        }) : () -> ()
      } else {
      }
    }
    %scan3A_36 = arith.constant 8 : i32
    return
  }
}

#map = affine_map<(d0, d1) -> (0, 0)>
#map1 = affine_map<(d0, d1) -> (0, 0, 0)>
module attributes {stable_mosaic.version = 14 : i64} {
  func.func @sc_agg(%arg0: i32, %arg1: i32, %arg2: memref<10000x128xf32, #tpu.memory_space<hbm>>, %arg3: memref<2500x128xi32, #tpu.memory_space<hbm>>, %arg4: memref<2500x128xi32, #tpu.memory_space<hbm>>, %arg5: memref<2x10000x128xf32, #tpu.memory_space<hbm>>, %arg6: memref<128x128xf32, #tpu.memory_space<vmem>>, %arg7: memref<128x128xf32, #tpu.memory_space<vmem>>, %arg8: memref<8x128xi32, #tpu.memory_space<vmem>>, %arg9: memref<8x128xi32, #tpu.memory_space<vmem>>, %arg10: memref<8x128xi32, #tpu.memory_space<vmem>>, %arg11: memref<8x128xi32, #tpu.memory_space<vmem>>, %arg12: memref<10000x128xf32, #tpu.memory_space<vmem_shared>>, %arg13: memref<!tpu.dma_semaphore, #tpu.memory_space<semaphore_mem>>, %arg14: memref<!tpu.dma_semaphore, #tpu.memory_space<semaphore_mem>>, %arg15: memref<!tpu.dma_semaphore, #tpu.memory_space<semaphore_mem>>, %arg16: memref<!tpu.dma_semaphore, #tpu.memory_space<semaphore_mem>>) attributes {dimension_semantics = [#tpu.dimension_semantics<core_parallel>, #tpu.dimension_semantics<subcore_parallel>], iteration_bounds = array<i64: 2, 16>, scalar_prefetch = 0 : i64, scratch_operands = 11 : i64, tpu.core_type = #tpu.core_type<sc_vector_subcore>, window_params = [{transform_indices = #map}, {transform_indices = #map}, {transform_indices = #map}, {transform_indices = #map1}]} {
    %scan3A = arith.constant 0 : i32
    %scan3A_0 = arith.constant 128 : i32
    %scan3A_1 = arith.addi %scan3A, %scan3A_0 : i32
    %scan3A_2 = arith.constant 1 : i32
    scf.for %scan3A_37 = %scan3A to %scan3A_1 step %scan3A_2  : i32 {
      %mul3A_38 = arith.constant 1 : i32
      %mul3A_39 = arith.muli %scan3A_37, %mul3A_38 : i32
      %add3A_40 = arith.constant 0 : i32
      %add3A_41 = arith.addi %add3A_40, %mul3A_39 : i32
      %scan3A_42 = arith.constant 0 : i32
      %scan3A_43 = arith.constant 8 : i32
      %scan3A_44 = arith.addi %scan3A_42, %scan3A_43 : i32
      %scan3A_45 = arith.constant 1 : i32
      scf.for %scan3A_47 = %scan3A_42 to %scan3A_44 step %scan3A_45  : i32 {
        %mul3A_48 = arith.constant 16 : i32
        %mul3A_49 = arith.muli %scan3A_47, %mul3A_48 : i32
        %add3A_50 = arith.constant 0 : i32
        %add3A_51 = arith.addi %add3A_50, %mul3A_49 : i32
        %broadcast_in_dim3A = arith.constant 0.000000e+00 : f32
        %broadcast_in_dim3A_52 = vector.broadcast %broadcast_in_dim3A : f32 to vector<16xf32>
        %swap3A = arith.index_cast %add3A_41 : i32 to index
        %swap3A_53 = arith.index_cast %add3A_51 : i32 to index
        %swap3A_54 = tpu.vector_load %arg6[%swap3A, %swap3A_53] {strides = array<i32>} : memref<128x128xf32, #tpu.memory_space<vmem>>, vector<1x16xf32>,
        %swap3A_55 = vector.shape_cast %swap3A_54 : vector<1x16xf32> to vector<16xf32>
        %swap3A_56 = vector.shape_cast %broadcast_in_dim3A_52 : vector<16xf32> to vector<1x16xf32>
        tpu.vector_store %arg6[%swap3A, %swap3A_53], %swap3A_56 {strides = array<i32>} : memref<128x128xf32, #tpu.memory_space<vmem>>, vector<1x16xf32>,
      }
      %scan3A_46 = arith.constant 8 : i32
    }
    %scan3A_3 = arith.constant 128 : i32
    %scan3A_4 = arith.constant 0 : i32
    %scan3A_5 = arith.constant 8 : i32
    %scan3A_6 = arith.addi %scan3A_4, %scan3A_5 : i32
    %scan3A_7 = arith.constant 1 : i32
    scf.for %scan3A_37 = %scan3A_4 to %scan3A_6 step %scan3A_7  : i32 {
      %mul3A_38 = arith.constant 1 : i32
      %mul3A_39 = arith.muli %scan3A_37, %mul3A_38 : i32
      %add3A_40 = arith.constant 0 : i32
      %add3A_41 = arith.addi %add3A_40, %mul3A_39 : i32
      %mul3A_42 = arith.constant 16 : i32
      %mul3A_43 = arith.muli %mul3A_42, %add3A_41 : i32
      %add3A_44 = arith.addi %arg1, %mul3A_43 : i32
      %lt3A_45 = arith.constant 125 : i32
      %lt3A_46 = arith.cmpi slt, %add3A_44, %lt3A_45 : i32
      %convert_element_type3A_47 = arith.extui %lt3A_46 : i1 to i32
      %cond3A_48 = arith.constant 0 : i32
      %cond3A_49 = arith.cmpi ne, %convert_element_type3A_47, %cond3A_48 : i32
      scf.if %cond3A_49 {
        %mul3A_50 = arith.constant 80 : i32
        %mul3A_51 = arith.muli %add3A_44, %mul3A_50 : i32
        "tpu.region"() ({
          %run_scoped3A = tpu.sem_alloc : memref<!tpu.dma_semaphore, #tpu.memory_space<semaphore_mem>>
          %dma_start3A = arith.constant 0 : i32
          %dma_start3A_52 = arith.constant 0 : i32
          %dma_start3A_53 = tpu.memref_slice %arg6[%dma_start3A, %dma_start3A_52] : memref<128x128xf32, #tpu.memory_space<vmem>> -> memref<80x128xf32, #tpu.memory_space<vmem>>
          %dma_start3A_54 = arith.constant 0 : i32
          %dma_start3A_55 = tpu.memref_slice %arg12[%mul3A_51, %dma_start3A_54] : memref<10000x128xf32, #tpu.memory_space<vmem_shared>> -> memref<80x128xf32, #tpu.memory_space<vmem_shared>>
          %dma_start3A_56 = arith.constant 0 : i32
          %dma_start3A_57 = tpu.memref_slice %arg12[%mul3A_51, %dma_start3A_56] : memref<10000x128xf32, #tpu.memory_space<vmem_shared>> -> memref<80x128xf32, #tpu.memory_space<vmem_shared>>
          %dma_start3A_58 = arith.constant 0 : i32
          %dma_start3A_59 = arith.constant 0 : i32
          %dma_start3A_60 = tpu.memref_slice %arg6[%dma_start3A_58, %dma_start3A_59] : memref<128x128xf32, #tpu.memory_space<vmem>> -> memref<80x128xf32, #tpu.memory_space<vmem>>
          tpu.enqueue_dma source(%dma_start3A_60 : memref<80x128xf32, #tpu.memory_space<vmem>>) target(%dma_start3A_57 : memref<80x128xf32, #tpu.memory_space<vmem_shared>>) target_semaphore(%run_scoped3A : memref<!tpu.dma_semaphore, #tpu.memory_space<semaphore_mem>>)
          %dma_wait3A = arith.constant 0 : i32
          %dma_wait3A_61 = arith.constant 0 : i32
          %dma_wait3A_62 = tpu.memref_slice %arg6[%dma_wait3A, %dma_wait3A_61] : memref<128x128xf32, #tpu.memory_space<vmem>> -> memref<80x128xf32, #tpu.memory_space<vmem>>
          %dma_wait3A_63 = arith.constant 0 : i32
          %dma_wait3A_64 = tpu.memref_slice %arg12[%mul3A_51, %dma_wait3A_63] : memref<10000x128xf32, #tpu.memory_space<vmem_shared>> -> memref<80x128xf32, #tpu.memory_space<vmem_shared>>
          %dma_wait3A_65 = arith.constant 0 : i32
          %dma_wait3A_66 = tpu.memref_slice %arg12[%mul3A_51, %dma_wait3A_65] : memref<10000x128xf32, #tpu.memory_space<vmem_shared>> -> memref<80x128xf32, #tpu.memory_space<vmem_shared>>
          %dma_wait3A_67 = arith.constant 0 : i32
          %dma_wait3A_68 = arith.constant 0 : i32
          %dma_wait3A_69 = tpu.memref_slice %arg6[%dma_wait3A_67, %dma_wait3A_68] : memref<128x128xf32, #tpu.memory_space<vmem>> -> memref<80x128xf32, #tpu.memory_space<vmem>>
          tpu.wait_dma2 semaphore(%run_scoped3A : memref<!tpu.dma_semaphore, #tpu.memory_space<semaphore_mem>>) src(%dma_wait3A_69 : memref<80x128xf32, #tpu.memory_space<vmem>>) dst(%dma_wait3A_66 : memref<80x128xf32, #tpu.memory_space<vmem_shared>>)
          tpu.yield
        }) : () -> ()
      } else {
      }
    }
    %scan3A_8 = arith.constant 8 : i32
    %barrier3A = arith.constant 0 : index
    tpu.barrier barrier_id(%barrier3A)
    %mul3A = arith.constant 16 : i32
    %mul3A_9 = arith.muli %arg0, %mul3A : i32
    %add3A = arith.addi %mul3A_9, %arg1 : i32
    %lt3A = arith.constant 313 : i32
    %lt3A_10 = arith.cmpi slt, %add3A, %lt3A : i32
    %convert_element_type3A = arith.extui %lt3A_10 : i1 to i32
    %cond3A = arith.constant 0 : i32
    %cond3A_11 = arith.cmpi ne, %convert_element_type3A, %cond3A : i32
    scf.if %cond3A_11 {
      %mul3A_37 = arith.constant 8 : i32
      %mul3A_38 = arith.muli %add3A, %mul3A_37 : i32
      %dma_start3A = arith.constant 0 : i32
      %dma_start3A_39 = tpu.memref_slice %arg3[%mul3A_38, %dma_start3A] : memref<2500x128xi32, #tpu.memory_space<hbm>> -> memref<8x128xi32, #tpu.memory_space<hbm>>
      %dma_start3A_40 = arith.constant 0 : i32
      %dma_start3A_41 = tpu.memref_slice %arg3[%mul3A_38, %dma_start3A_40] : memref<2500x128xi32, #tpu.memory_space<hbm>> -> memref<8x128xi32, #tpu.memory_space<hbm>>
      tpu.enqueue_dma source(%dma_start3A_41 : memref<8x128xi32, #tpu.memory_space<hbm>>) target(%arg8 : memref<8x128xi32, #tpu.memory_space<vmem>>) target_semaphore(%arg15 : memref<!tpu.dma_semaphore, #tpu.memory_space<semaphore_mem>>)
      %mul3A_42 = arith.constant 8 : i32
      %mul3A_43 = arith.muli %add3A, %mul3A_42 : i32
      %dma_start3A_44 = arith.constant 0 : i32
      %dma_start3A_45 = tpu.memref_slice %arg4[%mul3A_43, %dma_start3A_44] : memref<2500x128xi32, #tpu.memory_space<hbm>> -> memref<8x128xi32, #tpu.memory_space<hbm>>
      %dma_start3A_46 = arith.constant 0 : i32
      %dma_start3A_47 = tpu.memref_slice %arg4[%mul3A_43, %dma_start3A_46] : memref<2500x128xi32, #tpu.memory_space<hbm>> -> memref<8x128xi32, #tpu.memory_space<hbm>>
      tpu.enqueue_dma source(%dma_start3A_47 : memref<8x128xi32, #tpu.memory_space<hbm>>) target(%arg10 : memref<8x128xi32, #tpu.memory_space<vmem>>) target_semaphore(%arg15 : memref<!tpu.dma_semaphore, #tpu.memory_space<semaphore_mem>>)
    } else {
    }
    %lt3A_12 = arith.constant 313 : i32
    %lt3A_13 = arith.cmpi slt, %add3A, %lt3A_12 : i32
    %convert_element_type3A_14 = arith.extui %lt3A_13 : i1 to i32
    %cond3A_15 = arith.constant 0 : i32
    %cond3A_16 = arith.cmpi ne, %convert_element_type3A_14, %cond3A_15 : i32
    scf.if %cond3A_16 {
      %mul3A_37 = arith.constant 8 : i32
      %mul3A_38 = arith.muli %add3A, %mul3A_37 : i32
      %dma_wait3A = arith.constant 0 : i32
      %dma_wait3A_39 = tpu.memref_slice %arg3[%mul3A_38, %dma_wait3A] : memref<2500x128xi32, #tpu.memory_space<hbm>> -> memref<8x128xi32, #tpu.memory_space<hbm>>
      %dma_wait3A_40 = arith.constant 0 : i32
      %dma_wait3A_41 = tpu.memref_slice %arg3[%mul3A_38, %dma_wait3A_40] : memref<2500x128xi32, #tpu.memory_space<hbm>> -> memref<8x128xi32, #tpu.memory_space<hbm>>
      tpu.wait_dma2 semaphore(%arg15 : memref<!tpu.dma_semaphore, #tpu.memory_space<semaphore_mem>>) src(%dma_wait3A_41 : memref<8x128xi32, #tpu.memory_space<hbm>>) dst(%arg8 : memref<8x128xi32, #tpu.memory_space<vmem>>)
      %mul3A_42 = arith.constant 8 : i32
      %mul3A_43 = arith.muli %add3A, %mul3A_42 : i32
      %dma_wait3A_44 = arith.constant 0 : i32
      %dma_wait3A_45 = tpu.memref_slice %arg4[%mul3A_43, %dma_wait3A_44] : memref<2500x128xi32, #tpu.memory_space<hbm>> -> memref<8x128xi32, #tpu.memory_space<hbm>>
      %dma_wait3A_46 = arith.constant 0 : i32
      %dma_wait3A_47 = tpu.memref_slice %arg4[%mul3A_43, %dma_wait3A_46] : memref<2500x128xi32, #tpu.memory_space<hbm>> -> memref<8x128xi32, #tpu.memory_space<hbm>>
      tpu.wait_dma2 semaphore(%arg15 : memref<!tpu.dma_semaphore, #tpu.memory_space<semaphore_mem>>) src(%dma_wait3A_47 : memref<8x128xi32, #tpu.memory_space<hbm>>) dst(%arg10 : memref<8x128xi32, #tpu.memory_space<vmem>>)
    } else {
    }
    %mul3A_17 = arith.constant 8 : i32
    %mul3A_18 = arith.muli %add3A, %mul3A_17 : i32
    %add3A_19 = arith.constant 0 : i32
    %add3A_20 = arith.addi %mul3A_18, %add3A_19 : i32
    %lt3A_21 = arith.constant 2500 : i32
    %lt3A_22 = arith.cmpi slt, %add3A_20, %lt3A_21 : i32
    %convert_element_type3A_23 = arith.extui %lt3A_22 : i1 to i32
    %cond3A_24 = arith.constant 0 : i32
    %cond3A_25 = arith.cmpi ne, %convert_element_type3A_23, %cond3A_24 : i32
    scf.if %cond3A_25 {
      %dma_start3A = arith.constant 0 : i32
      %dma_start3A_37 = arith.constant 0 : i32
      %dma_start3A_38 = tpu.memref_slice %arg8[%dma_start3A, %dma_start3A_37] : memref<8x128xi32, #tpu.memory_space<vmem>> -> memref<1x128xi32, #tpu.memory_space<vmem>>
      %dma_start3A_39 = tpu.memref_squeeze %dma_start3A_38 : memref<1x128xi32, #tpu.memory_space<vmem>> -> memref<128xi32, #tpu.memory_space<vmem>>
      %dma_start3A_40 = arith.constant 0 : i32
      %dma_start3A_41 = arith.constant 0 : i32
      %dma_start3A_42 = tpu.memref_slice %arg2[%dma_start3A_40, %dma_start3A_41] : memref<10000x128xf32, #tpu.memory_space<hbm>> -> memref<10000x128xf32, #tpu.memory_space<hbm>>
      tpu.enqueue_indirect_dma source(%dma_start3A_42 : memref<10000x128xf32, #tpu.memory_space<hbm>>) target(%arg6 : memref<128x128xf32, #tpu.memory_space<vmem>>) offsets(%dma_start3A_39 : memref<128xi32, #tpu.memory_space<vmem>>) semaphore(%arg13 : memref<!tpu.dma_semaphore, #tpu.memory_space<semaphore_mem>>)
    } else {
    }
    %scan3A_26 = arith.constant 0 : i32
    %scan3A_27 = arith.constant 5 : i32
    %scan3A_28 = arith.addi %scan3A_26, %scan3A_27 : i32
    %scan3A_29 = arith.constant 1 : i32
    scf.for %scan3A_37 = %scan3A_26 to %scan3A_28 step %scan3A_29  : i32 {
      %mul3A_38 = arith.constant 2 : i32
      %mul3A_39 = arith.muli %scan3A_37, %mul3A_38 : i32
      %add3A_40 = arith.constant 0 : i32
      %add3A_41 = arith.addi %add3A_40, %mul3A_39 : i32
      %mul3A_42 = arith.constant 32 : i32
      %mul3A_43 = arith.muli %mul3A_42, %add3A_41 : i32
      %add3A_44 = arith.addi %add3A, %mul3A_43 : i32
      %add3A_45 = arith.constant 1 : i32
      %add3A_46 = arith.addi %add3A_41, %add3A_45 : i32
      %mul3A_47 = arith.constant 32 : i32
      %mul3A_48 = arith.muli %mul3A_47, %add3A_46 : i32
      %add3A_49 = arith.addi %add3A, %mul3A_48 : i32
      %add3A_50 = arith.constant 2 : i32
      %add3A_51 = arith.addi %add3A_41, %add3A_50 : i32
      %mul3A_52 = arith.constant 32 : i32
      %mul3A_53 = arith.muli %mul3A_52, %add3A_51 : i32
      %add3A_54 = arith.addi %add3A, %mul3A_53 : i32
      %lt3A_55 = arith.constant 313 : i32
      %lt3A_56 = arith.cmpi slt, %add3A_49, %lt3A_55 : i32
      %convert_element_type3A_57 = arith.extui %lt3A_56 : i1 to i32
      %cond3A_58 = arith.constant 0 : i32
      %cond3A_59 = arith.cmpi ne, %convert_element_type3A_57, %cond3A_58 : i32
      scf.if %cond3A_59 {
        %mul3A_75 = arith.constant 8 : i32
        %mul3A_76 = arith.muli %add3A_49, %mul3A_75 : i32
        %dma_start3A = arith.constant 0 : i32
        %dma_start3A_77 = tpu.memref_slice %arg3[%mul3A_76, %dma_start3A] : memref<2500x128xi32, #tpu.memory_space<hbm>> -> memref<8x128xi32, #tpu.memory_space<hbm>>
        %dma_start3A_78 = arith.constant 0 : i32
        %dma_start3A_79 = tpu.memref_slice %arg3[%mul3A_76, %dma_start3A_78] : memref<2500x128xi32, #tpu.memory_space<hbm>> -> memref<8x128xi32, #tpu.memory_space<hbm>>
        tpu.enqueue_dma source(%dma_start3A_79 : memref<8x128xi32, #tpu.memory_space<hbm>>) target(%arg9 : memref<8x128xi32, #tpu.memory_space<vmem>>) target_semaphore(%arg16 : memref<!tpu.dma_semaphore, #tpu.memory_space<semaphore_mem>>)
        %mul3A_80 = arith.constant 8 : i32
        %mul3A_81 = arith.muli %add3A_49, %mul3A_80 : i32
        %dma_start3A_82 = arith.constant 0 : i32
        %dma_start3A_83 = tpu.memref_slice %arg4[%mul3A_81, %dma_start3A_82] : memref<2500x128xi32, #tpu.memory_space<hbm>> -> memref<8x128xi32, #tpu.memory_space<hbm>>
        %dma_start3A_84 = arith.constant 0 : i32
        %dma_start3A_85 = tpu.memref_slice %arg4[%mul3A_81, %dma_start3A_84] : memref<2500x128xi32, #tpu.memory_space<hbm>> -> memref<8x128xi32, #tpu.memory_space<hbm>>
        tpu.enqueue_dma source(%dma_start3A_85 : memref<8x128xi32, #tpu.memory_space<hbm>>) target(%arg11 : memref<8x128xi32, #tpu.memory_space<vmem>>) target_semaphore(%arg16 : memref<!tpu.dma_semaphore, #tpu.memory_space<semaphore_mem>>)
      } else {
      }
      %lt3A_60 = arith.constant 313 : i32
      %lt3A_61 = arith.cmpi slt, %add3A_44, %lt3A_60 : i32
      %convert_element_type3A_62 = arith.extui %lt3A_61 : i1 to i32
      %cond3A_63 = arith.constant 0 : i32
      %cond3A_64 = arith.cmpi ne, %convert_element_type3A_62, %cond3A_63 : i32
      scf.if %cond3A_64 {
        %mul3A_75 = arith.constant 8 : i32
        %mul3A_76 = arith.muli %add3A_44, %mul3A_75 : i32
        %add3A_77 = arith.constant 1 : i32
        %add3A_78 = arith.addi %mul3A_76, %add3A_77 : i32
        %lt3A_79 = arith.constant 2500 : i32
        %lt3A_80 = arith.cmpi slt, %add3A_78, %lt3A_79 : i32
        %convert_element_type3A_81 = arith.extui %lt3A_80 : i1 to i32
        %cond3A_82 = arith.constant 0 : i32
        %cond3A_83 = arith.cmpi ne, %convert_element_type3A_81, %cond3A_82 : i32
        scf.if %cond3A_83 {
          %dma_start3A = arith.constant 1 : i32
          %dma_start3A_224 = arith.constant 0 : i32
          %dma_start3A_225 = tpu.memref_slice %arg8[%dma_start3A, %dma_start3A_224] : memref<8x128xi32, #tpu.memory_space<vmem>> -> memref<1x128xi32, #tpu.memory_space<vmem>>
          %dma_start3A_226 = tpu.memref_squeeze %dma_start3A_225 : memref<1x128xi32, #tpu.memory_space<vmem>> -> memref<128xi32, #tpu.memory_space<vmem>>
          %dma_start3A_227 = arith.constant 0 : i32
          %dma_start3A_228 = arith.constant 0 : i32
          %dma_start3A_229 = tpu.memref_slice %arg2[%dma_start3A_227, %dma_start3A_228] : memref<10000x128xf32, #tpu.memory_space<hbm>> -> memref<10000x128xf32, #tpu.memory_space<hbm>>
          tpu.enqueue_indirect_dma source(%dma_start3A_229 : memref<10000x128xf32, #tpu.memory_space<hbm>>) target(%arg7 : memref<128x128xf32, #tpu.memory_space<vmem>>) offsets(%dma_start3A_226 : memref<128xi32, #tpu.memory_space<vmem>>) semaphore(%arg14 : memref<!tpu.dma_semaphore, #tpu.memory_space<semaphore_mem>>)
        } else {
        }
        %mul3A_84 = arith.constant 8 : i32
        %mul3A_85 = arith.muli %add3A_44, %mul3A_84 : i32
        %add3A_86 = arith.constant 0 : i32
        %add3A_87 = arith.addi %mul3A_85, %add3A_86 : i32
        %lt3A_88 = arith.constant 2500 : i32
        %lt3A_89 = arith.cmpi slt, %add3A_87, %lt3A_88 : i32
        %convert_element_type3A_90 = arith.extui %lt3A_89 : i1 to i32
        %cond3A_91 = arith.constant 0 : i32
        %cond3A_92 = arith.cmpi ne, %convert_element_type3A_90, %cond3A_91 : i32
        scf.if %cond3A_92 {
          %dma_wait3A = arith.constant 0 : i32
          %dma_wait3A_224 = arith.constant 0 : i32
          %dma_wait3A_225 = tpu.memref_slice %arg8[%dma_wait3A, %dma_wait3A_224] : memref<8x128xi32, #tpu.memory_space<vmem>> -> memref<1x128xi32, #tpu.memory_space<vmem>>
          %dma_wait3A_226 = tpu.memref_squeeze %dma_wait3A_225 : memref<1x128xi32, #tpu.memory_space<vmem>> -> memref<128xi32, #tpu.memory_space<vmem>>
          %dma_wait3A_227 = arith.constant 0 : i32
          %dma_wait3A_228 = arith.constant 0 : i32
          %dma_wait3A_229 = tpu.memref_slice %arg2[%dma_wait3A_227, %dma_wait3A_228] : memref<10000x128xf32, #tpu.memory_space<hbm>> -> memref<10000x128xf32, #tpu.memory_space<hbm>>
          tpu.wait_indirect_dma semaphore(%arg13 : memref<!tpu.dma_semaphore, #tpu.memory_space<semaphore_mem>>) src(%dma_wait3A_229 : memref<10000x128xf32, #tpu.memory_space<hbm>>) dst(%arg6 : memref<128x128xf32, #tpu.memory_space<vmem>>)
          %run_scoped3A = arith.constant 0 : i32
          "tpu.region"() ({
            %run_scoped3A_230 = tpu.sem_alloc : memref<!tpu.dma_semaphore, #tpu.memory_space<semaphore_mem>>
            %dma_start3A = arith.constant 0 : i32
            %dma_start3A_231 = tpu.memref_slice %arg10[%run_scoped3A, %dma_start3A] : memref<8x128xi32, #tpu.memory_space<vmem>> -> memref<1x128xi32, #tpu.memory_space<vmem>>
            %dma_start3A_232 = tpu.memref_squeeze %dma_start3A_231 : memref<1x128xi32, #tpu.memory_space<vmem>> -> memref<128xi32, #tpu.memory_space<vmem>>
            %dma_start3A_233 = arith.constant 0 : i32
            %dma_start3A_234 = arith.constant 0 : i32
            %dma_start3A_235 = tpu.memref_slice %arg12[%dma_start3A_233, %dma_start3A_234] : memref<10000x128xf32, #tpu.memory_space<vmem_shared>> -> memref<10000x128xf32, #tpu.memory_space<vmem_shared>>
            tpu.enqueue_indirect_dma source(%arg6 : memref<128x128xf32, #tpu.memory_space<vmem>>) target(%dma_start3A_235 : memref<10000x128xf32, #tpu.memory_space<vmem_shared>>) offsets(%dma_start3A_232 : memref<128xi32, #tpu.memory_space<vmem>>) semaphore(%run_scoped3A_230 : memref<!tpu.dma_semaphore, #tpu.memory_space<semaphore_mem>>) {add = true}
            %dma_wait3A_236 = arith.constant 0 : i32
            %dma_wait3A_237 = tpu.memref_slice %arg10[%run_scoped3A, %dma_wait3A_236] : memref<8x128xi32, #tpu.memory_space<vmem>> -> memref<1x128xi32, #tpu.memory_space<vmem>>
            %dma_wait3A_238 = tpu.memref_squeeze %dma_wait3A_237 : memref<1x128xi32, #tpu.memory_space<vmem>> -> memref<128xi32, #tpu.memory_space<vmem>>
            %dma_wait3A_239 = arith.constant 0 : i32
            %dma_wait3A_240 = arith.constant 0 : i32
            %dma_wait3A_241 = tpu.memref_slice %arg12[%dma_wait3A_239, %dma_wait3A_240] : memref<10000x128xf32, #tpu.memory_space<vmem_shared>> -> memref<10000x128xf32, #tpu.memory_space<vmem_shared>>
            tpu.wait_indirect_dma semaphore(%run_scoped3A_230 : memref<!tpu.dma_semaphore, #tpu.memory_space<semaphore_mem>>) src(%arg6 : memref<128x128xf32, #tpu.memory_space<vmem>>) dst(%dma_wait3A_241 : memref<10000x128xf32, #tpu.memory_space<vmem_shared>>)
            tpu.yield
          }) : () -> ()
        } else {
        }
        %mul3A_93 = arith.constant 8 : i32
        %mul3A_94 = arith.muli %add3A_44, %mul3A_93 : i32
        %add3A_95 = arith.constant 2 : i32
        %add3A_96 = arith.addi %mul3A_94, %add3A_95 : i32
        %lt3A_97 = arith.constant 2500 : i32
        %lt3A_98 = arith.cmpi slt, %add3A_96, %lt3A_97 : i32
        %convert_element_type3A_99 = arith.extui %lt3A_98 : i1 to i32
        %cond3A_100 = arith.constant 0 : i32
        %cond3A_101 = arith.cmpi ne, %convert_element_type3A_99, %cond3A_100 : i32
        scf.if %cond3A_101 {
          %dma_start3A = arith.constant 2 : i32
          %dma_start3A_224 = arith.constant 0 : i32
          %dma_start3A_225 = tpu.memref_slice %arg8[%dma_start3A, %dma_start3A_224] : memref<8x128xi32, #tpu.memory_space<vmem>> -> memref<1x128xi32, #tpu.memory_space<vmem>>
          %dma_start3A_226 = tpu.memref_squeeze %dma_start3A_225 : memref<1x128xi32, #tpu.memory_space<vmem>> -> memref<128xi32, #tpu.memory_space<vmem>>
          %dma_start3A_227 = arith.constant 0 : i32
          %dma_start3A_228 = arith.constant 0 : i32
          %dma_start3A_229 = tpu.memref_slice %arg2[%dma_start3A_227, %dma_start3A_228] : memref<10000x128xf32, #tpu.memory_space<hbm>> -> memref<10000x128xf32, #tpu.memory_space<hbm>>
          tpu.enqueue_indirect_dma source(%dma_start3A_229 : memref<10000x128xf32, #tpu.memory_space<hbm>>) target(%arg6 : memref<128x128xf32, #tpu.memory_space<vmem>>) offsets(%dma_start3A_226 : memref<128xi32, #tpu.memory_space<vmem>>) semaphore(%arg13 : memref<!tpu.dma_semaphore, #tpu.memory_space<semaphore_mem>>)
        } else {
        }
        %mul3A_102 = arith.constant 8 : i32
        %mul3A_103 = arith.muli %add3A_44, %mul3A_102 : i32
        %add3A_104 = arith.constant 1 : i32
        %add3A_105 = arith.addi %mul3A_103, %add3A_104 : i32
        %lt3A_106 = arith.constant 2500 : i32
        %lt3A_107 = arith.cmpi slt, %add3A_105, %lt3A_106 : i32
        %convert_element_type3A_108 = arith.extui %lt3A_107 : i1 to i32
        %cond3A_109 = arith.constant 0 : i32
        %cond3A_110 = arith.cmpi ne, %convert_element_type3A_108, %cond3A_109 : i32
        scf.if %cond3A_110 {
          %dma_wait3A = arith.constant 1 : i32
          %dma_wait3A_224 = arith.constant 0 : i32
          %dma_wait3A_225 = tpu.memref_slice %arg8[%dma_wait3A, %dma_wait3A_224] : memref<8x128xi32, #tpu.memory_space<vmem>> -> memref<1x128xi32, #tpu.memory_space<vmem>>
          %dma_wait3A_226 = tpu.memref_squeeze %dma_wait3A_225 : memref<1x128xi32, #tpu.memory_space<vmem>> -> memref<128xi32, #tpu.memory_space<vmem>>
          %dma_wait3A_227 = arith.constant 0 : i32
          %dma_wait3A_228 = arith.constant 0 : i32
          %dma_wait3A_229 = tpu.memref_slice %arg2[%dma_wait3A_227, %dma_wait3A_228] : memref<10000x128xf32, #tpu.memory_space<hbm>> -> memref<10000x128xf32, #tpu.memory_space<hbm>>
          tpu.wait_indirect_dma semaphore(%arg14 : memref<!tpu.dma_semaphore, #tpu.memory_space<semaphore_mem>>) src(%dma_wait3A_229 : memref<10000x128xf32, #tpu.memory_space<hbm>>) dst(%arg7 : memref<128x128xf32, #tpu.memory_space<vmem>>)
          %run_scoped3A = arith.constant 1 : i32
          "tpu.region"() ({
            %run_scoped3A_230 = tpu.sem_alloc : memref<!tpu.dma_semaphore, #tpu.memory_space<semaphore_mem>>
            %dma_start3A = arith.constant 0 : i32
            %dma_start3A_231 = tpu.memref_slice %arg10[%run_scoped3A, %dma_start3A] : memref<8x128xi32, #tpu.memory_space<vmem>> -> memref<1x128xi32, #tpu.memory_space<vmem>>
            %dma_start3A_232 = tpu.memref_squeeze %dma_start3A_231 : memref<1x128xi32, #tpu.memory_space<vmem>> -> memref<128xi32, #tpu.memory_space<vmem>>
            %dma_start3A_233 = arith.constant 0 : i32
            %dma_start3A_234 = arith.constant 0 : i32
            %dma_start3A_235 = tpu.memref_slice %arg12[%dma_start3A_233, %dma_start3A_234] : memref<10000x128xf32, #tpu.memory_space<vmem_shared>> -> memref<10000x128xf32, #tpu.memory_space<vmem_shared>>
            tpu.enqueue_indirect_dma source(%arg7 : memref<128x128xf32, #tpu.memory_space<vmem>>) target(%dma_start3A_235 : memref<10000x128xf32, #tpu.memory_space<vmem_shared>>) offsets(%dma_start3A_232 : memref<128xi32, #tpu.memory_space<vmem>>) semaphore(%run_scoped3A_230 : memref<!tpu.dma_semaphore, #tpu.memory_space<semaphore_mem>>) {add = true}
            %dma_wait3A_236 = arith.constant 0 : i32
            %dma_wait3A_237 = tpu.memref_slice %arg10[%run_scoped3A, %dma_wait3A_236] : memref<8x128xi32, #tpu.memory_space<vmem>> -> memref<1x128xi32, #tpu.memory_space<vmem>>
            %dma_wait3A_238 = tpu.memref_squeeze %dma_wait3A_237 : memref<1x128xi32, #tpu.memory_space<vmem>> -> memref<128xi32, #tpu.memory_space<vmem>>
            %dma_wait3A_239 = arith.constant 0 : i32
            %dma_wait3A_240 = arith.constant 0 : i32
            %dma_wait3A_241 = tpu.memref_slice %arg12[%dma_wait3A_239, %dma_wait3A_240] : memref<10000x128xf32, #tpu.memory_space<vmem_shared>> -> memref<10000x128xf32, #tpu.memory_space<vmem_shared>>
            tpu.wait_indirect_dma semaphore(%run_scoped3A_230 : memref<!tpu.dma_semaphore, #tpu.memory_space<semaphore_mem>>) src(%arg7 : memref<128x128xf32, #tpu.memory_space<vmem>>) dst(%dma_wait3A_241 : memref<10000x128xf32, #tpu.memory_space<vmem_shared>>)
            tpu.yield
          }) : () -> ()
        } else {
        }
        %mul3A_111 = arith.constant 8 : i32
        %mul3A_112 = arith.muli %add3A_44, %mul3A_111 : i32
        %add3A_113 = arith.constant 3 : i32
        %add3A_114 = arith.addi %mul3A_112, %add3A_113 : i32
        %lt3A_115 = arith.constant 2500 : i32
        %lt3A_116 = arith.cmpi slt, %add3A_114, %lt3A_115 : i32
        %convert_element_type3A_117 = arith.extui %lt3A_116 : i1 to i32
        %cond3A_118 = arith.constant 0 : i32
        %cond3A_119 = arith.cmpi ne, %convert_element_type3A_117, %cond3A_118 : i32
        scf.if %cond3A_119 {
          %dma_start3A = arith.constant 3 : i32
          %dma_start3A_224 = arith.constant 0 : i32
          %dma_start3A_225 = tpu.memref_slice %arg8[%dma_start3A, %dma_start3A_224] : memref<8x128xi32, #tpu.memory_space<vmem>> -> memref<1x128xi32, #tpu.memory_space<vmem>>
          %dma_start3A_226 = tpu.memref_squeeze %dma_start3A_225 : memref<1x128xi32, #tpu.memory_space<vmem>> -> memref<128xi32, #tpu.memory_space<vmem>>
          %dma_start3A_227 = arith.constant 0 : i32
          %dma_start3A_228 = arith.constant 0 : i32
          %dma_start3A_229 = tpu.memref_slice %arg2[%dma_start3A_227, %dma_start3A_228] : memref<10000x128xf32, #tpu.memory_space<hbm>> -> memref<10000x128xf32, #tpu.memory_space<hbm>>
          tpu.enqueue_indirect_dma source(%dma_start3A_229 : memref<10000x128xf32, #tpu.memory_space<hbm>>) target(%arg7 : memref<128x128xf32, #tpu.memory_space<vmem>>) offsets(%dma_start3A_226 : memref<128xi32, #tpu.memory_space<vmem>>) semaphore(%arg14 : memref<!tpu.dma_semaphore, #tpu.memory_space<semaphore_mem>>)
        } else {
        }
        %mul3A_120 = arith.constant 8 : i32
        %mul3A_121 = arith.muli %add3A_44, %mul3A_120 : i32
        %add3A_122 = arith.constant 2 : i32
        %add3A_123 = arith.addi %mul3A_121, %add3A_122 : i32
        %lt3A_124 = arith.constant 2500 : i32
        %lt3A_125 = arith.cmpi slt, %add3A_123, %lt3A_124 : i32
        %convert_element_type3A_126 = arith.extui %lt3A_125 : i1 to i32
        %cond3A_127 = arith.constant 0 : i32
        %cond3A_128 = arith.cmpi ne, %convert_element_type3A_126, %cond3A_127 : i32
        scf.if %cond3A_128 {
          %dma_wait3A = arith.constant 2 : i32
          %dma_wait3A_224 = arith.constant 0 : i32
          %dma_wait3A_225 = tpu.memref_slice %arg8[%dma_wait3A, %dma_wait3A_224] : memref<8x128xi32, #tpu.memory_space<vmem>> -> memref<1x128xi32, #tpu.memory_space<vmem>>
          %dma_wait3A_226 = tpu.memref_squeeze %dma_wait3A_225 : memref<1x128xi32, #tpu.memory_space<vmem>> -> memref<128xi32, #tpu.memory_space<vmem>>
          %dma_wait3A_227 = arith.constant 0 : i32
          %dma_wait3A_228 = arith.constant 0 : i32
          %dma_wait3A_229 = tpu.memref_slice %arg2[%dma_wait3A_227, %dma_wait3A_228] : memref<10000x128xf32, #tpu.memory_space<hbm>> -> memref<10000x128xf32, #tpu.memory_space<hbm>>
          tpu.wait_indirect_dma semaphore(%arg13 : memref<!tpu.dma_semaphore, #tpu.memory_space<semaphore_mem>>) src(%dma_wait3A_229 : memref<10000x128xf32, #tpu.memory_space<hbm>>) dst(%arg6 : memref<128x128xf32, #tpu.memory_space<vmem>>)
          %run_scoped3A = arith.constant 2 : i32
          "tpu.region"() ({
            %run_scoped3A_230 = tpu.sem_alloc : memref<!tpu.dma_semaphore, #tpu.memory_space<semaphore_mem>>
            %dma_start3A = arith.constant 0 : i32
            %dma_start3A_231 = tpu.memref_slice %arg10[%run_scoped3A, %dma_start3A] : memref<8x128xi32, #tpu.memory_space<vmem>> -> memref<1x128xi32, #tpu.memory_space<vmem>>
            %dma_start3A_232 = tpu.memref_squeeze %dma_start3A_231 : memref<1x128xi32, #tpu.memory_space<vmem>> -> memref<128xi32, #tpu.memory_space<vmem>>
            %dma_start3A_233 = arith.constant 0 : i32
            %dma_start3A_234 = arith.constant 0 : i32
            %dma_start3A_235 = tpu.memref_slice %arg12[%dma_start3A_233, %dma_start3A_234] : memref<10000x128xf32, #tpu.memory_space<vmem_shared>> -> memref<10000x128xf32, #tpu.memory_space<vmem_shared>>
            tpu.enqueue_indirect_dma source(%arg6 : memref<128x128xf32, #tpu.memory_space<vmem>>) target(%dma_start3A_235 : memref<10000x128xf32, #tpu.memory_space<vmem_shared>>) offsets(%dma_start3A_232 : memref<128xi32, #tpu.memory_space<vmem>>) semaphore(%run_scoped3A_230 : memref<!tpu.dma_semaphore, #tpu.memory_space<semaphore_mem>>) {add = true}
            %dma_wait3A_236 = arith.constant 0 : i32
            %dma_wait3A_237 = tpu.memref_slice %arg10[%run_scoped3A, %dma_wait3A_236] : memref<8x128xi32, #tpu.memory_space<vmem>> -> memref<1x128xi32, #tpu.memory_space<vmem>>
            %dma_wait3A_238 = tpu.memref_squeeze %dma_wait3A_237 : memref<1x128xi32, #tpu.memory_space<vmem>> -> memref<128xi32, #tpu.memory_space<vmem>>
            %dma_wait3A_239 = arith.constant 0 : i32
            %dma_wait3A_240 = arith.constant 0 : i32
            %dma_wait3A_241 = tpu.memref_slice %arg12[%dma_wait3A_239, %dma_wait3A_240] : memref<10000x128xf32, #tpu.memory_space<vmem_shared>> -> memref<10000x128xf32, #tpu.memory_space<vmem_shared>>
            tpu.wait_indirect_dma semaphore(%run_scoped3A_230 : memref<!tpu.dma_semaphore, #tpu.memory_space<semaphore_mem>>) src(%arg6 : memref<128x128xf32, #tpu.memory_space<vmem>>) dst(%dma_wait3A_241 : memref<10000x128xf32, #tpu.memory_space<vmem_shared>>)
            tpu.yield
          }) : () -> ()
        } else {
        }
        %mul3A_129 = arith.constant 8 : i32
        %mul3A_130 = arith.muli %add3A_44, %mul3A_129 : i32
        %add3A_131 = arith.constant 4 : i32
        %add3A_132 = arith.addi %mul3A_130, %add3A_131 : i32
        %lt3A_133 = arith.constant 2500 : i32
        %lt3A_134 = arith.cmpi slt, %add3A_132, %lt3A_133 : i32
        %convert_element_type3A_135 = arith.extui %lt3A_134 : i1 to i32
        %cond3A_136 = arith.constant 0 : i32
        %cond3A_137 = arith.cmpi ne, %convert_element_type3A_135, %cond3A_136 : i32
        scf.if %cond3A_137 {
          %dma_start3A = arith.constant 4 : i32
          %dma_start3A_224 = arith.constant 0 : i32
          %dma_start3A_225 = tpu.memref_slice %arg8[%dma_start3A, %dma_start3A_224] : memref<8x128xi32, #tpu.memory_space<vmem>> -> memref<1x128xi32, #tpu.memory_space<vmem>>
          %dma_start3A_226 = tpu.memref_squeeze %dma_start3A_225 : memref<1x128xi32, #tpu.memory_space<vmem>> -> memref<128xi32, #tpu.memory_space<vmem>>
          %dma_start3A_227 = arith.constant 0 : i32
          %dma_start3A_228 = arith.constant 0 : i32
          %dma_start3A_229 = tpu.memref_slice %arg2[%dma_start3A_227, %dma_start3A_228] : memref<10000x128xf32, #tpu.memory_space<hbm>> -> memref<10000x128xf32, #tpu.memory_space<hbm>>
          tpu.enqueue_indirect_dma source(%dma_start3A_229 : memref<10000x128xf32, #tpu.memory_space<hbm>>) target(%arg6 : memref<128x128xf32, #tpu.memory_space<vmem>>) offsets(%dma_start3A_226 : memref<128xi32, #tpu.memory_space<vmem>>) semaphore(%arg13 : memref<!tpu.dma_semaphore, #tpu.memory_space<semaphore_mem>>)
        } else {
        }
        %mul3A_138 = arith.constant 8 : i32
        %mul3A_139 = arith.muli %add3A_44, %mul3A_138 : i32
        %add3A_140 = arith.constant 3 : i32
        %add3A_141 = arith.addi %mul3A_139, %add3A_140 : i32
        %lt3A_142 = arith.constant 2500 : i32
        %lt3A_143 = arith.cmpi slt, %add3A_141, %lt3A_142 : i32
        %convert_element_type3A_144 = arith.extui %lt3A_143 : i1 to i32
        %cond3A_145 = arith.constant 0 : i32
        %cond3A_146 = arith.cmpi ne, %convert_element_type3A_144, %cond3A_145 : i32
        scf.if %cond3A_146 {
          %dma_wait3A = arith.constant 3 : i32
          %dma_wait3A_224 = arith.constant 0 : i32
          %dma_wait3A_225 = tpu.memref_slice %arg8[%dma_wait3A, %dma_wait3A_224] : memref<8x128xi32, #tpu.memory_space<vmem>> -> memref<1x128xi32, #tpu.memory_space<vmem>>
          %dma_wait3A_226 = tpu.memref_squeeze %dma_wait3A_225 : memref<1x128xi32, #tpu.memory_space<vmem>> -> memref<128xi32, #tpu.memory_space<vmem>>
          %dma_wait3A_227 = arith.constant 0 : i32
          %dma_wait3A_228 = arith.constant 0 : i32
          %dma_wait3A_229 = tpu.memref_slice %arg2[%dma_wait3A_227, %dma_wait3A_228] : memref<10000x128xf32, #tpu.memory_space<hbm>> -> memref<10000x128xf32, #tpu.memory_space<hbm>>
          tpu.wait_indirect_dma semaphore(%arg14 : memref<!tpu.dma_semaphore, #tpu.memory_space<semaphore_mem>>) src(%dma_wait3A_229 : memref<10000x128xf32, #tpu.memory_space<hbm>>) dst(%arg7 : memref<128x128xf32, #tpu.memory_space<vmem>>)
          %run_scoped3A = arith.constant 3 : i32
          "tpu.region"() ({
            %run_scoped3A_230 = tpu.sem_alloc : memref<!tpu.dma_semaphore, #tpu.memory_space<semaphore_mem>>
            %dma_start3A = arith.constant 0 : i32
            %dma_start3A_231 = tpu.memref_slice %arg10[%run_scoped3A, %dma_start3A] : memref<8x128xi32, #tpu.memory_space<vmem>> -> memref<1x128xi32, #tpu.memory_space<vmem>>
            %dma_start3A_232 = tpu.memref_squeeze %dma_start3A_231 : memref<1x128xi32, #tpu.memory_space<vmem>> -> memref<128xi32, #tpu.memory_space<vmem>>
            %dma_start3A_233 = arith.constant 0 : i32
            %dma_start3A_234 = arith.constant 0 : i32
            %dma_start3A_235 = tpu.memref_slice %arg12[%dma_start3A_233, %dma_start3A_234] : memref<10000x128xf32, #tpu.memory_space<vmem_shared>> -> memref<10000x128xf32, #tpu.memory_space<vmem_shared>>
            tpu.enqueue_indirect_dma source(%arg7 : memref<128x128xf32, #tpu.memory_space<vmem>>) target(%dma_start3A_235 : memref<10000x128xf32, #tpu.memory_space<vmem_shared>>) offsets(%dma_start3A_232 : memref<128xi32, #tpu.memory_space<vmem>>) semaphore(%run_scoped3A_230 : memref<!tpu.dma_semaphore, #tpu.memory_space<semaphore_mem>>) {add = true}
            %dma_wait3A_236 = arith.constant 0 : i32
            %dma_wait3A_237 = tpu.memref_slice %arg10[%run_scoped3A, %dma_wait3A_236] : memref<8x128xi32, #tpu.memory_space<vmem>> -> memref<1x128xi32, #tpu.memory_space<vmem>>
            %dma_wait3A_238 = tpu.memref_squeeze %dma_wait3A_237 : memref<1x128xi32, #tpu.memory_space<vmem>> -> memref<128xi32, #tpu.memory_space<vmem>>
            %dma_wait3A_239 = arith.constant 0 : i32
            %dma_wait3A_240 = arith.constant 0 : i32
            %dma_wait3A_241 = tpu.memref_slice %arg12[%dma_wait3A_239, %dma_wait3A_240] : memref<10000x128xf32, #tpu.memory_space<vmem_shared>> -> memref<10000x128xf32, #tpu.memory_space<vmem_shared>>
            tpu.wait_indirect_dma semaphore(%run_scoped3A_230 : memref<!tpu.dma_semaphore, #tpu.memory_space<semaphore_mem>>) src(%arg7 : memref<128x128xf32, #tpu.memory_space<vmem>>) dst(%dma_wait3A_241 : memref<10000x128xf32, #tpu.memory_space<vmem_shared>>)
            tpu.yield
          }) : () -> ()
        } else {
        }
        %mul3A_147 = arith.constant 8 : i32
        %mul3A_148 = arith.muli %add3A_44, %mul3A_147 : i32
        %add3A_149 = arith.constant 5 : i32
        %add3A_150 = arith.addi %mul3A_148, %add3A_149 : i32
        %lt3A_151 = arith.constant 2500 : i32
        %lt3A_152 = arith.cmpi slt, %add3A_150, %lt3A_151 : i32
        %convert_element_type3A_153 = arith.extui %lt3A_152 : i1 to i32
        %cond3A_154 = arith.constant 0 : i32
        %cond3A_155 = arith.cmpi ne, %convert_element_type3A_153, %cond3A_154 : i32
        scf.if %cond3A_155 {
          %dma_start3A = arith.constant 5 : i32
          %dma_start3A_224 = arith.constant 0 : i32
          %dma_start3A_225 = tpu.memref_slice %arg8[%dma_start3A, %dma_start3A_224] : memref<8x128xi32, #tpu.memory_space<vmem>> -> memref<1x128xi32, #tpu.memory_space<vmem>>
          %dma_start3A_226 = tpu.memref_squeeze %dma_start3A_225 : memref<1x128xi32, #tpu.memory_space<vmem>> -> memref<128xi32, #tpu.memory_space<vmem>>
          %dma_start3A_227 = arith.constant 0 : i32
          %dma_start3A_228 = arith.constant 0 : i32
          %dma_start3A_229 = tpu.memref_slice %arg2[%dma_start3A_227, %dma_start3A_228] : memref<10000x128xf32, #tpu.memory_space<hbm>> -> memref<10000x128xf32, #tpu.memory_space<hbm>>
          tpu.enqueue_indirect_dma source(%dma_start3A_229 : memref<10000x128xf32, #tpu.memory_space<hbm>>) target(%arg7 : memref<128x128xf32, #tpu.memory_space<vmem>>) offsets(%dma_start3A_226 : memref<128xi32, #tpu.memory_space<vmem>>) semaphore(%arg14 : memref<!tpu.dma_semaphore, #tpu.memory_space<semaphore_mem>>)
        } else {
        }
        %mul3A_156 = arith.constant 8 : i32
        %mul3A_157 = arith.muli %add3A_44, %mul3A_156 : i32
        %add3A_158 = arith.constant 4 : i32
        %add3A_159 = arith.addi %mul3A_157, %add3A_158 : i32
        %lt3A_160 = arith.constant 2500 : i32
        %lt3A_161 = arith.cmpi slt, %add3A_159, %lt3A_160 : i32
        %convert_element_type3A_162 = arith.extui %lt3A_161 : i1 to i32
        %cond3A_163 = arith.constant 0 : i32
        %cond3A_164 = arith.cmpi ne, %convert_element_type3A_162, %cond3A_163 : i32
        scf.if %cond3A_164 {
          %dma_wait3A = arith.constant 4 : i32
          %dma_wait3A_224 = arith.constant 0 : i32
          %dma_wait3A_225 = tpu.memref_slice %arg8[%dma_wait3A, %dma_wait3A_224] : memref<8x128xi32, #tpu.memory_space<vmem>> -> memref<1x128xi32, #tpu.memory_space<vmem>>
          %dma_wait3A_226 = tpu.memref_squeeze %dma_wait3A_225 : memref<1x128xi32, #tpu.memory_space<vmem>> -> memref<128xi32, #tpu.memory_space<vmem>>
          %dma_wait3A_227 = arith.constant 0 : i32
          %dma_wait3A_228 = arith.constant 0 : i32
          %dma_wait3A_229 = tpu.memref_slice %arg2[%dma_wait3A_227, %dma_wait3A_228] : memref<10000x128xf32, #tpu.memory_space<hbm>> -> memref<10000x128xf32, #tpu.memory_space<hbm>>
          tpu.wait_indirect_dma semaphore(%arg13 : memref<!tpu.dma_semaphore, #tpu.memory_space<semaphore_mem>>) src(%dma_wait3A_229 : memref<10000x128xf32, #tpu.memory_space<hbm>>) dst(%arg6 : memref<128x128xf32, #tpu.memory_space<vmem>>)
          %run_scoped3A = arith.constant 4 : i32
          "tpu.region"() ({
            %run_scoped3A_230 = tpu.sem_alloc : memref<!tpu.dma_semaphore, #tpu.memory_space<semaphore_mem>>
            %dma_start3A = arith.constant 0 : i32
            %dma_start3A_231 = tpu.memref_slice %arg10[%run_scoped3A, %dma_start3A] : memref<8x128xi32, #tpu.memory_space<vmem>> -> memref<1x128xi32, #tpu.memory_space<vmem>>
            %dma_start3A_232 = tpu.memref_squeeze %dma_start3A_231 : memref<1x128xi32, #tpu.memory_space<vmem>> -> memref<128xi32, #tpu.memory_space<vmem>>
            %dma_start3A_233 = arith.constant 0 : i32
            %dma_start3A_234 = arith.constant 0 : i32
            %dma_start3A_235 = tpu.memref_slice %arg12[%dma_start3A_233, %dma_start3A_234] : memref<10000x128xf32, #tpu.memory_space<vmem_shared>> -> memref<10000x128xf32, #tpu.memory_space<vmem_shared>>
            tpu.enqueue_indirect_dma source(%arg6 : memref<128x128xf32, #tpu.memory_space<vmem>>) target(%dma_start3A_235 : memref<10000x128xf32, #tpu.memory_space<vmem_shared>>) offsets(%dma_start3A_232 : memref<128xi32, #tpu.memory_space<vmem>>) semaphore(%run_scoped3A_230 : memref<!tpu.dma_semaphore, #tpu.memory_space<semaphore_mem>>) {add = true}
            %dma_wait3A_236 = arith.constant 0 : i32
            %dma_wait3A_237 = tpu.memref_slice %arg10[%run_scoped3A, %dma_wait3A_236] : memref<8x128xi32, #tpu.memory_space<vmem>> -> memref<1x128xi32, #tpu.memory_space<vmem>>
            %dma_wait3A_238 = tpu.memref_squeeze %dma_wait3A_237 : memref<1x128xi32, #tpu.memory_space<vmem>> -> memref<128xi32, #tpu.memory_space<vmem>>
            %dma_wait3A_239 = arith.constant 0 : i32
            %dma_wait3A_240 = arith.constant 0 : i32
            %dma_wait3A_241 = tpu.memref_slice %arg12[%dma_wait3A_239, %dma_wait3A_240] : memref<10000x128xf32, #tpu.memory_space<vmem_shared>> -> memref<10000x128xf32, #tpu.memory_space<vmem_shared>>
            tpu.wait_indirect_dma semaphore(%run_scoped3A_230 : memref<!tpu.dma_semaphore, #tpu.memory_space<semaphore_mem>>) src(%arg6 : memref<128x128xf32, #tpu.memory_space<vmem>>) dst(%dma_wait3A_241 : memref<10000x128xf32, #tpu.memory_space<vmem_shared>>)
            tpu.yield
          }) : () -> ()
        } else {
        }
        %mul3A_165 = arith.constant 8 : i32
        %mul3A_166 = arith.muli %add3A_44, %mul3A_165 : i32
        %add3A_167 = arith.constant 6 : i32
        %add3A_168 = arith.addi %mul3A_166, %add3A_167 : i32
        %lt3A_169 = arith.constant 2500 : i32
        %lt3A_170 = arith.cmpi slt, %add3A_168, %lt3A_169 : i32
        %convert_element_type3A_171 = arith.extui %lt3A_170 : i1 to i32
        %cond3A_172 = arith.constant 0 : i32
        %cond3A_173 = arith.cmpi ne, %convert_element_type3A_171, %cond3A_172 : i32
        scf.if %cond3A_173 {
          %dma_start3A = arith.constant 6 : i32
          %dma_start3A_224 = arith.constant 0 : i32
          %dma_start3A_225 = tpu.memref_slice %arg8[%dma_start3A, %dma_start3A_224] : memref<8x128xi32, #tpu.memory_space<vmem>> -> memref<1x128xi32, #tpu.memory_space<vmem>>
          %dma_start3A_226 = tpu.memref_squeeze %dma_start3A_225 : memref<1x128xi32, #tpu.memory_space<vmem>> -> memref<128xi32, #tpu.memory_space<vmem>>
          %dma_start3A_227 = arith.constant 0 : i32
          %dma_start3A_228 = arith.constant 0 : i32
          %dma_start3A_229 = tpu.memref_slice %arg2[%dma_start3A_227, %dma_start3A_228] : memref<10000x128xf32, #tpu.memory_space<hbm>> -> memref<10000x128xf32, #tpu.memory_space<hbm>>
          tpu.enqueue_indirect_dma source(%dma_start3A_229 : memref<10000x128xf32, #tpu.memory_space<hbm>>) target(%arg6 : memref<128x128xf32, #tpu.memory_space<vmem>>) offsets(%dma_start3A_226 : memref<128xi32, #tpu.memory_space<vmem>>) semaphore(%arg13 : memref<!tpu.dma_semaphore, #tpu.memory_space<semaphore_mem>>)
        } else {
        }
        %mul3A_174 = arith.constant 8 : i32
        %mul3A_175 = arith.muli %add3A_44, %mul3A_174 : i32
        %add3A_176 = arith.constant 5 : i32
        %add3A_177 = arith.addi %mul3A_175, %add3A_176 : i32
        %lt3A_178 = arith.constant 2500 : i32
        %lt3A_179 = arith.cmpi slt, %add3A_177, %lt3A_178 : i32
        %convert_element_type3A_180 = arith.extui %lt3A_179 : i1 to i32
        %cond3A_181 = arith.constant 0 : i32
        %cond3A_182 = arith.cmpi ne, %convert_element_type3A_180, %cond3A_181 : i32
        scf.if %cond3A_182 {
          %dma_wait3A = arith.constant 5 : i32
          %dma_wait3A_224 = arith.constant 0 : i32
          %dma_wait3A_225 = tpu.memref_slice %arg8[%dma_wait3A, %dma_wait3A_224] : memref<8x128xi32, #tpu.memory_space<vmem>> -> memref<1x128xi32, #tpu.memory_space<vmem>>
          %dma_wait3A_226 = tpu.memref_squeeze %dma_wait3A_225 : memref<1x128xi32, #tpu.memory_space<vmem>> -> memref<128xi32, #tpu.memory_space<vmem>>
          %dma_wait3A_227 = arith.constant 0 : i32
          %dma_wait3A_228 = arith.constant 0 : i32
          %dma_wait3A_229 = tpu.memref_slice %arg2[%dma_wait3A_227, %dma_wait3A_228] : memref<10000x128xf32, #tpu.memory_space<hbm>> -> memref<10000x128xf32, #tpu.memory_space<hbm>>
          tpu.wait_indirect_dma semaphore(%arg14 : memref<!tpu.dma_semaphore, #tpu.memory_space<semaphore_mem>>) src(%dma_wait3A_229 : memref<10000x128xf32, #tpu.memory_space<hbm>>) dst(%arg7 : memref<128x128xf32, #tpu.memory_space<vmem>>)
          %run_scoped3A = arith.constant 5 : i32
          "tpu.region"() ({
            %run_scoped3A_230 = tpu.sem_alloc : memref<!tpu.dma_semaphore, #tpu.memory_space<semaphore_mem>>
            %dma_start3A = arith.constant 0 : i32
            %dma_start3A_231 = tpu.memref_slice %arg10[%run_scoped3A, %dma_start3A] : memref<8x128xi32, #tpu.memory_space<vmem>> -> memref<1x128xi32, #tpu.memory_space<vmem>>
            %dma_start3A_232 = tpu.memref_squeeze %dma_start3A_231 : memref<1x128xi32, #tpu.memory_space<vmem>> -> memref<128xi32, #tpu.memory_space<vmem>>
            %dma_start3A_233 = arith.constant 0 : i32
            %dma_start3A_234 = arith.constant 0 : i32
            %dma_start3A_235 = tpu.memref_slice %arg12[%dma_start3A_233, %dma_start3A_234] : memref<10000x128xf32, #tpu.memory_space<vmem_shared>> -> memref<10000x128xf32, #tpu.memory_space<vmem_shared>>
            tpu.enqueue_indirect_dma source(%arg7 : memref<128x128xf32, #tpu.memory_space<vmem>>) target(%dma_start3A_235 : memref<10000x128xf32, #tpu.memory_space<vmem_shared>>) offsets(%dma_start3A_232 : memref<128xi32, #tpu.memory_space<vmem>>) semaphore(%run_scoped3A_230 : memref<!tpu.dma_semaphore, #tpu.memory_space<semaphore_mem>>) {add = true}
            %dma_wait3A_236 = arith.constant 0 : i32
            %dma_wait3A_237 = tpu.memref_slice %arg10[%run_scoped3A, %dma_wait3A_236] : memref<8x128xi32, #tpu.memory_space<vmem>> -> memref<1x128xi32, #tpu.memory_space<vmem>>
            %dma_wait3A_238 = tpu.memref_squeeze %dma_wait3A_237 : memref<1x128xi32, #tpu.memory_space<vmem>> -> memref<128xi32, #tpu.memory_space<vmem>>
            %dma_wait3A_239 = arith.constant 0 : i32
            %dma_wait3A_240 = arith.constant 0 : i32
            %dma_wait3A_241 = tpu.memref_slice %arg12[%dma_wait3A_239, %dma_wait3A_240] : memref<10000x128xf32, #tpu.memory_space<vmem_shared>> -> memref<10000x128xf32, #tpu.memory_space<vmem_shared>>
            tpu.wait_indirect_dma semaphore(%run_scoped3A_230 : memref<!tpu.dma_semaphore, #tpu.memory_space<semaphore_mem>>) src(%arg7 : memref<128x128xf32, #tpu.memory_space<vmem>>) dst(%dma_wait3A_241 : memref<10000x128xf32, #tpu.memory_space<vmem_shared>>)
            tpu.yield
          }) : () -> ()
        } else {
        }
        %mul3A_183 = arith.constant 8 : i32
        %mul3A_184 = arith.muli %add3A_44, %mul3A_183 : i32
        %add3A_185 = arith.constant 7 : i32
        %add3A_186 = arith.addi %mul3A_184, %add3A_185 : i32
        %lt3A_187 = arith.constant 2500 : i32
        %lt3A_188 = arith.cmpi slt, %add3A_186, %lt3A_187 : i32
        %convert_element_type3A_189 = arith.extui %lt3A_188 : i1 to i32
        %cond3A_190 = arith.constant 0 : i32
        %cond3A_191 = arith.cmpi ne, %convert_element_type3A_189, %cond3A_190 : i32
        scf.if %cond3A_191 {
          %dma_start3A = arith.constant 7 : i32
          %dma_start3A_224 = arith.constant 0 : i32
          %dma_start3A_225 = tpu.memref_slice %arg8[%dma_start3A, %dma_start3A_224] : memref<8x128xi32, #tpu.memory_space<vmem>> -> memref<1x128xi32, #tpu.memory_space<vmem>>
          %dma_start3A_226 = tpu.memref_squeeze %dma_start3A_225 : memref<1x128xi32, #tpu.memory_space<vmem>> -> memref<128xi32, #tpu.memory_space<vmem>>
          %dma_start3A_227 = arith.constant 0 : i32
          %dma_start3A_228 = arith.constant 0 : i32
          %dma_start3A_229 = tpu.memref_slice %arg2[%dma_start3A_227, %dma_start3A_228] : memref<10000x128xf32, #tpu.memory_space<hbm>> -> memref<10000x128xf32, #tpu.memory_space<hbm>>
          tpu.enqueue_indirect_dma source(%dma_start3A_229 : memref<10000x128xf32, #tpu.memory_space<hbm>>) target(%arg7 : memref<128x128xf32, #tpu.memory_space<vmem>>) offsets(%dma_start3A_226 : memref<128xi32, #tpu.memory_space<vmem>>) semaphore(%arg14 : memref<!tpu.dma_semaphore, #tpu.memory_space<semaphore_mem>>)
        } else {
        }
        %mul3A_192 = arith.constant 8 : i32
        %mul3A_193 = arith.muli %add3A_44, %mul3A_192 : i32
        %add3A_194 = arith.constant 6 : i32
        %add3A_195 = arith.addi %mul3A_193, %add3A_194 : i32
        %lt3A_196 = arith.constant 2500 : i32
        %lt3A_197 = arith.cmpi slt, %add3A_195, %lt3A_196 : i32
        %convert_element_type3A_198 = arith.extui %lt3A_197 : i1 to i32
        %cond3A_199 = arith.constant 0 : i32
        %cond3A_200 = arith.cmpi ne, %convert_element_type3A_198, %cond3A_199 : i32
        scf.if %cond3A_200 {
          %dma_wait3A = arith.constant 6 : i32
          %dma_wait3A_224 = arith.constant 0 : i32
          %dma_wait3A_225 = tpu.memref_slice %arg8[%dma_wait3A, %dma_wait3A_224] : memref<8x128xi32, #tpu.memory_space<vmem>> -> memref<1x128xi32, #tpu.memory_space<vmem>>
          %dma_wait3A_226 = tpu.memref_squeeze %dma_wait3A_225 : memref<1x128xi32, #tpu.memory_space<vmem>> -> memref<128xi32, #tpu.memory_space<vmem>>
          %dma_wait3A_227 = arith.constant 0 : i32
          %dma_wait3A_228 = arith.constant 0 : i32
          %dma_wait3A_229 = tpu.memref_slice %arg2[%dma_wait3A_227, %dma_wait3A_228] : memref<10000x128xf32, #tpu.memory_space<hbm>> -> memref<10000x128xf32, #tpu.memory_space<hbm>>
          tpu.wait_indirect_dma semaphore(%arg13 : memref<!tpu.dma_semaphore, #tpu.memory_space<semaphore_mem>>) src(%dma_wait3A_229 : memref<10000x128xf32, #tpu.memory_space<hbm>>) dst(%arg6 : memref<128x128xf32, #tpu.memory_space<vmem>>)
          %run_scoped3A = arith.constant 6 : i32
          "tpu.region"() ({
            %run_scoped3A_230 = tpu.sem_alloc : memref<!tpu.dma_semaphore, #tpu.memory_space<semaphore_mem>>
            %dma_start3A = arith.constant 0 : i32
            %dma_start3A_231 = tpu.memref_slice %arg10[%run_scoped3A, %dma_start3A] : memref<8x128xi32, #tpu.memory_space<vmem>> -> memref<1x128xi32, #tpu.memory_space<vmem>>
            %dma_start3A_232 = tpu.memref_squeeze %dma_start3A_231 : memref<1x128xi32, #tpu.memory_space<vmem>> -> memref<128xi32, #tpu.memory_space<vmem>>
            %dma_start3A_233 = arith.constant 0 : i32
            %dma_start3A_234 = arith.constant 0 : i32
            %dma_start3A_235 = tpu.memref_slice %arg12[%dma_start3A_233, %dma_start3A_234] : memref<10000x128xf32, #tpu.memory_space<vmem_shared>> -> memref<10000x128xf32, #tpu.memory_space<vmem_shared>>
            tpu.enqueue_indirect_dma source(%arg6 : memref<128x128xf32, #tpu.memory_space<vmem>>) target(%dma_start3A_235 : memref<10000x128xf32, #tpu.memory_space<vmem_shared>>) offsets(%dma_start3A_232 : memref<128xi32, #tpu.memory_space<vmem>>) semaphore(%run_scoped3A_230 : memref<!tpu.dma_semaphore, #tpu.memory_space<semaphore_mem>>) {add = true}
            %dma_wait3A_236 = arith.constant 0 : i32
            %dma_wait3A_237 = tpu.memref_slice %arg10[%run_scoped3A, %dma_wait3A_236] : memref<8x128xi32, #tpu.memory_space<vmem>> -> memref<1x128xi32, #tpu.memory_space<vmem>>
            %dma_wait3A_238 = tpu.memref_squeeze %dma_wait3A_237 : memref<1x128xi32, #tpu.memory_space<vmem>> -> memref<128xi32, #tpu.memory_space<vmem>>
            %dma_wait3A_239 = arith.constant 0 : i32
            %dma_wait3A_240 = arith.constant 0 : i32
            %dma_wait3A_241 = tpu.memref_slice %arg12[%dma_wait3A_239, %dma_wait3A_240] : memref<10000x128xf32, #tpu.memory_space<vmem_shared>> -> memref<10000x128xf32, #tpu.memory_space<vmem_shared>>
            tpu.wait_indirect_dma semaphore(%run_scoped3A_230 : memref<!tpu.dma_semaphore, #tpu.memory_space<semaphore_mem>>) src(%arg6 : memref<128x128xf32, #tpu.memory_space<vmem>>) dst(%dma_wait3A_241 : memref<10000x128xf32, #tpu.memory_space<vmem_shared>>)
            tpu.yield
          }) : () -> ()
        } else {
        }
        %lt3A_201 = arith.constant 313 : i32
        %lt3A_202 = arith.cmpi slt, %add3A_49, %lt3A_201 : i32
        %convert_element_type3A_203 = arith.extui %lt3A_202 : i1 to i32
        %cond3A_204 = arith.constant 0 : i32
        %cond3A_205 = arith.cmpi ne, %convert_element_type3A_203, %cond3A_204 : i32
        scf.if %cond3A_205 {
          %mul3A_224 = arith.constant 8 : i32
          %mul3A_225 = arith.muli %add3A_49, %mul3A_224 : i32
          %dma_wait3A = arith.constant 0 : i32
          %dma_wait3A_226 = tpu.memref_slice %arg3[%mul3A_225, %dma_wait3A] : memref<2500x128xi32, #tpu.memory_space<hbm>> -> memref<8x128xi32, #tpu.memory_space<hbm>>
          %dma_wait3A_227 = arith.constant 0 : i32
          %dma_wait3A_228 = tpu.memref_slice %arg3[%mul3A_225, %dma_wait3A_227] : memref<2500x128xi32, #tpu.memory_space<hbm>> -> memref<8x128xi32, #tpu.memory_space<hbm>>
          tpu.wait_dma2 semaphore(%arg16 : memref<!tpu.dma_semaphore, #tpu.memory_space<semaphore_mem>>) src(%dma_wait3A_228 : memref<8x128xi32, #tpu.memory_space<hbm>>) dst(%arg9 : memref<8x128xi32, #tpu.memory_space<vmem>>)
          %mul3A_229 = arith.constant 8 : i32
          %mul3A_230 = arith.muli %add3A_49, %mul3A_229 : i32
          %dma_wait3A_231 = arith.constant 0 : i32
          %dma_wait3A_232 = tpu.memref_slice %arg4[%mul3A_230, %dma_wait3A_231] : memref<2500x128xi32, #tpu.memory_space<hbm>> -> memref<8x128xi32, #tpu.memory_space<hbm>>
          %dma_wait3A_233 = arith.constant 0 : i32
          %dma_wait3A_234 = tpu.memref_slice %arg4[%mul3A_230, %dma_wait3A_233] : memref<2500x128xi32, #tpu.memory_space<hbm>> -> memref<8x128xi32, #tpu.memory_space<hbm>>
          tpu.wait_dma2 semaphore(%arg16 : memref<!tpu.dma_semaphore, #tpu.memory_space<semaphore_mem>>) src(%dma_wait3A_234 : memref<8x128xi32, #tpu.memory_space<hbm>>) dst(%arg11 : memref<8x128xi32, #tpu.memory_space<vmem>>)
        } else {
        }
        %mul3A_206 = arith.constant 8 : i32
        %mul3A_207 = arith.muli %add3A_49, %mul3A_206 : i32
        %add3A_208 = arith.constant 0 : i32
        %add3A_209 = arith.addi %mul3A_207, %add3A_208 : i32
        %lt3A_210 = arith.constant 2500 : i32
        %lt3A_211 = arith.cmpi slt, %add3A_209, %lt3A_210 : i32
        %convert_element_type3A_212 = arith.extui %lt3A_211 : i1 to i32
        %cond3A_213 = arith.constant 0 : i32
        %cond3A_214 = arith.cmpi ne, %convert_element_type3A_212, %cond3A_213 : i32
        scf.if %cond3A_214 {
          %dma_start3A = arith.constant 0 : i32
          %dma_start3A_224 = arith.constant 0 : i32
          %dma_start3A_225 = tpu.memref_slice %arg9[%dma_start3A, %dma_start3A_224] : memref<8x128xi32, #tpu.memory_space<vmem>> -> memref<1x128xi32, #tpu.memory_space<vmem>>
          %dma_start3A_226 = tpu.memref_squeeze %dma_start3A_225 : memref<1x128xi32, #tpu.memory_space<vmem>> -> memref<128xi32, #tpu.memory_space<vmem>>
          %dma_start3A_227 = arith.constant 0 : i32
          %dma_start3A_228 = arith.constant 0 : i32
          %dma_start3A_229 = tpu.memref_slice %arg2[%dma_start3A_227, %dma_start3A_228] : memref<10000x128xf32, #tpu.memory_space<hbm>> -> memref<10000x128xf32, #tpu.memory_space<hbm>>
          tpu.enqueue_indirect_dma source(%dma_start3A_229 : memref<10000x128xf32, #tpu.memory_space<hbm>>) target(%arg6 : memref<128x128xf32, #tpu.memory_space<vmem>>) offsets(%dma_start3A_226 : memref<128xi32, #tpu.memory_space<vmem>>) semaphore(%arg13 : memref<!tpu.dma_semaphore, #tpu.memory_space<semaphore_mem>>)
        } else {
        }
        %mul3A_215 = arith.constant 8 : i32
        %mul3A_216 = arith.muli %add3A_44, %mul3A_215 : i32
        %add3A_217 = arith.constant 7 : i32
        %add3A_218 = arith.addi %mul3A_216, %add3A_217 : i32
        %lt3A_219 = arith.constant 2500 : i32
        %lt3A_220 = arith.cmpi slt, %add3A_218, %lt3A_219 : i32
        %convert_element_type3A_221 = arith.extui %lt3A_220 : i1 to i32
        %cond3A_222 = arith.constant 0 : i32
        %cond3A_223 = arith.cmpi ne, %convert_element_type3A_221, %cond3A_222 : i32
        scf.if %cond3A_223 {
          %dma_wait3A = arith.constant 7 : i32
          %dma_wait3A_224 = arith.constant 0 : i32
          %dma_wait3A_225 = tpu.memref_slice %arg8[%dma_wait3A, %dma_wait3A_224] : memref<8x128xi32, #tpu.memory_space<vmem>> -> memref<1x128xi32, #tpu.memory_space<vmem>>
          %dma_wait3A_226 = tpu.memref_squeeze %dma_wait3A_225 : memref<1x128xi32, #tpu.memory_space<vmem>> -> memref<128xi32, #tpu.memory_space<vmem>>
          %dma_wait3A_227 = arith.constant 0 : i32
          %dma_wait3A_228 = arith.constant 0 : i32
          %dma_wait3A_229 = tpu.memref_slice %arg2[%dma_wait3A_227, %dma_wait3A_228] : memref<10000x128xf32, #tpu.memory_space<hbm>> -> memref<10000x128xf32, #tpu.memory_space<hbm>>
          tpu.wait_indirect_dma semaphore(%arg14 : memref<!tpu.dma_semaphore, #tpu.memory_space<semaphore_mem>>) src(%dma_wait3A_229 : memref<10000x128xf32, #tpu.memory_space<hbm>>) dst(%arg7 : memref<128x128xf32, #tpu.memory_space<vmem>>)
          %run_scoped3A = arith.constant 7 : i32
          "tpu.region"() ({
            %run_scoped3A_230 = tpu.sem_alloc : memref<!tpu.dma_semaphore, #tpu.memory_space<semaphore_mem>>
            %dma_start3A = arith.constant 0 : i32
            %dma_start3A_231 = tpu.memref_slice %arg10[%run_scoped3A, %dma_start3A] : memref<8x128xi32, #tpu.memory_space<vmem>> -> memref<1x128xi32, #tpu.memory_space<vmem>>
            %dma_start3A_232 = tpu.memref_squeeze %dma_start3A_231 : memref<1x128xi32, #tpu.memory_space<vmem>> -> memref<128xi32, #tpu.memory_space<vmem>>
            %dma_start3A_233 = arith.constant 0 : i32
            %dma_start3A_234 = arith.constant 0 : i32
            %dma_start3A_235 = tpu.memref_slice %arg12[%dma_start3A_233, %dma_start3A_234] : memref<10000x128xf32, #tpu.memory_space<vmem_shared>> -> memref<10000x128xf32, #tpu.memory_space<vmem_shared>>
            tpu.enqueue_indirect_dma source(%arg7 : memref<128x128xf32, #tpu.memory_space<vmem>>) target(%dma_start3A_235 : memref<10000x128xf32, #tpu.memory_space<vmem_shared>>) offsets(%dma_start3A_232 : memref<128xi32, #tpu.memory_space<vmem>>) semaphore(%run_scoped3A_230 : memref<!tpu.dma_semaphore, #tpu.memory_space<semaphore_mem>>) {add = true}
            %dma_wait3A_236 = arith.constant 0 : i32
            %dma_wait3A_237 = tpu.memref_slice %arg10[%run_scoped3A, %dma_wait3A_236] : memref<8x128xi32, #tpu.memory_space<vmem>> -> memref<1x128xi32, #tpu.memory_space<vmem>>
            %dma_wait3A_238 = tpu.memref_squeeze %dma_wait3A_237 : memref<1x128xi32, #tpu.memory_space<vmem>> -> memref<128xi32, #tpu.memory_space<vmem>>
            %dma_wait3A_239 = arith.constant 0 : i32
            %dma_wait3A_240 = arith.constant 0 : i32
            %dma_wait3A_241 = tpu.memref_slice %arg12[%dma_wait3A_239, %dma_wait3A_240] : memref<10000x128xf32, #tpu.memory_space<vmem_shared>> -> memref<10000x128xf32, #tpu.memory_space<vmem_shared>>
            tpu.wait_indirect_dma semaphore(%run_scoped3A_230 : memref<!tpu.dma_semaphore, #tpu.memory_space<semaphore_mem>>) src(%arg7 : memref<128x128xf32, #tpu.memory_space<vmem>>) dst(%dma_wait3A_241 : memref<10000x128xf32, #tpu.memory_space<vmem_shared>>)
            tpu.yield
          }) : () -> ()
        } else {
        }
      } else {
      }
      %lt3A_65 = arith.constant 313 : i32
      %lt3A_66 = arith.cmpi slt, %add3A_54, %lt3A_65 : i32
      %convert_element_type3A_67 = arith.extui %lt3A_66 : i1 to i32
      %cond3A_68 = arith.constant 0 : i32
      %cond3A_69 = arith.cmpi ne, %convert_element_type3A_67, %cond3A_68 : i32
      scf.if %cond3A_69 {
        %mul3A_75 = arith.constant 8 : i32
        %mul3A_76 = arith.muli %add3A_54, %mul3A_75 : i32
        %dma_start3A = arith.constant 0 : i32
        %dma_start3A_77 = tpu.memref_slice %arg3[%mul3A_76, %dma_start3A] : memref<2500x128xi32, #tpu.memory_space<hbm>> -> memref<8x128xi32, #tpu.memory_space<hbm>>
        %dma_start3A_78 = arith.constant 0 : i32
        %dma_start3A_79 = tpu.memref_slice %arg3[%mul3A_76, %dma_start3A_78] : memref<2500x128xi32, #tpu.memory_space<hbm>> -> memref<8x128xi32, #tpu.memory_space<hbm>>
        tpu.enqueue_dma source(%dma_start3A_79 : memref<8x128xi32, #tpu.memory_space<hbm>>) target(%arg8 : memref<8x128xi32, #tpu.memory_space<vmem>>) target_semaphore(%arg15 : memref<!tpu.dma_semaphore, #tpu.memory_space<semaphore_mem>>)
        %mul3A_80 = arith.constant 8 : i32
        %mul3A_81 = arith.muli %add3A_54, %mul3A_80 : i32
        %dma_start3A_82 = arith.constant 0 : i32
        %dma_start3A_83 = tpu.memref_slice %arg4[%mul3A_81, %dma_start3A_82] : memref<2500x128xi32, #tpu.memory_space<hbm>> -> memref<8x128xi32, #tpu.memory_space<hbm>>
        %dma_start3A_84 = arith.constant 0 : i32
        %dma_start3A_85 = tpu.memref_slice %arg4[%mul3A_81, %dma_start3A_84] : memref<2500x128xi32, #tpu.memory_space<hbm>> -> memref<8x128xi32, #tpu.memory_space<hbm>>
        tpu.enqueue_dma source(%dma_start3A_85 : memref<8x128xi32, #tpu.memory_space<hbm>>) target(%arg10 : memref<8x128xi32, #tpu.memory_space<vmem>>) target_semaphore(%arg15 : memref<!tpu.dma_semaphore, #tpu.memory_space<semaphore_mem>>)
      } else {
      }
      %lt3A_70 = arith.constant 313 : i32
      %lt3A_71 = arith.cmpi slt, %add3A_49, %lt3A_70 : i32
      %convert_element_type3A_72 = arith.extui %lt3A_71 : i1 to i32
      %cond3A_73 = arith.constant 0 : i32
      %cond3A_74 = arith.cmpi ne, %convert_element_type3A_72, %cond3A_73 : i32
      scf.if %cond3A_74 {
        %mul3A_75 = arith.constant 8 : i32
        %mul3A_76 = arith.muli %add3A_49, %mul3A_75 : i32
        %add3A_77 = arith.constant 1 : i32
        %add3A_78 = arith.addi %mul3A_76, %add3A_77 : i32
        %lt3A_79 = arith.constant 2500 : i32
        %lt3A_80 = arith.cmpi slt, %add3A_78, %lt3A_79 : i32
        %convert_element_type3A_81 = arith.extui %lt3A_80 : i1 to i32
        %cond3A_82 = arith.constant 0 : i32
        %cond3A_83 = arith.cmpi ne, %convert_element_type3A_81, %cond3A_82 : i32
        scf.if %cond3A_83 {
          %dma_start3A = arith.constant 1 : i32
          %dma_start3A_224 = arith.constant 0 : i32
          %dma_start3A_225 = tpu.memref_slice %arg9[%dma_start3A, %dma_start3A_224] : memref<8x128xi32, #tpu.memory_space<vmem>> -> memref<1x128xi32, #tpu.memory_space<vmem>>
          %dma_start3A_226 = tpu.memref_squeeze %dma_start3A_225 : memref<1x128xi32, #tpu.memory_space<vmem>> -> memref<128xi32, #tpu.memory_space<vmem>>
          %dma_start3A_227 = arith.constant 0 : i32
          %dma_start3A_228 = arith.constant 0 : i32
          %dma_start3A_229 = tpu.memref_slice %arg2[%dma_start3A_227, %dma_start3A_228] : memref<10000x128xf32, #tpu.memory_space<hbm>> -> memref<10000x128xf32, #tpu.memory_space<hbm>>
          tpu.enqueue_indirect_dma source(%dma_start3A_229 : memref<10000x128xf32, #tpu.memory_space<hbm>>) target(%arg7 : memref<128x128xf32, #tpu.memory_space<vmem>>) offsets(%dma_start3A_226 : memref<128xi32, #tpu.memory_space<vmem>>) semaphore(%arg14 : memref<!tpu.dma_semaphore, #tpu.memory_space<semaphore_mem>>)
        } else {
        }
        %mul3A_84 = arith.constant 8 : i32
        %mul3A_85 = arith.muli %add3A_49, %mul3A_84 : i32
        %add3A_86 = arith.constant 0 : i32
        %add3A_87 = arith.addi %mul3A_85, %add3A_86 : i32
        %lt3A_88 = arith.constant 2500 : i32
        %lt3A_89 = arith.cmpi slt, %add3A_87, %lt3A_88 : i32
        %convert_element_type3A_90 = arith.extui %lt3A_89 : i1 to i32
        %cond3A_91 = arith.constant 0 : i32
        %cond3A_92 = arith.cmpi ne, %convert_element_type3A_90, %cond3A_91 : i32
        scf.if %cond3A_92 {
          %dma_wait3A = arith.constant 0 : i32
          %dma_wait3A_224 = arith.constant 0 : i32
          %dma_wait3A_225 = tpu.memref_slice %arg9[%dma_wait3A, %dma_wait3A_224] : memref<8x128xi32, #tpu.memory_space<vmem>> -> memref<1x128xi32, #tpu.memory_space<vmem>>
          %dma_wait3A_226 = tpu.memref_squeeze %dma_wait3A_225 : memref<1x128xi32, #tpu.memory_space<vmem>> -> memref<128xi32, #tpu.memory_space<vmem>>
          %dma_wait3A_227 = arith.constant 0 : i32
          %dma_wait3A_228 = arith.constant 0 : i32
          %dma_wait3A_229 = tpu.memref_slice %arg2[%dma_wait3A_227, %dma_wait3A_228] : memref<10000x128xf32, #tpu.memory_space<hbm>> -> memref<10000x128xf32, #tpu.memory_space<hbm>>
          tpu.wait_indirect_dma semaphore(%arg13 : memref<!tpu.dma_semaphore, #tpu.memory_space<semaphore_mem>>) src(%dma_wait3A_229 : memref<10000x128xf32, #tpu.memory_space<hbm>>) dst(%arg6 : memref<128x128xf32, #tpu.memory_space<vmem>>)
          %run_scoped3A = arith.constant 0 : i32
          "tpu.region"() ({
            %run_scoped3A_230 = tpu.sem_alloc : memref<!tpu.dma_semaphore, #tpu.memory_space<semaphore_mem>>
            %dma_start3A = arith.constant 0 : i32
            %dma_start3A_231 = tpu.memref_slice %arg11[%run_scoped3A, %dma_start3A] : memref<8x128xi32, #tpu.memory_space<vmem>> -> memref<1x128xi32, #tpu.memory_space<vmem>>
            %dma_start3A_232 = tpu.memref_squeeze %dma_start3A_231 : memref<1x128xi32, #tpu.memory_space<vmem>> -> memref<128xi32, #tpu.memory_space<vmem>>
            %dma_start3A_233 = arith.constant 0 : i32
            %dma_start3A_234 = arith.constant 0 : i32
            %dma_start3A_235 = tpu.memref_slice %arg12[%dma_start3A_233, %dma_start3A_234] : memref<10000x128xf32, #tpu.memory_space<vmem_shared>> -> memref<10000x128xf32, #tpu.memory_space<vmem_shared>>
            tpu.enqueue_indirect_dma source(%arg6 : memref<128x128xf32, #tpu.memory_space<vmem>>) target(%dma_start3A_235 : memref<10000x128xf32, #tpu.memory_space<vmem_shared>>) offsets(%dma_start3A_232 : memref<128xi32, #tpu.memory_space<vmem>>) semaphore(%run_scoped3A_230 : memref<!tpu.dma_semaphore, #tpu.memory_space<semaphore_mem>>) {add = true}
            %dma_wait3A_236 = arith.constant 0 : i32
            %dma_wait3A_237 = tpu.memref_slice %arg11[%run_scoped3A, %dma_wait3A_236] : memref<8x128xi32, #tpu.memory_space<vmem>> -> memref<1x128xi32, #tpu.memory_space<vmem>>
            %dma_wait3A_238 = tpu.memref_squeeze %dma_wait3A_237 : memref<1x128xi32, #tpu.memory_space<vmem>> -> memref<128xi32, #tpu.memory_space<vmem>>
            %dma_wait3A_239 = arith.constant 0 : i32
            %dma_wait3A_240 = arith.constant 0 : i32
            %dma_wait3A_241 = tpu.memref_slice %arg12[%dma_wait3A_239, %dma_wait3A_240] : memref<10000x128xf32, #tpu.memory_space<vmem_shared>> -> memref<10000x128xf32, #tpu.memory_space<vmem_shared>>
            tpu.wait_indirect_dma semaphore(%run_scoped3A_230 : memref<!tpu.dma_semaphore, #tpu.memory_space<semaphore_mem>>) src(%arg6 : memref<128x128xf32, #tpu.memory_space<vmem>>) dst(%dma_wait3A_241 : memref<10000x128xf32, #tpu.memory_space<vmem_shared>>)
            tpu.yield
          }) : () -> ()
        } else {
        }
        %mul3A_93 = arith.constant 8 : i32
        %mul3A_94 = arith.muli %add3A_49, %mul3A_93 : i32
        %add3A_95 = arith.constant 2 : i32
        %add3A_96 = arith.addi %mul3A_94, %add3A_95 : i32
        %lt3A_97 = arith.constant 2500 : i32
        %lt3A_98 = arith.cmpi slt, %add3A_96, %lt3A_97 : i32
        %convert_element_type3A_99 = arith.extui %lt3A_98 : i1 to i32
        %cond3A_100 = arith.constant 0 : i32
        %cond3A_101 = arith.cmpi ne, %convert_element_type3A_99, %cond3A_100 : i32
        scf.if %cond3A_101 {
          %dma_start3A = arith.constant 2 : i32
          %dma_start3A_224 = arith.constant 0 : i32
          %dma_start3A_225 = tpu.memref_slice %arg9[%dma_start3A, %dma_start3A_224] : memref<8x128xi32, #tpu.memory_space<vmem>> -> memref<1x128xi32, #tpu.memory_space<vmem>>
          %dma_start3A_226 = tpu.memref_squeeze %dma_start3A_225 : memref<1x128xi32, #tpu.memory_space<vmem>> -> memref<128xi32, #tpu.memory_space<vmem>>
          %dma_start3A_227 = arith.constant 0 : i32
          %dma_start3A_228 = arith.constant 0 : i32
          %dma_start3A_229 = tpu.memref_slice %arg2[%dma_start3A_227, %dma_start3A_228] : memref<10000x128xf32, #tpu.memory_space<hbm>> -> memref<10000x128xf32, #tpu.memory_space<hbm>>
          tpu.enqueue_indirect_dma source(%dma_start3A_229 : memref<10000x128xf32, #tpu.memory_space<hbm>>) target(%arg6 : memref<128x128xf32, #tpu.memory_space<vmem>>) offsets(%dma_start3A_226 : memref<128xi32, #tpu.memory_space<vmem>>) semaphore(%arg13 : memref<!tpu.dma_semaphore, #tpu.memory_space<semaphore_mem>>)
        } else {
        }
        %mul3A_102 = arith.constant 8 : i32
        %mul3A_103 = arith.muli %add3A_49, %mul3A_102 : i32
        %add3A_104 = arith.constant 1 : i32
        %add3A_105 = arith.addi %mul3A_103, %add3A_104 : i32
        %lt3A_106 = arith.constant 2500 : i32
        %lt3A_107 = arith.cmpi slt, %add3A_105, %lt3A_106 : i32
        %convert_element_type3A_108 = arith.extui %lt3A_107 : i1 to i32
        %cond3A_109 = arith.constant 0 : i32
        %cond3A_110 = arith.cmpi ne, %convert_element_type3A_108, %cond3A_109 : i32
        scf.if %cond3A_110 {
          %dma_wait3A = arith.constant 1 : i32
          %dma_wait3A_224 = arith.constant 0 : i32
          %dma_wait3A_225 = tpu.memref_slice %arg9[%dma_wait3A, %dma_wait3A_224] : memref<8x128xi32, #tpu.memory_space<vmem>> -> memref<1x128xi32, #tpu.memory_space<vmem>>
          %dma_wait3A_226 = tpu.memref_squeeze %dma_wait3A_225 : memref<1x128xi32, #tpu.memory_space<vmem>> -> memref<128xi32, #tpu.memory_space<vmem>>
          %dma_wait3A_227 = arith.constant 0 : i32
          %dma_wait3A_228 = arith.constant 0 : i32
          %dma_wait3A_229 = tpu.memref_slice %arg2[%dma_wait3A_227, %dma_wait3A_228] : memref<10000x128xf32, #tpu.memory_space<hbm>> -> memref<10000x128xf32, #tpu.memory_space<hbm>>
          tpu.wait_indirect_dma semaphore(%arg14 : memref<!tpu.dma_semaphore, #tpu.memory_space<semaphore_mem>>) src(%dma_wait3A_229 : memref<10000x128xf32, #tpu.memory_space<hbm>>) dst(%arg7 : memref<128x128xf32, #tpu.memory_space<vmem>>)
          %run_scoped3A = arith.constant 1 : i32
          "tpu.region"() ({
            %run_scoped3A_230 = tpu.sem_alloc : memref<!tpu.dma_semaphore, #tpu.memory_space<semaphore_mem>>
            %dma_start3A = arith.constant 0 : i32
            %dma_start3A_231 = tpu.memref_slice %arg11[%run_scoped3A, %dma_start3A] : memref<8x128xi32, #tpu.memory_space<vmem>> -> memref<1x128xi32, #tpu.memory_space<vmem>>
            %dma_start3A_232 = tpu.memref_squeeze %dma_start3A_231 : memref<1x128xi32, #tpu.memory_space<vmem>> -> memref<128xi32, #tpu.memory_space<vmem>>
            %dma_start3A_233 = arith.constant 0 : i32
            %dma_start3A_234 = arith.constant 0 : i32
            %dma_start3A_235 = tpu.memref_slice %arg12[%dma_start3A_233, %dma_start3A_234] : memref<10000x128xf32, #tpu.memory_space<vmem_shared>> -> memref<10000x128xf32, #tpu.memory_space<vmem_shared>>
            tpu.enqueue_indirect_dma source(%arg7 : memref<128x128xf32, #tpu.memory_space<vmem>>) target(%dma_start3A_235 : memref<10000x128xf32, #tpu.memory_space<vmem_shared>>) offsets(%dma_start3A_232 : memref<128xi32, #tpu.memory_space<vmem>>) semaphore(%run_scoped3A_230 : memref<!tpu.dma_semaphore, #tpu.memory_space<semaphore_mem>>) {add = true}
            %dma_wait3A_236 = arith.constant 0 : i32
            %dma_wait3A_237 = tpu.memref_slice %arg11[%run_scoped3A, %dma_wait3A_236] : memref<8x128xi32, #tpu.memory_space<vmem>> -> memref<1x128xi32, #tpu.memory_space<vmem>>
            %dma_wait3A_238 = tpu.memref_squeeze %dma_wait3A_237 : memref<1x128xi32, #tpu.memory_space<vmem>> -> memref<128xi32, #tpu.memory_space<vmem>>
            %dma_wait3A_239 = arith.constant 0 : i32
            %dma_wait3A_240 = arith.constant 0 : i32
            %dma_wait3A_241 = tpu.memref_slice %arg12[%dma_wait3A_239, %dma_wait3A_240] : memref<10000x128xf32, #tpu.memory_space<vmem_shared>> -> memref<10000x128xf32, #tpu.memory_space<vmem_shared>>
            tpu.wait_indirect_dma semaphore(%run_scoped3A_230 : memref<!tpu.dma_semaphore, #tpu.memory_space<semaphore_mem>>) src(%arg7 : memref<128x128xf32, #tpu.memory_space<vmem>>) dst(%dma_wait3A_241 : memref<10000x128xf32, #tpu.memory_space<vmem_shared>>)
            tpu.yield
          }) : () -> ()
        } else {
        }
        %mul3A_111 = arith.constant 8 : i32
        %mul3A_112 = arith.muli %add3A_49, %mul3A_111 : i32
        %add3A_113 = arith.constant 3 : i32
        %add3A_114 = arith.addi %mul3A_112, %add3A_113 : i32
        %lt3A_115 = arith.constant 2500 : i32
        %lt3A_116 = arith.cmpi slt, %add3A_114, %lt3A_115 : i32
        %convert_element_type3A_117 = arith.extui %lt3A_116 : i1 to i32
        %cond3A_118 = arith.constant 0 : i32
        %cond3A_119 = arith.cmpi ne, %convert_element_type3A_117, %cond3A_118 : i32
        scf.if %cond3A_119 {
          %dma_start3A = arith.constant 3 : i32
          %dma_start3A_224 = arith.constant 0 : i32
          %dma_start3A_225 = tpu.memref_slice %arg9[%dma_start3A, %dma_start3A_224] : memref<8x128xi32, #tpu.memory_space<vmem>> -> memref<1x128xi32, #tpu.memory_space<vmem>>
          %dma_start3A_226 = tpu.memref_squeeze %dma_start3A_225 : memref<1x128xi32, #tpu.memory_space<vmem>> -> memref<128xi32, #tpu.memory_space<vmem>>
          %dma_start3A_227 = arith.constant 0 : i32
          %dma_start3A_228 = arith.constant 0 : i32
          %dma_start3A_229 = tpu.memref_slice %arg2[%dma_start3A_227, %dma_start3A_228] : memref<10000x128xf32, #tpu.memory_space<hbm>> -> memref<10000x128xf32, #tpu.memory_space<hbm>>
          tpu.enqueue_indirect_dma source(%dma_start3A_229 : memref<10000x128xf32, #tpu.memory_space<hbm>>) target(%arg7 : memref<128x128xf32, #tpu.memory_space<vmem>>) offsets(%dma_start3A_226 : memref<128xi32, #tpu.memory_space<vmem>>) semaphore(%arg14 : memref<!tpu.dma_semaphore, #tpu.memory_space<semaphore_mem>>)
        } else {
        }
        %mul3A_120 = arith.constant 8 : i32
        %mul3A_121 = arith.muli %add3A_49, %mul3A_120 : i32
        %add3A_122 = arith.constant 2 : i32
        %add3A_123 = arith.addi %mul3A_121, %add3A_122 : i32
        %lt3A_124 = arith.constant 2500 : i32
        %lt3A_125 = arith.cmpi slt, %add3A_123, %lt3A_124 : i32
        %convert_element_type3A_126 = arith.extui %lt3A_125 : i1 to i32
        %cond3A_127 = arith.constant 0 : i32
        %cond3A_128 = arith.cmpi ne, %convert_element_type3A_126, %cond3A_127 : i32
        scf.if %cond3A_128 {
          %dma_wait3A = arith.constant 2 : i32
          %dma_wait3A_224 = arith.constant 0 : i32
          %dma_wait3A_225 = tpu.memref_slice %arg9[%dma_wait3A, %dma_wait3A_224] : memref<8x128xi32, #tpu.memory_space<vmem>> -> memref<1x128xi32, #tpu.memory_space<vmem>>
          %dma_wait3A_226 = tpu.memref_squeeze %dma_wait3A_225 : memref<1x128xi32, #tpu.memory_space<vmem>> -> memref<128xi32, #tpu.memory_space<vmem>>
          %dma_wait3A_227 = arith.constant 0 : i32
          %dma_wait3A_228 = arith.constant 0 : i32
          %dma_wait3A_229 = tpu.memref_slice %arg2[%dma_wait3A_227, %dma_wait3A_228] : memref<10000x128xf32, #tpu.memory_space<hbm>> -> memref<10000x128xf32, #tpu.memory_space<hbm>>
          tpu.wait_indirect_dma semaphore(%arg13 : memref<!tpu.dma_semaphore, #tpu.memory_space<semaphore_mem>>) src(%dma_wait3A_229 : memref<10000x128xf32, #tpu.memory_space<hbm>>) dst(%arg6 : memref<128x128xf32, #tpu.memory_space<vmem>>)
          %run_scoped3A = arith.constant 2 : i32
          "tpu.region"() ({
            %run_scoped3A_230 = tpu.sem_alloc : memref<!tpu.dma_semaphore, #tpu.memory_space<semaphore_mem>>
            %dma_start3A = arith.constant 0 : i32
            %dma_start3A_231 = tpu.memref_slice %arg11[%run_scoped3A, %dma_start3A] : memref<8x128xi32, #tpu.memory_space<vmem>> -> memref<1x128xi32, #tpu.memory_space<vmem>>
            %dma_start3A_232 = tpu.memref_squeeze %dma_start3A_231 : memref<1x128xi32, #tpu.memory_space<vmem>> -> memref<128xi32, #tpu.memory_space<vmem>>
            %dma_start3A_233 = arith.constant 0 : i32
            %dma_start3A_234 = arith.constant 0 : i32
            %dma_start3A_235 = tpu.memref_slice %arg12[%dma_start3A_233, %dma_start3A_234] : memref<10000x128xf32, #tpu.memory_space<vmem_shared>> -> memref<10000x128xf32, #tpu.memory_space<vmem_shared>>
            tpu.enqueue_indirect_dma source(%arg6 : memref<128x128xf32, #tpu.memory_space<vmem>>) target(%dma_start3A_235 : memref<10000x128xf32, #tpu.memory_space<vmem_shared>>) offsets(%dma_start3A_232 : memref<128xi32, #tpu.memory_space<vmem>>) semaphore(%run_scoped3A_230 : memref<!tpu.dma_semaphore, #tpu.memory_space<semaphore_mem>>) {add = true}
            %dma_wait3A_236 = arith.constant 0 : i32
            %dma_wait3A_237 = tpu.memref_slice %arg11[%run_scoped3A, %dma_wait3A_236] : memref<8x128xi32, #tpu.memory_space<vmem>> -> memref<1x128xi32, #tpu.memory_space<vmem>>
            %dma_wait3A_238 = tpu.memref_squeeze %dma_wait3A_237 : memref<1x128xi32, #tpu.memory_space<vmem>> -> memref<128xi32, #tpu.memory_space<vmem>>
            %dma_wait3A_239 = arith.constant 0 : i32
            %dma_wait3A_240 = arith.constant 0 : i32
            %dma_wait3A_241 = tpu.memref_slice %arg12[%dma_wait3A_239, %dma_wait3A_240] : memref<10000x128xf32, #tpu.memory_space<vmem_shared>> -> memref<10000x128xf32, #tpu.memory_space<vmem_shared>>
            tpu.wait_indirect_dma semaphore(%run_scoped3A_230 : memref<!tpu.dma_semaphore, #tpu.memory_space<semaphore_mem>>) src(%arg6 : memref<128x128xf32, #tpu.memory_space<vmem>>) dst(%dma_wait3A_241 : memref<10000x128xf32, #tpu.memory_space<vmem_shared>>)
            tpu.yield
          }) : () -> ()
        } else {
        }
        %mul3A_129 = arith.constant 8 : i32
        %mul3A_130 = arith.muli %add3A_49, %mul3A_129 : i32
        %add3A_131 = arith.constant 4 : i32
        %add3A_132 = arith.addi %mul3A_130, %add3A_131 : i32
        %lt3A_133 = arith.constant 2500 : i32
        %lt3A_134 = arith.cmpi slt, %add3A_132, %lt3A_133 : i32
        %convert_element_type3A_135 = arith.extui %lt3A_134 : i1 to i32
        %cond3A_136 = arith.constant 0 : i32
        %cond3A_137 = arith.cmpi ne, %convert_element_type3A_135, %cond3A_136 : i32
        scf.if %cond3A_137 {
          %dma_start3A = arith.constant 4 : i32
          %dma_start3A_224 = arith.constant 0 : i32
          %dma_start3A_225 = tpu.memref_slice %arg9[%dma_start3A, %dma_start3A_224] : memref<8x128xi32, #tpu.memory_space<vmem>> -> memref<1x128xi32, #tpu.memory_space<vmem>>
          %dma_start3A_226 = tpu.memref_squeeze %dma_start3A_225 : memref<1x128xi32, #tpu.memory_space<vmem>> -> memref<128xi32, #tpu.memory_space<vmem>>
          %dma_start3A_227 = arith.constant 0 : i32
          %dma_start3A_228 = arith.constant 0 : i32
          %dma_start3A_229 = tpu.memref_slice %arg2[%dma_start3A_227, %dma_start3A_228] : memref<10000x128xf32, #tpu.memory_space<hbm>> -> memref<10000x128xf32, #tpu.memory_space<hbm>>
          tpu.enqueue_indirect_dma source(%dma_start3A_229 : memref<10000x128xf32, #tpu.memory_space<hbm>>) target(%arg6 : memref<128x128xf32, #tpu.memory_space<vmem>>) offsets(%dma_start3A_226 : memref<128xi32, #tpu.memory_space<vmem>>) semaphore(%arg13 : memref<!tpu.dma_semaphore, #tpu.memory_space<semaphore_mem>>)
        } else {
        }
        %mul3A_138 = arith.constant 8 : i32
        %mul3A_139 = arith.muli %add3A_49, %mul3A_138 : i32
        %add3A_140 = arith.constant 3 : i32
        %add3A_141 = arith.addi %mul3A_139, %add3A_140 : i32
        %lt3A_142 = arith.constant 2500 : i32
        %lt3A_143 = arith.cmpi slt, %add3A_141, %lt3A_142 : i32
        %convert_element_type3A_144 = arith.extui %lt3A_143 : i1 to i32
        %cond3A_145 = arith.constant 0 : i32
        %cond3A_146 = arith.cmpi ne, %convert_element_type3A_144, %cond3A_145 : i32
        scf.if %cond3A_146 {
          %dma_wait3A = arith.constant 3 : i32
          %dma_wait3A_224 = arith.constant 0 : i32
          %dma_wait3A_225 = tpu.memref_slice %arg9[%dma_wait3A, %dma_wait3A_224] : memref<8x128xi32, #tpu.memory_space<vmem>> -> memref<1x128xi32, #tpu.memory_space<vmem>>
          %dma_wait3A_226 = tpu.memref_squeeze %dma_wait3A_225 : memref<1x128xi32, #tpu.memory_space<vmem>> -> memref<128xi32, #tpu.memory_space<vmem>>
          %dma_wait3A_227 = arith.constant 0 : i32
          %dma_wait3A_228 = arith.constant 0 : i32
          %dma_wait3A_229 = tpu.memref_slice %arg2[%dma_wait3A_227, %dma_wait3A_228] : memref<10000x128xf32, #tpu.memory_space<hbm>> -> memref<10000x128xf32, #tpu.memory_space<hbm>>
          tpu.wait_indirect_dma semaphore(%arg14 : memref<!tpu.dma_semaphore, #tpu.memory_space<semaphore_mem>>) src(%dma_wait3A_229 : memref<10000x128xf32, #tpu.memory_space<hbm>>) dst(%arg7 : memref<128x128xf32, #tpu.memory_space<vmem>>)
          %run_scoped3A = arith.constant 3 : i32
          "tpu.region"() ({
            %run_scoped3A_230 = tpu.sem_alloc : memref<!tpu.dma_semaphore, #tpu.memory_space<semaphore_mem>>
            %dma_start3A = arith.constant 0 : i32
            %dma_start3A_231 = tpu.memref_slice %arg11[%run_scoped3A, %dma_start3A] : memref<8x128xi32, #tpu.memory_space<vmem>> -> memref<1x128xi32, #tpu.memory_space<vmem>>
            %dma_start3A_232 = tpu.memref_squeeze %dma_start3A_231 : memref<1x128xi32, #tpu.memory_space<vmem>> -> memref<128xi32, #tpu.memory_space<vmem>>
            %dma_start3A_233 = arith.constant 0 : i32
            %dma_start3A_234 = arith.constant 0 : i32
            %dma_start3A_235 = tpu.memref_slice %arg12[%dma_start3A_233, %dma_start3A_234] : memref<10000x128xf32, #tpu.memory_space<vmem_shared>> -> memref<10000x128xf32, #tpu.memory_space<vmem_shared>>
            tpu.enqueue_indirect_dma source(%arg7 : memref<128x128xf32, #tpu.memory_space<vmem>>) target(%dma_start3A_235 : memref<10000x128xf32, #tpu.memory_space<vmem_shared>>) offsets(%dma_start3A_232 : memref<128xi32, #tpu.memory_space<vmem>>) semaphore(%run_scoped3A_230 : memref<!tpu.dma_semaphore, #tpu.memory_space<semaphore_mem>>) {add = true}
            %dma_wait3A_236 = arith.constant 0 : i32
            %dma_wait3A_237 = tpu.memref_slice %arg11[%run_scoped3A, %dma_wait3A_236] : memref<8x128xi32, #tpu.memory_space<vmem>> -> memref<1x128xi32, #tpu.memory_space<vmem>>
            %dma_wait3A_238 = tpu.memref_squeeze %dma_wait3A_237 : memref<1x128xi32, #tpu.memory_space<vmem>> -> memref<128xi32, #tpu.memory_space<vmem>>
            %dma_wait3A_239 = arith.constant 0 : i32
            %dma_wait3A_240 = arith.constant 0 : i32
            %dma_wait3A_241 = tpu.memref_slice %arg12[%dma_wait3A_239, %dma_wait3A_240] : memref<10000x128xf32, #tpu.memory_space<vmem_shared>> -> memref<10000x128xf32, #tpu.memory_space<vmem_shared>>
            tpu.wait_indirect_dma semaphore(%run_scoped3A_230 : memref<!tpu.dma_semaphore, #tpu.memory_space<semaphore_mem>>) src(%arg7 : memref<128x128xf32, #tpu.memory_space<vmem>>) dst(%dma_wait3A_241 : memref<10000x128xf32, #tpu.memory_space<vmem_shared>>)
            tpu.yield
          }) : () -> ()
        } else {
        }
        %mul3A_147 = arith.constant 8 : i32
        %mul3A_148 = arith.muli %add3A_49, %mul3A_147 : i32
        %add3A_149 = arith.constant 5 : i32
        %add3A_150 = arith.addi %mul3A_148, %add3A_149 : i32
        %lt3A_151 = arith.constant 2500 : i32
        %lt3A_152 = arith.cmpi slt, %add3A_150, %lt3A_151 : i32
        %convert_element_type3A_153 = arith.extui %lt3A_152 : i1 to i32
        %cond3A_154 = arith.constant 0 : i32
        %cond3A_155 = arith.cmpi ne, %convert_element_type3A_153, %cond3A_154 : i32
        scf.if %cond3A_155 {
          %dma_start3A = arith.constant 5 : i32
          %dma_start3A_224 = arith.constant 0 : i32
          %dma_start3A_225 = tpu.memref_slice %arg9[%dma_start3A, %dma_start3A_224] : memref<8x128xi32, #tpu.memory_space<vmem>> -> memref<1x128xi32, #tpu.memory_space<vmem>>
          %dma_start3A_226 = tpu.memref_squeeze %dma_start3A_225 : memref<1x128xi32, #tpu.memory_space<vmem>> -> memref<128xi32, #tpu.memory_space<vmem>>
          %dma_start3A_227 = arith.constant 0 : i32
          %dma_start3A_228 = arith.constant 0 : i32
          %dma_start3A_229 = tpu.memref_slice %arg2[%dma_start3A_227, %dma_start3A_228] : memref<10000x128xf32, #tpu.memory_space<hbm>> -> memref<10000x128xf32, #tpu.memory_space<hbm>>
          tpu.enqueue_indirect_dma source(%dma_start3A_229 : memref<10000x128xf32, #tpu.memory_space<hbm>>) target(%arg7 : memref<128x128xf32, #tpu.memory_space<vmem>>) offsets(%dma_start3A_226 : memref<128xi32, #tpu.memory_space<vmem>>) semaphore(%arg14 : memref<!tpu.dma_semaphore, #tpu.memory_space<semaphore_mem>>)
        } else {
        }
        %mul3A_156 = arith.constant 8 : i32
        %mul3A_157 = arith.muli %add3A_49, %mul3A_156 : i32
        %add3A_158 = arith.constant 4 : i32
        %add3A_159 = arith.addi %mul3A_157, %add3A_158 : i32
        %lt3A_160 = arith.constant 2500 : i32
        %lt3A_161 = arith.cmpi slt, %add3A_159, %lt3A_160 : i32
        %convert_element_type3A_162 = arith.extui %lt3A_161 : i1 to i32
        %cond3A_163 = arith.constant 0 : i32
        %cond3A_164 = arith.cmpi ne, %convert_element_type3A_162, %cond3A_163 : i32
        scf.if %cond3A_164 {
          %dma_wait3A = arith.constant 4 : i32
          %dma_wait3A_224 = arith.constant 0 : i32
          %dma_wait3A_225 = tpu.memref_slice %arg9[%dma_wait3A, %dma_wait3A_224] : memref<8x128xi32, #tpu.memory_space<vmem>> -> memref<1x128xi32, #tpu.memory_space<vmem>>
          %dma_wait3A_226 = tpu.memref_squeeze %dma_wait3A_225 : memref<1x128xi32, #tpu.memory_space<vmem>> -> memref<128xi32, #tpu.memory_space<vmem>>
          %dma_wait3A_227 = arith.constant 0 : i32
          %dma_wait3A_228 = arith.constant 0 : i32
          %dma_wait3A_229 = tpu.memref_slice %arg2[%dma_wait3A_227, %dma_wait3A_228] : memref<10000x128xf32, #tpu.memory_space<hbm>> -> memref<10000x128xf32, #tpu.memory_space<hbm>>
          tpu.wait_indirect_dma semaphore(%arg13 : memref<!tpu.dma_semaphore, #tpu.memory_space<semaphore_mem>>) src(%dma_wait3A_229 : memref<10000x128xf32, #tpu.memory_space<hbm>>) dst(%arg6 : memref<128x128xf32, #tpu.memory_space<vmem>>)
          %run_scoped3A = arith.constant 4 : i32
          "tpu.region"() ({
            %run_scoped3A_230 = tpu.sem_alloc : memref<!tpu.dma_semaphore, #tpu.memory_space<semaphore_mem>>
            %dma_start3A = arith.constant 0 : i32
            %dma_start3A_231 = tpu.memref_slice %arg11[%run_scoped3A, %dma_start3A] : memref<8x128xi32, #tpu.memory_space<vmem>> -> memref<1x128xi32, #tpu.memory_space<vmem>>
            %dma_start3A_232 = tpu.memref_squeeze %dma_start3A_231 : memref<1x128xi32, #tpu.memory_space<vmem>> -> memref<128xi32, #tpu.memory_space<vmem>>
            %dma_start3A_233 = arith.constant 0 : i32
            %dma_start3A_234 = arith.constant 0 : i32
            %dma_start3A_235 = tpu.memref_slice %arg12[%dma_start3A_233, %dma_start3A_234] : memref<10000x128xf32, #tpu.memory_space<vmem_shared>> -> memref<10000x128xf32, #tpu.memory_space<vmem_shared>>
            tpu.enqueue_indirect_dma source(%arg6 : memref<128x128xf32, #tpu.memory_space<vmem>>) target(%dma_start3A_235 : memref<10000x128xf32, #tpu.memory_space<vmem_shared>>) offsets(%dma_start3A_232 : memref<128xi32, #tpu.memory_space<vmem>>) semaphore(%run_scoped3A_230 : memref<!tpu.dma_semaphore, #tpu.memory_space<semaphore_mem>>) {add = true}
            %dma_wait3A_236 = arith.constant 0 : i32
            %dma_wait3A_237 = tpu.memref_slice %arg11[%run_scoped3A, %dma_wait3A_236] : memref<8x128xi32, #tpu.memory_space<vmem>> -> memref<1x128xi32, #tpu.memory_space<vmem>>
            %dma_wait3A_238 = tpu.memref_squeeze %dma_wait3A_237 : memref<1x128xi32, #tpu.memory_space<vmem>> -> memref<128xi32, #tpu.memory_space<vmem>>
            %dma_wait3A_239 = arith.constant 0 : i32
            %dma_wait3A_240 = arith.constant 0 : i32
            %dma_wait3A_241 = tpu.memref_slice %arg12[%dma_wait3A_239, %dma_wait3A_240] : memref<10000x128xf32, #tpu.memory_space<vmem_shared>> -> memref<10000x128xf32, #tpu.memory_space<vmem_shared>>
            tpu.wait_indirect_dma semaphore(%run_scoped3A_230 : memref<!tpu.dma_semaphore, #tpu.memory_space<semaphore_mem>>) src(%arg6 : memref<128x128xf32, #tpu.memory_space<vmem>>) dst(%dma_wait3A_241 : memref<10000x128xf32, #tpu.memory_space<vmem_shared>>)
            tpu.yield
          }) : () -> ()
        } else {
        }
        %mul3A_165 = arith.constant 8 : i32
        %mul3A_166 = arith.muli %add3A_49, %mul3A_165 : i32
        %add3A_167 = arith.constant 6 : i32
        %add3A_168 = arith.addi %mul3A_166, %add3A_167 : i32
        %lt3A_169 = arith.constant 2500 : i32
        %lt3A_170 = arith.cmpi slt, %add3A_168, %lt3A_169 : i32
        %convert_element_type3A_171 = arith.extui %lt3A_170 : i1 to i32
        %cond3A_172 = arith.constant 0 : i32
        %cond3A_173 = arith.cmpi ne, %convert_element_type3A_171, %cond3A_172 : i32
        scf.if %cond3A_173 {
          %dma_start3A = arith.constant 6 : i32
          %dma_start3A_224 = arith.constant 0 : i32
          %dma_start3A_225 = tpu.memref_slice %arg9[%dma_start3A, %dma_start3A_224] : memref<8x128xi32, #tpu.memory_space<vmem>> -> memref<1x128xi32, #tpu.memory_space<vmem>>
          %dma_start3A_226 = tpu.memref_squeeze %dma_start3A_225 : memref<1x128xi32, #tpu.memory_space<vmem>> -> memref<128xi32, #tpu.memory_space<vmem>>
          %dma_start3A_227 = arith.constant 0 : i32
          %dma_start3A_228 = arith.constant 0 : i32
          %dma_start3A_229 = tpu.memref_slice %arg2[%dma_start3A_227, %dma_start3A_228] : memref<10000x128xf32, #tpu.memory_space<hbm>> -> memref<10000x128xf32, #tpu.memory_space<hbm>>
          tpu.enqueue_indirect_dma source(%dma_start3A_229 : memref<10000x128xf32, #tpu.memory_space<hbm>>) target(%arg6 : memref<128x128xf32, #tpu.memory_space<vmem>>) offsets(%dma_start3A_226 : memref<128xi32, #tpu.memory_space<vmem>>) semaphore(%arg13 : memref<!tpu.dma_semaphore, #tpu.memory_space<semaphore_mem>>)
        } else {
        }
        %mul3A_174 = arith.constant 8 : i32
        %mul3A_175 = arith.muli %add3A_49, %mul3A_174 : i32
        %add3A_176 = arith.constant 5 : i32
        %add3A_177 = arith.addi %mul3A_175, %add3A_176 : i32
        %lt3A_178 = arith.constant 2500 : i32
        %lt3A_179 = arith.cmpi slt, %add3A_177, %lt3A_178 : i32
        %convert_element_type3A_180 = arith.extui %lt3A_179 : i1 to i32
        %cond3A_181 = arith.constant 0 : i32
        %cond3A_182 = arith.cmpi ne, %convert_element_type3A_180, %cond3A_181 : i32
        scf.if %cond3A_182 {
          %dma_wait3A = arith.constant 5 : i32
          %dma_wait3A_224 = arith.constant 0 : i32
          %dma_wait3A_225 = tpu.memref_slice %arg9[%dma_wait3A, %dma_wait3A_224] : memref<8x128xi32, #tpu.memory_space<vmem>> -> memref<1x128xi32, #tpu.memory_space<vmem>>
          %dma_wait3A_226 = tpu.memref_squeeze %dma_wait3A_225 : memref<1x128xi32, #tpu.memory_space<vmem>> -> memref<128xi32, #tpu.memory_space<vmem>>
          %dma_wait3A_227 = arith.constant 0 : i32
          %dma_wait3A_228 = arith.constant 0 : i32
          %dma_wait3A_229 = tpu.memref_slice %arg2[%dma_wait3A_227, %dma_wait3A_228] : memref<10000x128xf32, #tpu.memory_space<hbm>> -> memref<10000x128xf32, #tpu.memory_space<hbm>>
          tpu.wait_indirect_dma semaphore(%arg14 : memref<!tpu.dma_semaphore, #tpu.memory_space<semaphore_mem>>) src(%dma_wait3A_229 : memref<10000x128xf32, #tpu.memory_space<hbm>>) dst(%arg7 : memref<128x128xf32, #tpu.memory_space<vmem>>)
          %run_scoped3A = arith.constant 5 : i32
          "tpu.region"() ({
            %run_scoped3A_230 = tpu.sem_alloc : memref<!tpu.dma_semaphore, #tpu.memory_space<semaphore_mem>>
            %dma_start3A = arith.constant 0 : i32
            %dma_start3A_231 = tpu.memref_slice %arg11[%run_scoped3A, %dma_start3A] : memref<8x128xi32, #tpu.memory_space<vmem>> -> memref<1x128xi32, #tpu.memory_space<vmem>>
            %dma_start3A_232 = tpu.memref_squeeze %dma_start3A_231 : memref<1x128xi32, #tpu.memory_space<vmem>> -> memref<128xi32, #tpu.memory_space<vmem>>
            %dma_start3A_233 = arith.constant 0 : i32
            %dma_start3A_234 = arith.constant 0 : i32
            %dma_start3A_235 = tpu.memref_slice %arg12[%dma_start3A_233, %dma_start3A_234] : memref<10000x128xf32, #tpu.memory_space<vmem_shared>> -> memref<10000x128xf32, #tpu.memory_space<vmem_shared>>
            tpu.enqueue_indirect_dma source(%arg7 : memref<128x128xf32, #tpu.memory_space<vmem>>) target(%dma_start3A_235 : memref<10000x128xf32, #tpu.memory_space<vmem_shared>>) offsets(%dma_start3A_232 : memref<128xi32, #tpu.memory_space<vmem>>) semaphore(%run_scoped3A_230 : memref<!tpu.dma_semaphore, #tpu.memory_space<semaphore_mem>>) {add = true}
            %dma_wait3A_236 = arith.constant 0 : i32
            %dma_wait3A_237 = tpu.memref_slice %arg11[%run_scoped3A, %dma_wait3A_236] : memref<8x128xi32, #tpu.memory_space<vmem>> -> memref<1x128xi32, #tpu.memory_space<vmem>>
            %dma_wait3A_238 = tpu.memref_squeeze %dma_wait3A_237 : memref<1x128xi32, #tpu.memory_space<vmem>> -> memref<128xi32, #tpu.memory_space<vmem>>
            %dma_wait3A_239 = arith.constant 0 : i32
            %dma_wait3A_240 = arith.constant 0 : i32
            %dma_wait3A_241 = tpu.memref_slice %arg12[%dma_wait3A_239, %dma_wait3A_240] : memref<10000x128xf32, #tpu.memory_space<vmem_shared>> -> memref<10000x128xf32, #tpu.memory_space<vmem_shared>>
            tpu.wait_indirect_dma semaphore(%run_scoped3A_230 : memref<!tpu.dma_semaphore, #tpu.memory_space<semaphore_mem>>) src(%arg7 : memref<128x128xf32, #tpu.memory_space<vmem>>) dst(%dma_wait3A_241 : memref<10000x128xf32, #tpu.memory_space<vmem_shared>>)
            tpu.yield
          }) : () -> ()
        } else {
        }
        %mul3A_183 = arith.constant 8 : i32
        %mul3A_184 = arith.muli %add3A_49, %mul3A_183 : i32
        %add3A_185 = arith.constant 7 : i32
        %add3A_186 = arith.addi %mul3A_184, %add3A_185 : i32
        %lt3A_187 = arith.constant 2500 : i32
        %lt3A_188 = arith.cmpi slt, %add3A_186, %lt3A_187 : i32
        %convert_element_type3A_189 = arith.extui %lt3A_188 : i1 to i32
        %cond3A_190 = arith.constant 0 : i32
        %cond3A_191 = arith.cmpi ne, %convert_element_type3A_189, %cond3A_190 : i32
        scf.if %cond3A_191 {
          %dma_start3A = arith.constant 7 : i32
          %dma_start3A_224 = arith.constant 0 : i32
          %dma_start3A_225 = tpu.memref_slice %arg9[%dma_start3A, %dma_start3A_224] : memref<8x128xi32, #tpu.memory_space<vmem>> -> memref<1x128xi32, #tpu.memory_space<vmem>>
          %dma_start3A_226 = tpu.memref_squeeze %dma_start3A_225 : memref<1x128xi32, #tpu.memory_space<vmem>> -> memref<128xi32, #tpu.memory_space<vmem>>
          %dma_start3A_227 = arith.constant 0 : i32
          %dma_start3A_228 = arith.constant 0 : i32
          %dma_start3A_229 = tpu.memref_slice %arg2[%dma_start3A_227, %dma_start3A_228] : memref<10000x128xf32, #tpu.memory_space<hbm>> -> memref<10000x128xf32, #tpu.memory_space<hbm>>
          tpu.enqueue_indirect_dma source(%dma_start3A_229 : memref<10000x128xf32, #tpu.memory_space<hbm>>) target(%arg7 : memref<128x128xf32, #tpu.memory_space<vmem>>) offsets(%dma_start3A_226 : memref<128xi32, #tpu.memory_space<vmem>>) semaphore(%arg14 : memref<!tpu.dma_semaphore, #tpu.memory_space<semaphore_mem>>)
        } else {
        }
        %mul3A_192 = arith.constant 8 : i32
        %mul3A_193 = arith.muli %add3A_49, %mul3A_192 : i32
        %add3A_194 = arith.constant 6 : i32
        %add3A_195 = arith.addi %mul3A_193, %add3A_194 : i32
        %lt3A_196 = arith.constant 2500 : i32
        %lt3A_197 = arith.cmpi slt, %add3A_195, %lt3A_196 : i32
        %convert_element_type3A_198 = arith.extui %lt3A_197 : i1 to i32
        %cond3A_199 = arith.constant 0 : i32
        %cond3A_200 = arith.cmpi ne, %convert_element_type3A_198, %cond3A_199 : i32
        scf.if %cond3A_200 {
          %dma_wait3A = arith.constant 6 : i32
          %dma_wait3A_224 = arith.constant 0 : i32
          %dma_wait3A_225 = tpu.memref_slice %arg9[%dma_wait3A, %dma_wait3A_224] : memref<8x128xi32, #tpu.memory_space<vmem>> -> memref<1x128xi32, #tpu.memory_space<vmem>>
          %dma_wait3A_226 = tpu.memref_squeeze %dma_wait3A_225 : memref<1x128xi32, #tpu.memory_space<vmem>> -> memref<128xi32, #tpu.memory_space<vmem>>
          %dma_wait3A_227 = arith.constant 0 : i32
          %dma_wait3A_228 = arith.constant 0 : i32
          %dma_wait3A_229 = tpu.memref_slice %arg2[%dma_wait3A_227, %dma_wait3A_228] : memref<10000x128xf32, #tpu.memory_space<hbm>> -> memref<10000x128xf32, #tpu.memory_space<hbm>>
          tpu.wait_indirect_dma semaphore(%arg13 : memref<!tpu.dma_semaphore, #tpu.memory_space<semaphore_mem>>) src(%dma_wait3A_229 : memref<10000x128xf32, #tpu.memory_space<hbm>>) dst(%arg6 : memref<128x128xf32, #tpu.memory_space<vmem>>)
          %run_scoped3A = arith.constant 6 : i32
          "tpu.region"() ({
            %run_scoped3A_230 = tpu.sem_alloc : memref<!tpu.dma_semaphore, #tpu.memory_space<semaphore_mem>>
            %dma_start3A = arith.constant 0 : i32
            %dma_start3A_231 = tpu.memref_slice %arg11[%run_scoped3A, %dma_start3A] : memref<8x128xi32, #tpu.memory_space<vmem>> -> memref<1x128xi32, #tpu.memory_space<vmem>>
            %dma_start3A_232 = tpu.memref_squeeze %dma_start3A_231 : memref<1x128xi32, #tpu.memory_space<vmem>> -> memref<128xi32, #tpu.memory_space<vmem>>
            %dma_start3A_233 = arith.constant 0 : i32
            %dma_start3A_234 = arith.constant 0 : i32
            %dma_start3A_235 = tpu.memref_slice %arg12[%dma_start3A_233, %dma_start3A_234] : memref<10000x128xf32, #tpu.memory_space<vmem_shared>> -> memref<10000x128xf32, #tpu.memory_space<vmem_shared>>
            tpu.enqueue_indirect_dma source(%arg6 : memref<128x128xf32, #tpu.memory_space<vmem>>) target(%dma_start3A_235 : memref<10000x128xf32, #tpu.memory_space<vmem_shared>>) offsets(%dma_start3A_232 : memref<128xi32, #tpu.memory_space<vmem>>) semaphore(%run_scoped3A_230 : memref<!tpu.dma_semaphore, #tpu.memory_space<semaphore_mem>>) {add = true}
            %dma_wait3A_236 = arith.constant 0 : i32
            %dma_wait3A_237 = tpu.memref_slice %arg11[%run_scoped3A, %dma_wait3A_236] : memref<8x128xi32, #tpu.memory_space<vmem>> -> memref<1x128xi32, #tpu.memory_space<vmem>>
            %dma_wait3A_238 = tpu.memref_squeeze %dma_wait3A_237 : memref<1x128xi32, #tpu.memory_space<vmem>> -> memref<128xi32, #tpu.memory_space<vmem>>
            %dma_wait3A_239 = arith.constant 0 : i32
            %dma_wait3A_240 = arith.constant 0 : i32
            %dma_wait3A_241 = tpu.memref_slice %arg12[%dma_wait3A_239, %dma_wait3A_240] : memref<10000x128xf32, #tpu.memory_space<vmem_shared>> -> memref<10000x128xf32, #tpu.memory_space<vmem_shared>>
            tpu.wait_indirect_dma semaphore(%run_scoped3A_230 : memref<!tpu.dma_semaphore, #tpu.memory_space<semaphore_mem>>) src(%arg6 : memref<128x128xf32, #tpu.memory_space<vmem>>) dst(%dma_wait3A_241 : memref<10000x128xf32, #tpu.memory_space<vmem_shared>>)
            tpu.yield
          }) : () -> ()
        } else {
        }
        %lt3A_201 = arith.constant 313 : i32
        %lt3A_202 = arith.cmpi slt, %add3A_54, %lt3A_201 : i32
        %convert_element_type3A_203 = arith.extui %lt3A_202 : i1 to i32
        %cond3A_204 = arith.constant 0 : i32
        %cond3A_205 = arith.cmpi ne, %convert_element_type3A_203, %cond3A_204 : i32
        scf.if %cond3A_205 {
          %mul3A_224 = arith.constant 8 : i32
          %mul3A_225 = arith.muli %add3A_54, %mul3A_224 : i32
          %dma_wait3A = arith.constant 0 : i32
          %dma_wait3A_226 = tpu.memref_slice %arg3[%mul3A_225, %dma_wait3A] : memref<2500x128xi32, #tpu.memory_space<hbm>> -> memref<8x128xi32, #tpu.memory_space<hbm>>
          %dma_wait3A_227 = arith.constant 0 : i32
          %dma_wait3A_228 = tpu.memref_slice %arg3[%mul3A_225, %dma_wait3A_227] : memref<2500x128xi32, #tpu.memory_space<hbm>> -> memref<8x128xi32, #tpu.memory_space<hbm>>
          tpu.wait_dma2 semaphore(%arg15 : memref<!tpu.dma_semaphore, #tpu.memory_space<semaphore_mem>>) src(%dma_wait3A_228 : memref<8x128xi32, #tpu.memory_space<hbm>>) dst(%arg8 : memref<8x128xi32, #tpu.memory_space<vmem>>)
          %mul3A_229 = arith.constant 8 : i32
          %mul3A_230 = arith.muli %add3A_54, %mul3A_229 : i32
          %dma_wait3A_231 = arith.constant 0 : i32
          %dma_wait3A_232 = tpu.memref_slice %arg4[%mul3A_230, %dma_wait3A_231] : memref<2500x128xi32, #tpu.memory_space<hbm>> -> memref<8x128xi32, #tpu.memory_space<hbm>>
          %dma_wait3A_233 = arith.constant 0 : i32
          %dma_wait3A_234 = tpu.memref_slice %arg4[%mul3A_230, %dma_wait3A_233] : memref<2500x128xi32, #tpu.memory_space<hbm>> -> memref<8x128xi32, #tpu.memory_space<hbm>>
          tpu.wait_dma2 semaphore(%arg15 : memref<!tpu.dma_semaphore, #tpu.memory_space<semaphore_mem>>) src(%dma_wait3A_234 : memref<8x128xi32, #tpu.memory_space<hbm>>) dst(%arg10 : memref<8x128xi32, #tpu.memory_space<vmem>>)
        } else {
        }
        %mul3A_206 = arith.constant 8 : i32
        %mul3A_207 = arith.muli %add3A_54, %mul3A_206 : i32
        %add3A_208 = arith.constant 0 : i32
        %add3A_209 = arith.addi %mul3A_207, %add3A_208 : i32
        %lt3A_210 = arith.constant 2500 : i32
        %lt3A_211 = arith.cmpi slt, %add3A_209, %lt3A_210 : i32
        %convert_element_type3A_212 = arith.extui %lt3A_211 : i1 to i32
        %cond3A_213 = arith.constant 0 : i32
        %cond3A_214 = arith.cmpi ne, %convert_element_type3A_212, %cond3A_213 : i32
        scf.if %cond3A_214 {
          %dma_start3A = arith.constant 0 : i32
          %dma_start3A_224 = arith.constant 0 : i32
          %dma_start3A_225 = tpu.memref_slice %arg8[%dma_start3A, %dma_start3A_224] : memref<8x128xi32, #tpu.memory_space<vmem>> -> memref<1x128xi32, #tpu.memory_space<vmem>>
          %dma_start3A_226 = tpu.memref_squeeze %dma_start3A_225 : memref<1x128xi32, #tpu.memory_space<vmem>> -> memref<128xi32, #tpu.memory_space<vmem>>
          %dma_start3A_227 = arith.constant 0 : i32
          %dma_start3A_228 = arith.constant 0 : i32
          %dma_start3A_229 = tpu.memref_slice %arg2[%dma_start3A_227, %dma_start3A_228] : memref<10000x128xf32, #tpu.memory_space<hbm>> -> memref<10000x128xf32, #tpu.memory_space<hbm>>
          tpu.enqueue_indirect_dma source(%dma_start3A_229 : memref<10000x128xf32, #tpu.memory_space<hbm>>) target(%arg6 : memref<128x128xf32, #tpu.memory_space<vmem>>) offsets(%dma_start3A_226 : memref<128xi32, #tpu.memory_space<vmem>>) semaphore(%arg13 : memref<!tpu.dma_semaphore, #tpu.memory_space<semaphore_mem>>)
        } else {
        }
        %mul3A_215 = arith.constant 8 : i32
        %mul3A_216 = arith.muli %add3A_49, %mul3A_215 : i32
        %add3A_217 = arith.constant 7 : i32
        %add3A_218 = arith.addi %mul3A_216, %add3A_217 : i32
        %lt3A_219 = arith.constant 2500 : i32
        %lt3A_220 = arith.cmpi slt, %add3A_218, %lt3A_219 : i32
        %convert_element_type3A_221 = arith.extui %lt3A_220 : i1 to i32
        %cond3A_222 = arith.constant 0 : i32
        %cond3A_223 = arith.cmpi ne, %convert_element_type3A_221, %cond3A_222 : i32
        scf.if %cond3A_223 {
          %dma_wait3A = arith.constant 7 : i32
          %dma_wait3A_224 = arith.constant 0 : i32
          %dma_wait3A_225 = tpu.memref_slice %arg9[%dma_wait3A, %dma_wait3A_224] : memref<8x128xi32, #tpu.memory_space<vmem>> -> memref<1x128xi32, #tpu.memory_space<vmem>>
          %dma_wait3A_226 = tpu.memref_squeeze %dma_wait3A_225 : memref<1x128xi32, #tpu.memory_space<vmem>> -> memref<128xi32, #tpu.memory_space<vmem>>
          %dma_wait3A_227 = arith.constant 0 : i32
          %dma_wait3A_228 = arith.constant 0 : i32
          %dma_wait3A_229 = tpu.memref_slice %arg2[%dma_wait3A_227, %dma_wait3A_228] : memref<10000x128xf32, #tpu.memory_space<hbm>> -> memref<10000x128xf32, #tpu.memory_space<hbm>>
          tpu.wait_indirect_dma semaphore(%arg14 : memref<!tpu.dma_semaphore, #tpu.memory_space<semaphore_mem>>) src(%dma_wait3A_229 : memref<10000x128xf32, #tpu.memory_space<hbm>>) dst(%arg7 : memref<128x128xf32, #tpu.memory_space<vmem>>)
          %run_scoped3A = arith.constant 7 : i32
          "tpu.region"() ({
            %run_scoped3A_230 = tpu.sem_alloc : memref<!tpu.dma_semaphore, #tpu.memory_space<semaphore_mem>>
            %dma_start3A = arith.constant 0 : i32
            %dma_start3A_231 = tpu.memref_slice %arg11[%run_scoped3A, %dma_start3A] : memref<8x128xi32, #tpu.memory_space<vmem>> -> memref<1x128xi32, #tpu.memory_space<vmem>>
            %dma_start3A_232 = tpu.memref_squeeze %dma_start3A_231 : memref<1x128xi32, #tpu.memory_space<vmem>> -> memref<128xi32, #tpu.memory_space<vmem>>
            %dma_start3A_233 = arith.constant 0 : i32
            %dma_start3A_234 = arith.constant 0 : i32
            %dma_start3A_235 = tpu.memref_slice %arg12[%dma_start3A_233, %dma_start3A_234] : memref<10000x128xf32, #tpu.memory_space<vmem_shared>> -> memref<10000x128xf32, #tpu.memory_space<vmem_shared>>
            tpu.enqueue_indirect_dma source(%arg7 : memref<128x128xf32, #tpu.memory_space<vmem>>) target(%dma_start3A_235 : memref<10000x128xf32, #tpu.memory_space<vmem_shared>>) offsets(%dma_start3A_232 : memref<128xi32, #tpu.memory_space<vmem>>) semaphore(%run_scoped3A_230 : memref<!tpu.dma_semaphore, #tpu.memory_space<semaphore_mem>>) {add = true}
            %dma_wait3A_236 = arith.constant 0 : i32
            %dma_wait3A_237 = tpu.memref_slice %arg11[%run_scoped3A, %dma_wait3A_236] : memref<8x128xi32, #tpu.memory_space<vmem>> -> memref<1x128xi32, #tpu.memory_space<vmem>>
            %dma_wait3A_238 = tpu.memref_squeeze %dma_wait3A_237 : memref<1x128xi32, #tpu.memory_space<vmem>> -> memref<128xi32, #tpu.memory_space<vmem>>
            %dma_wait3A_239 = arith.constant 0 : i32
            %dma_wait3A_240 = arith.constant 0 : i32
            %dma_wait3A_241 = tpu.memref_slice %arg12[%dma_wait3A_239, %dma_wait3A_240] : memref<10000x128xf32, #tpu.memory_space<vmem_shared>> -> memref<10000x128xf32, #tpu.memory_space<vmem_shared>>
            tpu.wait_indirect_dma semaphore(%run_scoped3A_230 : memref<!tpu.dma_semaphore, #tpu.memory_space<semaphore_mem>>) src(%arg7 : memref<128x128xf32, #tpu.memory_space<vmem>>) dst(%dma_wait3A_241 : memref<10000x128xf32, #tpu.memory_space<vmem_shared>>)
            tpu.yield
          }) : () -> ()
        } else {
        }
      } else {
      }
    }
    %scan3A_30 = arith.constant 5 : i32
    %barrier3A_31 = arith.constant 0 : index
    tpu.barrier barrier_id(%barrier3A_31)
    %scan3A_32 = arith.constant 0 : i32
    %scan3A_33 = arith.constant 8 : i32
    %scan3A_34 = arith.addi %scan3A_32, %scan3A_33 : i32
    %scan3A_35 = arith.constant 1 : i32
    scf.for %scan3A_37 = %scan3A_32 to %scan3A_34 step %scan3A_35  : i32 {
      %mul3A_38 = arith.constant 1 : i32
      %mul3A_39 = arith.muli %scan3A_37, %mul3A_38 : i32
      %add3A_40 = arith.constant 0 : i32
      %add3A_41 = arith.addi %add3A_40, %mul3A_39 : i32
      %mul3A_42 = arith.constant 16 : i32
      %mul3A_43 = arith.muli %mul3A_42, %add3A_41 : i32
      %add3A_44 = arith.addi %arg1, %mul3A_43 : i32
      %lt3A_45 = arith.constant 125 : i32
      %lt3A_46 = arith.cmpi slt, %add3A_44, %lt3A_45 : i32
      %convert_element_type3A_47 = arith.extui %lt3A_46 : i1 to i32
      %cond3A_48 = arith.constant 0 : i32
      %cond3A_49 = arith.cmpi ne, %convert_element_type3A_47, %cond3A_48 : i32
      scf.if %cond3A_49 {
        %mul3A_50 = arith.constant 80 : i32
        %mul3A_51 = arith.muli %add3A_44, %mul3A_50 : i32
        "tpu.region"() ({
          %run_scoped3A = tpu.sem_alloc : memref<!tpu.dma_semaphore, #tpu.memory_space<semaphore_mem>>
          %dma_start3A = arith.constant 0 : i32
          %dma_start3A_52 = arith.constant 0 : i32
          %dma_start3A_53 = tpu.memref_slice %arg5[%arg0, %dma_start3A, %dma_start3A_52] : memref<2x10000x128xf32, #tpu.memory_space<hbm>> -> memref<1x10000x128xf32, #tpu.memory_space<hbm>>
          %dma_start3A_54 = tpu.memref_squeeze %dma_start3A_53 : memref<1x10000x128xf32, #tpu.memory_space<hbm>> -> memref<10000x128xf32, #tpu.memory_space<hbm>>
          %dma_start3A_55 = arith.constant 0 : i32
          %dma_start3A_56 = tpu.memref_slice %dma_start3A_54[%mul3A_51, %dma_start3A_55] : memref<10000x128xf32, #tpu.memory_space<hbm>> -> memref<80x128xf32, #tpu.memory_space<hbm>>
          %dma_start3A_57 = arith.constant 0 : i32
          %dma_start3A_58 = tpu.memref_slice %arg12[%mul3A_51, %dma_start3A_57] : memref<10000x128xf32, #tpu.memory_space<vmem_shared>> -> memref<80x128xf32, #tpu.memory_space<vmem_shared>>
          tpu.enqueue_dma source(%dma_start3A_58 : memref<80x128xf32, #tpu.memory_space<vmem_shared>>) target(%dma_start3A_56 : memref<80x128xf32, #tpu.memory_space<hbm>>) target_semaphore(%run_scoped3A : memref<!tpu.dma_semaphore, #tpu.memory_space<semaphore_mem>>)
          %dma_wait3A = arith.constant 0 : i32
          %dma_wait3A_59 = arith.constant 0 : i32
          %dma_wait3A_60 = tpu.memref_slice %arg5[%arg0, %dma_wait3A, %dma_wait3A_59] : memref<2x10000x128xf32, #tpu.memory_space<hbm>> -> memref<1x10000x128xf32, #tpu.memory_space<hbm>>
          %dma_wait3A_61 = tpu.memref_squeeze %dma_wait3A_60 : memref<1x10000x128xf32, #tpu.memory_space<hbm>> -> memref<10000x128xf32, #tpu.memory_space<hbm>>
          %dma_wait3A_62 = arith.constant 0 : i32
          %dma_wait3A_63 = tpu.memref_slice %dma_wait3A_61[%mul3A_51, %dma_wait3A_62] : memref<10000x128xf32, #tpu.memory_space<hbm>> -> memref<80x128xf32, #tpu.memory_space<hbm>>
          %dma_wait3A_64 = arith.constant 0 : i32
          %dma_wait3A_65 = tpu.memref_slice %arg12[%mul3A_51, %dma_wait3A_64] : memref<10000x128xf32, #tpu.memory_space<vmem_shared>> -> memref<80x128xf32, #tpu.memory_space<vmem_shared>>
          tpu.wait_dma2 semaphore(%run_scoped3A : memref<!tpu.dma_semaphore, #tpu.memory_space<semaphore_mem>>) src(%dma_wait3A_65 : memref<80x128xf32, #tpu.memory_space<vmem_shared>>) dst(%dma_wait3A_63 : memref<80x128xf32, #tpu.memory_space<hbm>>)
          tpu.yield
        }) : () -> ()
      } else {
      }
    }
    %scan3A_36 = arith.constant 8 : i32
    return
  }
}

module attributes {stable_mosaic.version = 14 : i64} {
  func.func @_tc1a_body(%arg0: i32, %arg1: memref<1000x128xf32, #tpu.memory_space<vmem>>, %arg2: memref<128x128xf32, #tpu.memory_space<vmem>>, %arg3: memref<1000x128xf32, #tpu.memory_space<vmem>>) attributes {dimension_semantics = [#tpu.dimension_semantics<arbitrary>], iteration_bounds = array<i64: 10>, scalar_prefetch = 0 : i64, scratch_operands = 0 : i64, tpu.core_type = #tpu.core_type<tc>, window_params = [{transform_indices = @transform_0, window_bounds = array<i64: 1000, 128>}, {pipeline_mode = #tpu.pipeline_mode<synchronous>, transform_indices = @transform_1, window_bounds = array<i64: 128, 128>}, {transform_indices = @transform_2, window_bounds = array<i64: 1000, 128>}]} {
    %get3A = arith.constant 0 : index
    %get3A_0 = arith.constant 0 : index
    %get3A_1 = vector.load %arg1[%get3A, %get3A_0] : memref<1000x128xf32, #tpu.memory_space<vmem>>, vector<1000x128xf32>
    %get3A_2 = arith.constant 0 : index
    %get3A_3 = arith.constant 0 : index
    %get3A_4 = vector.load %arg2[%get3A_2, %get3A_3] : memref<128x128xf32, #tpu.memory_space<vmem>>, vector<128x128xf32>
    %dot_general3A = arith.constant dense<0.000000e+00> : vector<1000x128xf32>
    %dot_general3A_5 = tpu.matmul %get3A_1, %get3A_4, %dot_general3A {dimension_numbers = #tpu.dot_dimension_numbers<[1], [0], [0], [1], [0, 0, 1, 1], [], []>, transpose_lhs_hint = false} : vector<1000x128xf32>, vector<128x128xf32>, vector<1000x128xf32> -> vector<1000x128xf32>
    %swap3A = arith.constant 0 : index
    %swap3A_6 = arith.constant 0 : index
    %swap3A_7 = vector.load %arg3[%swap3A, %swap3A_6] : memref<1000x128xf32, #tpu.memory_space<vmem>>, vector<1000x128xf32>
    tpu.vector_store %arg3[%swap3A, %swap3A_6], %dot_general3A_5 {strides = array<i32>} : memref<1000x128xf32, #tpu.memory_space<vmem>>, vector<1000x128xf32>,
    return
  }
  func.func @transform_0(%arg0: i32) -> (i32, i32) {
    %c0_i32 = arith.constant 0 : i32
    %c0_i32_0 = arith.constant 0 : i32
    return %arg0, %c0_i32 : i32, i32
  }
  func.func @transform_1(%arg0: i32) -> (i32, i32) {
    %c0_i32 = arith.constant 0 : i32
    %c0_i32_0 = arith.constant 0 : i32
    %c0_i32_1 = arith.constant 0 : i32
    return %c0_i32, %c0_i32_0 : i32, i32
  }
  func.func @transform_2(%arg0: i32) -> (i32, i32) {
    %c0_i32 = arith.constant 0 : i32
    %c0_i32_0 = arith.constant 0 : i32
    return %arg0, %c0_i32 : i32, i32
  }
}

module attributes {stable_mosaic.version = 14 : i64} {
  func.func @_tc2_body(%arg0: i32, %arg1: memref<2x1000x128xf32, #tpu.memory_space<vmem>>, %arg2: memref<1000x128xf32, #tpu.memory_space<vmem>>, %arg3: memref<1000x1xf32, #tpu.memory_space<vmem>>, %arg4: memref<1x128xf32, #tpu.memory_space<vmem>>, %arg5: memref<128x128xf32, #tpu.memory_space<vmem>>, %arg6: memref<1000x128xf32, #tpu.memory_space<vmem>>) attributes {dimension_semantics = [#tpu.dimension_semantics<arbitrary>], iteration_bounds = array<i64: 10>, scalar_prefetch = 0 : i64, scratch_operands = 0 : i64, tpu.core_type = #tpu.core_type<tc>, window_params = [{transform_indices = @transform_0, window_bounds = array<i64: 2, 1000, 128>}, {transform_indices = @transform_1, window_bounds = array<i64: 1000, 128>}, {transform_indices = @transform_2, window_bounds = array<i64: 1000, 1>}, {pipeline_mode = #tpu.pipeline_mode<synchronous>, transform_indices = @transform_3, window_bounds = array<i64: 1, 128>}, {pipeline_mode = #tpu.pipeline_mode<synchronous>, transform_indices = @transform_4, window_bounds = array<i64: 128, 128>}, {transform_indices = @transform_5, window_bounds = array<i64: 1000, 128>}]} {
    %get3A = arith.constant 0 : index
    %get3A_0 = arith.constant 0 : index
    %get3A_1 = vector.load %arg3[%get3A, %get3A_0] : memref<1000x1xf32, #tpu.memory_space<vmem>>, vector<1000x1xf32>
    %get3A_2 = arith.constant 0 : index
    %get3A_3 = arith.constant 0 : index
    %get3A_4 = arith.constant 0 : index
    %get3A_5 = vector.load %arg1[%get3A_2, %get3A_3, %get3A_4] : memref<2x1000x128xf32, #tpu.memory_space<vmem>>, vector<1x1000x128xf32>
    %get3A_6 = vector.shape_cast %get3A_5 : vector<1x1000x128xf32> to vector<1000x128xf32>
    %get3A_7 = arith.constant 1 : index
    %get3A_8 = arith.constant 0 : index
    %get3A_9 = arith.constant 0 : index
    %get3A_10 = vector.load %arg1[%get3A_7, %get3A_8, %get3A_9] : memref<2x1000x128xf32, #tpu.memory_space<vmem>>, vector<1x1000x128xf32>
    %get3A_11 = vector.shape_cast %get3A_10 : vector<1x1000x128xf32> to vector<1000x128xf32>
    %add3A = arith.addf %get3A_6, %get3A_11 : vector<1000x128xf32>
    %get3A_12 = arith.constant 0 : index
    %get3A_13 = arith.constant 0 : index
    %get3A_14 = vector.load %arg2[%get3A_12, %get3A_13] : memref<1000x128xf32, #tpu.memory_space<vmem>>, vector<1000x128xf32>
    %add3A_15 = arith.addf %add3A, %get3A_14 : vector<1000x128xf32>
    %mul3A = vector.broadcast %get3A_1 : vector<1000x1xf32> to vector<1000x128xf32>
    %mul3A_16 = arith.mulf %mul3A, %add3A_15 : vector<1000x128xf32>
    %get3A_17 = arith.constant 0 : index
    %get3A_18 = arith.constant 0 : index
    %get3A_19 = vector.load %arg4[%get3A_17, %get3A_18] : memref<1x128xf32, #tpu.memory_space<vmem>>, vector<1x128xf32>
    %add3A_20 = vector.broadcast %get3A_19 : vector<1x128xf32> to vector<1000x128xf32>
    %add3A_21 = arith.addf %mul3A_16, %add3A_20 : vector<1000x128xf32>
    %logistic3A = arith.negf %add3A_21 : vector<1000x128xf32>
    %logistic3A_22 = math.exp %logistic3A : vector<1000x128xf32>
    %logistic3A_23 = arith.constant 1.000000e+00 : f32
    %logistic3A_24 = vector.broadcast %logistic3A_23 : f32 to vector<1000x128xf32>
    %logistic3A_25 = arith.addf %logistic3A_24, %logistic3A_22 : vector<1000x128xf32>
    %logistic3A_26 = arith.divf %logistic3A_24, %logistic3A_25 : vector<1000x128xf32>
    %mul3A_27 = arith.mulf %add3A_21, %logistic3A_26 : vector<1000x128xf32>
    %get3A_28 = arith.constant 0 : index
    %get3A_29 = arith.constant 0 : index
    %get3A_30 = vector.load %arg5[%get3A_28, %get3A_29] : memref<128x128xf32, #tpu.memory_space<vmem>>, vector<128x128xf32>
    %dot_general3A = arith.constant dense<0.000000e+00> : vector<1000x128xf32>
    %dot_general3A_31 = tpu.matmul %mul3A_27, %get3A_30, %dot_general3A {dimension_numbers = #tpu.dot_dimension_numbers<[1], [0], [0], [1], [0, 0, 1, 1], [], []>, transpose_lhs_hint = false} : vector<1000x128xf32>, vector<128x128xf32>, vector<1000x128xf32> -> vector<1000x128xf32>
    %mul3A_32 = vector.broadcast %get3A_1 : vector<1000x1xf32> to vector<1000x128xf32>
    %mul3A_33 = arith.mulf %dot_general3A_31, %mul3A_32 : vector<1000x128xf32>
    %swap3A = arith.constant 0 : index
    %swap3A_34 = arith.constant 0 : index
    %swap3A_35 = vector.load %arg6[%swap3A, %swap3A_34] : memref<1000x128xf32, #tpu.memory_space<vmem>>, vector<1000x128xf32>
    tpu.vector_store %arg6[%swap3A, %swap3A_34], %mul3A_33 {strides = array<i32>} : memref<1000x128xf32, #tpu.memory_space<vmem>>, vector<1000x128xf32>,
    return
  }
  func.func @transform_0(%arg0: i32) -> (i32, i32, i32) {
    %c0_i32 = arith.constant 0 : i32
    %c0_i32_0 = arith.constant 0 : i32
    %c0_i32_1 = arith.constant 0 : i32
    return %c0_i32, %arg0, %c0_i32_0 : i32, i32, i32
  }
  func.func @transform_1(%arg0: i32) -> (i32, i32) {
    %c0_i32 = arith.constant 0 : i32
    %c0_i32_0 = arith.constant 0 : i32
    return %arg0, %c0_i32 : i32, i32
  }
  func.func @transform_2(%arg0: i32) -> (i32, i32) {
    %c0_i32 = arith.constant 0 : i32
    %c0_i32_0 = arith.constant 0 : i32
    return %arg0, %c0_i32 : i32, i32
  }
  func.func @transform_3(%arg0: i32) -> (i32, i32) {
    %c0_i32 = arith.constant 0 : i32
    %c0_i32_0 = arith.constant 0 : i32
    %c0_i32_1 = arith.constant 0 : i32
    return %c0_i32, %c0_i32_0 : i32, i32
  }
  func.func @transform_4(%arg0: i32) -> (i32, i32) {
    %c0_i32 = arith.constant 0 : i32
    %c0_i32_0 = arith.constant 0 : i32
    %c0_i32_1 = arith.constant 0 : i32
    return %c0_i32, %c0_i32_0 : i32, i32
  }
  func.func @transform_5(%arg0: i32) -> (i32, i32) {
    %c0_i32 = arith.constant 0 : i32
    %c0_i32_0 = arith.constant 0 : i32
    return %arg0, %c0_i32 : i32, i32
  }
}

module attributes {stable_mosaic.version = 14 : i64} {
  func.func @_tc1b_body(%arg0: i32, %arg1: memref<2x1000x16xf32, #tpu.memory_space<vmem>>, %arg2: memref<1000x128xf32, #tpu.memory_space<vmem>>, %arg3: memref<1000x128xf32, #tpu.memory_space<vmem>>, %arg4: memref<1000x1xf32, #tpu.memory_space<vmem>>) attributes {dimension_semantics = [#tpu.dimension_semantics<arbitrary>], iteration_bounds = array<i64: 10>, scalar_prefetch = 0 : i64, scratch_operands = 0 : i64, tpu.core_type = #tpu.core_type<tc>, window_params = [{transform_indices = @transform_0, window_bounds = array<i64: 2, 1000, 16>}, {transform_indices = @transform_1, window_bounds = array<i64: 1000, 128>}, {transform_indices = @transform_2, window_bounds = array<i64: 1000, 128>}, {transform_indices = @transform_3, window_bounds = array<i64: 1000, 1>}]} {
    %get3A = arith.constant 0 : index
    %get3A_0 = arith.constant 0 : index
    %get3A_1 = arith.constant 0 : index
    %get3A_2 = vector.load %arg1[%get3A, %get3A_0, %get3A_1] : memref<2x1000x16xf32, #tpu.memory_space<vmem>>, vector<1x1000x1xf32>
    %get3A_3 = vector.shape_cast %get3A_2 : vector<1x1000x1xf32> to vector<1000x1xf32>
    %get3A_4 = arith.constant 1 : index
    %get3A_5 = arith.constant 0 : index
    %get3A_6 = arith.constant 0 : index
    %get3A_7 = vector.load %arg1[%get3A_4, %get3A_5, %get3A_6] : memref<2x1000x16xf32, #tpu.memory_space<vmem>>, vector<1x1000x1xf32>
    %get3A_8 = vector.shape_cast %get3A_7 : vector<1x1000x1xf32> to vector<1000x1xf32>
    %add3A = arith.addf %get3A_3, %get3A_8 : vector<1000x1xf32>
    %add3A_9 = arith.constant 1.000000e+00 : f32
    %add3A_10 = vector.broadcast %add3A_9 : f32 to vector<1000x1xf32>
    %add3A_11 = arith.addf %add3A, %add3A_10 : vector<1000x1xf32>
    %rsqrt3A = math.rsqrt %add3A_11 : vector<1000x1xf32>
    %get3A_12 = arith.constant 0 : index
    %get3A_13 = arith.constant 0 : index
    %get3A_14 = vector.load %arg2[%get3A_12, %get3A_13] : memref<1000x128xf32, #tpu.memory_space<vmem>>, vector<1000x128xf32>
    %mul3A = vector.broadcast %rsqrt3A : vector<1000x1xf32> to vector<1000x128xf32>
    %mul3A_15 = arith.mulf %get3A_14, %mul3A : vector<1000x128xf32>
    %swap3A = arith.constant 0 : index
    %swap3A_16 = arith.constant 0 : index
    %swap3A_17 = vector.load %arg3[%swap3A, %swap3A_16] : memref<1000x128xf32, #tpu.memory_space<vmem>>, vector<1000x128xf32>
    tpu.vector_store %arg3[%swap3A, %swap3A_16], %mul3A_15 {strides = array<i32>} : memref<1000x128xf32, #tpu.memory_space<vmem>>, vector<1000x128xf32>,
    %swap3A_18 = arith.constant 0 : index
    %swap3A_19 = arith.constant 0 : index
    %swap3A_20 = vector.load %arg4[%swap3A_18, %swap3A_19] : memref<1000x1xf32, #tpu.memory_space<vmem>>, vector<1000x1xf32>
    tpu.vector_store %arg4[%swap3A_18, %swap3A_19], %rsqrt3A {strides = array<i32>} : memref<1000x1xf32, #tpu.memory_space<vmem>>, vector<1000x1xf32>,
    return
  }
  func.func @transform_0(%arg0: i32) -> (i32, i32, i32) {
    %c0_i32 = arith.constant 0 : i32
    %c0_i32_0 = arith.constant 0 : i32
    %c0_i32_1 = arith.constant 0 : i32
    return %c0_i32, %arg0, %c0_i32_0 : i32, i32, i32
  }
  func.func @transform_1(%arg0: i32) -> (i32, i32) {
    %c0_i32 = arith.constant 0 : i32
    %c0_i32_0 = arith.constant 0 : i32
    return %arg0, %c0_i32 : i32, i32
  }
  func.func @transform_2(%arg0: i32) -> (i32, i32) {
    %c0_i32 = arith.constant 0 : i32
    %c0_i32_0 = arith.constant 0 : i32
    return %arg0, %c0_i32 : i32, i32
  }
  func.func @transform_3(%arg0: i32) -> (i32, i32) {
    %c0_i32 = arith.constant 0 : i32
    %c0_i32_0 = arith.constant 0 : i32
    return %arg0, %c0_i32 : i32, i32
  }
}

module attributes {stable_mosaic.version = 14 : i64} {
  func.func @_tc3_body(%arg0: i32, %arg1: memref<2x1000x128xf32, #tpu.memory_space<vmem>>, %arg2: memref<1000x128xf32, #tpu.memory_space<vmem>>, %arg3: memref<1000x1xf32, #tpu.memory_space<vmem>>, %arg4: memref<1x128xf32, #tpu.memory_space<vmem>>, %arg5: memref<1x1x1000xi32, #tpu.memory_space<vmem>>, %arg6: memref<128x40xf32, #tpu.memory_space<vmem>>, %arg7: memref<1x40xf32, #tpu.memory_space<vmem>>, %arg8: memref<64x40xf32, #tpu.memory_space<vmem>>, %arg9: memref<64x128xf32, #tpu.memory_space<vmem>>, %arg10: memref<64x1xf32, #tpu.memory_space<vmem>>) attributes {dimension_semantics = [#tpu.dimension_semantics<arbitrary>], iteration_bounds = array<i64: 10>, scalar_prefetch = 0 : i64, scratch_operands = 2 : i64, tpu.core_type = #tpu.core_type<tc>, window_params = [{transform_indices = @transform_0, window_bounds = array<i64: 2, 1000, 128>}, {transform_indices = @transform_1, window_bounds = array<i64: 1000, 128>}, {transform_indices = @transform_2, window_bounds = array<i64: 1000, 1>}, {pipeline_mode = #tpu.pipeline_mode<synchronous>, transform_indices = @transform_3, window_bounds = array<i64: 1, 128>}, {transform_indices = @transform_4, window_bounds = array<i64: 1, 1, 1000>}, {pipeline_mode = #tpu.pipeline_mode<synchronous>, transform_indices = @transform_5, window_bounds = array<i64: 128, 40>}, {pipeline_mode = #tpu.pipeline_mode<synchronous>, transform_indices = @transform_6, window_bounds = array<i64: 1, 40>}, {pipeline_mode = #tpu.pipeline_mode<synchronous>, transform_indices = @transform_7, window_bounds = array<i64: 64, 40>}]} {
    %eq3A = arith.constant 0 : i32
    %eq3A_0 = arith.cmpi eq, %arg0, %eq3A : i32
    %convert_element_type3A = arith.extui %eq3A_0 : i1 to i32
    %cond3A = arith.constant 0 : i32
    %cond3A_1 = arith.cmpi ne, %convert_element_type3A, %cond3A : i32
    scf.if %cond3A_1 {
      %broadcast_in_dim3A_59 = arith.constant 0.000000e+00 : f32
      %broadcast_in_dim3A_60 = vector.broadcast %broadcast_in_dim3A_59 : f32 to vector<64x128xf32>
      %swap3A_61 = arith.constant 0 : index
      %swap3A_62 = arith.constant 0 : index
      %swap3A_63 = vector.load %arg9[%swap3A_61, %swap3A_62] : memref<64x128xf32, #tpu.memory_space<vmem>>, vector<64x128xf32>
      tpu.vector_store %arg9[%swap3A_61, %swap3A_62], %broadcast_in_dim3A_60 {strides = array<i32>} : memref<64x128xf32, #tpu.memory_space<vmem>>, vector<64x128xf32>,
      %broadcast_in_dim3A_64 = arith.constant 0.000000e+00 : f32
      %broadcast_in_dim3A_65 = vector.broadcast %broadcast_in_dim3A_64 : f32 to vector<64x1xf32>
      %swap3A_66 = arith.constant 0 : index
      %swap3A_67 = arith.constant 0 : index
      %swap3A_68 = vector.load %arg10[%swap3A_66, %swap3A_67] : memref<64x1xf32, #tpu.memory_space<vmem>>, vector<64x1xf32>
      tpu.vector_store %arg10[%swap3A_66, %swap3A_67], %broadcast_in_dim3A_65 {strides = array<i32>} : memref<64x1xf32, #tpu.memory_space<vmem>>, vector<64x1xf32>,
    } else {
    }
    %get3A = arith.constant 0 : index
    %get3A_2 = arith.constant 0 : index
    %get3A_3 = vector.load %arg3[%get3A, %get3A_2] : memref<1000x1xf32, #tpu.memory_space<vmem>>, vector<1000x1xf32>
    %get3A_4 = arith.constant 0 : index
    %get3A_5 = arith.constant 0 : index
    %get3A_6 = arith.constant 0 : index
    %get3A_7 = vector.load %arg1[%get3A_4, %get3A_5, %get3A_6] : memref<2x1000x128xf32, #tpu.memory_space<vmem>>, vector<1x1000x128xf32>
    %get3A_8 = vector.shape_cast %get3A_7 : vector<1x1000x128xf32> to vector<1000x128xf32>
    %get3A_9 = arith.constant 1 : index
    %get3A_10 = arith.constant 0 : index
    %get3A_11 = arith.constant 0 : index
    %get3A_12 = vector.load %arg1[%get3A_9, %get3A_10, %get3A_11] : memref<2x1000x128xf32, #tpu.memory_space<vmem>>, vector<1x1000x128xf32>
    %get3A_13 = vector.shape_cast %get3A_12 : vector<1x1000x128xf32> to vector<1000x128xf32>
    %add3A = arith.addf %get3A_8, %get3A_13 : vector<1000x128xf32>
    %get3A_14 = arith.constant 0 : index
    %get3A_15 = arith.constant 0 : index
    %get3A_16 = vector.load %arg2[%get3A_14, %get3A_15] : memref<1000x128xf32, #tpu.memory_space<vmem>>, vector<1000x128xf32>
    %add3A_17 = arith.addf %add3A, %get3A_16 : vector<1000x128xf32>
    %mul3A = vector.broadcast %get3A_3 : vector<1000x1xf32> to vector<1000x128xf32>
    %mul3A_18 = arith.mulf %mul3A, %add3A_17 : vector<1000x128xf32>
    %get3A_19 = arith.constant 0 : index
    %get3A_20 = arith.constant 0 : index
    %get3A_21 = vector.load %arg4[%get3A_19, %get3A_20] : memref<1x128xf32, #tpu.memory_space<vmem>>, vector<1x128xf32>
    %add3A_22 = vector.broadcast %get3A_21 : vector<1x128xf32> to vector<1000x128xf32>
    %add3A_23 = arith.addf %mul3A_18, %add3A_22 : vector<1000x128xf32>
    %logistic3A = arith.negf %add3A_23 : vector<1000x128xf32>
    %logistic3A_24 = math.exp %logistic3A : vector<1000x128xf32>
    %logistic3A_25 = arith.constant 1.000000e+00 : f32
    %logistic3A_26 = vector.broadcast %logistic3A_25 : f32 to vector<1000x128xf32>
    %logistic3A_27 = arith.addf %logistic3A_26, %logistic3A_24 : vector<1000x128xf32>
    %logistic3A_28 = arith.divf %logistic3A_26, %logistic3A_27 : vector<1000x128xf32>
    %mul3A_29 = arith.mulf %add3A_23, %logistic3A_28 : vector<1000x128xf32>
    %get3A_30 = arith.constant 0 : index
    %get3A_31 = arith.constant 0 : index
    %get3A_32 = arith.constant 0 : index
    %get3A_33 = vector.load %arg5[%get3A_30, %get3A_31, %get3A_32] : memref<1x1x1000xi32, #tpu.memory_space<vmem>>, vector<1x1x1000xi32>
    %get3A_34 = vector.shape_cast %get3A_33 : vector<1x1x1000xi32> to vector<1x1000xi32>
    %iota3A = tpu.iota {dimensions = array<i32: 0>} : vector<64x1000xi32>
    %eq3A_35 = vector.broadcast %get3A_34 : vector<1x1000xi32> to vector<64x1000xi32>
    %eq3A_36 = arith.cmpi eq, %iota3A, %eq3A_35 : vector<64x1000xi32>
    %convert_element_type3A_37 = arith.extui %eq3A_36 : vector<64x1000xi1> to vector<64x1000xi32>
    %convert_element_type3A_38 = arith.sitofp %convert_element_type3A_37 : vector<64x1000xi32> to vector<64x1000xf32>
    %get3A_39 = arith.constant 0 : index
    %get3A_40 = arith.constant 0 : index
    %get3A_41 = vector.load %arg9[%get3A_39, %get3A_40] : memref<64x128xf32, #tpu.memory_space<vmem>>, vector<64x128xf32>
    %dot_general3A = arith.constant dense<0.000000e+00> : vector<64x128xf32>
    %dot_general3A_42 = tpu.matmul %convert_element_type3A_38, %mul3A_29, %dot_general3A {dimension_numbers = #tpu.dot_dimension_numbers<[1], [0], [0], [1], [0, 0, 1, 1], [], []>, transpose_lhs_hint = false} : vector<64x1000xf32>, vector<1000x128xf32>, vector<64x128xf32> -> vector<64x128xf32>
    %add3A_43 = arith.addf %get3A_41, %dot_general3A_42 : vector<64x128xf32>
    %swap3A = arith.constant 0 : index
    %swap3A_44 = arith.constant 0 : index
    %swap3A_45 = vector.load %arg9[%swap3A, %swap3A_44] : memref<64x128xf32, #tpu.memory_space<vmem>>, vector<64x128xf32>
    tpu.vector_store %arg9[%swap3A, %swap3A_44], %add3A_43 {strides = array<i32>} : memref<64x128xf32, #tpu.memory_space<vmem>>, vector<64x128xf32>,
    %get3A_46 = arith.constant 0 : index
    %get3A_47 = arith.constant 0 : index
    %get3A_48 = vector.load %arg10[%get3A_46, %get3A_47] : memref<64x1xf32, #tpu.memory_space<vmem>>, vector<64x1xf32>
    %reduce_sum3A = arith.constant dense<0.000000e+00> : vector<64xf32>
    %reduce_sum3A_49 = vector.multi_reduction <add>, %convert_element_type3A_38, %reduce_sum3A [1] : vector<64x1000xf32> to vector<64xf32>
    %broadcast_in_dim3A = vector.shape_cast %reduce_sum3A_49 : vector<64xf32> to vector<64x1xf32>
    %add3A_50 = arith.addf %get3A_48, %broadcast_in_dim3A : vector<64x1xf32>
    %swap3A_51 = arith.constant 0 : index
    %swap3A_52 = arith.constant 0 : index
    %swap3A_53 = vector.load %arg10[%swap3A_51, %swap3A_52] : memref<64x1xf32, #tpu.memory_space<vmem>>, vector<64x1xf32>
    tpu.vector_store %arg10[%swap3A_51, %swap3A_52], %add3A_50 {strides = array<i32>} : memref<64x1xf32, #tpu.memory_space<vmem>>, vector<64x1xf32>,
    %eq3A_54 = arith.constant 9 : i32
    %eq3A_55 = arith.cmpi eq, %arg0, %eq3A_54 : i32
    %convert_element_type3A_56 = arith.extui %eq3A_55 : i1 to i32
    %cond3A_57 = arith.constant 0 : i32
    %cond3A_58 = arith.cmpi ne, %convert_element_type3A_56, %cond3A_57 : i32
    scf.if %cond3A_58 {
      %get3A_59 = arith.constant 0 : index
      %get3A_60 = arith.constant 0 : index
      %get3A_61 = vector.load %arg9[%get3A_59, %get3A_60] : memref<64x128xf32, #tpu.memory_space<vmem>>, vector<64x128xf32>
      %get3A_62 = arith.constant 0 : index
      %get3A_63 = arith.constant 0 : index
      %get3A_64 = vector.load %arg10[%get3A_62, %get3A_63] : memref<64x1xf32, #tpu.memory_space<vmem>>, vector<64x1xf32>
      %max3A = arith.constant 1.000000e+00 : f32
      %max3A_65 = vector.broadcast %max3A : f32 to vector<64x1xf32>
      %max3A_66 = arith.maximumf %get3A_64, %max3A_65 : vector<64x1xf32>
      %div3A = vector.broadcast %max3A_66 : vector<64x1xf32> to vector<64x128xf32>
      %div3A_67 = arith.divf %get3A_61, %div3A : vector<64x128xf32>
      %get3A_68 = arith.constant 0 : index
      %get3A_69 = arith.constant 0 : index
      %get3A_70 = vector.load %arg6[%get3A_68, %get3A_69] : memref<128x40xf32, #tpu.memory_space<vmem>>, vector<128x40xf32>
      %dot_general3A_71 = arith.constant dense<0.000000e+00> : vector<64x40xf32>
      %dot_general3A_72 = tpu.matmul %div3A_67, %get3A_70, %dot_general3A_71 {dimension_numbers = #tpu.dot_dimension_numbers<[1], [0], [0], [1], [0, 0, 1, 1], [], []>, transpose_lhs_hint = false} : vector<64x128xf32>, vector<128x40xf32>, vector<64x40xf32> -> vector<64x40xf32>
      %get3A_73 = arith.constant 0 : index
      %get3A_74 = arith.constant 0 : index
      %get3A_75 = vector.load %arg7[%get3A_73, %get3A_74] : memref<1x40xf32, #tpu.memory_space<vmem>>, vector<1x40xf32>
      %add3A_76 = vector.broadcast %get3A_75 : vector<1x40xf32> to vector<64x40xf32>
      %add3A_77 = arith.addf %dot_general3A_72, %add3A_76 : vector<64x40xf32>
      %max3A_78 = arith.constant 0.000000e+00 : f32
      %max3A_79 = vector.broadcast %max3A_78 : f32 to vector<64x40xf32>
      %max3A_80 = arith.maximumf %add3A_77, %max3A_79 : vector<64x40xf32>
      %reduce_max3A = arith.constant dense<0xFF800000> : vector<64xf32>
      %reduce_max3A_81 = vector.multi_reduction <maximumf>, %max3A_80, %reduce_max3A [1] : vector<64x40xf32> to vector<64xf32>
      %broadcast_in_dim3A_82 = vector.shape_cast %reduce_max3A_81 : vector<64xf32> to vector<64x1xf32>
      %sub3A = vector.broadcast %broadcast_in_dim3A_82 : vector<64x1xf32> to vector<64x40xf32>
      %sub3A_83 = arith.subf %max3A_80, %sub3A : vector<64x40xf32>
      %exp3A = math.exp %sub3A_83 : vector<64x40xf32>
      %reduce_sum3A_84 = arith.constant dense<0.000000e+00> : vector<64xf32>
      %reduce_sum3A_85 = vector.multi_reduction <add>, %exp3A, %reduce_sum3A_84 [1] : vector<64x40xf32> to vector<64xf32>
      %broadcast_in_dim3A_86 = vector.shape_cast %reduce_sum3A_85 : vector<64xf32> to vector<64x1xf32>
      %log3A = math.log %broadcast_in_dim3A_86 : vector<64x1xf32>
      %add3A_87 = arith.addf %broadcast_in_dim3A_82, %log3A : vector<64x1xf32>
      %sub3A_88 = vector.broadcast %add3A_87 : vector<64x1xf32> to vector<64x40xf32>
      %sub3A_89 = arith.subf %max3A_80, %sub3A_88 : vector<64x40xf32>
      %swap3A_90 = arith.constant 0 : index
      %swap3A_91 = arith.constant 0 : index
      %swap3A_92 = vector.load %arg8[%swap3A_90, %swap3A_91] : memref<64x40xf32, #tpu.memory_space<vmem>>, vector<64x40xf32>
      tpu.vector_store %arg8[%swap3A_90, %swap3A_91], %sub3A_89 {strides = array<i32>} : memref<64x40xf32, #tpu.memory_space<vmem>>, vector<64x40xf32>,
    } else {
    }
    return
  }
  func.func @transform_0(%arg0: i32) -> (i32, i32, i32) {
    %c0_i32 = arith.constant 0 : i32
    %c0_i32_0 = arith.constant 0 : i32
    %c0_i32_1 = arith.constant 0 : i32
    return %c0_i32, %arg0, %c0_i32_0 : i32, i32, i32
  }
  func.func @transform_1(%arg0: i32) -> (i32, i32) {
    %c0_i32 = arith.constant 0 : i32
    %c0_i32_0 = arith.constant 0 : i32
    return %arg0, %c0_i32 : i32, i32
  }
  func.func @transform_2(%arg0: i32) -> (i32, i32) {
    %c0_i32 = arith.constant 0 : i32
    %c0_i32_0 = arith.constant 0 : i32
    return %arg0, %c0_i32 : i32, i32
  }
  func.func @transform_3(%arg0: i32) -> (i32, i32) {
    %c0_i32 = arith.constant 0 : i32
    %c0_i32_0 = arith.constant 0 : i32
    %c0_i32_1 = arith.constant 0 : i32
    return %c0_i32, %c0_i32_0 : i32, i32
  }
  func.func @transform_4(%arg0: i32) -> (i32, i32, i32) {
    %c0_i32 = arith.constant 0 : i32
    %c0_i32_0 = arith.constant 0 : i32
    %c0_i32_1 = arith.constant 0 : i32
    return %arg0, %c0_i32, %c0_i32_0 : i32, i32, i32
  }
  func.func @transform_5(%arg0: i32) -> (i32, i32) {
    %c0_i32 = arith.constant 0 : i32
    %c0_i32_0 = arith.constant 0 : i32
    %c0_i32_1 = arith.constant 0 : i32
    return %c0_i32, %c0_i32_0 : i32, i32
  }
  func.func @transform_6(%arg0: i32) -> (i32, i32) {
    %c0_i32 = arith.constant 0 : i32
    %c0_i32_0 = arith.constant 0 : i32
    %c0_i32_1 = arith.constant 0 : i32
    return %c0_i32, %c0_i32_0 : i32, i32
  }
  func.func @transform_7(%arg0: i32) -> (i32, i32) {
    %c0_i32 = arith.constant 0 : i32
    %c0_i32_0 = arith.constant 0 : i32
    %c0_i32_1 = arith.constant 0 : i32
    return %c0_i32, %c0_i32_0 : i32, i32
  }
}

</mosaic_0001>

<sc_bundles>
// kernel: kernel.12.cloned.1.call-start
scs
__scs_entry_jumppad:
0x0: {  	(pc) =	sbr.rel $0x88, $3  }
0x1: {  	(tag) =	ssettag $0x0;
	lr =	simm.s32 $0x1  }
0x2: {  	[smem:$0x3F98] =	sst lr;
	_ =	strace $0xD0000000  }
0x3: {  	_ = 	snop  }
0x4: {  	_ = 	snop  }
0x5: {  	_ = 	snop  }
0x6: {  	_ = 	snop  }
0x7: {  	_ = 	snop  }
__scs_overlays_trampoline_lowered:
0x8: {  	[smem:$0x3FA7] =	sst s0  }
0x9: {  	[smem:$0x3FA8] =	sst s1  }
0xa: {  	[smem:$0x3FA9] =	sst s2  }
0xb: {  	[smem:$0x3FAA] =	sst s3  }
0xc: {  	[smem:$0x3FAB] =	sst s4  }
0xd: {  	[smem:$0x3FAC] =	sst s5  }
0xe: {  	[smem:$0x3FAD] =	sst s6  }
0xf: {  	[smem:$0x3FAE] =	sst s7  }
0x10: {  	[smem:$0x3FAF] =	sst s8  }
0x11: {  	[smem:$0x3FB0] =	sst s9;
	s0 =	simm.s32 @!p0 $0x0  }
0x12: {  	s1 =	sld [smem:$0x3F96];
	s0 =	simm.s32 @p0 $0x1  }
0x13: {  	[smem:$0x3FB1] =	sst s0;
	s0 =	simm.s32 @!p1 $0x0  }
0x14: {  	s2 =	sld [smem:$0x3F95];
	s0 =	simm.s32 @p1 $0x1  }
0x15: {  	[smem:$0x3FB2] =	sst s0;
	s0 =	simm.s32 @!p2 $0x0  }
0x16: {  	s3 =	sld [smem:$0x3FDB];
	s0 =	simm.s32 @p2 $0x1  }
0x17: {  	s4 =	simm.s32 $0x1BF5;
	[smem:$0x3FB4] =	sst s0  }
0x18: {  	s0 =	sld [smem:$0x3F97];
	_ =	swait.ge [sflag:s4], $0x0  }
0x19: {  	s7 =	sld [smem:$0x3F98]  }
0x1a: {  	s8 =	sadd.s32 $0xFFFFE003, lr  }
0x1b: {  	s9 =	sadd.s32 $0xFFFFFEF7, lr;
	s5 =	simm.s32 $0xFFFFFFFF;
	p2 =	slt.u32 s8, $0xFFFFF086  }
0x1c: {  	p1 =	slt.u32 s9, $0xF7A;
	s5 =	simm.s32 @!p2 $0x0  }
0x1d: {  	s5 =	simm.s32 @p1 $0x1;
	p0 =	seq.s32 s7, s2  }
0x1e: {  	s7 =	smul.u32 @!p0 $0xF7A, s2;
	p2 =	seq.s32 @!p0 s5, $0x0  }
0x1f: {  	s9 =	smul.u32 $0xF7A, s1;
	s8 =	simm.s32 @!p0 $0x1BF5;
	p2 =	por !p2, p0  }
0x20: {  	[sflag:s8] =	ssyncset.s32 @!p0 $0xFFFFF086;
	s6 =	sadd.s32 @!p0 s3, s7;
	s7 =	simm.s32 @!p0 $0x108  }
0x21: {  	s3 =	sadd.s32 s3, s9;
	s6 =	sadd.s32 @!p0 $0x88, s6;
	s7 =	simm.s32 @p2 $0x1082  }
0x22: {  	[simem:s7], [sflag:s8] =	dma.local @!p0 [hbm:s6], $0xF7A  }
0x23: {  	s9 =	sor.u32 $0xD0000000, s2;
	s6 =	simm.s32 $0x108;
	_ =	swait.ge @!p0 [sflag:s8], $0x0  }
0x24: {  	s3 =	sadd.s32 $0x88, s3;
	s6 =	simm.s32 @!p1 $0x1082;
	[sflag:s4] =	ssyncset.s32 $0xFFFFF086  }
0x25: {  	[simem:s6], [sflag:s4] =	dma.local [hbm:s3], $0xF7A  }
0x26: {  	[smem:$0x3F98] =	sst s1;
	(tag) =	ssettag s2;
	_ =	strace s9  }
0x27: {  	s1 =	sld [smem:$0x3FA8]  }
0x28: {  	s2 =	sld [smem:$0x3FA9]  }
0x29: {  	s4 =	sld [smem:$0x3FAB]  }
0x2a: {  	p0 =	seq.s32 s5, $0x0;
	s5 =	sld [smem:$0x3FAC]  }
0x2b: {  	s6 =	sld [smem:$0x3FAD]  }
0x2c: {  	s7 =	sld [smem:$0x3FAE]  }
0x2d: {  	s3 =	simm.s32 $0x108;
	s8 =	sld [smem:$0x3FAF]  }
0x2e: {  	s3 =	simm.s32 @!p0 $0x1082;
	s9 =	sld [smem:$0x3FB0]  }
0x2f: {  	lr =	sadd.s32 s0, s3;
	s0 =	sld [smem:$0x3FA7]  }
0x30: {  	s3 =	sld [smem:$0x3FAA]  }
0x31: {  	[smem:$0x3FB3] =	sst s10  }
0x32: {  	s10 =	sld [smem:$0x3FB1];
	_ =	sdelay $0x3  }
0x33: {  	p0 =	seq.s32 s10, $0x1;
	s10 =	sld [smem:$0x3FB3];
	_ =	sdelay $0x3  }
0x34: {  	[smem:$0x3FB3] =	sst s10  }
0x35: {  	s10 =	sld [smem:$0x3FB2];
	_ =	sdelay $0x3  }
0x36: {  	p1 =	seq.s32 s10, $0x1;
	s10 =	sld [smem:$0x3FB3];
	_ =	sdelay $0x3  }
0x37: {  	[smem:$0x3FB3] =	sst s10  }
0x38: {  	s10 =	sld [smem:$0x3FB4]  }
0x39: {  	_ = 	snop;
	(pc) =	sbr.ind lr, $3  }
0x3a: {  	_ = 	snop  }
0x3b: {  	_ = 	snop  }
0x3c: {  	p2 =	seq.s32 s10, $0x1;
	s10 =	sld [smem:$0x3FB3]  }
0x3d: {  	_ =	shalt  }
0x3e: {  	_ =	shalt  }
0x3f: {  	_ =	shalt  }
0x40: {  	_ =	shalt  }
0x41: {  	_ =	shalt  }
0x42: {  	_ =	shalt  }
0x43: {  	_ =	shalt  }
0x44: {  	_ =	shalt  }
0x45: {  	_ =	shalt  }
0x46: {  	_ =	shalt  }
0x47: {  	_ =	shalt  }
0x48: {  	_ =	shalt  }
0x49: {  	_ =	shalt  }
0x4a: {  	_ =	shalt  }
0x4b: {  	_ =	shalt  }
0x4c: {  	_ =	shalt  }
0x4d: {  	_ =	shalt  }
0x4e: {  	_ =	shalt  }
0x4f: {  	_ =	shalt  }
0x50: {  	_ =	shalt  }
0x51: {  	_ =	shalt  }
0x52: {  	_ =	shalt  }
0x53: {  	_ =	shalt  }
0x54: {  	_ =	shalt  }
0x55: {  	_ =	shalt  }
0x56: {  	_ =	shalt  }
0x57: {  	_ =	shalt  }
0x58: {  	_ =	shalt  }
0x59: {  	_ =	shalt  }
0x5a: {  	_ =	shalt  }
0x5b: {  	_ =	shalt  }
0x5c: {  	_ =	shalt  }
0x5d: {  	_ =	shalt  }
0x5e: {  	_ =	shalt  }
0x5f: {  	_ =	shalt  }
0x60: {  	_ =	shalt  }
0x61: {  	_ =	shalt  }
0x62: {  	_ =	shalt  }
0x63: {  	_ =	shalt  }
0x64: {  	_ =	shalt  }
0x65: {  	_ =	shalt  }
0x66: {  	_ =	shalt  }
0x67: {  	_ =	shalt  }
0x68: {  	_ =	shalt  }
0x69: {  	_ =	shalt  }
0x6a: {  	_ =	shalt  }
0x6b: {  	_ =	shalt  }
0x6c: {  	_ =	shalt  }
0x6d: {  	_ =	shalt  }
0x6e: {  	_ =	shalt  }
0x6f: {  	_ =	shalt  }
0x70: {  	_ =	shalt  }
0x71: {  	_ =	shalt  }
0x72: {  	_ =	shalt  }
0x73: {  	_ =	shalt  }
0x74: {  	_ =	shalt  }
0x75: {  	_ =	shalt  }
0x76: {  	_ =	shalt  }
0x77: {  	_ =	shalt  }
0x78: {  	_ =	shalt  }
0x79: {  	_ =	shalt  }
0x7a: {  	_ =	shalt  }
0x7b: {  	_ =	shalt  }
0x7c: {  	_ =	shalt  }
0x7d: {  	_ =	shalt  }
0x7e: {  	_ =	shalt  }
0x7f: {  	_ =	shalt  }
0x80: {  	_ =	shalt  }
0x81: {  	_ =	shalt  }
0x82: {  	_ =	shalt  }
0x83: {  	_ =	shalt  }
0x84: {  	_ =	shalt  }
0x85: {  	_ =	shalt  }
0x86: {  	_ =	shalt  }
0x87: {  	_ =	shalt  }
.Lfunc_end0:
.L_simem_size_0:
called_computation.1_lowered:
.L_overlay_start_0:
0x88: {  	s2 =	sld [smem:$0x3FD9]  }
0x89: {  	s3 =	sld [smem:$0x3FFE];
	_ =	sdelay $0x1  }
0x8a: {  	s1 =	srdreg.scid  }
0x8b: {  	s0 =	sand.u32 $0x1, s1  }
0x8c: {  	s16 =	sshll.u32 s0, $0xA;
	s2 =	sadd.s32 s3, s2  }
0x8d: {  	s2 =	sadd.s32 s2, s16  }
0x8e: {  	[smem:$0x3FBF] =	sst s2  }
0x8f: {  	_ = 	snop  }
0x90: {  	(tm) =	ssettm $0x1  }
0x91: {  	s17 =	sld [smem:$0x3FFB];
	_ =	sdelay $0x3  }
0x92: {  	_ =	strace s17  }
0x93: {  	s2 =	sld [smem:$0x3FFC];
	_ =	sdelay $0x3  }
0x94: {  	_ =	strace s2  }
0x95: {  	s2 =	sld [smem:$0x3FFD];
	_ =	sdelay $0x3  }
0x96: {  	_ =	strace s2  }
0x97: {  	_ =	strace $0x8FFFFFFF  }
0x98: {  	s18 =	sld [smem:$0x3FDB];
	_ =	sdelay $0x1  }
0x99: {  	s19 =	simm.s32 $_scs_section_size  }
0x9a: {  	s4 =	simm.s32 $_size__tile_overlayer_lowered;
	s5 =	simm.s32 $_tile_overlayer_lowered  }
0x9b: {  	s22 =	simm.s32 $0x1BFF;
	s21 =	sshll.u32 s5, $0x1;
	s2 =	sadd.s32 s19, s18  }
0x9c: {  	s6 =	simm.s32 $0x0;
	s20 =	sshll.u32 s4, $0x1;
	s4 =	sadd.s32 s21, s2  }
0x9d: {  	[timem:s6], [sflag:s22] =	dma.local [hbm:s4], s20  }
0x9e: {  	_ =	swait.ge [sflag:s22], s20  }
0x9f: {  	s3 =	ssub.s32 $0x0, s20;
	[sflag:s22] =	ssyncset.done $0x0  }
0xa0: {  	[sflag:s22] =	ssyncadd.s32 s3;
	_ =	sdelay $0x1  }
0xa1: {  	s23 =	simm.s32 $0x1B8B  }
0xa2: {  	_ =	swait.ge [sflag:s23], $0x1  }
0xa3: {  	[sflag:s23] =	ssyncset.done $0x0  }
0xa4: {  	s25 =	simm.s32 $0x1B8E;
	s24 =	sld [smem:$0x3FFE];
	[sflag:s23] =	ssyncadd.s32 $0xFFFFFFFF  }
0xa5: {  	s26 =	simm.s32 $execute0_lowered;
	[smem:$0x3FD2] =	sst s25  }
0xa6: {  	s4 =	sshll.u32 s26, $0x1;
	_ =	strace $0x80000049;
	[dreg:$0x1] =	wrdreg $0xFFFFFFFF  }
0xa7: {  	s28 =	simm.s32 $_size_execute0_lowered;
	s2 =	sadd.s32 s2, s4;
	[dreg:$0x0] =	wrdreg $0x0  }
0xa8: {  	s4 =	sshll.u32 s28, $0x1;
	[dreg:$0x2] =	wrdreg s2  }
0xa9: {  	[dreg:$0x3] =	wrdreg s4  }
0xaa: {  	[dreg:$0x4] =	wrdreg $0xC0  }
0xab: {  	_ =	task [dreg:s6], $0x5FFFF  }
0xac: {  	[dreg:$0x1] =	wrdreg $0xFFFFFFFF  }
0xad: {  	[dreg:$0x0] =	wrdreg $0x60  }
0xae: {  	[dreg:$0x2] =	wrdreg s24  }
0xaf: {  	[dreg:$0x3] =	wrdreg $0x90000  }
0xb0: {  	[dreg:$0x4] =	wrdreg $0x9  }
0xb1: {  	_ =	task.clear_ibuf [dreg:s6], $0x5FFFF;
	_ =	strace $0x90000049  }
0xb2: {  	s29 =	simm.s32 $0x9;
	_ =	strace $0x8000004B  }
0xb3: {  	_ =	swait.ge [sflag:s29], $0x1  }
0xb4: {  	[sflag:s29] =	ssyncadd.s32 $0xFFFFFFFF  }
0xb5: {  	_ =	strace $0x9000004B  }
0xb6: {  	_ =	sfence  }
0xb7: {  	s30 =	sld [smem:$0x0];
	_ =	sdelay $0x2  }
0xb8: {  	s31 =	sshll.u32 s1, $0xD;
	s1 =	sshrl.u32 s1, $0x2  }
0xb9: {  	s3 =	sand.u32 $0x4000, s31;
	s1 =	sadd.s32 s1, s30  }
0xba: {  	s0 =	sor.u32 s3, s0;
	s1 =	sshll.u32 s1, $0x11  }
0xbb: {  	s0 =	sor.u32 s1, s0  }
0xbc: {  	s0 =	sadd.s32 $0x8F2B, s0  }
0xbd: {  	[sflag:s0] =	ssyncadd.remote.s32 $0x1  }
0xbe: {  	_ =	sfence.sel $0xFFFF  }
0xbf: {  	[dreg:$0x0] =	wrdreg $0xFFFFFFFF;
	(pc) =	sbr.abs _section_cstart, $3  }
0xc0: {  	[dreg:$0x1] =	wrdreg $0xFFFFFFFF  }
0xc1: {  	_ =	task.clear_ibuf [dreg:s6], $0x2FFFF;
	_ =	strace $0x9FFFFFFF  }
0xc2: {  	(tm) =	ssettm $0x7FFFFFFF  }
0xc3: {  	_ =	shalt  }
tec
execute0_lowered:
.L_overlay_start_1:
0x0: {  	(tag) =	ssettag $0x1  }
0x1: {  	s1 =	srdreg.scid;
	s2 =	rddreg [dreg:$0x0]  }
0x2: {  	s0 =	simm.s32 $0x0;
	s24 =	stileid.u32;
	s29 =	simm.s32 $0x5  }
0x3: {  	s31 =	simm.s32 $0x8800;
	s30 =	simm.s32 $0x8280;
	s3 =	sand.u32 $0x1, s1  }
0x4: {  	s28 =	simm.s32 $0x8A00;
	s7 =	sor.u32 $0x10, s24;
	s1 =	smul.u32 $0x27100, s3  }
0x5: {  	[smem:$0x7FF] =	sst s0;
	s4 =	sadd.s32 $0x5A200, s2;
	s10 =	smul.u32 $0xA000, s7  }
0x6: {  	s5 =	sadd.s32 $0x50400, s2;
	s12 =	sor.u32 $0x20, s24;
	s7 =	smul.u32 $0x500, s7  }
0x7: {  	s25 =	sor.u32 $0x30, s24;
	s26 =	sor.u32 $0x40, s24;
	s14 =	smul.u32 $0x500, s12  }
0x8: {  	s17 =	sor.u32 $0x50, s24;
	s18 =	sor.u32 $0x60, s24;
	s15 =	smul.u32 $0x500, s25  }
0x9: {  	s19 =	sor.u32 $0x70, s24;
	s22 =	sshll.u32 s24, $0x7;
	s16 =	smul.u32 $0x500, s26  }
0xa: {  	s23 =	ssub.s32 $0x2, s3;
	s9 =	sshll.u32 s3, $0x4;
	s20 =	smul.u32 $0x500, s17  }
0xb: {  	s21 =	smul.u32 $0x500, s18;
	s3 =	sshll.u32 s3, $0xB;
	p0 =	sgt.u32 s19, $0x7C  }
0xc: {  	s26 =	smul.u32 $0xA000, s26;
	s8 =	sshrl.u32 s23, $0x1;
	s6 =	sadd.s32 s1, s2  }
0xd: {  	s8 =	ssub.s32 s23, s8;
	s1 =	sor.u32 s24, s9;
	s9 =	smul.u32 $0x500, s24  }
0xe: {  	s23 =	sadd.s32 s3, s4;
	s11 =	sshll.u32 s1, $0x7;
	s6 =	sadd.s32 $0x64000, s6  }
0xf: {  	s1 =	sor.u32 $0x40, s1;
	s13 =	sadd.s32 s4, s11;
	s11 =	sadd.s32 s5, s11  }
0x10: {  	s5 =	sadd.s32 s3, s5;
	s3 =	sor.u32 s3, s22;
	[dreg:$0x3] =	wrdreg s13  }
0x11: {  	s9 =	sadd.s32 s9, s6;
	s7 =	sadd.s32 s7, s6;
	[dreg:$0x4] =	wrdreg s11  }
0x12: {  	s4 =	sadd.s32 s22, s5;
	s5 =	sadd.s32 s22, s23;
	[dreg:$0x5] =	wrdreg s9  }
0x13: {  	s22 =	smul.u32 $0x500, s19;
	[dreg:$0x6] =	wrdreg s7;
	s9 =	sadd.s32 s14, s6  }
0x14: {  	s14 =	sadd.s32 s15, s6;
	s15 =	sadd.s32 s16, s6;
	[dreg:$0x7] =	wrdreg s9  }
0x15: {  	s16 =	sadd.s32 s20, s6;
	s20 =	sadd.s32 s21, s6;
	[dreg:$0x8] =	wrdreg s14  }
0x16: {  	s21 =	smul.u32 $0xA000, s24;
	s23 =	smax.u32 s8, $0x1;
	[dreg:$0x9] =	wrdreg s15  }
0x17: {  	s24 =	smul.u32 $0xA000, s25;
	s25 =	sshrl.u32 s10, $0x2;
	[dreg:$0xa] =	wrdreg s16  }
0x18: {  	s7 =	simm.s32 $0x6;
	[dreg:$0xb] =	wrdreg s20;
	s9 =	smul.u32 $0xA000, s17  }
0x19: {  	s14 =	rddreg [dreg:$0x1];
	s16 =	sadd.s32 $0x2200, s2;
	s15 =	smul.u32 $0xA000, s18  }
0x1a: {  	s17 =	sshrl.u32 s26, $0x2;
	s18 =	smul.u32 $0xA000, s19;
	s6 =	sadd.s32 @!p0 s22, s6  }
0x1b: {  	s22 =	smul.u32 $0xA000, s12;
	s11 =	sadd.s32 s25, s14;
	s10 =	sshrl.u32 s24, $0x2  }
0x1c: {  	s25 =	sadd.s32 s17, s14;
	s17 =	simm.s32 $0x8980;
	[dreg:$0xc] =	wrdreg s6  }
0x1d: {  	s6 =	sshrl.u32 s21, $0x2;
	s24 =	sadd.s32 s10, s14;
	s19 =	sshrl.u32 s9, $0x2  }
0x1e: {  	s20 =	sshrl.u32 s15, $0x2;
	_ =	strace $0x8000004A;
	[dreg:$0xd] =	wrdreg s23  }
0x1f: {  	s10 =	simm.s32 $0x2;
	s15 =	simm.s32 $0x8200;
	[dreg:$0x17] =	wrdreg s1  }
0x20: {  	s9 =	simm.s32 $0x0;
	s12 =	sadd.s32 s6, s14;
	[dreg:$0xf] =	wrdreg s11  }
0x21: {  	s2 =	sshrl.u32 s22, $0x2;
	s26 =	sadd.s32 s19, s14;
	[dreg:$0x11] =	wrdreg s24  }
0x22: {  	s21 =	sadd.s32 s20, s14;
	s22 =	sshrl.u32 s18, $0x2;
	[dreg:$0x12] =	wrdreg s25  }
0x23: {  	s23 =	sadd.s32 $0xFFFF7400, s3;
	s1 =	simm.s32 $0x80;
	[dreg:$0x14] =	wrdreg s21  }
.Ltmp0:
0x24: {  	s3 =	simm.s32 $0x4000;
	[dreg:$0x16] =	wrdreg s23;
	(pc) =	sbr.rel .LBB2_1-.Ltmp0, $4  }
0x25: {  	s6 =	simm.s32 $0x1;
	s18 =	simm.s32 $0x8300;
	[dreg:$0xe] =	wrdreg s12  }
0x26: {  	s13 =	sadd.s32 s2, s14;
	s2 =	sadd.s32 s22, s14;
	[dreg:$0x13] =	wrdreg s26  }
0x27: {  	s19 =	simm.s32 $0x8A80;
	s20 =	simm.s32 $0x8380;
	[dreg:$0x15] =	wrdreg s2  }
0x28: {  	v0 =	vimm.f32 $0.0e+00;
	s21 =	simm.s32 $0x8B00;
	s22 =	simm.s32 $0x8B80;
	[dreg:$0x10] =	wrdreg s13  }
.LBB2_7:
0x29: {  	s2 =	stileid.u32;
	[bflag:$0x0] =	sbarrier.arrive $0xFFFF  }
0x2a: {  	s2 =	sshll.u32 s2, $0x6;
	s12 =	rddreg [dreg:$0xe]  }
0x2b: {  	s9 =	rddreg [dreg:$0x5];
	s2 =	sor.u32 $0x1C05, s2;
	s8 =	sshrl.u32 s12, $0x3  }
0x2c: {  	[hbm:s9], [sflag:s2] =	dma.local [spmem:s8], $0x500  }
0x2d: {  	_ =	swait.ge [sflag:s29], $0x500  }
0x2e: {  	[sflag:s29] =	ssyncset.done $0x0;
	s11 =	rddreg [dreg:$0xf]  }
0x2f: {  	s13 =	rddreg [dreg:$0x6];
	[sflag:s29] =	ssyncadd.s32 $0xFFFFFB00;
	s9 =	sshrl.u32 s11, $0x3  }
0x30: {  	[hbm:s13], [sflag:s2] =	dma.local [spmem:s9], $0x500  }
0x31: {  	_ =	swait.ge [sflag:s29], $0x500  }
0x32: {  	[sflag:s29] =	ssyncset.done $0x0;
	s13 =	rddreg [dreg:$0x10]  }
0x33: {  	s24 =	rddreg [dreg:$0x7];
	[sflag:s29] =	ssyncadd.s32 $0xFFFFFB00;
	s23 =	sshrl.u32 s13, $0x3  }
0x34: {  	[hbm:s24], [sflag:s2] =	dma.local [spmem:s23], $0x500  }
0x35: {  	_ =	swait.ge [sflag:s29], $0x500  }
0x36: {  	[sflag:s29] =	ssyncset.done $0x0;
	s24 =	rddreg [dreg:$0x11]  }
0x37: {  	s26 =	rddreg [dreg:$0x8];
	[sflag:s29] =	ssyncadd.s32 $0xFFFFFB00;
	s25 =	sshrl.u32 s24, $0x3  }
0x38: {  	[hbm:s26], [sflag:s2] =	dma.local [spmem:s25], $0x500  }
0x39: {  	_ =	swait.ge [sflag:s29], $0x500  }
0x3a: {  	[sflag:s29] =	ssyncset.done $0x0;
	s25 =	rddreg [dreg:$0x12]  }
0x3b: {  	s26 =	rddreg [dreg:$0x9];
	[sflag:s29] =	ssyncadd.s32 $0xFFFFFB00;
	s23 =	sshrl.u32 s25, $0x3  }
0x3c: {  	[hbm:s26], [sflag:s2] =	dma.local [spmem:s23], $0x500  }
0x3d: {  	_ =	swait.ge [sflag:s29], $0x500  }
0x3e: {  	[sflag:s29] =	ssyncset.done $0x0;
	s26 =	rddreg [dreg:$0x13]  }
0x3f: {  	s23 =	rddreg [dreg:$0xa];
	[sflag:s29] =	ssyncadd.s32 $0xFFFFFB00;
	s9 =	sshrl.u32 s26, $0x3  }
0x40: {  	[hbm:s23], [sflag:s2] =	dma.local [spmem:s9], $0x500  }
0x41: {  	_ =	swait.ge [sflag:s29], $0x500  }
0x42: {  	[sflag:s29] =	ssyncset.done $0x0;
	s9 =	rddreg [dreg:$0x14]  }
0x43: {  	s23 =	rddreg [dreg:$0xb];
	[sflag:s29] =	ssyncadd.s32 $0xFFFFFB00;
	s8 =	sshrl.u32 s9, $0x3  }
0x44: {  	[hbm:s23], [sflag:s2] =	dma.local [spmem:s8], $0x500  }
0x45: {  	_ =	swait.ge [sflag:s29], $0x500  }
0x46: {  	[sflag:s29] =	ssyncset.done $0x0;
	s8 =	rddreg [dreg:$0x15]  }
0x47: {  	s9 =	rddreg [dreg:$0xc];
	[sflag:s29] =	ssyncadd.s32 $0xFFFFFB00;
	s8 =	sshrl.u32 @!p0 s8, $0x3  }
0x48: {  	[hbm:s9], [sflag:s2] =	dma.local @!p0 [spmem:s8], $0x500  }
0x49: {  	s2 =	simm.s32 @!p0 $0x5  }
0x4a: {  	_ =	swait.ge @!p0 [sflag:s2], $0x500  }
0x4b: {  	s8 =	rddreg [dreg:$0x18]  }
0x4c: {  	s23 =	rddreg [dreg:$0xd];
	s9 =	sadd.s32 $0x1, s8  }
0x4d: {  	p1 =	sne.s32 s9, s23  }
.Ltmp1:
0x4e: {  	_ = 	snop;
	(pc) =	sbr.rel @!p1 .LBB2_8-.Ltmp1, $3  }
0x4f: {  	_ =	sdelay $0x1  }
0x50: {  	[sflag:s2] =	ssyncset.done @!p0 $0x0  }
0x51: {  	[sflag:s2] =	ssyncadd.s32 @!p0 $0xFFFFFB00  }
.LBB2_1:
0x52: {  	[dreg:$0x18] =	wrdreg s9;
	s9 =	simm.s32 $0x0;
	s23 =	simm.s32 $0x200  }
.LBB2_2:
0x53: {  	p1 =	sne.s32 s23, $0xFE00;
	[tilespmem:s9+$0x70] =	vst v0  }
0x54: {  	[tilespmem:s9+$0x0] =	vst v0  }
0x55: {  	[tilespmem:s9+$0x10] =	vst v0  }
.Ltmp2:
0x56: {  	[tilespmem:s9+$0x20] =	vst v0;
	(pc) =	sbr.rel @p1 .LBB2_2-.Ltmp2, $4  }
0x57: {  	[tilespmem:s9+$0x30] =	vst v0  }
0x58: {  	[tilespmem:s9+$0x40] =	vst v0  }
0x59: {  	[tilespmem:s9+$0x50] =	vst v0  }
0x5a: {  	[tilespmem:s9+$0x60] =	vst v0;
	s9 =	sshra.s32 s23, $0x2;
	s23 =	sadd.s32 $0x200, s23  }
0x5b: {  	[tilespmem:s9+$0x70] =	vst v0  }
0x5c: {  	[tilespmem:s9+$0x0] =	vst v0  }
0x5d: {  	[tilespmem:s9+$0x10] =	vst v0  }
0x5e: {  	[tilespmem:s9+$0x20] =	vst v0  }
0x5f: {  	[tilespmem:s9+$0x30] =	vst v0  }
0x60: {  	[tilespmem:s9+$0x40] =	vst v0  }
0x61: {  	[tilespmem:s9+$0x50] =	vst v0  }
0x62: {  	[tilespmem:s9+$0x60] =	vst v0  }
0x63: {  	[spmem:s12] =	stream.linear.scatter [tilespmem:s0], [sflag:$0x5], $0x2800, $0x38;
	[tilespmem:$0x1C880] =	vst v63  }
0x64: {  	_ =	swait.ge [sflag:s29], $0x2800  }
0x65: {  	[sflag:s29] =	ssyncset.done $0x0  }
0x66: {  	[sflag:s29] =	ssyncadd.s32 $0xFFFFD800  }
0x67: {  	[spmem:s11] =	stream.linear.scatter [tilespmem:s0], [sflag:$0x5], $0x2800, $0x38;
	[tilespmem:$0x1C880] =	vst v63  }
0x68: {  	_ =	swait.ge [sflag:s29], $0x2800  }
0x69: {  	[sflag:s29] =	ssyncset.done $0x0  }
0x6a: {  	[sflag:s29] =	ssyncadd.s32 $0xFFFFD800  }
0x6b: {  	[spmem:s13] =	stream.linear.scatter [tilespmem:s0], [sflag:$0x5], $0x2800, $0x38;
	[tilespmem:$0x1C880] =	vst v63  }
0x6c: {  	_ =	swait.ge [sflag:s29], $0x2800  }
0x6d: {  	[sflag:s29] =	ssyncset.done $0x0  }
0x6e: {  	[sflag:s29] =	ssyncadd.s32 $0xFFFFD800  }
0x6f: {  	[spmem:s24] =	stream.linear.scatter [tilespmem:s0], [sflag:$0x5], $0x2800, $0x38;
	[tilespmem:$0x1C880] =	vst v63  }
0x70: {  	_ =	swait.ge [sflag:s29], $0x2800  }
0x71: {  	[sflag:s29] =	ssyncset.done $0x0  }
0x72: {  	[sflag:s29] =	ssyncadd.s32 $0xFFFFD800  }
0x73: {  	[spmem:s25] =	stream.linear.scatter [tilespmem:s0], [sflag:$0x5], $0x2800, $0x38;
	[tilespmem:$0x1C880] =	vst v63  }
0x74: {  	_ =	swait.ge [sflag:s29], $0x2800  }
0x75: {  	[sflag:s29] =	ssyncset.done $0x0  }
0x76: {  	[sflag:s29] =	ssyncadd.s32 $0xFFFFD800  }
0x77: {  	[spmem:s26] =	stream.linear.scatter [tilespmem:s0], [sflag:$0x5], $0x2800, $0x38;
	[tilespmem:$0x1C880] =	vst v63  }
0x78: {  	_ =	swait.ge [sflag:s29], $0x2800  }
0x79: {  	[sflag:s29] =	ssyncset.done $0x0  }
0x7a: {  	s2 =	rddreg [dreg:$0x14];
	[sflag:s29] =	ssyncadd.s32 $0xFFFFD800  }
0x7b: {  	[spmem:s2] =	stream.linear.scatter [tilespmem:s0], [sflag:$0x5], $0x2800, $0x38;
	[tilespmem:$0x1C880] =	vst v63  }
0x7c: {  	_ =	swait.ge [sflag:s29], $0x2800  }
0x7d: {  	[sflag:s29] =	ssyncset.done $0x0  }
0x7e: {  	s9 =	simm.s32 @!p0 $0x0;
	s2 =	rddreg [dreg:$0x15];
	[sflag:s29] =	ssyncadd.s32 $0xFFFFD800  }
0x7f: {  	[spmem:s2] =	stream.linear.scatter @!p0 [tilespmem:s9], [sflag:$0x5], $0x2800, $0x38;
	[tilespmem:$0x1C880] =	vst v63  }
0x80: {  	s9 =	simm.s32 @!p0 $0x5  }
0x81: {  	_ =	swait.ge @!p0 [sflag:s9], $0x2800  }
0x82: {  	[sflag:s9] =	ssyncset.done @!p0 $0x0  }
0x83: {  	[sflag:s9] =	ssyncadd.s32 @!p0 $0xFFFFD800  }
0x84: {  	[bflag:$0x0] =	sbarrier.arrive $0xFFFF  }
0x85: {  	s8 =	simm.s32 $0x8000;
	s25 =	simm.s32 $0x0;
	s23 =	rddreg [dreg:$0x3]  }
0x86: {  	[tilespmem:s8], [sflag:$0x3] =	stream.linear.gather [hbm4b:s23+s25], $0x400, $0x38;
	[tilespmem:$0x1C880] =	vst v63  }
0x87: {  	s26 =	simm.s32 $0x3;
	s24 =	rddreg [dreg:$0x4]  }
0x88: {  	[tilespmem:s31], [sflag:$0x3] =	stream.linear.gather [hbm4b:s24+s25], $0x400, $0x38;
	[tilespmem:$0x1C880] =	vst v63  }
0x89: {  	_ =	swait.ge [sflag:s26], $0x400  }
0x8a: {  	[sflag:s26] =	ssyncset.done $0x0  }
.Ltmp3:
0x8b: {  	[sflag:s26] =	ssyncadd.s32 $0xFFFFFC00;
	(pc) =	sbr.rel .LBB2_4-.Ltmp3, $4  }
0x8c: {  	_ =	swait.ge [sflag:s26], $0x400  }
0x8d: {  	[sflag:s26] =	ssyncset.done $0x0  }
0x8e: {  	s9 =	rddreg [dreg:$0x17];
	[sflag:s26] =	ssyncadd.s32 $0xFFFFFC00  }
0x8f: {  	[tilespmem:s25], [sflag:$0x1] =	stream.indirect.gather [hbm4b:s16+s1], $0x80, s8, s1, $0xb8;
	[tilespmem:$0x1C880] =	vst v63  }
.LBB2_6:
0x90: {  	s25 =	sadd.s32 $0x2000, s25  }
0x91: {  	p1 =	sne.s32 s25, $0xA000  }
.Ltmp4:
0x92: {  	_ = 	snop;
	(pc) =	sbr.rel @!p1 .LBB2_7-.Ltmp4, $2  }
0x93: {  	_ =	sdelay $0x2  }
0x94: {  	s9 =	sadd.s32 $0x40, s9  }
.LBB2_4:
0x95: {  	s23 =	sadd.s32 $0xFFFFFFE0, s9  }
0x96: {  	p2 =	sgt.u32 s23, $0x138  }
0x97: {  	s23 =	sadd.s32 @!p2 s25, s5  }
0x98: {  	s24 =	simm.s32 @!p2 $0x8400;
	s26 =	sadd.s32 @!p2 $0x1000, s23;
	s23 =	simm.s32 @!p2 $0x0  }
0x99: {  	[tilespmem:s24], [sflag:$0x4] =	stream.linear.gather @!p2 [hbm4b:s26+s23], $0x400, $0x38;
	[tilespmem:$0x1C880] =	vst v63  }
0x9a: {  	s26 =	sadd.s32 @!p2 s25, s4  }
0x9b: {  	s2 =	simm.s32 @!p2 $0x8C00;
	s26 =	sadd.s32 @!p2 $0x1000, s26  }
0x9c: {  	[tilespmem:s2], [sflag:$0x4] =	stream.linear.gather @!p2 [hbm4b:s26+s23], $0x400, $0x38;
	[tilespmem:$0x1C880] =	vst v63  }
0x9d: {  	s8 =	simm.s32 $0x8080  }
0x9e: {  	[tilespmem:s3], [sflag:$0x2] =	stream.indirect.gather [hbm4b:s16+s1], $0x80, s8, s1, $0xb8;
	[tilespmem:$0x1C880] =	vst v63  }
0x9f: {  	_ =	swait.ge [sflag:s6], $0x4000  }
0xa0: {  	[sflag:s6] =	ssyncset.done $0x0  }
0xa1: {  	[sflag:s6] =	ssyncadd.s32 $0xFFFFC000  }
0xa2: {  	[spmem:s14] =	stream.indirect.scatter.add.f32 [tilespmem:s0], [sflag:$0x6], $0x80, s31, s1, $0xb8;
	[tilespmem:$0x1C880] =	vst v63  }
0xa3: {  	_ =	swait.ge [sflag:s7], $0x4000  }
0xa4: {  	[sflag:s7] =	ssyncset.done $0x0  }
0xa5: {  	s11 =	simm.s32 $0x8100;
	[sflag:s7] =	ssyncadd.s32 $0xFFFFC000  }
0xa6: {  	[tilespmem:s0], [sflag:$0x1] =	stream.indirect.gather [hbm4b:s16+s1], $0x80, s11, s1, $0xb8;
	[tilespmem:$0x1C880] =	vst v63  }
0xa7: {  	_ =	swait.ge [sflag:s10], $0x4000  }
0xa8: {  	[sflag:s10] =	ssyncset.done $0x0  }
0xa9: {  	s12 =	simm.s32 $0x8880;
	[sflag:s10] =	ssyncadd.s32 $0xFFFFC000  }
0xaa: {  	[spmem:s14] =	stream.indirect.scatter.add.f32 [tilespmem:s3], [sflag:$0x6], $0x80, s12, s1, $0xb8;
	[tilespmem:$0x1C880] =	vst v63  }
0xab: {  	_ =	swait.ge [sflag:s7], $0x4000  }
0xac: {  	[sflag:s7] =	ssyncset.done $0x0  }
0xad: {  	s13 =	simm.s32 $0x8180;
	[sflag:s7] =	ssyncadd.s32 $0xFFFFC000  }
0xae: {  	[tilespmem:s3], [sflag:$0x2] =	stream.indirect.gather [hbm4b:s16+s1], $0x80, s13, s1, $0xb8;
	[tilespmem:$0x1C880] =	vst v63  }
0xaf: {  	_ =	swait.ge [sflag:s6], $0x4000  }
0xb0: {  	[sflag:s6] =	ssyncset.done $0x0  }
0xb1: {  	s26 =	simm.s32 $0x8900;
	[sflag:s6] =	ssyncadd.s32 $0xFFFFC000  }
0xb2: {  	[spmem:s14] =	stream.indirect.scatter.add.f32 [tilespmem:s0], [sflag:$0x6], $0x80, s26, s1, $0xb8;
	[tilespmem:$0x1C880] =	vst v63  }
0xb3: {  	_ =	swait.ge [sflag:s7], $0x4000  }
0xb4: {  	[sflag:s7] =	ssyncset.done $0x0  }
0xb5: {  	[sflag:s7] =	ssyncadd.s32 $0xFFFFC000  }
0xb6: {  	[tilespmem:s0], [sflag:$0x1] =	stream.indirect.gather [hbm4b:s16+s1], $0x80, s15, s1, $0xb8;
	[tilespmem:$0x1C880] =	vst v63  }
0xb7: {  	_ =	swait.ge [sflag:s10], $0x4000  }
0xb8: {  	[sflag:s10] =	ssyncset.done $0x0  }
0xb9: {  	[sflag:s10] =	ssyncadd.s32 $0xFFFFC000  }
0xba: {  	[spmem:s14] =	stream.indirect.scatter.add.f32 [tilespmem:s3], [sflag:$0x6], $0x80, s17, s1, $0xb8;
	[tilespmem:$0x1C880] =	vst v63  }
0xbb: {  	_ =	swait.ge [sflag:s7], $0x4000  }
0xbc: {  	[sflag:s7] =	ssyncset.done $0x0  }
0xbd: {  	[sflag:s7] =	ssyncadd.s32 $0xFFFFC000  }
0xbe: {  	[tilespmem:s3], [sflag:$0x2] =	stream.indirect.gather [hbm4b:s16+s1], $0x80, s30, s1, $0xb8;
	[tilespmem:$0x1C880] =	vst v63  }
0xbf: {  	_ =	swait.ge [sflag:s6], $0x4000  }
0xc0: {  	[sflag:s6] =	ssyncset.done $0x0  }
0xc1: {  	[sflag:s6] =	ssyncadd.s32 $0xFFFFC000  }
0xc2: {  	[spmem:s14] =	stream.indirect.scatter.add.f32 [tilespmem:s0], [sflag:$0x6], $0x80, s28, s1, $0xb8;
	[tilespmem:$0x1C880] =	vst v63  }
0xc3: {  	_ =	swait.ge [sflag:s7], $0x4000  }
0xc4: {  	[sflag:s7] =	ssyncset.done $0x0  }
0xc5: {  	[sflag:s7] =	ssyncadd.s32 $0xFFFFC000  }
0xc6: {  	[tilespmem:s0], [sflag:$0x1] =	stream.indirect.gather [hbm4b:s16+s1], $0x80, s18, s1, $0xb8;
	[tilespmem:$0x1C880] =	vst v63  }
0xc7: {  	_ =	swait.ge [sflag:s10], $0x4000  }
0xc8: {  	[sflag:s10] =	ssyncset.done $0x0  }
0xc9: {  	[sflag:s10] =	ssyncadd.s32 $0xFFFFC000  }
0xca: {  	[spmem:s14] =	stream.indirect.scatter.add.f32 [tilespmem:s3], [sflag:$0x6], $0x80, s19, s1, $0xb8;
	[tilespmem:$0x1C880] =	vst v63  }
0xcb: {  	_ =	swait.ge [sflag:s7], $0x4000  }
0xcc: {  	[sflag:s7] =	ssyncset.done $0x0  }
0xcd: {  	[sflag:s7] =	ssyncadd.s32 $0xFFFFC000  }
0xce: {  	[tilespmem:s3], [sflag:$0x2] =	stream.indirect.gather [hbm4b:s16+s1], $0x80, s20, s1, $0xb8;
	[tilespmem:$0x1C880] =	vst v63  }
0xcf: {  	_ =	swait.ge [sflag:s6], $0x4000  }
0xd0: {  	[sflag:s6] =	ssyncset.done $0x0  }
0xd1: {  	[sflag:s6] =	ssyncadd.s32 $0xFFFFC000  }
0xd2: {  	[spmem:s14] =	stream.indirect.scatter.add.f32 [tilespmem:s0], [sflag:$0x6], $0x80, s21, s1, $0xb8;
	[tilespmem:$0x1C880] =	vst v63  }
0xd3: {  	_ =	swait.ge [sflag:s7], $0x4000  }
0xd4: {  	[sflag:s7] =	ssyncset.done $0x0  }
0xd5: {  	s2 =	simm.s32 @!p2 $0x4;
	[sflag:s7] =	ssyncadd.s32 $0xFFFFC000  }
0xd6: {  	_ =	swait.ge @!p2 [sflag:s2], $0x400  }
0xd7: {  	[sflag:s2] =	ssyncset.done @!p2 $0x0  }
0xd8: {  	[sflag:s2] =	ssyncadd.s32 @!p2 $0xFFFFFC00  }
0xd9: {  	_ =	swait.ge @!p2 [sflag:s2], $0x400  }
0xda: {  	[sflag:s2] =	ssyncset.done @!p2 $0x0  }
0xdb: {  	[sflag:s2] =	ssyncadd.s32 @!p2 $0xFFFFFC00;
	s2 =	simm.s32 @!p2 $0x80  }
0xdc: {  	[tilespmem:s23], [sflag:$0x1] =	stream.indirect.gather @!p2 [hbm4b:s16+s2], $0x80, s24, s2, $0xb8;
	[tilespmem:$0x1C880] =	vst v63  }
0xdd: {  	_ =	swait.ge [sflag:s10], $0x4000  }
0xde: {  	[sflag:s10] =	ssyncset.done $0x0  }
0xdf: {  	p1 =	sgt.u32 s9, $0x138;
	[sflag:s10] =	ssyncadd.s32 $0xFFFFC000  }
0xe0: {  	[spmem:s14] =	stream.indirect.scatter.add.f32 [tilespmem:s3], [sflag:$0x6], $0x80, s22, s1, $0xb8;
	[tilespmem:$0x1C880] =	vst v63  }
0xe1: {  	s2 =	sadd.s32 @!p1 s25, s5;
	_ =	swait.ge [sflag:s7], $0x4000  }
0xe2: {  	s23 =	simm.s32 @!p1 $0x0;
	s24 =	simm.s32 @!p1 $0x8000;
	[sflag:s7] =	ssyncset.done $0x0  }
.Ltmp5:
0xe3: {  	s2 =	sadd.s32 @!p1 $0x2000, s2;
	[sflag:s7] =	ssyncadd.s32 $0xFFFFC000;
	(pc) =	sbr.rel @p2 .LBB2_6-.Ltmp5, $4  }
0xe4: {  	[tilespmem:s24], [sflag:$0x3] =	stream.linear.gather @!p1 [hbm4b:s2+s23], $0x400, $0x38;
	[tilespmem:$0x1C880] =	vst v63  }
0xe5: {  	s2 =	sadd.s32 @!p1 s25, s4  }
0xe6: {  	s26 =	simm.s32 @!p1 $0x8800;
	s2 =	sadd.s32 @!p1 $0x2000, s2  }
0xe7: {  	[tilespmem:s26], [sflag:$0x3] =	stream.linear.gather @!p1 [hbm4b:s2+s23], $0x400, $0x38;
	[tilespmem:$0x1C880] =	vst v63  }
0xe8: {  	s2 =	simm.s32 $0x8480  }
0xe9: {  	[tilespmem:s3], [sflag:$0x2] =	stream.indirect.gather [hbm4b:s16+s1], $0x80, s2, s1, $0xb8;
	[tilespmem:$0x1C880] =	vst v63  }
0xea: {  	_ =	swait.ge [sflag:s6], $0x4000  }
0xeb: {  	[sflag:s6] =	ssyncset.done $0x0  }
0xec: {  	s26 =	simm.s32 $0x8C00;
	[sflag:s6] =	ssyncadd.s32 $0xFFFFC000  }
0xed: {  	[spmem:s14] =	stream.indirect.scatter.add.f32 [tilespmem:s0], [sflag:$0x6], $0x80, s26, s1, $0xb8;
	[tilespmem:$0x1C880] =	vst v63  }
0xee: {  	_ =	swait.ge [sflag:s7], $0x4000  }
0xef: {  	[sflag:s7] =	ssyncset.done $0x0  }
0xf0: {  	s8 =	simm.s32 $0x8500;
	[sflag:s7] =	ssyncadd.s32 $0xFFFFC000  }
0xf1: {  	[tilespmem:s0], [sflag:$0x1] =	stream.indirect.gather [hbm4b:s16+s1], $0x80, s8, s1, $0xb8;
	[tilespmem:$0x1C880] =	vst v63  }
0xf2: {  	_ =	swait.ge [sflag:s10], $0x4000  }
0xf3: {  	[sflag:s10] =	ssyncset.done $0x0  }
0xf4: {  	s11 =	simm.s32 $0x8C80;
	[sflag:s10] =	ssyncadd.s32 $0xFFFFC000  }
0xf5: {  	[spmem:s14] =	stream.indirect.scatter.add.f32 [tilespmem:s3], [sflag:$0x6], $0x80, s11, s1, $0xb8;
	[tilespmem:$0x1C880] =	vst v63  }
0xf6: {  	_ =	swait.ge [sflag:s7], $0x4000  }
0xf7: {  	[sflag:s7] =	ssyncset.done $0x0  }
0xf8: {  	s12 =	simm.s32 $0x8580;
	[sflag:s7] =	ssyncadd.s32 $0xFFFFC000  }
0xf9: {  	[tilespmem:s3], [sflag:$0x2] =	stream.indirect.gather [hbm4b:s16+s1], $0x80, s12, s1, $0xb8;
	[tilespmem:$0x1C880] =	vst v63  }
0xfa: {  	_ =	swait.ge [sflag:s6], $0x4000  }
0xfb: {  	[sflag:s6] =	ssyncset.done $0x0  }
0xfc: {  	s13 =	simm.s32 $0x8D00;
	s26 =	rddreg [dreg:$0x16];
	[sflag:s6] =	ssyncadd.s32 $0xFFFFC000  }
0xfd: {  	[spmem:s14] =	stream.indirect.scatter.add.f32 [tilespmem:s0], [sflag:$0x6], $0x80, s13, s1, $0xb8;
	[tilespmem:$0x1C880] =	vst v63  }
0xfe: {  	s2 =	sadd.s32 s25, s26;
	_ =	swait.ge [sflag:s7], $0x4000  }
0xff: {  	p2 =	seq.s32 s2, $0x0;
	[sflag:s7] =	ssyncset.done $0x0  }
0x100: {  	s2 =	simm.s32 @p2 $0x2;
	[sflag:s7] =	ssyncadd.s32 $0xFFFFC000  }
0x101: {  	_ =	swait.ge @p2 [sflag:s2], $0x4000  }
0x102: {  	s26 =	simm.s32 @p2 $0x8D80;
	[sflag:s2] =	ssyncset.done @p2 $0x0  }
0x103: {  	s8 =	simm.s32 @p2 $0x4000;
	[sflag:s2] =	ssyncadd.s32 @p2 $0xFFFFC000;
	s2 =	simm.s32 @p2 $0x80  }
0x104: {  	[spmem:s14] =	stream.indirect.scatter.add.f32 @p2 [tilespmem:s8], [sflag:$0x6], $0x80, s26, s2, $0xb8;
	[tilespmem:$0x1C880] =	vst v63  }
0x105: {  	s2 =	simm.s32 @!p2 $0x80;
	s8 =	simm.s32 @!p2 $0x8600;
	s26 =	simm.s32 @!p2 $0x0  }
0x106: {  	[tilespmem:s26], [sflag:$0x1] =	stream.indirect.gather @!p2 [hbm4b:s16+s2], $0x80, s8, s2, $0xb8;
	[tilespmem:$0x1C880] =	vst v63  }
0x107: {  	s8 =	simm.s32 @!p2 $0x2  }
0x108: {  	_ =	swait.ge @!p2 [sflag:s8], $0x4000  }
0x109: {  	[sflag:s8] =	ssyncset.done @!p2 $0x0  }
0x10a: {  	s11 =	simm.s32 @!p2 $0x8D80;
	s12 =	simm.s32 @!p2 $0x4000;
	[sflag:s8] =	ssyncadd.s32 @!p2 $0xFFFFC000  }
0x10b: {  	[spmem:s14] =	stream.indirect.scatter.add.f32 @!p2 [tilespmem:s12], [sflag:$0x6], $0x80, s11, s2, $0xb8;
	[tilespmem:$0x1C880] =	vst v63  }
0x10c: {  	s11 =	simm.s32 @!p2 $0x6  }
0x10d: {  	_ =	swait.ge @!p2 [sflag:s11], $0x4000  }
0x10e: {  	[sflag:s11] =	ssyncset.done @!p2 $0x0  }
0x10f: {  	s13 =	simm.s32 @!p2 $0x8680;
	[sflag:s11] =	ssyncadd.s32 @!p2 $0xFFFFC000  }
0x110: {  	[tilespmem:s12], [sflag:$0x2] =	stream.indirect.gather @!p2 [hbm4b:s16+s2], $0x80, s13, s2, $0xb8;
	[tilespmem:$0x1C880] =	vst v63  }
0x111: {  	s13 =	simm.s32 @!p2 $0x1  }
0x112: {  	_ =	swait.ge @!p2 [sflag:s13], $0x4000  }
0x113: {  	[sflag:s13] =	ssyncset.done @!p2 $0x0  }
0x114: {  	s31 =	simm.s32 @!p2 $0x8E00;
	[sflag:s13] =	ssyncadd.s32 @!p2 $0xFFFFC000  }
0x115: {  	[spmem:s14] =	stream.indirect.scatter.add.f32 @!p2 [tilespmem:s26], [sflag:$0x6], $0x80, s31, s2, $0xb8;
	[tilespmem:$0x1C880] =	vst v63  }
0x116: {  	_ =	swait.ge @!p2 [sflag:s11], $0x4000  }
0x117: {  	[sflag:s11] =	ssyncset.done @!p2 $0x0  }
0x118: {  	s31 =	simm.s32 @!p2 $0x8700;
	[sflag:s11] =	ssyncadd.s32 @!p2 $0xFFFFC000  }
0x119: {  	[tilespmem:s26], [sflag:$0x1] =	stream.indirect.gather @!p2 [hbm4b:s16+s2], $0x80, s31, s2, $0xb8;
	[tilespmem:$0x1C880] =	vst v63  }
0x11a: {  	_ =	swait.ge @!p2 [sflag:s8], $0x4000  }
0x11b: {  	[sflag:s8] =	ssyncset.done @!p2 $0x0  }
0x11c: {  	s31 =	simm.s32 @!p2 $0x8E80;
	[sflag:s8] =	ssyncadd.s32 @!p2 $0xFFFFC000  }
0x11d: {  	[spmem:s14] =	stream.indirect.scatter.add.f32 @!p2 [tilespmem:s12], [sflag:$0x6], $0x80, s31, s2, $0xb8;
	[tilespmem:$0x1C880] =	vst v63  }
0x11e: {  	_ =	swait.ge @!p2 [sflag:s11], $0x4000  }
0x11f: {  	[sflag:s11] =	ssyncset.done @!p2 $0x0  }
0x120: {  	[sflag:s11] =	ssyncadd.s32 @!p2 $0xFFFFC000;
	s11 =	simm.s32 @!p2 $0x8780  }
0x121: {  	[tilespmem:s12], [sflag:$0x2] =	stream.indirect.gather @!p2 [hbm4b:s16+s2], $0x80, s11, s2, $0xb8;
	[tilespmem:$0x1C880] =	vst v63  }
0x122: {  	_ =	swait.ge @!p2 [sflag:s13], $0x4000  }
0x123: {  	[sflag:s13] =	ssyncset.done @!p2 $0x0  }
0x124: {  	s11 =	simm.s32 @!p2 $0x8F00;
	[sflag:s13] =	ssyncadd.s32 @!p2 $0xFFFFC000  }
0x125: {  	[spmem:s14] =	stream.indirect.scatter.add.f32 @!p2 [tilespmem:s26], [sflag:$0x6], $0x80, s11, s2, $0xb8;
	[tilespmem:$0x1C880] =	vst v63  }
0x126: {  	_ =	swait.ge [sflag:s7], $0x4000  }
0x127: {  	[sflag:s7] =	ssyncset.done $0x0  }
0x128: {  	s11 =	simm.s32 @!p1 $0x3;
	[sflag:s7] =	ssyncadd.s32 $0xFFFFC000  }
0x129: {  	_ =	swait.ge @!p1 [sflag:s11], $0x400  }
0x12a: {  	[sflag:s11] =	ssyncset.done @!p1 $0x0  }
0x12b: {  	[sflag:s11] =	ssyncadd.s32 @!p1 $0xFFFFFC00  }
0x12c: {  	_ =	swait.ge @!p1 [sflag:s11], $0x400  }
0x12d: {  	[sflag:s11] =	ssyncset.done @!p1 $0x0  }
0x12e: {  	[sflag:s11] =	ssyncadd.s32 @!p1 $0xFFFFFC00;
	s11 =	simm.s32 @!p1 $0x80  }
0x12f: {  	[tilespmem:s23], [sflag:$0x1] =	stream.indirect.gather @!p1 [hbm4b:s16+s11], $0x80, s24, s11, $0xb8;
	[tilespmem:$0x1C880] =	vst v63  }
0x130: {  	_ =	swait.ge @!p2 [sflag:s8], $0x4000  }
0x131: {  	[sflag:s8] =	ssyncset.done @!p2 $0x0  }
0x132: {  	[sflag:s8] =	ssyncadd.s32 @!p2 $0xFFFFC000;
	s8 =	simm.s32 @!p2 $0x8F80  }
0x133: {  	[spmem:s14] =	stream.indirect.scatter.add.f32 @!p2 [tilespmem:s12], [sflag:$0x5], $0x80, s8, s2, $0xb8;
	[tilespmem:$0x1C880] =	vst v63  }
.Ltmp6:
0x134: {  	_ = 	snop;
	(pc) =	sbr.rel .LBB2_6-.Ltmp6, $4  }
0x135: {  	s2 =	simm.s32 @!p2 $0x5  }
0x136: {  	_ =	swait.ge @!p2 [sflag:s2], $0x4000  }
0x137: {  	[sflag:s2] =	ssyncset.done @!p2 $0x0  }
0x138: {  	s31 =	simm.s32 $0x8800;
	[sflag:s2] =	ssyncadd.s32 @!p2 $0xFFFFC000  }
.LBB2_8:
0x139: {  	_ =	sfence.sel $0x180000  }
0x13a: {  	[bflag:$0x0] =	sbarrier.arrive $0xFFFF  }
0x13b: {  	_ =	strace $0x9000004A  }
0x13c: {  	s0 =	stileid.u32;
	[bflag:$0x2] =	sbarrier.arrive $0xFFFF  }
0x13d: {  	p0 =	sne.s32 s0, $0x0;
	s0 =	rddreg [dreg:$0x2]  }
0x13e: {  	s0 =	sadd.s32 @!p0 $0x100000, s0  }
0x13f: {  	[sflag:s0] =	ssyncadd.tile.s32 @!p0 $0x1;
	_ =	shalt  }
.Lfunc_end2:
_tile_overlayer_lowered:
.L_overlay_start_2:
0x140: {  	(tag) =	ssettag $0x2  }
0x141: {  	s0 =	rddreg [dreg:$0x0];
	s2 =	stileid.u32  }
0x142: {  	s1 =	rddreg [dreg:$0x1];
	p0 =	sne.s32 s2, $0x0  }
0x143: {  	s3 =	rddreg [dreg:$0x2];
	[bflag:$0x3] =	sbarrier.arrive $0xFFFF;
	s2 =	simm.s32 @!p0 $0x1C05  }
0x144: {  	[timem:s3], [sflag:s2] =	dma.local @!p0 [hbm:s0], s1  }
0x145: {  	s0 =	simm.s32 @!p0 $0x5  }
0x146: {  	_ =	swait.ge @!p0 [sflag:s0], s1  }
0x147: {  	s1 =	ssub.s32 @!p0 $0x0, s1;
	[sflag:s0] =	ssyncset.done @!p0 $0x0  }
0x148: {  	[sflag:s0] =	ssyncadd.s32 @!p0 s1  }
0x149: {  	[bflag:$0x3] =	sbarrier.arrive $0xFFFF  }
0x14a: {  	_ =	shalt  }

// kernel: kernel.15.cloned.1.call-start
scs
__scs_entry_jumppad:
0x0: {  	(pc) =	sbr.rel $0x88, $3  }
0x1: {  	(tag) =	ssettag $0x0;
	lr =	simm.s32 $0x1  }
0x2: {  	[smem:$0x3F98] =	sst lr;
	_ =	strace $0xD0000000  }
0x3: {  	_ = 	snop  }
0x4: {  	_ = 	snop  }
0x5: {  	_ = 	snop  }
0x6: {  	_ = 	snop  }
0x7: {  	_ = 	snop  }
__scs_overlays_trampoline_lowered:
0x8: {  	[smem:$0x3FA7] =	sst s0  }
0x9: {  	[smem:$0x3FA8] =	sst s1  }
0xa: {  	[smem:$0x3FA9] =	sst s2  }
0xb: {  	[smem:$0x3FAA] =	sst s3  }
0xc: {  	[smem:$0x3FAB] =	sst s4  }
0xd: {  	[smem:$0x3FAC] =	sst s5  }
0xe: {  	[smem:$0x3FAD] =	sst s6  }
0xf: {  	[smem:$0x3FAE] =	sst s7  }
0x10: {  	[smem:$0x3FAF] =	sst s8  }
0x11: {  	[smem:$0x3FB0] =	sst s9;
	s0 =	simm.s32 @!p0 $0x0  }
0x12: {  	s1 =	sld [smem:$0x3F96];
	s0 =	simm.s32 @p0 $0x1  }
0x13: {  	[smem:$0x3FB1] =	sst s0;
	s0 =	simm.s32 @!p1 $0x0  }
0x14: {  	s2 =	sld [smem:$0x3F95];
	s0 =	simm.s32 @p1 $0x1  }
0x15: {  	[smem:$0x3FB2] =	sst s0;
	s0 =	simm.s32 @!p2 $0x0  }
0x16: {  	s3 =	sld [smem:$0x3FDB];
	s0 =	simm.s32 @p2 $0x1  }
0x17: {  	s4 =	simm.s32 $0x1BF5;
	[smem:$0x3FB4] =	sst s0  }
0x18: {  	s0 =	sld [smem:$0x3F97];
	_ =	swait.ge [sflag:s4], $0x0  }
0x19: {  	s7 =	sld [smem:$0x3F98]  }
0x1a: {  	s8 =	sadd.s32 $0xFFFFE003, lr  }
0x1b: {  	s9 =	sadd.s32 $0xFFFFFEF7, lr;
	s5 =	simm.s32 $0xFFFFFFFF;
	p2 =	slt.u32 s8, $0xFFFFF086  }
0x1c: {  	p1 =	slt.u32 s9, $0xF7A;
	s5 =	simm.s32 @!p2 $0x0  }
0x1d: {  	s5 =	simm.s32 @p1 $0x1;
	p0 =	seq.s32 s7, s2  }
0x1e: {  	s7 =	smul.u32 @!p0 $0xF7A, s2;
	p2 =	seq.s32 @!p0 s5, $0x0  }
0x1f: {  	s9 =	smul.u32 $0xF7A, s1;
	s8 =	simm.s32 @!p0 $0x1BF5;
	p2 =	por !p2, p0  }
0x20: {  	[sflag:s8] =	ssyncset.s32 @!p0 $0xFFFFF086;
	s6 =	sadd.s32 @!p0 s3, s7;
	s7 =	simm.s32 @!p0 $0x108  }
0x21: {  	s3 =	sadd.s32 s3, s9;
	s6 =	sadd.s32 @!p0 $0x88, s6;
	s7 =	simm.s32 @p2 $0x1082  }
0x22: {  	[simem:s7], [sflag:s8] =	dma.local @!p0 [hbm:s6], $0xF7A  }
0x23: {  	s9 =	sor.u32 $0xD0000000, s2;
	s6 =	simm.s32 $0x108;
	_ =	swait.ge @!p0 [sflag:s8], $0x0  }
0x24: {  	s3 =	sadd.s32 $0x88, s3;
	s6 =	simm.s32 @!p1 $0x1082;
	[sflag:s4] =	ssyncset.s32 $0xFFFFF086  }
0x25: {  	[simem:s6], [sflag:s4] =	dma.local [hbm:s3], $0xF7A  }
0x26: {  	[smem:$0x3F98] =	sst s1;
	(tag) =	ssettag s2;
	_ =	strace s9  }
0x27: {  	s1 =	sld [smem:$0x3FA8]  }
0x28: {  	s2 =	sld [smem:$0x3FA9]  }
0x29: {  	s4 =	sld [smem:$0x3FAB]  }
0x2a: {  	p0 =	seq.s32 s5, $0x0;
	s5 =	sld [smem:$0x3FAC]  }
0x2b: {  	s6 =	sld [smem:$0x3FAD]  }
0x2c: {  	s7 =	sld [smem:$0x3FAE]  }
0x2d: {  	s3 =	simm.s32 $0x108;
	s8 =	sld [smem:$0x3FAF]  }
0x2e: {  	s3 =	simm.s32 @!p0 $0x1082;
	s9 =	sld [smem:$0x3FB0]  }
0x2f: {  	lr =	sadd.s32 s0, s3;
	s0 =	sld [smem:$0x3FA7]  }
0x30: {  	s3 =	sld [smem:$0x3FAA]  }
0x31: {  	[smem:$0x3FB3] =	sst s10  }
0x32: {  	s10 =	sld [smem:$0x3FB1];
	_ =	sdelay $0x3  }
0x33: {  	p0 =	seq.s32 s10, $0x1;
	s10 =	sld [smem:$0x3FB3];
	_ =	sdelay $0x3  }
0x34: {  	[smem:$0x3FB3] =	sst s10  }
0x35: {  	s10 =	sld [smem:$0x3FB2];
	_ =	sdelay $0x3  }
0x36: {  	p1 =	seq.s32 s10, $0x1;
	s10 =	sld [smem:$0x3FB3];
	_ =	sdelay $0x3  }
0x37: {  	[smem:$0x3FB3] =	sst s10  }
0x38: {  	s10 =	sld [smem:$0x3FB4]  }
0x39: {  	_ = 	snop;
	(pc) =	sbr.ind lr, $3  }
0x3a: {  	_ = 	snop  }
0x3b: {  	_ = 	snop  }
0x3c: {  	p2 =	seq.s32 s10, $0x1;
	s10 =	sld [smem:$0x3FB3]  }
0x3d: {  	_ =	shalt  }
0x3e: {  	_ =	shalt  }
0x3f: {  	_ =	shalt  }
0x40: {  	_ =	shalt  }
0x41: {  	_ =	shalt  }
0x42: {  	_ =	shalt  }
0x43: {  	_ =	shalt  }
0x44: {  	_ =	shalt  }
0x45: {  	_ =	shalt  }
0x46: {  	_ =	shalt  }
0x47: {  	_ =	shalt  }
0x48: {  	_ =	shalt  }
0x49: {  	_ =	shalt  }
0x4a: {  	_ =	shalt  }
0x4b: {  	_ =	shalt  }
0x4c: {  	_ =	shalt  }
0x4d: {  	_ =	shalt  }
0x4e: {  	_ =	shalt  }
0x4f: {  	_ =	shalt  }
0x50: {  	_ =	shalt  }
0x51: {  	_ =	shalt  }
0x52: {  	_ =	shalt  }
0x53: {  	_ =	shalt  }
0x54: {  	_ =	shalt  }
0x55: {  	_ =	shalt  }
0x56: {  	_ =	shalt  }
0x57: {  	_ =	shalt  }
0x58: {  	_ =	shalt  }
0x59: {  	_ =	shalt  }
0x5a: {  	_ =	shalt  }
0x5b: {  	_ =	shalt  }
0x5c: {  	_ =	shalt  }
0x5d: {  	_ =	shalt  }
0x5e: {  	_ =	shalt  }
0x5f: {  	_ =	shalt  }
0x60: {  	_ =	shalt  }
0x61: {  	_ =	shalt  }
0x62: {  	_ =	shalt  }
0x63: {  	_ =	shalt  }
0x64: {  	_ =	shalt  }
0x65: {  	_ =	shalt  }
0x66: {  	_ =	shalt  }
0x67: {  	_ =	shalt  }
0x68: {  	_ =	shalt  }
0x69: {  	_ =	shalt  }
0x6a: {  	_ =	shalt  }
0x6b: {  	_ =	shalt  }
0x6c: {  	_ =	shalt  }
0x6d: {  	_ =	shalt  }
0x6e: {  	_ =	shalt  }
0x6f: {  	_ =	shalt  }
0x70: {  	_ =	shalt  }
0x71: {  	_ =	shalt  }
0x72: {  	_ =	shalt  }
0x73: {  	_ =	shalt  }
0x74: {  	_ =	shalt  }
0x75: {  	_ =	shalt  }
0x76: {  	_ =	shalt  }
0x77: {  	_ =	shalt  }
0x78: {  	_ =	shalt  }
0x79: {  	_ =	shalt  }
0x7a: {  	_ =	shalt  }
0x7b: {  	_ =	shalt  }
0x7c: {  	_ =	shalt  }
0x7d: {  	_ =	shalt  }
0x7e: {  	_ =	shalt  }
0x7f: {  	_ =	shalt  }
0x80: {  	_ =	shalt  }
0x81: {  	_ =	shalt  }
0x82: {  	_ =	shalt  }
0x83: {  	_ =	shalt  }
0x84: {  	_ =	shalt  }
0x85: {  	_ =	shalt  }
0x86: {  	_ =	shalt  }
0x87: {  	_ =	shalt  }
.Lfunc_end0:
.L_simem_size_0:
called_computation.2_lowered:
.L_overlay_start_0:
0x88: {  	s2 =	sld [smem:$0x3FD9]  }
0x89: {  	s3 =	sld [smem:$0x3FFE];
	_ =	sdelay $0x1  }
0x8a: {  	s1 =	srdreg.scid  }
0x8b: {  	s0 =	sand.u32 $0x1, s1  }
0x8c: {  	s16 =	sshll.u32 s0, $0xA;
	s2 =	sadd.s32 s3, s2  }
0x8d: {  	s2 =	sadd.s32 s2, s16  }
0x8e: {  	[smem:$0x3FBF] =	sst s2  }
0x8f: {  	_ = 	snop  }
0x90: {  	(tm) =	ssettm $0x1  }
0x91: {  	s17 =	sld [smem:$0x3FFB];
	_ =	sdelay $0x3  }
0x92: {  	_ =	strace s17  }
0x93: {  	s2 =	sld [smem:$0x3FFC];
	_ =	sdelay $0x3  }
0x94: {  	_ =	strace s2  }
0x95: {  	s2 =	sld [smem:$0x3FFD];
	_ =	sdelay $0x3  }
0x96: {  	_ =	strace s2  }
0x97: {  	_ =	strace $0x8FFFFFFF  }
0x98: {  	s18 =	sld [smem:$0x3FDB];
	_ =	sdelay $0x1  }
0x99: {  	s19 =	simm.s32 $_scs_section_size  }
0x9a: {  	s4 =	simm.s32 $_size__tile_overlayer_lowered;
	s5 =	simm.s32 $_tile_overlayer_lowered  }
0x9b: {  	s22 =	simm.s32 $0x1BFF;
	s21 =	sshll.u32 s5, $0x1;
	s2 =	sadd.s32 s19, s18  }
0x9c: {  	s6 =	simm.s32 $0x0;
	s20 =	sshll.u32 s4, $0x1;
	s4 =	sadd.s32 s21, s2  }
0x9d: {  	[timem:s6], [sflag:s22] =	dma.local [hbm:s4], s20  }
0x9e: {  	_ =	swait.ge [sflag:s22], s20  }
0x9f: {  	s3 =	ssub.s32 $0x0, s20;
	[sflag:s22] =	ssyncset.done $0x0  }
0xa0: {  	[sflag:s22] =	ssyncadd.s32 s3;
	_ =	sdelay $0x1  }
0xa1: {  	s23 =	simm.s32 $0x1B8B  }
0xa2: {  	_ =	swait.ge [sflag:s23], $0x1  }
0xa3: {  	[sflag:s23] =	ssyncset.done $0x0  }
0xa4: {  	s25 =	simm.s32 $0x1B8E;
	s24 =	sld [smem:$0x3FFE];
	[sflag:s23] =	ssyncadd.s32 $0xFFFFFFFF  }
0xa5: {  	s26 =	simm.s32 $execute0_lowered;
	[smem:$0x3FD2] =	sst s25  }
0xa6: {  	s4 =	sshll.u32 s26, $0x1;
	_ =	strace $0x8000004C;
	[dreg:$0x1] =	wrdreg $0xFFFFFFFF  }
0xa7: {  	s28 =	simm.s32 $_size_execute0_lowered;
	s2 =	sadd.s32 s2, s4;
	[dreg:$0x0] =	wrdreg $0x0  }
0xa8: {  	s4 =	sshll.u32 s28, $0x1;
	[dreg:$0x2] =	wrdreg s2  }
0xa9: {  	[dreg:$0x3] =	wrdreg s4  }
0xaa: {  	[dreg:$0x4] =	wrdreg $0xC0  }
0xab: {  	_ =	task [dreg:s6], $0x5FFFF  }
0xac: {  	[dreg:$0x1] =	wrdreg $0xFFFFFFFF  }
0xad: {  	[dreg:$0x0] =	wrdreg $0x60  }
0xae: {  	[dreg:$0x2] =	wrdreg s24  }
0xaf: {  	[dreg:$0x3] =	wrdreg $0x90000  }
0xb0: {  	[dreg:$0x4] =	wrdreg $0x9  }
0xb1: {  	_ =	task.clear_ibuf [dreg:s6], $0x5FFFF;
	_ =	strace $0x9000004C  }
0xb2: {  	s29 =	simm.s32 $0x9;
	_ =	strace $0x8000004E  }
0xb3: {  	_ =	swait.ge [sflag:s29], $0x1  }
0xb4: {  	[sflag:s29] =	ssyncadd.s32 $0xFFFFFFFF  }
0xb5: {  	_ =	strace $0x9000004E  }
0xb6: {  	_ =	sfence  }
0xb7: {  	s30 =	sld [smem:$0x0];
	_ =	sdelay $0x2  }
0xb8: {  	s31 =	sshll.u32 s1, $0xD;
	s1 =	sshrl.u32 s1, $0x2  }
0xb9: {  	s3 =	sand.u32 $0x4000, s31;
	s1 =	sadd.s32 s1, s30  }
0xba: {  	s0 =	sor.u32 s3, s0;
	s1 =	sshll.u32 s1, $0x11  }
0xbb: {  	s0 =	sor.u32 s1, s0  }
0xbc: {  	s0 =	sadd.s32 $0x8F2B, s0  }
0xbd: {  	[sflag:s0] =	ssyncadd.remote.s32 $0x1  }
0xbe: {  	_ =	sfence.sel $0xFFFF  }
0xbf: {  	[dreg:$0x0] =	wrdreg $0xFFFFFFFF;
	(pc) =	sbr.abs _section_cstart, $3  }
0xc0: {  	[dreg:$0x1] =	wrdreg $0xFFFFFFFF  }
0xc1: {  	_ =	task.clear_ibuf [dreg:s6], $0x2FFFF;
	_ =	strace $0x9FFFFFFF  }
0xc2: {  	(tm) =	ssettm $0x7FFFFFFF  }
0xc3: {  	_ =	shalt  }
tec
execute0_lowered:
.L_overlay_start_1:
0x0: {  	(tag) =	ssettag $0x1  }
0x1: {  	s1 =	srdreg.scid;
	s2 =	rddreg [dreg:$0x0]  }
0x2: {  	s0 =	simm.s32 $0x0;
	s24 =	stileid.u32;
	s29 =	simm.s32 $0x5  }
0x3: {  	s31 =	simm.s32 $0x8800;
	s30 =	simm.s32 $0x8280;
	s3 =	sand.u32 $0x1, s1  }
0x4: {  	s28 =	simm.s32 $0x8A00;
	s7 =	sor.u32 $0x10, s24;
	s1 =	smul.u32 $0x27100, s3  }
0x5: {  	[smem:$0x7FF] =	sst s0;
	s4 =	sadd.s32 $0x5A200, s2;
	s10 =	smul.u32 $0xA000, s7  }
0x6: {  	s5 =	sadd.s32 $0x50400, s2;
	s12 =	sor.u32 $0x20, s24;
	s7 =	smul.u32 $0x500, s7  }
0x7: {  	s25 =	sor.u32 $0x30, s24;
	s26 =	sor.u32 $0x40, s24;
	s14 =	smul.u32 $0x500, s12  }
0x8: {  	s17 =	sor.u32 $0x50, s24;
	s18 =	sor.u32 $0x60, s24;
	s15 =	smul.u32 $0x500, s25  }
0x9: {  	s19 =	sor.u32 $0x70, s24;
	s22 =	sshll.u32 s24, $0x7;
	s16 =	smul.u32 $0x500, s26  }
0xa: {  	s23 =	ssub.s32 $0x2, s3;
	s9 =	sshll.u32 s3, $0x4;
	s20 =	smul.u32 $0x500, s17  }
0xb: {  	s21 =	smul.u32 $0x500, s18;
	s3 =	sshll.u32 s3, $0xB;
	p0 =	sgt.u32 s19, $0x7C  }
0xc: {  	s26 =	smul.u32 $0xA000, s26;
	s8 =	sshrl.u32 s23, $0x1;
	s6 =	sadd.s32 s1, s2  }
0xd: {  	s8 =	ssub.s32 s23, s8;
	s1 =	sor.u32 s24, s9;
	s9 =	smul.u32 $0x500, s24  }
0xe: {  	s23 =	sadd.s32 s3, s4;
	s11 =	sshll.u32 s1, $0x7;
	s6 =	sadd.s32 $0x64000, s6  }
0xf: {  	s1 =	sor.u32 $0x40, s1;
	s13 =	sadd.s32 s4, s11;
	s11 =	sadd.s32 s5, s11  }
0x10: {  	s5 =	sadd.s32 s3, s5;
	s3 =	sor.u32 s3, s22;
	[dreg:$0x3] =	wrdreg s13  }
0x11: {  	s9 =	sadd.s32 s9, s6;
	s7 =	sadd.s32 s7, s6;
	[dreg:$0x4] =	wrdreg s11  }
0x12: {  	s4 =	sadd.s32 s22, s5;
	s5 =	sadd.s32 s22, s23;
	[dreg:$0x5] =	wrdreg s9  }
0x13: {  	s22 =	smul.u32 $0x500, s19;
	[dreg:$0x6] =	wrdreg s7;
	s9 =	sadd.s32 s14, s6  }
0x14: {  	s14 =	sadd.s32 s15, s6;
	s15 =	sadd.s32 s16, s6;
	[dreg:$0x7] =	wrdreg s9  }
0x15: {  	s16 =	sadd.s32 s20, s6;
	s20 =	sadd.s32 s21, s6;
	[dreg:$0x8] =	wrdreg s14  }
0x16: {  	s21 =	smul.u32 $0xA000, s24;
	s23 =	smax.u32 s8, $0x1;
	[dreg:$0x9] =	wrdreg s15  }
0x17: {  	s24 =	smul.u32 $0xA000, s25;
	s25 =	sshrl.u32 s10, $0x2;
	[dreg:$0xa] =	wrdreg s16  }
0x18: {  	s7 =	simm.s32 $0x6;
	[dreg:$0xb] =	wrdreg s20;
	s9 =	smul.u32 $0xA000, s17  }
0x19: {  	s14 =	rddreg [dreg:$0x1];
	s16 =	sadd.s32 $0x2200, s2;
	s15 =	smul.u32 $0xA000, s18  }
0x1a: {  	s17 =	sshrl.u32 s26, $0x2;
	s18 =	smul.u32 $0xA000, s19;
	s6 =	sadd.s32 @!p0 s22, s6  }
0x1b: {  	s22 =	smul.u32 $0xA000, s12;
	s11 =	sadd.s32 s25, s14;
	s10 =	sshrl.u32 s24, $0x2  }
0x1c: {  	s25 =	sadd.s32 s17, s14;
	s17 =	simm.s32 $0x8980;
	[dreg:$0xc] =	wrdreg s6  }
0x1d: {  	s6 =	sshrl.u32 s21, $0x2;
	s24 =	sadd.s32 s10, s14;
	s19 =	sshrl.u32 s9, $0x2  }
0x1e: {  	s20 =	sshrl.u32 s15, $0x2;
	_ =	strace $0x8000004D;
	[dreg:$0xd] =	wrdreg s23  }
0x1f: {  	s10 =	simm.s32 $0x2;
	s15 =	simm.s32 $0x8200;
	[dreg:$0x17] =	wrdreg s1  }
0x20: {  	s9 =	simm.s32 $0x0;
	s12 =	sadd.s32 s6, s14;
	[dreg:$0xf] =	wrdreg s11  }
0x21: {  	s2 =	sshrl.u32 s22, $0x2;
	s26 =	sadd.s32 s19, s14;
	[dreg:$0x11] =	wrdreg s24  }
0x22: {  	s21 =	sadd.s32 s20, s14;
	s22 =	sshrl.u32 s18, $0x2;
	[dreg:$0x12] =	wrdreg s25  }
0x23: {  	s23 =	sadd.s32 $0xFFFF7400, s3;
	s1 =	simm.s32 $0x80;
	[dreg:$0x14] =	wrdreg s21  }
.Ltmp0:
0x24: {  	s3 =	simm.s32 $0x4000;
	[dreg:$0x16] =	wrdreg s23;
	(pc) =	sbr.rel .LBB2_1-.Ltmp0, $4  }
0x25: {  	s6 =	simm.s32 $0x1;
	s18 =	simm.s32 $0x8300;
	[dreg:$0xe] =	wrdreg s12  }
0x26: {  	s13 =	sadd.s32 s2, s14;
	s2 =	sadd.s32 s22, s14;
	[dreg:$0x13] =	wrdreg s26  }
0x27: {  	s19 =	simm.s32 $0x8A80;
	s20 =	simm.s32 $0x8380;
	[dreg:$0x15] =	wrdreg s2  }
0x28: {  	v0 =	vimm.f32 $0.0e+00;
	s21 =	simm.s32 $0x8B00;
	s22 =	simm.s32 $0x8B80;
	[dreg:$0x10] =	wrdreg s13  }
.LBB2_7:
0x29: {  	s2 =	stileid.u32;
	[bflag:$0x0] =	sbarrier.arrive $0xFFFF  }
0x2a: {  	s2 =	sshll.u32 s2, $0x6;
	s12 =	rddreg [dreg:$0xe]  }
0x2b: {  	s9 =	rddreg [dreg:$0x5];
	s2 =	sor.u32 $0x1C05, s2;
	s8 =	sshrl.u32 s12, $0x3  }
0x2c: {  	[hbm:s9], [sflag:s2] =	dma.local [spmem:s8], $0x500  }
0x2d: {  	_ =	swait.ge [sflag:s29], $0x500  }
0x2e: {  	[sflag:s29] =	ssyncset.done $0x0;
	s11 =	rddreg [dreg:$0xf]  }
0x2f: {  	s13 =	rddreg [dreg:$0x6];
	[sflag:s29] =	ssyncadd.s32 $0xFFFFFB00;
	s9 =	sshrl.u32 s11, $0x3  }
0x30: {  	[hbm:s13], [sflag:s2] =	dma.local [spmem:s9], $0x500  }
0x31: {  	_ =	swait.ge [sflag:s29], $0x500  }
0x32: {  	[sflag:s29] =	ssyncset.done $0x0;
	s13 =	rddreg [dreg:$0x10]  }
0x33: {  	s24 =	rddreg [dreg:$0x7];
	[sflag:s29] =	ssyncadd.s32 $0xFFFFFB00;
	s23 =	sshrl.u32 s13, $0x3  }
0x34: {  	[hbm:s24], [sflag:s2] =	dma.local [spmem:s23], $0x500  }
0x35: {  	_ =	swait.ge [sflag:s29], $0x500  }
0x36: {  	[sflag:s29] =	ssyncset.done $0x0;
	s24 =	rddreg [dreg:$0x11]  }
0x37: {  	s26 =	rddreg [dreg:$0x8];
	[sflag:s29] =	ssyncadd.s32 $0xFFFFFB00;
	s25 =	sshrl.u32 s24, $0x3  }
0x38: {  	[hbm:s26], [sflag:s2] =	dma.local [spmem:s25], $0x500  }
0x39: {  	_ =	swait.ge [sflag:s29], $0x500  }
0x3a: {  	[sflag:s29] =	ssyncset.done $0x0;
	s25 =	rddreg [dreg:$0x12]  }
0x3b: {  	s26 =	rddreg [dreg:$0x9];
	[sflag:s29] =	ssyncadd.s32 $0xFFFFFB00;
	s23 =	sshrl.u32 s25, $0x3  }
0x3c: {  	[hbm:s26], [sflag:s2] =	dma.local [spmem:s23], $0x500  }
0x3d: {  	_ =	swait.ge [sflag:s29], $0x500  }
0x3e: {  	[sflag:s29] =	ssyncset.done $0x0;
	s26 =	rddreg [dreg:$0x13]  }
0x3f: {  	s23 =	rddreg [dreg:$0xa];
	[sflag:s29] =	ssyncadd.s32 $0xFFFFFB00;
	s9 =	sshrl.u32 s26, $0x3  }
0x40: {  	[hbm:s23], [sflag:s2] =	dma.local [spmem:s9], $0x500  }
0x41: {  	_ =	swait.ge [sflag:s29], $0x500  }
0x42: {  	[sflag:s29] =	ssyncset.done $0x0;
	s9 =	rddreg [dreg:$0x14]  }
0x43: {  	s23 =	rddreg [dreg:$0xb];
	[sflag:s29] =	ssyncadd.s32 $0xFFFFFB00;
	s8 =	sshrl.u32 s9, $0x3  }
0x44: {  	[hbm:s23], [sflag:s2] =	dma.local [spmem:s8], $0x500  }
0x45: {  	_ =	swait.ge [sflag:s29], $0x500  }
0x46: {  	[sflag:s29] =	ssyncset.done $0x0;
	s8 =	rddreg [dreg:$0x15]  }
0x47: {  	s9 =	rddreg [dreg:$0xc];
	[sflag:s29] =	ssyncadd.s32 $0xFFFFFB00;
	s8 =	sshrl.u32 @!p0 s8, $0x3  }
0x48: {  	[hbm:s9], [sflag:s2] =	dma.local @!p0 [spmem:s8], $0x500  }
0x49: {  	s2 =	simm.s32 @!p0 $0x5  }
0x4a: {  	_ =	swait.ge @!p0 [sflag:s2], $0x500  }
0x4b: {  	s8 =	rddreg [dreg:$0x18]  }
0x4c: {  	s23 =	rddreg [dreg:$0xd];
	s9 =	sadd.s32 $0x1, s8  }
0x4d: {  	p1 =	sne.s32 s9, s23  }
.Ltmp1:
0x4e: {  	_ = 	snop;
	(pc) =	sbr.rel @!p1 .LBB2_8-.Ltmp1, $3  }
0x4f: {  	_ =	sdelay $0x1  }
0x50: {  	[sflag:s2] =	ssyncset.done @!p0 $0x0  }
0x51: {  	[sflag:s2] =	ssyncadd.s32 @!p0 $0xFFFFFB00  }
.LBB2_1:
0x52: {  	[dreg:$0x18] =	wrdreg s9;
	s9 =	simm.s32 $0x0;
	s23 =	simm.s32 $0x200  }
.LBB2_2:
0x53: {  	p1 =	sne.s32 s23, $0xFE00;
	[tilespmem:s9+$0x70] =	vst v0  }
0x54: {  	[tilespmem:s9+$0x0] =	vst v0  }
0x55: {  	[tilespmem:s9+$0x10] =	vst v0  }
.Ltmp2:
0x56: {  	[tilespmem:s9+$0x20] =	vst v0;
	(pc) =	sbr.rel @p1 .LBB2_2-.Ltmp2, $4  }
0x57: {  	[tilespmem:s9+$0x30] =	vst v0  }
0x58: {  	[tilespmem:s9+$0x40] =	vst v0  }
0x59: {  	[tilespmem:s9+$0x50] =	vst v0  }
0x5a: {  	[tilespmem:s9+$0x60] =	vst v0;
	s9 =	sshra.s32 s23, $0x2;
	s23 =	sadd.s32 $0x200, s23  }
0x5b: {  	[tilespmem:s9+$0x70] =	vst v0  }
0x5c: {  	[tilespmem:s9+$0x0] =	vst v0  }
0x5d: {  	[tilespmem:s9+$0x10] =	vst v0  }
0x5e: {  	[tilespmem:s9+$0x20] =	vst v0  }
0x5f: {  	[tilespmem:s9+$0x30] =	vst v0  }
0x60: {  	[tilespmem:s9+$0x40] =	vst v0  }
0x61: {  	[tilespmem:s9+$0x50] =	vst v0  }
0x62: {  	[tilespmem:s9+$0x60] =	vst v0  }
0x63: {  	[spmem:s12] =	stream.linear.scatter [tilespmem:s0], [sflag:$0x5], $0x2800, $0x38;
	[tilespmem:$0x1C880] =	vst v63  }
0x64: {  	_ =	swait.ge [sflag:s29], $0x2800  }
0x65: {  	[sflag:s29] =	ssyncset.done $0x0  }
0x66: {  	[sflag:s29] =	ssyncadd.s32 $0xFFFFD800  }
0x67: {  	[spmem:s11] =	stream.linear.scatter [tilespmem:s0], [sflag:$0x5], $0x2800, $0x38;
	[tilespmem:$0x1C880] =	vst v63  }
0x68: {  	_ =	swait.ge [sflag:s29], $0x2800  }
0x69: {  	[sflag:s29] =	ssyncset.done $0x0  }
0x6a: {  	[sflag:s29] =	ssyncadd.s32 $0xFFFFD800  }
0x6b: {  	[spmem:s13] =	stream.linear.scatter [tilespmem:s0], [sflag:$0x5], $0x2800, $0x38;
	[tilespmem:$0x1C880] =	vst v63  }
0x6c: {  	_ =	swait.ge [sflag:s29], $0x2800  }
0x6d: {  	[sflag:s29] =	ssyncset.done $0x0  }
0x6e: {  	[sflag:s29] =	ssyncadd.s32 $0xFFFFD800  }
0x6f: {  	[spmem:s24] =	stream.linear.scatter [tilespmem:s0], [sflag:$0x5], $0x2800, $0x38;
	[tilespmem:$0x1C880] =	vst v63  }
0x70: {  	_ =	swait.ge [sflag:s29], $0x2800  }
0x71: {  	[sflag:s29] =	ssyncset.done $0x0  }
0x72: {  	[sflag:s29] =	ssyncadd.s32 $0xFFFFD800  }
0x73: {  	[spmem:s25] =	stream.linear.scatter [tilespmem:s0], [sflag:$0x5], $0x2800, $0x38;
	[tilespmem:$0x1C880] =	vst v63  }
0x74: {  	_ =	swait.ge [sflag:s29], $0x2800  }
0x75: {  	[sflag:s29] =	ssyncset.done $0x0  }
0x76: {  	[sflag:s29] =	ssyncadd.s32 $0xFFFFD800  }
0x77: {  	[spmem:s26] =	stream.linear.scatter [tilespmem:s0], [sflag:$0x5], $0x2800, $0x38;
	[tilespmem:$0x1C880] =	vst v63  }
0x78: {  	_ =	swait.ge [sflag:s29], $0x2800  }
0x79: {  	[sflag:s29] =	ssyncset.done $0x0  }
0x7a: {  	s2 =	rddreg [dreg:$0x14];
	[sflag:s29] =	ssyncadd.s32 $0xFFFFD800  }
0x7b: {  	[spmem:s2] =	stream.linear.scatter [tilespmem:s0], [sflag:$0x5], $0x2800, $0x38;
	[tilespmem:$0x1C880] =	vst v63  }
0x7c: {  	_ =	swait.ge [sflag:s29], $0x2800  }
0x7d: {  	[sflag:s29] =	ssyncset.done $0x0  }
0x7e: {  	s9 =	simm.s32 @!p0 $0x0;
	s2 =	rddreg [dreg:$0x15];
	[sflag:s29] =	ssyncadd.s32 $0xFFFFD800  }
0x7f: {  	[spmem:s2] =	stream.linear.scatter @!p0 [tilespmem:s9], [sflag:$0x5], $0x2800, $0x38;
	[tilespmem:$0x1C880] =	vst v63  }
0x80: {  	s9 =	simm.s32 @!p0 $0x5  }
0x81: {  	_ =	swait.ge @!p0 [sflag:s9], $0x2800  }
0x82: {  	[sflag:s9] =	ssyncset.done @!p0 $0x0  }
0x83: {  	[sflag:s9] =	ssyncadd.s32 @!p0 $0xFFFFD800  }
0x84: {  	[bflag:$0x0] =	sbarrier.arrive $0xFFFF  }
0x85: {  	s8 =	simm.s32 $0x8000;
	s25 =	simm.s32 $0x0;
	s23 =	rddreg [dreg:$0x3]  }
0x86: {  	[tilespmem:s8], [sflag:$0x3] =	stream.linear.gather [hbm4b:s23+s25], $0x400, $0x38;
	[tilespmem:$0x1C880] =	vst v63  }
0x87: {  	s26 =	simm.s32 $0x3;
	s24 =	rddreg [dreg:$0x4]  }
0x88: {  	[tilespmem:s31], [sflag:$0x3] =	stream.linear.gather [hbm4b:s24+s25], $0x400, $0x38;
	[tilespmem:$0x1C880] =	vst v63  }
0x89: {  	_ =	swait.ge [sflag:s26], $0x400  }
0x8a: {  	[sflag:s26] =	ssyncset.done $0x0  }
.Ltmp3:
0x8b: {  	[sflag:s26] =	ssyncadd.s32 $0xFFFFFC00;
	(pc) =	sbr.rel .LBB2_4-.Ltmp3, $4  }
0x8c: {  	_ =	swait.ge [sflag:s26], $0x400  }
0x8d: {  	[sflag:s26] =	ssyncset.done $0x0  }
0x8e: {  	s9 =	rddreg [dreg:$0x17];
	[sflag:s26] =	ssyncadd.s32 $0xFFFFFC00  }
0x8f: {  	[tilespmem:s25], [sflag:$0x1] =	stream.indirect.gather [hbm4b:s16+s1], $0x80, s8, s1, $0xb8;
	[tilespmem:$0x1C880] =	vst v63  }
.LBB2_6:
0x90: {  	s25 =	sadd.s32 $0x2000, s25  }
0x91: {  	p1 =	sne.s32 s25, $0xA000  }
.Ltmp4:
0x92: {  	_ = 	snop;
	(pc) =	sbr.rel @!p1 .LBB2_7-.Ltmp4, $2  }
0x93: {  	_ =	sdelay $0x2  }
0x94: {  	s9 =	sadd.s32 $0x40, s9  }
.LBB2_4:
0x95: {  	s23 =	sadd.s32 $0xFFFFFFE0, s9  }
0x96: {  	p2 =	sgt.u32 s23, $0x138  }
0x97: {  	s23 =	sadd.s32 @!p2 s25, s5  }
0x98: {  	s24 =	simm.s32 @!p2 $0x8400;
	s26 =	sadd.s32 @!p2 $0x1000, s23;
	s23 =	simm.s32 @!p2 $0x0  }
0x99: {  	[tilespmem:s24], [sflag:$0x4] =	stream.linear.gather @!p2 [hbm4b:s26+s23], $0x400, $0x38;
	[tilespmem:$0x1C880] =	vst v63  }
0x9a: {  	s26 =	sadd.s32 @!p2 s25, s4  }
0x9b: {  	s2 =	simm.s32 @!p2 $0x8C00;
	s26 =	sadd.s32 @!p2 $0x1000, s26  }
0x9c: {  	[tilespmem:s2], [sflag:$0x4] =	stream.linear.gather @!p2 [hbm4b:s26+s23], $0x400, $0x38;
	[tilespmem:$0x1C880] =	vst v63  }
0x9d: {  	s8 =	simm.s32 $0x8080  }
0x9e: {  	[tilespmem:s3], [sflag:$0x2] =	stream.indirect.gather [hbm4b:s16+s1], $0x80, s8, s1, $0xb8;
	[tilespmem:$0x1C880] =	vst v63  }
0x9f: {  	_ =	swait.ge [sflag:s6], $0x4000  }
0xa0: {  	[sflag:s6] =	ssyncset.done $0x0  }
0xa1: {  	[sflag:s6] =	ssyncadd.s32 $0xFFFFC000  }
0xa2: {  	[spmem:s14] =	stream.indirect.scatter.add.f32 [tilespmem:s0], [sflag:$0x6], $0x80, s31, s1, $0xb8;
	[tilespmem:$0x1C880] =	vst v63  }
0xa3: {  	_ =	swait.ge [sflag:s7], $0x4000  }
0xa4: {  	[sflag:s7] =	ssyncset.done $0x0  }
0xa5: {  	s11 =	simm.s32 $0x8100;
	[sflag:s7] =	ssyncadd.s32 $0xFFFFC000  }
0xa6: {  	[tilespmem:s0], [sflag:$0x1] =	stream.indirect.gather [hbm4b:s16+s1], $0x80, s11, s1, $0xb8;
	[tilespmem:$0x1C880] =	vst v63  }
0xa7: {  	_ =	swait.ge [sflag:s10], $0x4000  }
0xa8: {  	[sflag:s10] =	ssyncset.done $0x0  }
0xa9: {  	s12 =	simm.s32 $0x8880;
	[sflag:s10] =	ssyncadd.s32 $0xFFFFC000  }
0xaa: {  	[spmem:s14] =	stream.indirect.scatter.add.f32 [tilespmem:s3], [sflag:$0x6], $0x80, s12, s1, $0xb8;
	[tilespmem:$0x1C880] =	vst v63  }
0xab: {  	_ =	swait.ge [sflag:s7], $0x4000  }
0xac: {  	[sflag:s7] =	ssyncset.done $0x0  }
0xad: {  	s13 =	simm.s32 $0x8180;
	[sflag:s7] =	ssyncadd.s32 $0xFFFFC000  }
0xae: {  	[tilespmem:s3], [sflag:$0x2] =	stream.indirect.gather [hbm4b:s16+s1], $0x80, s13, s1, $0xb8;
	[tilespmem:$0x1C880] =	vst v63  }
0xaf: {  	_ =	swait.ge [sflag:s6], $0x4000  }
0xb0: {  	[sflag:s6] =	ssyncset.done $0x0  }
0xb1: {  	s26 =	simm.s32 $0x8900;
	[sflag:s6] =	ssyncadd.s32 $0xFFFFC000  }
0xb2: {  	[spmem:s14] =	stream.indirect.scatter.add.f32 [tilespmem:s0], [sflag:$0x6], $0x80, s26, s1, $0xb8;
	[tilespmem:$0x1C880] =	vst v63  }
0xb3: {  	_ =	swait.ge [sflag:s7], $0x4000  }
0xb4: {  	[sflag:s7] =	ssyncset.done $0x0  }
0xb5: {  	[sflag:s7] =	ssyncadd.s32 $0xFFFFC000  }
0xb6: {  	[tilespmem:s0], [sflag:$0x1] =	stream.indirect.gather [hbm4b:s16+s1], $0x80, s15, s1, $0xb8;
	[tilespmem:$0x1C880] =	vst v63  }
0xb7: {  	_ =	swait.ge [sflag:s10], $0x4000  }
0xb8: {  	[sflag:s10] =	ssyncset.done $0x0  }
0xb9: {  	[sflag:s10] =	ssyncadd.s32 $0xFFFFC000  }
0xba: {  	[spmem:s14] =	stream.indirect.scatter.add.f32 [tilespmem:s3], [sflag:$0x6], $0x80, s17, s1, $0xb8;
	[tilespmem:$0x1C880] =	vst v63  }
0xbb: {  	_ =	swait.ge [sflag:s7], $0x4000  }
0xbc: {  	[sflag:s7] =	ssyncset.done $0x0  }
0xbd: {  	[sflag:s7] =	ssyncadd.s32 $0xFFFFC000  }
0xbe: {  	[tilespmem:s3], [sflag:$0x2] =	stream.indirect.gather [hbm4b:s16+s1], $0x80, s30, s1, $0xb8;
	[tilespmem:$0x1C880] =	vst v63  }
0xbf: {  	_ =	swait.ge [sflag:s6], $0x4000  }
0xc0: {  	[sflag:s6] =	ssyncset.done $0x0  }
0xc1: {  	[sflag:s6] =	ssyncadd.s32 $0xFFFFC000  }
0xc2: {  	[spmem:s14] =	stream.indirect.scatter.add.f32 [tilespmem:s0], [sflag:$0x6], $0x80, s28, s1, $0xb8;
	[tilespmem:$0x1C880] =	vst v63  }
0xc3: {  	_ =	swait.ge [sflag:s7], $0x4000  }
0xc4: {  	[sflag:s7] =	ssyncset.done $0x0  }
0xc5: {  	[sflag:s7] =	ssyncadd.s32 $0xFFFFC000  }
0xc6: {  	[tilespmem:s0], [sflag:$0x1] =	stream.indirect.gather [hbm4b:s16+s1], $0x80, s18, s1, $0xb8;
	[tilespmem:$0x1C880] =	vst v63  }
0xc7: {  	_ =	swait.ge [sflag:s10], $0x4000  }
0xc8: {  	[sflag:s10] =	ssyncset.done $0x0  }
0xc9: {  	[sflag:s10] =	ssyncadd.s32 $0xFFFFC000  }
0xca: {  	[spmem:s14] =	stream.indirect.scatter.add.f32 [tilespmem:s3], [sflag:$0x6], $0x80, s19, s1, $0xb8;
	[tilespmem:$0x1C880] =	vst v63  }
0xcb: {  	_ =	swait.ge [sflag:s7], $0x4000  }
0xcc: {  	[sflag:s7] =	ssyncset.done $0x0  }
0xcd: {  	[sflag:s7] =	ssyncadd.s32 $0xFFFFC000  }
0xce: {  	[tilespmem:s3], [sflag:$0x2] =	stream.indirect.gather [hbm4b:s16+s1], $0x80, s20, s1, $0xb8;
	[tilespmem:$0x1C880] =	vst v63  }
0xcf: {  	_ =	swait.ge [sflag:s6], $0x4000  }
0xd0: {  	[sflag:s6] =	ssyncset.done $0x0  }
0xd1: {  	[sflag:s6] =	ssyncadd.s32 $0xFFFFC000  }
0xd2: {  	[spmem:s14] =	stream.indirect.scatter.add.f32 [tilespmem:s0], [sflag:$0x6], $0x80, s21, s1, $0xb8;
	[tilespmem:$0x1C880] =	vst v63  }
0xd3: {  	_ =	swait.ge [sflag:s7], $0x4000  }
0xd4: {  	[sflag:s7] =	ssyncset.done $0x0  }
0xd5: {  	s2 =	simm.s32 @!p2 $0x4;
	[sflag:s7] =	ssyncadd.s32 $0xFFFFC000  }
0xd6: {  	_ =	swait.ge @!p2 [sflag:s2], $0x400  }
0xd7: {  	[sflag:s2] =	ssyncset.done @!p2 $0x0  }
0xd8: {  	[sflag:s2] =	ssyncadd.s32 @!p2 $0xFFFFFC00  }
0xd9: {  	_ =	swait.ge @!p2 [sflag:s2], $0x400  }
0xda: {  	[sflag:s2] =	ssyncset.done @!p2 $0x0  }
0xdb: {  	[sflag:s2] =	ssyncadd.s32 @!p2 $0xFFFFFC00;
	s2 =	simm.s32 @!p2 $0x80  }
0xdc: {  	[tilespmem:s23], [sflag:$0x1] =	stream.indirect.gather @!p2 [hbm4b:s16+s2], $0x80, s24, s2, $0xb8;
	[tilespmem:$0x1C880] =	vst v63  }
0xdd: {  	_ =	swait.ge [sflag:s10], $0x4000  }
0xde: {  	[sflag:s10] =	ssyncset.done $0x0  }
0xdf: {  	p1 =	sgt.u32 s9, $0x138;
	[sflag:s10] =	ssyncadd.s32 $0xFFFFC000  }
0xe0: {  	[spmem:s14] =	stream.indirect.scatter.add.f32 [tilespmem:s3], [sflag:$0x6], $0x80, s22, s1, $0xb8;
	[tilespmem:$0x1C880] =	vst v63  }
0xe1: {  	s2 =	sadd.s32 @!p1 s25, s5;
	_ =	swait.ge [sflag:s7], $0x4000  }
0xe2: {  	s23 =	simm.s32 @!p1 $0x0;
	s24 =	simm.s32 @!p1 $0x8000;
	[sflag:s7] =	ssyncset.done $0x0  }
.Ltmp5:
0xe3: {  	s2 =	sadd.s32 @!p1 $0x2000, s2;
	[sflag:s7] =	ssyncadd.s32 $0xFFFFC000;
	(pc) =	sbr.rel @p2 .LBB2_6-.Ltmp5, $4  }
0xe4: {  	[tilespmem:s24], [sflag:$0x3] =	stream.linear.gather @!p1 [hbm4b:s2+s23], $0x400, $0x38;
	[tilespmem:$0x1C880] =	vst v63  }
0xe5: {  	s2 =	sadd.s32 @!p1 s25, s4  }
0xe6: {  	s26 =	simm.s32 @!p1 $0x8800;
	s2 =	sadd.s32 @!p1 $0x2000, s2  }
0xe7: {  	[tilespmem:s26], [sflag:$0x3] =	stream.linear.gather @!p1 [hbm4b:s2+s23], $0x400, $0x38;
	[tilespmem:$0x1C880] =	vst v63  }
0xe8: {  	s2 =	simm.s32 $0x8480  }
0xe9: {  	[tilespmem:s3], [sflag:$0x2] =	stream.indirect.gather [hbm4b:s16+s1], $0x80, s2, s1, $0xb8;
	[tilespmem:$0x1C880] =	vst v63  }
0xea: {  	_ =	swait.ge [sflag:s6], $0x4000  }
0xeb: {  	[sflag:s6] =	ssyncset.done $0x0  }
0xec: {  	s26 =	simm.s32 $0x8C00;
	[sflag:s6] =	ssyncadd.s32 $0xFFFFC000  }
0xed: {  	[spmem:s14] =	stream.indirect.scatter.add.f32 [tilespmem:s0], [sflag:$0x6], $0x80, s26, s1, $0xb8;
	[tilespmem:$0x1C880] =	vst v63  }
0xee: {  	_ =	swait.ge [sflag:s7], $0x4000  }
0xef: {  	[sflag:s7] =	ssyncset.done $0x0  }
0xf0: {  	s8 =	simm.s32 $0x8500;
	[sflag:s7] =	ssyncadd.s32 $0xFFFFC000  }
0xf1: {  	[tilespmem:s0], [sflag:$0x1] =	stream.indirect.gather [hbm4b:s16+s1], $0x80, s8, s1, $0xb8;
	[tilespmem:$0x1C880] =	vst v63  }
0xf2: {  	_ =	swait.ge [sflag:s10], $0x4000  }
0xf3: {  	[sflag:s10] =	ssyncset.done $0x0  }
0xf4: {  	s11 =	simm.s32 $0x8C80;
	[sflag:s10] =	ssyncadd.s32 $0xFFFFC000  }
0xf5: {  	[spmem:s14] =	stream.indirect.scatter.add.f32 [tilespmem:s3], [sflag:$0x6], $0x80, s11, s1, $0xb8;
	[tilespmem:$0x1C880] =	vst v63  }
0xf6: {  	_ =	swait.ge [sflag:s7], $0x4000  }
0xf7: {  	[sflag:s7] =	ssyncset.done $0x0  }
0xf8: {  	s12 =	simm.s32 $0x8580;
	[sflag:s7] =	ssyncadd.s32 $0xFFFFC000  }
0xf9: {  	[tilespmem:s3], [sflag:$0x2] =	stream.indirect.gather [hbm4b:s16+s1], $0x80, s12, s1, $0xb8;
	[tilespmem:$0x1C880] =	vst v63  }
0xfa: {  	_ =	swait.ge [sflag:s6], $0x4000  }
0xfb: {  	[sflag:s6] =	ssyncset.done $0x0  }
0xfc: {  	s13 =	simm.s32 $0x8D00;
	s26 =	rddreg [dreg:$0x16];
	[sflag:s6] =	ssyncadd.s32 $0xFFFFC000  }
0xfd: {  	[spmem:s14] =	stream.indirect.scatter.add.f32 [tilespmem:s0], [sflag:$0x6], $0x80, s13, s1, $0xb8;
	[tilespmem:$0x1C880] =	vst v63  }
0xfe: {  	s2 =	sadd.s32 s25, s26;
	_ =	swait.ge [sflag:s7], $0x4000  }
0xff: {  	p2 =	seq.s32 s2, $0x0;
	[sflag:s7] =	ssyncset.done $0x0  }
0x100: {  	s2 =	simm.s32 @p2 $0x2;
	[sflag:s7] =	ssyncadd.s32 $0xFFFFC000  }
0x101: {  	_ =	swait.ge @p2 [sflag:s2], $0x4000  }
0x102: {  	s26 =	simm.s32 @p2 $0x8D80;
	[sflag:s2] =	ssyncset.done @p2 $0x0  }
0x103: {  	s8 =	simm.s32 @p2 $0x4000;
	[sflag:s2] =	ssyncadd.s32 @p2 $0xFFFFC000;
	s2 =	simm.s32 @p2 $0x80  }
0x104: {  	[spmem:s14] =	stream.indirect.scatter.add.f32 @p2 [tilespmem:s8], [sflag:$0x6], $0x80, s26, s2, $0xb8;
	[tilespmem:$0x1C880] =	vst v63  }
0x105: {  	s2 =	simm.s32 @!p2 $0x80;
	s8 =	simm.s32 @!p2 $0x8600;
	s26 =	simm.s32 @!p2 $0x0  }
0x106: {  	[tilespmem:s26], [sflag:$0x1] =	stream.indirect.gather @!p2 [hbm4b:s16+s2], $0x80, s8, s2, $0xb8;
	[tilespmem:$0x1C880] =	vst v63  }
0x107: {  	s8 =	simm.s32 @!p2 $0x2  }
0x108: {  	_ =	swait.ge @!p2 [sflag:s8], $0x4000  }
0x109: {  	[sflag:s8] =	ssyncset.done @!p2 $0x0  }
0x10a: {  	s11 =	simm.s32 @!p2 $0x8D80;
	s12 =	simm.s32 @!p2 $0x4000;
	[sflag:s8] =	ssyncadd.s32 @!p2 $0xFFFFC000  }
0x10b: {  	[spmem:s14] =	stream.indirect.scatter.add.f32 @!p2 [tilespmem:s12], [sflag:$0x6], $0x80, s11, s2, $0xb8;
	[tilespmem:$0x1C880] =	vst v63  }
0x10c: {  	s11 =	simm.s32 @!p2 $0x6  }
0x10d: {  	_ =	swait.ge @!p2 [sflag:s11], $0x4000  }
0x10e: {  	[sflag:s11] =	ssyncset.done @!p2 $0x0  }
0x10f: {  	s13 =	simm.s32 @!p2 $0x8680;
	[sflag:s11] =	ssyncadd.s32 @!p2 $0xFFFFC000  }
0x110: {  	[tilespmem:s12], [sflag:$0x2] =	stream.indirect.gather @!p2 [hbm4b:s16+s2], $0x80, s13, s2, $0xb8;
	[tilespmem:$0x1C880] =	vst v63  }
0x111: {  	s13 =	simm.s32 @!p2 $0x1  }
0x112: {  	_ =	swait.ge @!p2 [sflag:s13], $0x4000  }
0x113: {  	[sflag:s13] =	ssyncset.done @!p2 $0x0  }
0x114: {  	s31 =	simm.s32 @!p2 $0x8E00;
	[sflag:s13] =	ssyncadd.s32 @!p2 $0xFFFFC000  }
0x115: {  	[spmem:s14] =	stream.indirect.scatter.add.f32 @!p2 [tilespmem:s26], [sflag:$0x6], $0x80, s31, s2, $0xb8;
	[tilespmem:$0x1C880] =	vst v63  }
0x116: {  	_ =	swait.ge @!p2 [sflag:s11], $0x4000  }
0x117: {  	[sflag:s11] =	ssyncset.done @!p2 $0x0  }
0x118: {  	s31 =	simm.s32 @!p2 $0x8700;
	[sflag:s11] =	ssyncadd.s32 @!p2 $0xFFFFC000  }
0x119: {  	[tilespmem:s26], [sflag:$0x1] =	stream.indirect.gather @!p2 [hbm4b:s16+s2], $0x80, s31, s2, $0xb8;
	[tilespmem:$0x1C880] =	vst v63  }
0x11a: {  	_ =	swait.ge @!p2 [sflag:s8], $0x4000  }
0x11b: {  	[sflag:s8] =	ssyncset.done @!p2 $0x0  }
0x11c: {  	s31 =	simm.s32 @!p2 $0x8E80;
	[sflag:s8] =	ssyncadd.s32 @!p2 $0xFFFFC000  }
0x11d: {  	[spmem:s14] =	stream.indirect.scatter.add.f32 @!p2 [tilespmem:s12], [sflag:$0x6], $0x80, s31, s2, $0xb8;
	[tilespmem:$0x1C880] =	vst v63  }
0x11e: {  	_ =	swait.ge @!p2 [sflag:s11], $0x4000  }
0x11f: {  	[sflag:s11] =	ssyncset.done @!p2 $0x0  }
0x120: {  	[sflag:s11] =	ssyncadd.s32 @!p2 $0xFFFFC000;
	s11 =	simm.s32 @!p2 $0x8780  }
0x121: {  	[tilespmem:s12], [sflag:$0x2] =	stream.indirect.gather @!p2 [hbm4b:s16+s2], $0x80, s11, s2, $0xb8;
	[tilespmem:$0x1C880] =	vst v63  }
0x122: {  	_ =	swait.ge @!p2 [sflag:s13], $0x4000  }
0x123: {  	[sflag:s13] =	ssyncset.done @!p2 $0x0  }
0x124: {  	s11 =	simm.s32 @!p2 $0x8F00;
	[sflag:s13] =	ssyncadd.s32 @!p2 $0xFFFFC000  }
0x125: {  	[spmem:s14] =	stream.indirect.scatter.add.f32 @!p2 [tilespmem:s26], [sflag:$0x6], $0x80, s11, s2, $0xb8;
	[tilespmem:$0x1C880] =	vst v63  }
0x126: {  	_ =	swait.ge [sflag:s7], $0x4000  }
0x127: {  	[sflag:s7] =	ssyncset.done $0x0  }
0x128: {  	s11 =	simm.s32 @!p1 $0x3;
	[sflag:s7] =	ssyncadd.s32 $0xFFFFC000  }
0x129: {  	_ =	swait.ge @!p1 [sflag:s11], $0x400  }
0x12a: {  	[sflag:s11] =	ssyncset.done @!p1 $0x0  }
0x12b: {  	[sflag:s11] =	ssyncadd.s32 @!p1 $0xFFFFFC00  }
0x12c: {  	_ =	swait.ge @!p1 [sflag:s11], $0x400  }
0x12d: {  	[sflag:s11] =	ssyncset.done @!p1 $0x0  }
0x12e: {  	[sflag:s11] =	ssyncadd.s32 @!p1 $0xFFFFFC00;
	s11 =	simm.s32 @!p1 $0x80  }
0x12f: {  	[tilespmem:s23], [sflag:$0x1] =	stream.indirect.gather @!p1 [hbm4b:s16+s11], $0x80, s24, s11, $0xb8;
	[tilespmem:$0x1C880] =	vst v63  }
0x130: {  	_ =	swait.ge @!p2 [sflag:s8], $0x4000  }
0x131: {  	[sflag:s8] =	ssyncset.done @!p2 $0x0  }
0x132: {  	[sflag:s8] =	ssyncadd.s32 @!p2 $0xFFFFC000;
	s8 =	simm.s32 @!p2 $0x8F80  }
0x133: {  	[spmem:s14] =	stream.indirect.scatter.add.f32 @!p2 [tilespmem:s12], [sflag:$0x5], $0x80, s8, s2, $0xb8;
	[tilespmem:$0x1C880] =	vst v63  }
.Ltmp6:
0x134: {  	_ = 	snop;
	(pc) =	sbr.rel .LBB2_6-.Ltmp6, $4  }
0x135: {  	s2 =	simm.s32 @!p2 $0x5  }
0x136: {  	_ =	swait.ge @!p2 [sflag:s2], $0x4000  }
0x137: {  	[sflag:s2] =	ssyncset.done @!p2 $0x0  }
0x138: {  	s31 =	simm.s32 $0x8800;
	[sflag:s2] =	ssyncadd.s32 @!p2 $0xFFFFC000  }
.LBB2_8:
0x139: {  	_ =	sfence.sel $0x180000  }
0x13a: {  	[bflag:$0x0] =	sbarrier.arrive $0xFFFF  }
0x13b: {  	_ =	strace $0x9000004D  }
0x13c: {  	s0 =	stileid.u32;
	[bflag:$0x2] =	sbarrier.arrive $0xFFFF  }
0x13d: {  	p0 =	sne.s32 s0, $0x0;
	s0 =	rddreg [dreg:$0x2]  }
0x13e: {  	s0 =	sadd.s32 @!p0 $0x100000, s0  }
0x13f: {  	[sflag:s0] =	ssyncadd.tile.s32 @!p0 $0x1;
	_ =	shalt  }
.Lfunc_end2:
_tile_overlayer_lowered:
.L_overlay_start_2:
0x140: {  	(tag) =	ssettag $0x2  }
0x141: {  	s0 =	rddreg [dreg:$0x0];
	s2 =	stileid.u32  }
0x142: {  	s1 =	rddreg [dreg:$0x1];
	p0 =	sne.s32 s2, $0x0  }
0x143: {  	s3 =	rddreg [dreg:$0x2];
	[bflag:$0x3] =	sbarrier.arrive $0xFFFF;
	s2 =	simm.s32 @!p0 $0x1C05  }
0x144: {  	[timem:s3], [sflag:s2] =	dma.local @!p0 [hbm:s0], s1  }
0x145: {  	s0 =	simm.s32 @!p0 $0x5  }
0x146: {  	_ =	swait.ge @!p0 [sflag:s0], s1  }
0x147: {  	s1 =	ssub.s32 @!p0 $0x0, s1;
	[sflag:s0] =	ssyncset.done @!p0 $0x0  }
0x148: {  	[sflag:s0] =	ssyncadd.s32 @!p0 s1  }
0x149: {  	[bflag:$0x3] =	sbarrier.arrive $0xFFFF  }
0x14a: {  	_ =	shalt  }

// kernel: kernel.9.cloned.1.call-start
scs
__scs_entry_jumppad:
0x0: {  	(pc) =	sbr.rel $0x88, $3  }
0x1: {  	(tag) =	ssettag $0x0;
	lr =	simm.s32 $0x1  }
0x2: {  	[smem:$0x3F98] =	sst lr;
	_ =	strace $0xD0000000  }
0x3: {  	_ = 	snop  }
0x4: {  	_ = 	snop  }
0x5: {  	_ = 	snop  }
0x6: {  	_ = 	snop  }
0x7: {  	_ = 	snop  }
__scs_overlays_trampoline_lowered:
0x8: {  	[smem:$0x3FA7] =	sst s0  }
0x9: {  	[smem:$0x3FA8] =	sst s1  }
0xa: {  	[smem:$0x3FA9] =	sst s2  }
0xb: {  	[smem:$0x3FAA] =	sst s3  }
0xc: {  	[smem:$0x3FAB] =	sst s4  }
0xd: {  	[smem:$0x3FAC] =	sst s5  }
0xe: {  	[smem:$0x3FAD] =	sst s6  }
0xf: {  	[smem:$0x3FAE] =	sst s7  }
0x10: {  	[smem:$0x3FAF] =	sst s8  }
0x11: {  	[smem:$0x3FB0] =	sst s9;
	s0 =	simm.s32 @!p0 $0x0  }
0x12: {  	s1 =	sld [smem:$0x3F96];
	s0 =	simm.s32 @p0 $0x1  }
0x13: {  	[smem:$0x3FB1] =	sst s0;
	s0 =	simm.s32 @!p1 $0x0  }
0x14: {  	s2 =	sld [smem:$0x3F95];
	s0 =	simm.s32 @p1 $0x1  }
0x15: {  	[smem:$0x3FB2] =	sst s0;
	s0 =	simm.s32 @!p2 $0x0  }
0x16: {  	s3 =	sld [smem:$0x3FDB];
	s0 =	simm.s32 @p2 $0x1  }
0x17: {  	s4 =	simm.s32 $0x1BF5;
	[smem:$0x3FB4] =	sst s0  }
0x18: {  	s0 =	sld [smem:$0x3F97];
	_ =	swait.ge [sflag:s4], $0x0  }
0x19: {  	s7 =	sld [smem:$0x3F98]  }
0x1a: {  	s8 =	sadd.s32 $0xFFFFE003, lr  }
0x1b: {  	s9 =	sadd.s32 $0xFFFFFEF7, lr;
	s5 =	simm.s32 $0xFFFFFFFF;
	p2 =	slt.u32 s8, $0xFFFFF086  }
0x1c: {  	p1 =	slt.u32 s9, $0xF7A;
	s5 =	simm.s32 @!p2 $0x0  }
0x1d: {  	s5 =	simm.s32 @p1 $0x1;
	p0 =	seq.s32 s7, s2  }
0x1e: {  	s7 =	smul.u32 @!p0 $0xF7A, s2;
	p2 =	seq.s32 @!p0 s5, $0x0  }
0x1f: {  	s9 =	smul.u32 $0xF7A, s1;
	s8 =	simm.s32 @!p0 $0x1BF5;
	p2 =	por !p2, p0  }
0x20: {  	[sflag:s8] =	ssyncset.s32 @!p0 $0xFFFFF086;
	s6 =	sadd.s32 @!p0 s3, s7;
	s7 =	simm.s32 @!p0 $0x108  }
0x21: {  	s3 =	sadd.s32 s3, s9;
	s6 =	sadd.s32 @!p0 $0x88, s6;
	s7 =	simm.s32 @p2 $0x1082  }
0x22: {  	[simem:s7], [sflag:s8] =	dma.local @!p0 [hbm:s6], $0xF7A  }
0x23: {  	s9 =	sor.u32 $0xD0000000, s2;
	s6 =	simm.s32 $0x108;
	_ =	swait.ge @!p0 [sflag:s8], $0x0  }
0x24: {  	s3 =	sadd.s32 $0x88, s3;
	s6 =	simm.s32 @!p1 $0x1082;
	[sflag:s4] =	ssyncset.s32 $0xFFFFF086  }
0x25: {  	[simem:s6], [sflag:s4] =	dma.local [hbm:s3], $0xF7A  }
0x26: {  	[smem:$0x3F98] =	sst s1;
	(tag) =	ssettag s2;
	_ =	strace s9  }
0x27: {  	s1 =	sld [smem:$0x3FA8]  }
0x28: {  	s2 =	sld [smem:$0x3FA9]  }
0x29: {  	s4 =	sld [smem:$0x3FAB]  }
0x2a: {  	p0 =	seq.s32 s5, $0x0;
	s5 =	sld [smem:$0x3FAC]  }
0x2b: {  	s6 =	sld [smem:$0x3FAD]  }
0x2c: {  	s7 =	sld [smem:$0x3FAE]  }
0x2d: {  	s3 =	simm.s32 $0x108;
	s8 =	sld [smem:$0x3FAF]  }
0x2e: {  	s3 =	simm.s32 @!p0 $0x1082;
	s9 =	sld [smem:$0x3FB0]  }
0x2f: {  	lr =	sadd.s32 s0, s3;
	s0 =	sld [smem:$0x3FA7]  }
0x30: {  	s3 =	sld [smem:$0x3FAA]  }
0x31: {  	[smem:$0x3FB3] =	sst s10  }
0x32: {  	s10 =	sld [smem:$0x3FB1];
	_ =	sdelay $0x3  }
0x33: {  	p0 =	seq.s32 s10, $0x1;
	s10 =	sld [smem:$0x3FB3];
	_ =	sdelay $0x3  }
0x34: {  	[smem:$0x3FB3] =	sst s10  }
0x35: {  	s10 =	sld [smem:$0x3FB2];
	_ =	sdelay $0x3  }
0x36: {  	p1 =	seq.s32 s10, $0x1;
	s10 =	sld [smem:$0x3FB3];
	_ =	sdelay $0x3  }
0x37: {  	[smem:$0x3FB3] =	sst s10  }
0x38: {  	s10 =	sld [smem:$0x3FB4]  }
0x39: {  	_ = 	snop;
	(pc) =	sbr.ind lr, $3  }
0x3a: {  	_ = 	snop  }
0x3b: {  	_ = 	snop  }
0x3c: {  	p2 =	seq.s32 s10, $0x1;
	s10 =	sld [smem:$0x3FB3]  }
0x3d: {  	_ =	shalt  }
0x3e: {  	_ =	shalt  }
0x3f: {  	_ =	shalt  }
0x40: {  	_ =	shalt  }
0x41: {  	_ =	shalt  }
0x42: {  	_ =	shalt  }
0x43: {  	_ =	shalt  }
0x44: {  	_ =	shalt  }
0x45: {  	_ =	shalt  }
0x46: {  	_ =	shalt  }
0x47: {  	_ =	shalt  }
0x48: {  	_ =	shalt  }
0x49: {  	_ =	shalt  }
0x4a: {  	_ =	shalt  }
0x4b: {  	_ =	shalt  }
0x4c: {  	_ =	shalt  }
0x4d: {  	_ =	shalt  }
0x4e: {  	_ =	shalt  }
0x4f: {  	_ =	shalt  }
0x50: {  	_ =	shalt  }
0x51: {  	_ =	shalt  }
0x52: {  	_ =	shalt  }
0x53: {  	_ =	shalt  }
0x54: {  	_ =	shalt  }
0x55: {  	_ =	shalt  }
0x56: {  	_ =	shalt  }
0x57: {  	_ =	shalt  }
0x58: {  	_ =	shalt  }
0x59: {  	_ =	shalt  }
0x5a: {  	_ =	shalt  }
0x5b: {  	_ =	shalt  }
0x5c: {  	_ =	shalt  }
0x5d: {  	_ =	shalt  }
0x5e: {  	_ =	shalt  }
0x5f: {  	_ =	shalt  }
0x60: {  	_ =	shalt  }
0x61: {  	_ =	shalt  }
0x62: {  	_ =	shalt  }
0x63: {  	_ =	shalt  }
0x64: {  	_ =	shalt  }
0x65: {  	_ =	shalt  }
0x66: {  	_ =	shalt  }
0x67: {  	_ =	shalt  }
0x68: {  	_ =	shalt  }
0x69: {  	_ =	shalt  }
0x6a: {  	_ =	shalt  }
0x6b: {  	_ =	shalt  }
0x6c: {  	_ =	shalt  }
0x6d: {  	_ =	shalt  }
0x6e: {  	_ =	shalt  }
0x6f: {  	_ =	shalt  }
0x70: {  	_ =	shalt  }
0x71: {  	_ =	shalt  }
0x72: {  	_ =	shalt  }
0x73: {  	_ =	shalt  }
0x74: {  	_ =	shalt  }
0x75: {  	_ =	shalt  }
0x76: {  	_ =	shalt  }
0x77: {  	_ =	shalt  }
0x78: {  	_ =	shalt  }
0x79: {  	_ =	shalt  }
0x7a: {  	_ =	shalt  }
0x7b: {  	_ =	shalt  }
0x7c: {  	_ =	shalt  }
0x7d: {  	_ =	shalt  }
0x7e: {  	_ =	shalt  }
0x7f: {  	_ =	shalt  }
0x80: {  	_ =	shalt  }
0x81: {  	_ =	shalt  }
0x82: {  	_ =	shalt  }
0x83: {  	_ =	shalt  }
0x84: {  	_ =	shalt  }
0x85: {  	_ =	shalt  }
0x86: {  	_ =	shalt  }
0x87: {  	_ =	shalt  }
.Lfunc_end0:
.L_simem_size_0:
called_computation_lowered:
.L_overlay_start_0:
0x88: {  	s2 =	sld [smem:$0x3FD9]  }
0x89: {  	s3 =	sld [smem:$0x3FFE];
	_ =	sdelay $0x1  }
0x8a: {  	s1 =	srdreg.scid  }
0x8b: {  	s0 =	sand.u32 $0x1, s1  }
0x8c: {  	s17 =	sshll.u32 s0, $0xA;
	s2 =	sadd.s32 s3, s2  }
0x8d: {  	s2 =	sadd.s32 s2, s17  }
0x8e: {  	[smem:$0x3FBF] =	sst s2  }
0x8f: {  	_ = 	snop  }
0x90: {  	s2 =	sld [smem:$0x3FC8];
	(tm) =	ssettm $0x1  }
0x91: {  	s18 =	sld [smem:$0x3FFB];
	_ =	sdelay $0x3  }
0x92: {  	_ =	strace s18  }
0x93: {  	s3 =	sld [smem:$0x3FFC];
	_ =	sdelay $0x3  }
0x94: {  	_ =	strace s3  }
0x95: {  	s3 =	sld [smem:$0x3FFD];
	_ =	sdelay $0x3  }
0x96: {  	_ =	strace s3  }
0x97: {  	_ =	strace $0x8FFFFFFF  }
0x98: {  	s19 =	sld [smem:$0x3FDB];
	_ =	sdelay $0x1  }
0x99: {  	s4 =	simm.s32 $_scs_section_size  }
0x9a: {  	s5 =	simm.s32 $_size__tile_overlayer_lowered;
	s6 =	simm.s32 $_tile_overlayer_lowered  }
0x9b: {  	s22 =	simm.s32 $0x1BFF;
	s21 =	sshll.u32 s6, $0x1;
	s3 =	sadd.s32 s4, s19  }
0x9c: {  	s7 =	simm.s32 $0x0;
	s20 =	sshll.u32 s5, $0x1;
	s5 =	sadd.s32 s21, s3  }
0x9d: {  	[timem:s7], [sflag:s22] =	dma.local [hbm:s5], s20  }
0x9e: {  	_ =	swait.ge [sflag:s22], s20  }
0x9f: {  	s4 =	ssub.s32 $0x0, s20;
	[sflag:s22] =	ssyncset.done $0x0  }
0xa0: {  	[sflag:s22] =	ssyncadd.s32 s4;
	_ =	sdelay $0x1  }
0xa1: {  	s23 =	simm.s32 $0x1B8B  }
0xa2: {  	_ =	swait.ge [sflag:s23], $0x1  }
0xa3: {  	[sflag:s23] =	ssyncset.done $0x0  }
0xa4: {  	s25 =	simm.s32 $0x1B8E;
	s24 =	sld [smem:$0x3FFE];
	[sflag:s23] =	ssyncadd.s32 $0xFFFFFFFF  }
0xa5: {  	s26 =	simm.s32 $execute0_lowered;
	[smem:$0x3FD2] =	sst s25  }
0xa6: {  	s5 =	sshll.u32 s26, $0x1;
	_ =	strace $0x80000046;
	[dreg:$0x1] =	wrdreg $0xFFFFFFFF  }
0xa7: {  	s28 =	simm.s32 $_size_execute0_lowered;
	s3 =	sadd.s32 s3, s5;
	[dreg:$0x0] =	wrdreg $0x0  }
0xa8: {  	s5 =	sshll.u32 s28, $0x1;
	[dreg:$0x2] =	wrdreg s3  }
0xa9: {  	[dreg:$0x3] =	wrdreg s5  }
0xaa: {  	[dreg:$0x4] =	wrdreg $0xC0  }
0xab: {  	_ =	task [dreg:s7], $0x5FFFF  }
0xac: {  	[dreg:$0x1] =	wrdreg $0xFFFFFFFF  }
0xad: {  	[dreg:$0x0] =	wrdreg $0x60  }
0xae: {  	[dreg:$0x2] =	wrdreg s2  }
0xaf: {  	[dreg:$0x3] =	wrdreg s24  }
0xb0: {  	[dreg:$0x4] =	wrdreg $0x6C000  }
0xb1: {  	[dreg:$0x5] =	wrdreg $0x9  }
0xb2: {  	_ =	task.clear_ibuf [dreg:s7], $0x6FFFF;
	_ =	strace $0x90000046  }
0xb3: {  	s29 =	simm.s32 $0x9;
	_ =	strace $0x80000048  }
0xb4: {  	_ =	swait.ge [sflag:s29], $0x1  }
0xb5: {  	[sflag:s29] =	ssyncadd.s32 $0xFFFFFFFF  }
0xb6: {  	_ =	strace $0x90000048  }
0xb7: {  	_ =	sfence  }
0xb8: {  	s30 =	sld [smem:$0x0];
	_ =	sdelay $0x2  }
0xb9: {  	s31 =	sshll.u32 s1, $0xD;
	s1 =	sshrl.u32 s1, $0x2  }
0xba: {  	s3 =	sand.u32 $0x4000, s31;
	s1 =	sadd.s32 s1, s30  }
0xbb: {  	s0 =	sor.u32 s3, s0;
	s1 =	sshll.u32 s1, $0x11  }
0xbc: {  	s0 =	sor.u32 s1, s0  }
0xbd: {  	s0 =	sadd.s32 $0x8F2B, s0  }
0xbe: {  	[sflag:s0] =	ssyncadd.remote.s32 $0x1  }
0xbf: {  	_ =	sfence.sel $0xFFFF  }
0xc0: {  	[dreg:$0x0] =	wrdreg $0xFFFFFFFF;
	(pc) =	sbr.abs _section_cstart, $3  }
0xc1: {  	[dreg:$0x1] =	wrdreg $0xFFFFFFFF  }
0xc2: {  	_ =	task.clear_ibuf [dreg:s7], $0x2FFFF;
	_ =	strace $0x9FFFFFFF  }
0xc3: {  	(tm) =	ssettm $0x7FFFFFFF  }
tec
execute0_lowered:
.L_overlay_start_1:
0x0: {  	(tag) =	ssettag $0x1  }
0x1: {  	s0 =	rddreg [dreg:$0x0]  }
0x2: {  	s3 =	rddreg [dreg:$0x1]  }
0x3: {  	s1 =	rddreg [dreg:$0x2]  }
0x4: {  	s4 =	srdreg.scid;
	s26 =	stileid.u32  }
0x5: {  	s2 =	simm.s32 $0x0;
	s4 =	sand.u32 $0x1, s4;
	s24 =	smul.u32 $0xA000, s26  }
0x6: {  	s28 =	simm.s32 $0x6900;
	s10 =	sor.u32 $0x10, s26;
	s5 =	smul.u32 $0x27100, s4  }
0x7: {  	s29 =	simm.s32 $0x6980;
	s11 =	sor.u32 $0x20, s26;
	s25 =	smul.u32 $0xA000, s10  }
0x8: {  	s30 =	simm.s32 $0x1;
	s12 =	sor.u32 $0x30, s26;
	s8 =	smul.u32 $0xA000, s11  }
0x9: {  	[smem:$0x7FF] =	sst s2;
	s13 =	sor.u32 $0x40, s26;
	s9 =	smul.u32 $0xA000, s12  }
0xa: {  	s16 =	sor.u32 $0x50, s26;
	s18 =	sor.u32 $0x60, s26;
	s15 =	smul.u32 $0xA000, s13  }
0xb: {  	s20 =	sor.u32 $0x70, s26;
	s6 =	ssub.s32 $0x2, s4;
	s17 =	smul.u32 $0xA000, s16  }
0xc: {  	_ =	strace $0x80000047;
	s14 =	sshll.u32 s4, $0x4;
	s19 =	smul.u32 $0xA000, s18  }
0xd: {  	p0 =	sgt.u32 s20, $0x7C;
	s7 =	sshrl.u32 s6, $0x1;
	s3 =	sadd.s32 s5, s3  }
0xe: {  	s23 =	ssub.s32 s6, s7;
	s6 =	sshrl.u32 s24, $0x2;
	s7 =	sshrl.u32 s25, $0x2  }
0xf: {  	s21 =	sshrl.u32 s8, $0x2;
	s22 =	sshrl.u32 s9, $0x2;
	s24 =	sshrl.u32 s17, $0x2  }
0x10: {  	s25 =	sshrl.u32 s19, $0x2;
	s19 =	smul.u32 $0x500, s11;
	s3 =	sadd.s32 $0x2200, s3  }
0x11: {  	s5 =	smax.u32 s23, $0x1;
	s23 =	sshrl.u32 s15, $0x2;
	s15 =	smul.u32 $0x500, s26  }
0x12: {  	s8 =	sadd.s32 s22, s1;
	s22 =	smul.u32 $0x500, s10;
	s10 =	sadd.s32 s24, s1  }
0x13: {  	s11 =	sadd.s32 s25, s1;
	s24 =	smul.u32 $0x500, s16;
	s25 =	sshll.u32 s26, $0x8  }
0x14: {  	s16 =	sshll.u32 s26, $0x3;
	[dreg:$0x4] =	wrdreg s5;
	s5 =	sadd.s32 s6, s1  }
0x15: {  	s6 =	sadd.s32 s7, s1;
	s7 =	sadd.s32 s21, s1;
	s21 =	smul.u32 $0xA000, s20  }
0x16: {  	s9 =	sadd.s32 s23, s1;
	s23 =	smul.u32 $0x500, s12;
	s24 =	sadd.s32 s24, s3  }
0x17: {  	s17 =	sshrl.u32 s21, $0x2;
	s21 =	smul.u32 $0x500, s13;
	s13 =	sshll.u32 s4, $0xC  }
0x18: {  	s4 =	sshll.u32 s4, $0x7;
	[dreg:$0xc] =	wrdreg s24;
	s0 =	sadd.s32 s13, s0  }
0x19: {  	s13 =	sadd.s32 s17, s1;
	s17 =	sadd.s32 s15, s3;
	s12 =	sadd.s32 s25, s0  }
0x1a: {  	s0 =	sor.u32 s16, s4;
	s16 =	sor.u32 s14, s26;
	[dreg:$0x7] =	wrdreg s17  }
0x1b: {  	s25 =	smul.u32 $0x500, s18;
	s18 =	sadd.s32 s22, s3;
	[dreg:$0x6] =	wrdreg s16  }
0x1c: {  	s4 =	smul.u32 $0x500, s20;
	s20 =	sadd.s32 s19, s3;
	[dreg:$0x8] =	wrdreg s18  }
0x1d: {  	s31 =	simm.s32 $0x80;
	s22 =	sadd.s32 s23, s3;
	[dreg:$0x9] =	wrdreg s20  }
.Ltmp0:
0x1e: {  	s23 =	sadd.s32 s21, s3;
	[dreg:$0xa] =	wrdreg s22;
	(pc) =	sbr.rel .LBB2_1-.Ltmp0, $4  }
0x1f: {  	s0 =	sor.u32 $0x4, s0;
	s16 =	simm.s32 $0x2;
	[dreg:$0xb] =	wrdreg s23  }
0x20: {  	[dreg:$0x5] =	wrdreg s0;
	s26 =	sadd.s32 s25, s3;
	s0 =	sadd.s32 @!p0 s4, s3  }
0x21: {  	s25 =	simm.s32 $0x6800;
	s3 =	simm.s32 $0x0;
	[dreg:$0xd] =	wrdreg s26  }
0x22: {  	v0 =	vimm.f32 $0.0e+00;
	v1 =	vimm.f32 $1.000000000e+00;
	[dreg:$0xe] =	wrdreg s0;
	s26 =	simm.s32 $0x6880;
	s0 =	simm.s32 $0x2800  }
.LBB2_9:
0x23: {  	s4 =	stileid.u32  }
0x24: {  	[bflag:$0x0] =	sbarrier.arrive $0xFFFF;
	s4 =	sshll.u32 s4, $0x6  }
0x25: {  	s14 =	sshrl.u32 s5, $0x3;
	s15 =	rddreg [dreg:$0x7];
	s4 =	sor.u32 $0x1C02, s4  }
0x26: {  	[hbm:s15], [sflag:s4] =	dma.local [spmem:s14], $0x500  }
0x27: {  	_ =	swait.ge [sflag:s16], $0x500  }
0x28: {  	[sflag:s16] =	ssyncset.done $0x0  }
0x29: {  	s21 =	sshrl.u32 s6, $0x3;
	s22 =	rddreg [dreg:$0x8];
	[sflag:s16] =	ssyncadd.s32 $0xFFFFFB00  }
0x2a: {  	[hbm:s22], [sflag:s4] =	dma.local [spmem:s21], $0x500  }
0x2b: {  	_ =	swait.ge [sflag:s16], $0x500  }
0x2c: {  	[sflag:s16] =	ssyncset.done $0x0  }
0x2d: {  	s23 =	sshrl.u32 s7, $0x3;
	s24 =	rddreg [dreg:$0x9];
	[sflag:s16] =	ssyncadd.s32 $0xFFFFFB00  }
0x2e: {  	[hbm:s24], [sflag:s4] =	dma.local [spmem:s23], $0x500  }
0x2f: {  	_ =	swait.ge [sflag:s16], $0x500  }
0x30: {  	[sflag:s16] =	ssyncset.done $0x0  }
0x31: {  	s15 =	sshrl.u32 s8, $0x3;
	s17 =	rddreg [dreg:$0xa];
	[sflag:s16] =	ssyncadd.s32 $0xFFFFFB00  }
0x32: {  	[hbm:s17], [sflag:s4] =	dma.local [spmem:s15], $0x500  }
0x33: {  	_ =	swait.ge [sflag:s16], $0x500  }
0x34: {  	[sflag:s16] =	ssyncset.done $0x0  }
0x35: {  	s18 =	sshrl.u32 s9, $0x3;
	s19 =	rddreg [dreg:$0xb];
	[sflag:s16] =	ssyncadd.s32 $0xFFFFFB00  }
0x36: {  	[hbm:s19], [sflag:s4] =	dma.local [spmem:s18], $0x500  }
0x37: {  	_ =	swait.ge [sflag:s16], $0x500  }
0x38: {  	[sflag:s16] =	ssyncset.done $0x0  }
0x39: {  	s20 =	sshrl.u32 s10, $0x3;
	s21 =	rddreg [dreg:$0xc];
	[sflag:s16] =	ssyncadd.s32 $0xFFFFFB00  }
0x3a: {  	[hbm:s21], [sflag:s4] =	dma.local [spmem:s20], $0x500  }
0x3b: {  	_ =	swait.ge [sflag:s16], $0x500  }
0x3c: {  	[sflag:s16] =	ssyncset.done $0x0  }
0x3d: {  	s22 =	sshrl.u32 s11, $0x3;
	s23 =	rddreg [dreg:$0xd];
	[sflag:s16] =	ssyncadd.s32 $0xFFFFFB00  }
0x3e: {  	[hbm:s23], [sflag:s4] =	dma.local [spmem:s22], $0x500  }
0x3f: {  	_ =	swait.ge [sflag:s16], $0x500  }
0x40: {  	[sflag:s16] =	ssyncset.done $0x0  }
0x41: {  	s14 =	sshrl.u32 @!p0 s13, $0x3;
	s15 =	rddreg [dreg:$0xe];
	[sflag:s16] =	ssyncadd.s32 $0xFFFFFB00  }
0x42: {  	[hbm:s15], [sflag:s4] =	dma.local @!p0 [spmem:s14], $0x500  }
0x43: {  	s4 =	simm.s32 @!p0 $0x2  }
0x44: {  	_ =	swait.ge @!p0 [sflag:s4], $0x500  }
0x45: {  	s3 =	sadd.s32 $0x1, s3;
	s24 =	rddreg [dreg:$0x4]  }
0x46: {  	p1 =	sne.s32 s3, s24  }
.Ltmp1:
0x47: {  	_ = 	snop;
	(pc) =	sbr.rel @!p1 .LBB2_10-.Ltmp1, $3  }
0x48: {  	_ =	sdelay $0x1  }
0x49: {  	[sflag:s4] =	ssyncset.done @!p0 $0x0  }
0x4a: {  	[sflag:s4] =	ssyncadd.s32 @!p0 $0xFFFFFB00  }
.LBB2_1:
0x4b: {  	s4 =	simm.s32 $0x0  }
.LBB2_2:
0x4c: {  	p1 =	sne.s32 s4, $0x9E00  }
.Ltmp2:
0x4d: {  	_ = 	snop;
	(pc) =	sbr.rel @p1 .LBB2_2-.Ltmp2, $3  }
0x4e: {  	_ =	sdelay $0x1  }
0x4f: {  	s14 =	sshra.s32 s4, $0x2  }
0x50: {  	s4 =	sadd.s32 $0x200, s4;
	[tilespmem:s14+$0x0] =	vst v0  }
0x51: {  	s4 =	simm.s32 $0x200;
	s14 =	simm.s32 $0x0  }
.LBB2_4:
0x52: {  	p1 =	sne.s32 s4, $0xFE00;
	[tilespmem:s14+$0x2800] =	vst v1;
	s14 =	smov.u32 s4;
	s4 =	sadd.s32 $0x200, s4  }
.Ltmp3:
0x53: {  	(pc) =	sbr.rel @p1 .LBB2_4-.Ltmp3, $2  }
0x54: {  	_ =	sdelay $0x2  }
0x55: {  	s14 =	sshra.s32 s14, $0x2  }
0x56: {  	[tilespmem:s14+$0x2800] =	vst v1  }
0x57: {  	[spmem:s5] =	stream.linear.scatter [tilespmem:s2], [sflag:$0x2], $0x2800, $0x38;
	[tilespmem:$0x9310] =	vst v63  }
0x58: {  	_ =	swait.ge [sflag:s16], $0x2800  }
0x59: {  	[sflag:s16] =	ssyncset.done $0x0  }
0x5a: {  	[sflag:s16] =	ssyncadd.s32 $0xFFFFD800  }
0x5b: {  	[spmem:s6] =	stream.linear.scatter [tilespmem:s2], [sflag:$0x2], $0x2800, $0x38;
	[tilespmem:$0x9310] =	vst v63  }
0x5c: {  	_ =	swait.ge [sflag:s16], $0x2800  }
0x5d: {  	[sflag:s16] =	ssyncset.done $0x0  }
0x5e: {  	[sflag:s16] =	ssyncadd.s32 $0xFFFFD800  }
0x5f: {  	[spmem:s7] =	stream.linear.scatter [tilespmem:s2], [sflag:$0x2], $0x2800, $0x38;
	[tilespmem:$0x9310] =	vst v63  }
0x60: {  	_ =	swait.ge [sflag:s16], $0x2800  }
0x61: {  	[sflag:s16] =	ssyncset.done $0x0  }
0x62: {  	[sflag:s16] =	ssyncadd.s32 $0xFFFFD800  }
0x63: {  	[spmem:s8] =	stream.linear.scatter [tilespmem:s2], [sflag:$0x2], $0x2800, $0x38;
	[tilespmem:$0x9310] =	vst v63  }
0x64: {  	_ =	swait.ge [sflag:s16], $0x2800  }
0x65: {  	[sflag:s16] =	ssyncset.done $0x0  }
0x66: {  	[sflag:s16] =	ssyncadd.s32 $0xFFFFD800  }
0x67: {  	[spmem:s9] =	stream.linear.scatter [tilespmem:s2], [sflag:$0x2], $0x2800, $0x38;
	[tilespmem:$0x9310] =	vst v63  }
0x68: {  	_ =	swait.ge [sflag:s16], $0x2800  }
0x69: {  	[sflag:s16] =	ssyncset.done $0x0  }
0x6a: {  	[sflag:s16] =	ssyncadd.s32 $0xFFFFD800  }
0x6b: {  	[spmem:s10] =	stream.linear.scatter [tilespmem:s2], [sflag:$0x2], $0x2800, $0x38;
	[tilespmem:$0x9310] =	vst v63  }
0x6c: {  	_ =	swait.ge [sflag:s16], $0x2800  }
0x6d: {  	[sflag:s16] =	ssyncset.done $0x0  }
0x6e: {  	[sflag:s16] =	ssyncadd.s32 $0xFFFFD800  }
0x6f: {  	[spmem:s11] =	stream.linear.scatter [tilespmem:s2], [sflag:$0x2], $0x2800, $0x38;
	[tilespmem:$0x9310] =	vst v63  }
0x70: {  	_ =	swait.ge [sflag:s16], $0x2800  }
0x71: {  	[sflag:s16] =	ssyncset.done $0x0  }
0x72: {  	s4 =	simm.s32 @!p0 $0x0;
	[sflag:s16] =	ssyncadd.s32 $0xFFFFD800  }
0x73: {  	[spmem:s13] =	stream.linear.scatter @!p0 [tilespmem:s4], [sflag:$0x2], $0x2800, $0x38;
	[tilespmem:$0x9310] =	vst v63  }
0x74: {  	s4 =	simm.s32 @!p0 $0x2  }
0x75: {  	_ =	swait.ge @!p0 [sflag:s4], $0x2800  }
.Ltmp4:
0x76: {  	[sflag:s4] =	ssyncset.done @!p0 $0x0;
	(pc) =	sbr.rel .LBB2_6-.Ltmp4, $4  }
0x77: {  	[sflag:s4] =	ssyncadd.s32 @!p0 $0xFFFFD800  }
0x78: {  	[bflag:$0x0] =	sbarrier.arrive $0xFFFF  }
0x79: {  	s15 =	rddreg [dreg:$0x6]  }
0x7a: {  	s4 =	simm.s32 $0x0;
	s14 =	rddreg [dreg:$0x5]  }
.LBB2_8:
0x7b: {  	s4 =	sadd.s32 $0x2000, s4  }
0x7c: {  	p1 =	sne.s32 s4, $0x14000  }
.Ltmp5:
0x7d: {  	_ = 	snop;
	(pc) =	sbr.rel @!p1 .LBB2_9-.Ltmp5, $2  }
0x7e: {  	_ =	sdelay $0x2  }
0x7f: {  	s14 =	sadd.s32 $0x100, s14;
	s15 =	sadd.s32 $0x20, s15  }
.LBB2_6:
0x80: {  	p1 =	sgt.u32 s15, $0x138  }
.Ltmp6:
0x81: {  	_ = 	snop;
	(pc) =	sbr.rel @p1 .LBB2_8-.Ltmp6, $1  }
0x82: {  	_ =	sdelay $0x3  }
0x83: {  	s17 =	sadd.s32 s4, s12  }
0x84: {  	s18 =	sadd.s32 $0x10, s17  }
0x85: {  	[tilespmem:s25], [sflag:$0x1] =	stream.linear.gather [hbm4b:s18+s2], $0x80, $0x38;
	[tilespmem:$0x9310] =	vst v63  }
0x86: {  	s23 =	sadd.s32 $0x30, s17  }
0x87: {  	[tilespmem:s26], [sflag:$0x1] =	stream.linear.gather [hbm4b:s23+s2], $0x80, $0x38;
	[tilespmem:$0x9310] =	vst v63  }
0x88: {  	s24 =	sadd.s32 $0x50, s17  }
0x89: {  	[tilespmem:s28], [sflag:$0x1] =	stream.linear.gather [hbm4b:s24+s2], $0x80, $0x38;
	[tilespmem:$0x9310] =	vst v63  }
0x8a: {  	p1 =	sgt.u32 s14, $0x9C3;
	s17 =	sadd.s32 $0x70, s17  }
0x8b: {  	[tilespmem:s29], [sflag:$0x1] =	stream.linear.gather [hbm4b:s17+s2], $0x80, $0x38;
	[tilespmem:$0x9310] =	vst v63  }
0x8c: {  	s17 =	sadd.s32 @!p1 s4, s12  }
0x8d: {  	s19 =	simm.s32 @!p1 $0x0;
	s20 =	simm.s32 @!p1 $0x6A00;
	s18 =	sadd.s32 @!p1 $0x90, s17  }
0x8e: {  	[tilespmem:s20], [sflag:$0x1] =	stream.linear.gather @!p1 [hbm4b:s18+s19], $0x80, $0x38;
	[tilespmem:$0x9310] =	vst v63  }
0x8f: {  	s21 =	simm.s32 @!p1 $0x6A80;
	s18 =	sadd.s32 @!p1 $0xB0, s17  }
0x90: {  	[tilespmem:s21], [sflag:$0x1] =	stream.linear.gather @!p1 [hbm4b:s18+s19], $0x80, $0x38;
	[tilespmem:$0x9310] =	vst v63  }
0x91: {  	s22 =	simm.s32 @!p1 $0x6B00;
	s18 =	sadd.s32 @!p1 $0xD0, s17  }
0x92: {  	[tilespmem:s22], [sflag:$0x1] =	stream.linear.gather @!p1 [hbm4b:s18+s19], $0x80, $0x38;
	[tilespmem:$0x9310] =	vst v63  }
0x93: {  	s17 =	sadd.s32 @!p1 $0xF0, s17;
	s18 =	simm.s32 @!p1 $0x6B80  }
0x94: {  	[tilespmem:s18], [sflag:$0x1] =	stream.linear.gather @!p1 [hbm4b:s17+s19], $0x80, $0x38;
	[tilespmem:$0x9310] =	vst v63  }
0x95: {  	_ =	swait.ge [sflag:s30], $0x80  }
0x96: {  	[sflag:s30] =	ssyncset.done $0x0  }
0x97: {  	[sflag:s30] =	ssyncadd.s32 $0xFFFFFF80  }
0x98: {  	_ =	swait.ge [sflag:s30], $0x80  }
0x99: {  	[sflag:s30] =	ssyncset.done $0x0  }
0x9a: {  	[sflag:s30] =	ssyncadd.s32 $0xFFFFFF80  }
0x9b: {  	_ =	swait.ge [sflag:s30], $0x80  }
0x9c: {  	[sflag:s30] =	ssyncset.done $0x0  }
0x9d: {  	[sflag:s30] =	ssyncadd.s32 $0xFFFFFF80  }
0x9e: {  	_ =	swait.ge [sflag:s30], $0x80  }
0x9f: {  	[sflag:s30] =	ssyncset.done $0x0  }
0xa0: {  	s17 =	simm.s32 @!p1 $0x1;
	[sflag:s30] =	ssyncadd.s32 $0xFFFFFF80  }
0xa1: {  	_ =	swait.ge @!p1 [sflag:s17], $0x80  }
0xa2: {  	[sflag:s17] =	ssyncset.done @!p1 $0x0  }
0xa3: {  	[sflag:s17] =	ssyncadd.s32 @!p1 $0xFFFFFF80  }
0xa4: {  	_ =	swait.ge @!p1 [sflag:s17], $0x80  }
0xa5: {  	[sflag:s17] =	ssyncset.done @!p1 $0x0  }
0xa6: {  	[sflag:s17] =	ssyncadd.s32 @!p1 $0xFFFFFF80  }
0xa7: {  	_ =	swait.ge @!p1 [sflag:s17], $0x80  }
0xa8: {  	[sflag:s17] =	ssyncset.done @!p1 $0x0  }
0xa9: {  	[sflag:s17] =	ssyncadd.s32 @!p1 $0xFFFFFF80  }
0xaa: {  	_ =	swait.ge @!p1 [sflag:s17], $0x80  }
0xab: {  	s23 =	simm.s32 @!p1 $0x6800;
	[sflag:s17] =	ssyncset.done @!p1 $0x0  }
0xac: {  	s24 =	simm.s32 @!p1 $0x2800;
	s19 =	simm.s32 @!p1 $0x80;
	[sflag:s17] =	ssyncadd.s32 @!p1 $0xFFFFFF80  }
0xad: {  	[spmem:s1] =	stream.indirect.scatter.add.f32 @!p1 [tilespmem:s24], [sflag:$0x1], $0x10, s23, s19, $0xb8;
	[tilespmem:$0x9310] =	vst v63  }
0xae: {  	s23 =	simm.s32 @!p1 $0x6880  }
0xaf: {  	[spmem:s1] =	stream.indirect.scatter.add.f32 @!p1 [tilespmem:s24], [sflag:$0x1], $0x10, s23, s19, $0xb8;
	[tilespmem:$0x9310] =	vst v63  }
0xb0: {  	s23 =	simm.s32 @!p1 $0x6900  }
0xb1: {  	[spmem:s1] =	stream.indirect.scatter.add.f32 @!p1 [tilespmem:s24], [sflag:$0x1], $0x10, s23, s19, $0xb8;
	[tilespmem:$0x9310] =	vst v63  }
0xb2: {  	s23 =	simm.s32 @!p1 $0x6980  }
0xb3: {  	[spmem:s1] =	stream.indirect.scatter.add.f32 @!p1 [tilespmem:s24], [sflag:$0x1], $0x10, s23, s19, $0xb8;
	[tilespmem:$0x9310] =	vst v63  }
0xb4: {  	s20 =	simm.s32 @p1 $0x6800  }
0xb5: {  	[spmem:s1] =	stream.indirect.scatter.add.f32 [tilespmem:s0], [sflag:$0x1], $0x10, s20, s31, $0xb8;
	[tilespmem:$0x9310] =	vst v63  }
0xb6: {  	s21 =	simm.s32 @p1 $0x6880  }
0xb7: {  	[spmem:s1] =	stream.indirect.scatter.add.f32 [tilespmem:s0], [sflag:$0x1], $0x10, s21, s31, $0xb8;
	[tilespmem:$0x9310] =	vst v63  }
0xb8: {  	s22 =	simm.s32 @p1 $0x6900  }
0xb9: {  	[spmem:s1] =	stream.indirect.scatter.add.f32 [tilespmem:s0], [sflag:$0x1], $0x10, s22, s31, $0xb8;
	[tilespmem:$0x9310] =	vst v63  }
0xba: {  	s18 =	simm.s32 @p1 $0x6980  }
0xbb: {  	[spmem:s1] =	stream.indirect.scatter.add.f32 [tilespmem:s0], [sflag:$0x1], $0x10, s18, s31, $0xb8;
	[tilespmem:$0x9310] =	vst v63  }
0xbc: {  	_ =	swait.ge [sflag:s30], $0x800  }
0xbd: {  	[sflag:s30] =	ssyncset.done $0x0  }
0xbe: {  	[sflag:s30] =	ssyncadd.s32 $0xFFFFF800  }
0xbf: {  	_ =	swait.ge [sflag:s30], $0x800  }
0xc0: {  	[sflag:s30] =	ssyncset.done $0x0  }
0xc1: {  	[sflag:s30] =	ssyncadd.s32 $0xFFFFF800  }
0xc2: {  	_ =	swait.ge [sflag:s30], $0x800  }
0xc3: {  	[sflag:s30] =	ssyncset.done $0x0  }
0xc4: {  	[sflag:s30] =	ssyncadd.s32 $0xFFFFF800  }
0xc5: {  	_ =	swait.ge [sflag:s30], $0x800  }
0xc6: {  	[sflag:s30] =	ssyncset.done $0x0  }
0xc7: {  	[sflag:s30] =	ssyncadd.s32 $0xFFFFF800  }
0xc8: {  	_ =	swait.ge @!p1 [sflag:s17], $0x800  }
0xc9: {  	[sflag:s17] =	ssyncset.done @!p1 $0x0  }
0xca: {  	[sflag:s17] =	ssyncadd.s32 @!p1 $0xFFFFF800  }
0xcb: {  	_ =	swait.ge @!p1 [sflag:s17], $0x800  }
0xcc: {  	[sflag:s17] =	ssyncset.done @!p1 $0x0  }
0xcd: {  	[sflag:s17] =	ssyncadd.s32 @!p1 $0xFFFFF800  }
0xce: {  	_ =	swait.ge @!p1 [sflag:s17], $0x800  }
.Ltmp7:
0xcf: {  	[sflag:s17] =	ssyncset.done @!p1 $0x0;
	(pc) =	sbr.rel .LBB2_8-.Ltmp7, $4  }
0xd0: {  	[sflag:s17] =	ssyncadd.s32 @!p1 $0xFFFFF800  }
0xd1: {  	_ =	swait.ge @!p1 [sflag:s17], $0x800  }
0xd2: {  	[sflag:s17] =	ssyncset.done @!p1 $0x0  }
0xd3: {  	[sflag:s17] =	ssyncadd.s32 @!p1 $0xFFFFF800  }
.LBB2_10:
0xd4: {  	_ =	sfence.sel $0x180000  }
0xd5: {  	[bflag:$0x0] =	sbarrier.arrive $0xFFFF  }
0xd6: {  	_ =	strace $0x90000047  }
0xd7: {  	s0 =	stileid.u32;
	[bflag:$0x2] =	sbarrier.arrive $0xFFFF  }
0xd8: {  	p0 =	sne.s32 s0, $0x0;
	s0 =	rddreg [dreg:$0x3]  }
0xd9: {  	s0 =	sadd.s32 @!p0 $0x100000, s0  }
0xda: {  	[sflag:s0] =	ssyncadd.tile.s32 @!p0 $0x1;
	_ =	shalt  }
.Lfunc_end2:
_tile_overlayer_lowered:
.L_overlay_start_2:
0xdb: {  	(tag) =	ssettag $0x2  }
0xdc: {  	s0 =	rddreg [dreg:$0x0];
	s2 =	stileid.u32  }
0xdd: {  	s1 =	rddreg [dreg:$0x1];
	p0 =	sne.s32 s2, $0x0  }
0xde: {  	s3 =	rddreg [dreg:$0x2];
	[bflag:$0x3] =	sbarrier.arrive $0xFFFF;
	s2 =	simm.s32 @!p0 $0x1C02  }
0xdf: {  	[timem:s3], [sflag:s2] =	dma.local @!p0 [hbm:s0], s1  }
0xe0: {  	s0 =	simm.s32 @!p0 $0x2  }
0xe1: {  	_ =	swait.ge @!p0 [sflag:s0], s1  }
0xe2: {  	s1 =	ssub.s32 @!p0 $0x0, s1;
	[sflag:s0] =	ssyncset.done @!p0 $0x0  }
0xe3: {  	[sflag:s0] =	ssyncadd.s32 @!p0 s1  }
0xe4: {  	[bflag:$0x3] =	sbarrier.arrive $0xFFFF  }
0xe5: {  	_ =	shalt  }

</sc_bundles>
